<compile_context>
chip_gen: v7x
topology: tpu7x:2x2x1
jax: 0.10.2.dev20260603
libtpu: 0.0.44.dev20260713+nightly
codegen_flags: <defaults>
</compile_context>

<pallas_src>
import functools

import jax
import jax.numpy as jnp
from jax import lax
from jax.experimental import pallas as pl
from jax.experimental.pallas import tpu as pltpu
from jax.experimental.pallas import tpu_sc as plsc

N_NODES = 50000
D = 128
E = 300000

NC = 2
NS = 16

KB = 128
NB = 2352
E_PAD = NB * KB
BATCHES_PER_TILE = NB // NS

NCHUNK = 4
CH = N_NODES // NCHUNK
PT = 784
CHP = NS * PT
NP_OUT = NCHUNK * CHP

BR = 1000

CH2 = N_NODES // NC
PT2 = 1568
CHP2 = NS * PT2


def _mlp_body(nw, x_ref, *refs):
    h = x_ref[...]
    for i in range(nw):
        w = refs[2 * i][...]
        b = refs[2 * i + 1][...]
        h = jnp.maximum(jnp.dot(h, w, preferred_element_type=jnp.float32) + b, 0.0)
    refs[-1][...] = h


def _mlp(x, *wb):
    nw = len(wb) // 2
    n = x.shape[0]
    grid = n // BR
    in_specs = [pl.BlockSpec((BR, D), lambda i: (i, 0))]
    args = [x]
    for i in range(nw):
        in_specs.append(pl.BlockSpec((D, D), lambda i: (0, 0)))
        in_specs.append(pl.BlockSpec((1, D), lambda i: (0, 0)))
        args.append(wb[2 * i])
        args.append(wb[2 * i + 1].reshape(1, D))
    return pl.pallas_call(
        functools.partial(_mlp_body, nw),
        grid=(grid,),
        in_specs=in_specs,
        out_specs=pl.BlockSpec((BR, D), lambda i: (i, 0)),
        out_shape=jax.ShapeDtypeStruct((n, D), jnp.float32),
        compiler_params=pltpu.CompilerParams(dimension_semantics=("parallel",)),
    )(*args)


def _combine_body(s_tt_ref, c_tt_ref, s_ct_ref, c_ct_ref, x_ref,
                  wl1_ref, bl1_ref, wr1_ref, wl2_ref, bl2_ref, wr2_ref,
                  g_ref, b_ref, o_ref):
    m_tt = s_tt_ref[...] / jnp.maximum(c_tt_ref[...][:, 0:1], 1.0)
    m_ct = s_ct_ref[...] / jnp.maximum(c_ct_ref[...][:, 0:1], 1.0)
    x = x_ref[...]
    h = (jnp.dot(m_tt, wl1_ref[...], preferred_element_type=jnp.float32) + bl1_ref[...]
         + jnp.dot(x, wr1_ref[...], preferred_element_type=jnp.float32)
         + jnp.dot(m_ct, wl2_ref[...], preferred_element_type=jnp.float32) + bl2_ref[...]
         + jnp.dot(x, wr2_ref[...], preferred_element_type=jnp.float32))
    h = jnp.maximum(h, 0.0)
    mu = jnp.mean(h, axis=-1, keepdims=True)
    var = jnp.mean((h - mu) ** 2, axis=-1, keepdims=True)
    hn = (h - mu) * lax.rsqrt(var + 1e-5) * g_ref[...] + b_ref[...]
    o_ref[...] = hn + x


def _combine(s_tt, c_tt, s_ct, c_ct, x, wl1, bl1, wr1, wl2, bl2, wr2, g, b):
    full = lambda r, c: pl.BlockSpec((r, c), lambda i: (0, 0))
    blk = lambda r, c: pl.BlockSpec((r, c), lambda i: (i, 0))
    return pl.pallas_call(
        _combine_body,
        grid=(N_NODES // BR,),
        in_specs=[blk(BR, D), blk(BR, 16), blk(BR, D), blk(BR, 16), blk(BR, D),
                  full(D, D), full(1, D), full(D, D), full(D, D), full(1, D),
                  full(D, D), full(1, D), full(1, D)],
        out_specs=blk(BR, D),
        out_shape=jax.ShapeDtypeStruct((N_NODES, D), jnp.float32),
        compiler_params=pltpu.CompilerParams(dimension_semantics=("parallel",)),
    )(s_tt, c_tt, s_ct, c_ct, x, wl1, bl1.reshape(1, D), wr1, wl2,
      bl2.reshape(1, D), wr2, g.reshape(1, D), b.reshape(1, D))


def _final_body(s_ref, c_ref, x_ref, wl_ref, bl_ref, wr_ref, o_ref):
    m = s_ref[...] / jnp.maximum(c_ref[...][:, 0:1], 1.0)
    x = x_ref[...]
    h = (jnp.dot(m, wl_ref[...], preferred_element_type=jnp.float32) + bl_ref[...]
         + jnp.dot(x, wr_ref[...], preferred_element_type=jnp.float32))
    o_ref[...] = jnp.maximum(h, 0.0) + x


def _final(s, c, x, wl, bl, wr):
    full = lambda r, cc: pl.BlockSpec((r, cc), lambda i: (0, 0))
    blk = lambda r, cc: pl.BlockSpec((r, cc), lambda i: (i, 0))
    return pl.pallas_call(
        _final_body,
        grid=(N_NODES // BR,),
        in_specs=[blk(BR, D), blk(BR, 16), blk(BR, D),
                  full(D, D), full(1, D), full(D, D)],
        out_specs=blk(BR, D),
        out_shape=jax.ShapeDtypeStruct((N_NODES, D), jnp.float32),
        compiler_params=pltpu.CompilerParams(dimension_semantics=("parallel",)),
    )(s, c, x, wl, bl.reshape(1, D), wr)


def _compute_rel(didx_ref, rel_ref, chunk_base, ch):
    for j in range(KB // 16):
        d16 = didx_ref[pl.ds(j * 16, 16)]
        r16 = d16 - chunk_base
        m16 = (r16 >= 0) & (r16 < ch)
        rel_ref[pl.ds(j * 16, 16)] = jnp.where(m16, r16, ch)


def _agg_sum_body(src_hbm, dst_hbm, x_hbm, z128_hbm,
                  sums_hbm, acc, sidx, didx, rel, rows, sem):
    c = lax.axis_index("c")
    s = lax.axis_index("s")
    for t in range(NCHUNK // NC):
        chunk = c + NC * t
        chunk_base = chunk * CH
        my_base = s * PT
        out_base = chunk * CHP + my_base

        pltpu.sync_copy(z128_hbm, acc.at[pl.ds(my_base, PT)])
        plsc.subcore_barrier()

        def batch_a(k, _):
            b = s + NS * k
            off = b * KB
            pltpu.sync_copy(src_hbm.at[pl.ds(off, KB)], sidx)
            pltpu.sync_copy(dst_hbm.at[pl.ds(off, KB)], didx)
            gcopy = pltpu.async_copy(x_hbm.at[sidx], rows, sem)
            _compute_rel(didx, rel, chunk_base, CH)
            gcopy.wait()
            pltpu.sync_copy(rows, acc.at[rel], add=True)
            return 0

        lax.fori_loop(0, BATCHES_PER_TILE, batch_a, 0)
        plsc.subcore_barrier()
        pltpu.sync_copy(acc.at[pl.ds(my_base, PT)],
                        sums_hbm.at[pl.ds(out_base, PT)])
        plsc.subcore_barrier()


def _agg_cnt_body(dst_hbm, z16_hbm, ones_hbm,
                  cnt_hbm, accc, didx, rel, onesv):
    c = lax.axis_index("c")
    s = lax.axis_index("s")
    pltpu.sync_copy(ones_hbm, onesv)
    for t in range(NCHUNK // NC):
        chunk = c + NC * t
        chunk_base = chunk * CH
        my_base = s * PT
        out_base = chunk * CHP + my_base

        pltpu.sync_copy(z16_hbm, accc.at[pl.ds(my_base, PT)])
        plsc.subcore_barrier()

        def batch_a(k, _):
            b = s + NS * k
            off = b * KB
            pltpu.sync_copy(dst_hbm.at[pl.ds(off, KB)], didx)
            _compute_rel(didx, rel, chunk_base, CH)
            pltpu.sync_copy(onesv, accc.at[rel], add=True)
            return 0

        lax.fori_loop(0, BATCHES_PER_TILE, batch_a, 0)
        plsc.subcore_barrier()
        pltpu.sync_copy(accc.at[pl.ds(my_base, PT)],
                        cnt_hbm.at[pl.ds(out_base, PT)])
        plsc.subcore_barrier()


def _agg_sum_call():
    return pl.kernel(
        _agg_sum_body,
        out_type=[jax.ShapeDtypeStruct((NP_OUT, D), jnp.float32)],
        mesh=plsc.VectorSubcoreMesh(core_axis_name="c", subcore_axis_name="s"),
        scratch_types=[
            pltpu.VMEM_SHARED((CHP, D), jnp.float32),
            pltpu.VMEM((KB,), jnp.int32),
            pltpu.VMEM((KB,), jnp.int32),
            pltpu.VMEM((KB,), jnp.int32),
            pltpu.VMEM((KB, D), jnp.float32),
            pltpu.SemaphoreType.DMA,
        ],
    )


def _agg_cnt_call():
    return pl.kernel(
        _agg_cnt_body,
        out_type=[jax.ShapeDtypeStruct((NP_OUT, 16), jnp.float32)],
        mesh=plsc.VectorSubcoreMesh(core_axis_name="c", subcore_axis_name="s"),
        scratch_types=[
            pltpu.VMEM_SHARED((CHP, 16), jnp.float32),
            pltpu.VMEM((KB,), jnp.int32),
            pltpu.VMEM((KB,), jnp.int32),
            pltpu.VMEM((KB, 16), jnp.float32),
        ],
    )


def _unpad(a):
    w = a.shape[-1]
    return a.reshape(NCHUNK, CHP, w)[:, :CH].reshape(N_NODES, w)


def _agg_sum(ei, x):
    src = jnp.concatenate([ei[0], jnp.zeros((E_PAD - E,), jnp.int32)])
    dst = jnp.concatenate([ei[1], jnp.full((E_PAD - E,), N_NODES, jnp.int32)])
    z128 = jnp.zeros((PT, D), jnp.float32)
    outs = _agg_sum_call()(src, dst, x, z128)
    return _unpad(outs[0])


def _agg_cnt(ei):
    dst = jnp.concatenate([ei[1], jnp.full((E_PAD - E,), N_NODES, jnp.int32)])
    z16 = jnp.zeros((PT, 16), jnp.float32)
    ones = jnp.ones((KB, 16), jnp.float32)
    outs = _agg_cnt_call()(dst, z16, ones)
    return _unpad(outs[0])


def kernel(x_target, x_context, edge_index_tt, edge_index_ct,
           Wt1, bt1, Wt2, bt2, Wt3, bt3,
           Wc1, bc1, Wc2, bc2,
           Wl_tt1, bl_tt1, Wr_tt1,
           Wl_ct1, bl_ct1, Wr_ct1,
           gamma, beta,
           Wl_tt2, bl_tt2, Wr_tt2):
    xt = _mlp(x_target, Wt1, bt1, Wt2, bt2, Wt3, bt3)
    xc = _mlp(x_context, Wc1, bc1, Wc2, bc2)
    s_tt = _agg_sum(edge_index_tt, xt)
    c_tt = _agg_cnt(edge_index_tt)
    s_ct = _agg_sum(edge_index_ct, xc)
    c_ct = _agg_cnt(edge_index_ct)
    xt1 = _combine(s_tt, c_tt, s_ct, c_ct, xt,
                   Wl_tt1, bl_tt1, Wr_tt1, Wl_ct1, bl_ct1, Wr_ct1, gamma, beta)
    s2 = _agg_sum(edge_index_tt, xt1)
    return _final(s2, c_tt, xt1, Wl_tt2, bl_tt2, Wr_tt2)

# --- scband reference (transcript-rebuilt; emitter-appended) ---
"""Pipeline reference for scband-hetero-graph-sage-5592047419484 (READ-ONLY COPY).

The authoritative reference and input builder live on the scoring server;
editing this copy changes nothing except your own understanding.
"""

import jax, jax.numpy as jnp
import numpy as np

N_T = 50000
N_C = 50000
D = 128
H = 128
E_TT = 300000
E_CT = 300000


def _mean_agg(x_src, ei, num_dst):
    msg = jnp.take(x_src, ei[0], axis=0)
    s = jax.ops.segment_sum(msg, ei[1], num_segments=num_dst)
    cnt = jax.ops.segment_sum(jnp.ones((ei.shape[1],), jnp.float32), ei[1], num_segments=num_dst)
    return s / jnp.clip(cnt, 1.0)[:, None]


def _ln(x, g, b, eps=1e-5):
    mu = jnp.mean(x, axis=-1, keepdims=True)
    var = jnp.mean((x - mu) ** 2, axis=-1, keepdims=True)
    return (x - mu) / jnp.sqrt(var + eps) * g + b


def setup_inputs(seed: int = 0):
    key = jax.random.key(seed)
    ks = jax.random.split(key, 32)

    def w(i, shape):
        return jax.random.normal(ks[i], shape, dtype=jnp.float32) * 0.05

    inp = {}
    inp["x_target"] = jax.random.normal(ks[0], (N_T, D), dtype=jnp.float32)
    inp["x_context"] = jax.random.normal(ks[1], (N_C, D), dtype=jnp.float32)
    inp["edge_index_tt"] = jax.random.randint(ks[2], (2, E_TT), 0, N_T, dtype=jnp.int32)
    inp["edge_index_ct"] = jax.random.randint(ks[3], (2, E_CT), 0, N_C, dtype=jnp.int32)
    # feature-transform MLPs
    inp["Wt1"] = w(4, (D, D)); inp["bt1"] = w(5, (D,))
    inp["Wt2"] = w(6, (D, D)); inp["bt2"] = w(7, (D,))
    inp["Wt3"] = w(8, (D, D)); inp["bt3"] = w(9, (D,))
    inp["Wc1"] = w(10, (D, D)); inp["bc1"] = w(11, (D,))
    inp["Wc2"] = w(12, (D, D)); inp["bc2"] = w(13, (D,))
    # layer-1 SAGE convs (lin_l has bias, lin_r has no bias, per PyG SAGEConv)
    inp["Wl_tt1"] = w(14, (D, H)); inp["bl_tt1"] = w(15, (H,)); inp["Wr_tt1"] = w(16, (D, H))
    inp["Wl_ct1"] = w(17, (D, H)); inp["bl_ct1"] = w(18, (H,)); inp["Wr_ct1"] = w(19, (D, H))
    # LayerNorm (mode='node') on target nodes
    inp["gamma"] = jnp.ones((H,), dtype=jnp.float32)
    inp["beta"] = jnp.zeros((H,), dtype=jnp.float32)
    # layer-2 (output) SAGE conv, self-loop edge type only
    inp["Wl_tt2"] = w(20, (H, H)); inp["bl_tt2"] = w(21, (H,)); inp["Wr_tt2"] = w(22, (H, H))
    return inp


def reference(x_target, x_context, edge_index_tt, edge_index_ct,
              Wt1, bt1, Wt2, bt2, Wt3, bt3,
              Wc1, bc1, Wc2, bc2,
              Wl_tt1, bl_tt1, Wr_tt1,
              Wl_ct1, bl_ct1, Wr_ct1,
              gamma, beta,
              Wl_tt2, bl_tt2, Wr_tt2):
    # feature transforms (target gets 3 Linear+ReLU, context gets 2 Linear+ReLU)
    xt = jax.nn.relu(jax.nn.relu(jax.nn.relu(x_target @ Wt1 + bt1) @ Wt2 + bt2) @ Wt3 + bt3)
    xc = jax.nn.relu(jax.nn.relu(x_context @ Wc1 + bc1) @ Wc2 + bc2)
    # layer 1: HeteroConv with mean-aggr SAGEConv per edge type, sum across edge types
    agg_tt = _mean_agg(xt, edge_index_tt, N_T)
    agg_ct = _mean_agg(xc, edge_index_ct, N_T)
    out_tt = agg_tt @ Wl_tt1 + bl_tt1 + xt @ Wr_tt1
    out_ct = agg_ct @ Wl_ct1 + bl_ct1 + xt @ Wr_ct1
    h = out_tt + out_ct
    # dropout(p=0.0) -> identity; relu then node-wise LayerNorm
    h = _ln(jax.nn.relu(h), gamma, beta)
    # skip connection (keys restricted to conv output keys = {target})
    xt1 = h + xt
    # layer 2 (output layer): only self-loop edge type target->target
    agg2 = _mean_agg(xt1, edge_index_tt, N_T)
    h2 = jax.nn.relu(agg2 @ Wl_tt2 + bl_tt2 + xt1 @ Wr_tt2)
    out = h2 + xt1
    return out

if __name__ == "__main__":
    import jax
    _d = setup_inputs()
    print(jax.jit(kernel)(*tuple(_d.values())))

</pallas_src>

<mosaic_0001>
#map = affine_map<(d0, d1) -> (0)>
#map1 = affine_map<(d0, d1) -> (0, 0)>
module attributes {stable_mosaic.version = 14 : i64} {
  func.func @_agg_cnt_body(%arg0: i32, %arg1: i32, %arg2: memref<301056xi32, #tpu.memory_space<hbm>>, %arg3: memref<784x16xf32, #tpu.memory_space<hbm>>, %arg4: memref<128x16xf32, #tpu.memory_space<hbm>>, %arg5: memref<50176x16xf32, #tpu.memory_space<hbm>>, %arg6: memref<12544x16xf32, #tpu.memory_space<vmem_shared>>, %arg7: memref<128xi32, #tpu.memory_space<vmem>>, %arg8: memref<128xi32, #tpu.memory_space<vmem>>, %arg9: memref<128x16xf32, #tpu.memory_space<vmem>>) attributes {dimension_semantics = [#tpu.dimension_semantics<core_parallel>, #tpu.dimension_semantics<subcore_parallel>], iteration_bounds = array<i64: 2, 16>, scalar_prefetch = 0 : i64, scratch_operands = 4 : i64, tpu.core_type = #tpu.core_type<sc_vector_subcore>, window_params = [{transform_indices = #map}, {transform_indices = #map1}, {transform_indices = #map1}, {transform_indices = #map1}]} {
    "tpu.region"() ({
      %run_scoped3A = tpu.sem_alloc : memref<!tpu.dma_semaphore, #tpu.memory_space<semaphore_mem>>
      tpu.enqueue_dma source(%arg4 : memref<128x16xf32, #tpu.memory_space<hbm>>) target(%arg9 : memref<128x16xf32, #tpu.memory_space<vmem>>) target_semaphore(%run_scoped3A : memref<!tpu.dma_semaphore, #tpu.memory_space<semaphore_mem>>)
      tpu.wait_dma2 semaphore(%run_scoped3A : memref<!tpu.dma_semaphore, #tpu.memory_space<semaphore_mem>>) src(%arg4 : memref<128x16xf32, #tpu.memory_space<hbm>>) dst(%arg9 : memref<128x16xf32, #tpu.memory_space<vmem>>)
      tpu.yield
    }) : () -> ()
    %add3A = arith.constant 0 : i32
    %add3A_0 = arith.addi %arg0, %add3A : i32
    %mul3A = arith.constant 12500 : i32
    %mul3A_1 = arith.muli %add3A_0, %mul3A : i32
    %mul3A_2 = arith.constant 784 : i32
    %mul3A_3 = arith.muli %arg1, %mul3A_2 : i32
    %mul3A_4 = arith.constant 12544 : i32
    %mul3A_5 = arith.muli %add3A_0, %mul3A_4 : i32
    %add3A_6 = arith.addi %mul3A_5, %mul3A_3 : i32
    "tpu.region"() ({
      %run_scoped3A = tpu.sem_alloc : memref<!tpu.dma_semaphore, #tpu.memory_space<semaphore_mem>>
      %dma_start3A = arith.constant 0 : i32
      %dma_start3A_34 = tpu.memref_slice %arg6[%mul3A_3, %dma_start3A] : memref<12544x16xf32, #tpu.memory_space<vmem_shared>> -> memref<784x16xf32, #tpu.memory_space<vmem_shared>>
      tpu.enqueue_dma source(%arg3 : memref<784x16xf32, #tpu.memory_space<hbm>>) target(%dma_start3A_34 : memref<784x16xf32, #tpu.memory_space<vmem_shared>>) target_semaphore(%run_scoped3A : memref<!tpu.dma_semaphore, #tpu.memory_space<semaphore_mem>>)
      %dma_wait3A = arith.constant 0 : i32
      %dma_wait3A_35 = tpu.memref_slice %arg6[%mul3A_3, %dma_wait3A] : memref<12544x16xf32, #tpu.memory_space<vmem_shared>> -> memref<784x16xf32, #tpu.memory_space<vmem_shared>>
      tpu.wait_dma2 semaphore(%run_scoped3A : memref<!tpu.dma_semaphore, #tpu.memory_space<semaphore_mem>>) src(%arg3 : memref<784x16xf32, #tpu.memory_space<hbm>>) dst(%dma_wait3A_35 : memref<784x16xf32, #tpu.memory_space<vmem_shared>>)
      tpu.yield
    }) : () -> ()
    %barrier3A = arith.constant 0 : index
    tpu.barrier barrier_id(%barrier3A)
    %scan3A = arith.constant 0 : i32
    %scan3A_7 = arith.constant 0 : i32
    %scan3A_8 = arith.constant 147 : i32
    %scan3A_9 = arith.addi %scan3A_7, %scan3A_8 : i32
    %scan3A_10 = arith.constant 1 : i32
    %scan3A_11 = scf.for %scan3A_34 = %scan3A_7 to %scan3A_9 step %scan3A_10 iter_args(%scan3A_35 = %scan3A) -> (i32)  : i32 {
      %mul3A_36 = arith.constant 16 : i32
      %mul3A_37 = arith.muli %mul3A_36, %scan3A_34 : i32
      %add3A_38 = arith.addi %arg1, %mul3A_37 : i32
      %mul3A_39 = arith.constant 128 : i32
      %mul3A_40 = arith.muli %add3A_38, %mul3A_39 : i32
      "tpu.region"() ({
        %run_scoped3A = tpu.sem_alloc : memref<!tpu.dma_semaphore, #tpu.memory_space<semaphore_mem>>
        %dma_start3A = tpu.memref_slice %arg2[%mul3A_40] : memref<301056xi32, #tpu.memory_space<hbm>> -> memref<128xi32, #tpu.memory_space<hbm>>
        %dma_start3A_185 = tpu.memref_slice %arg2[%mul3A_40] : memref<301056xi32, #tpu.memory_space<hbm>> -> memref<128xi32, #tpu.memory_space<hbm>>
        tpu.enqueue_dma source(%dma_start3A_185 : memref<128xi32, #tpu.memory_space<hbm>>) target(%arg7 : memref<128xi32, #tpu.memory_space<vmem>>) target_semaphore(%run_scoped3A : memref<!tpu.dma_semaphore, #tpu.memory_space<semaphore_mem>>)
        %dma_wait3A = tpu.memref_slice %arg2[%mul3A_40] : memref<301056xi32, #tpu.memory_space<hbm>> -> memref<128xi32, #tpu.memory_space<hbm>>
        %dma_wait3A_186 = tpu.memref_slice %arg2[%mul3A_40] : memref<301056xi32, #tpu.memory_space<hbm>> -> memref<128xi32, #tpu.memory_space<hbm>>
        tpu.wait_dma2 semaphore(%run_scoped3A : memref<!tpu.dma_semaphore, #tpu.memory_space<semaphore_mem>>) src(%dma_wait3A_186 : memref<128xi32, #tpu.memory_space<hbm>>) dst(%arg7 : memref<128xi32, #tpu.memory_space<vmem>>)
        tpu.yield
      }) : () -> ()
      %get3A = arith.constant 0 : index
      %get3A_41 = tpu.vector_load %arg7[%get3A] {strides = array<i32>} : memref<128xi32, #tpu.memory_space<vmem>>, vector<16xi32>,
      %get3A_42 = vector.shape_cast %get3A_41 : vector<16xi32> to vector<16xi32>
      %sub3A = vector.broadcast %mul3A_1 : i32 to vector<16xi32>
      %sub3A_43 = arith.subi %get3A_42, %sub3A : vector<16xi32>
      %ge3A = arith.constant 0 : i32
      %ge3A_44 = vector.broadcast %ge3A : i32 to vector<16xi32>
      %ge3A_45 = arith.cmpi sge, %sub3A_43, %ge3A_44 : vector<16xi32>
      %lt3A = arith.constant 12500 : i32
      %lt3A_46 = vector.broadcast %lt3A : i32 to vector<16xi32>
      %lt3A_47 = arith.cmpi slt, %sub3A_43, %lt3A_46 : vector<16xi32>
      %and3A = arith.andi %ge3A_45, %lt3A_47 : vector<16xi1>
      %jit3A = arith.constant 12500 : i32
      %broadcast_in_dim3A = vector.broadcast %jit3A : i32 to vector<16xi32>
      %select_n3A = arith.select %and3A, %sub3A_43, %broadcast_in_dim3A : vector<16xi1>, vector<16xi32>
      %swap3A = arith.constant 0 : index
      %swap3A_48 = tpu.vector_load %arg8[%swap3A] {strides = array<i32>} : memref<128xi32, #tpu.memory_space<vmem>>, vector<16xi32>,
      %swap3A_49 = vector.shape_cast %swap3A_48 : vector<16xi32> to vector<16xi32>
      %swap3A_50 = vector.shape_cast %select_n3A : vector<16xi32> to vector<16xi32>
      tpu.vector_store %arg8[%swap3A], %swap3A_50 {strides = array<i32>} : memref<128xi32, #tpu.memory_space<vmem>>, vector<16xi32>,
      %get3A_51 = arith.constant 16 : index
      %get3A_52 = tpu.vector_load %arg7[%get3A_51] {strides = array<i32>} : memref<128xi32, #tpu.memory_space<vmem>>, vector<16xi32>,
      %get3A_53 = vector.shape_cast %get3A_52 : vector<16xi32> to vector<16xi32>
      %sub3A_54 = vector.broadcast %mul3A_1 : i32 to vector<16xi32>
      %sub3A_55 = arith.subi %get3A_53, %sub3A_54 : vector<16xi32>
      %ge3A_56 = arith.constant 0 : i32
      %ge3A_57 = vector.broadcast %ge3A_56 : i32 to vector<16xi32>
      %ge3A_58 = arith.cmpi sge, %sub3A_55, %ge3A_57 : vector<16xi32>
      %lt3A_59 = arith.constant 12500 : i32
      %lt3A_60 = vector.broadcast %lt3A_59 : i32 to vector<16xi32>
      %lt3A_61 = arith.cmpi slt, %sub3A_55, %lt3A_60 : vector<16xi32>
      %and3A_62 = arith.andi %ge3A_58, %lt3A_61 : vector<16xi1>
      %jit3A_63 = arith.constant 12500 : i32
      %broadcast_in_dim3A_64 = vector.broadcast %jit3A_63 : i32 to vector<16xi32>
      %select_n3A_65 = arith.select %and3A_62, %sub3A_55, %broadcast_in_dim3A_64 : vector<16xi1>, vector<16xi32>
      %swap3A_66 = arith.constant 16 : index
      %swap3A_67 = tpu.vector_load %arg8[%swap3A_66] {strides = array<i32>} : memref<128xi32, #tpu.memory_space<vmem>>, vector<16xi32>,
      %swap3A_68 = vector.shape_cast %swap3A_67 : vector<16xi32> to vector<16xi32>
      %swap3A_69 = vector.shape_cast %select_n3A_65 : vector<16xi32> to vector<16xi32>
      tpu.vector_store %arg8[%swap3A_66], %swap3A_69 {strides = array<i32>} : memref<128xi32, #tpu.memory_space<vmem>>, vector<16xi32>,
      %get3A_70 = arith.constant 32 : index
      %get3A_71 = tpu.vector_load %arg7[%get3A_70] {strides = array<i32>} : memref<128xi32, #tpu.memory_space<vmem>>, vector<16xi32>,
      %get3A_72 = vector.shape_cast %get3A_71 : vector<16xi32> to vector<16xi32>
      %sub3A_73 = vector.broadcast %mul3A_1 : i32 to vector<16xi32>
      %sub3A_74 = arith.subi %get3A_72, %sub3A_73 : vector<16xi32>
      %ge3A_75 = arith.constant 0 : i32
      %ge3A_76 = vector.broadcast %ge3A_75 : i32 to vector<16xi32>
      %ge3A_77 = arith.cmpi sge, %sub3A_74, %ge3A_76 : vector<16xi32>
      %lt3A_78 = arith.constant 12500 : i32
      %lt3A_79 = vector.broadcast %lt3A_78 : i32 to vector<16xi32>
      %lt3A_80 = arith.cmpi slt, %sub3A_74, %lt3A_79 : vector<16xi32>
      %and3A_81 = arith.andi %ge3A_77, %lt3A_80 : vector<16xi1>
      %jit3A_82 = arith.constant 12500 : i32
      %broadcast_in_dim3A_83 = vector.broadcast %jit3A_82 : i32 to vector<16xi32>
      %select_n3A_84 = arith.select %and3A_81, %sub3A_74, %broadcast_in_dim3A_83 : vector<16xi1>, vector<16xi32>
      %swap3A_85 = arith.constant 32 : index
      %swap3A_86 = tpu.vector_load %arg8[%swap3A_85] {strides = array<i32>} : memref<128xi32, #tpu.memory_space<vmem>>, vector<16xi32>,
      %swap3A_87 = vector.shape_cast %swap3A_86 : vector<16xi32> to vector<16xi32>
      %swap3A_88 = vector.shape_cast %select_n3A_84 : vector<16xi32> to vector<16xi32>
      tpu.vector_store %arg8[%swap3A_85], %swap3A_88 {strides = array<i32>} : memref<128xi32, #tpu.memory_space<vmem>>, vector<16xi32>,
      %get3A_89 = arith.constant 48 : index
      %get3A_90 = tpu.vector_load %arg7[%get3A_89] {strides = array<i32>} : memref<128xi32, #tpu.memory_space<vmem>>, vector<16xi32>,
      %get3A_91 = vector.shape_cast %get3A_90 : vector<16xi32> to vector<16xi32>
      %sub3A_92 = vector.broadcast %mul3A_1 : i32 to vector<16xi32>
      %sub3A_93 = arith.subi %get3A_91, %sub3A_92 : vector<16xi32>
      %ge3A_94 = arith.constant 0 : i32
      %ge3A_95 = vector.broadcast %ge3A_94 : i32 to vector<16xi32>
      %ge3A_96 = arith.cmpi sge, %sub3A_93, %ge3A_95 : vector<16xi32>
      %lt3A_97 = arith.constant 12500 : i32
      %lt3A_98 = vector.broadcast %lt3A_97 : i32 to vector<16xi32>
      %lt3A_99 = arith.cmpi slt, %sub3A_93, %lt3A_98 : vector<16xi32>
      %and3A_100 = arith.andi %ge3A_96, %lt3A_99 : vector<16xi1>
      %jit3A_101 = arith.constant 12500 : i32
      %broadcast_in_dim3A_102 = vector.broadcast %jit3A_101 : i32 to vector<16xi32>
      %select_n3A_103 = arith.select %and3A_100, %sub3A_93, %broadcast_in_dim3A_102 : vector<16xi1>, vector<16xi32>
      %swap3A_104 = arith.constant 48 : index
      %swap3A_105 = tpu.vector_load %arg8[%swap3A_104] {strides = array<i32>} : memref<128xi32, #tpu.memory_space<vmem>>, vector<16xi32>,
      %swap3A_106 = vector.shape_cast %swap3A_105 : vector<16xi32> to vector<16xi32>
      %swap3A_107 = vector.shape_cast %select_n3A_103 : vector<16xi32> to vector<16xi32>
      tpu.vector_store %arg8[%swap3A_104], %swap3A_107 {strides = array<i32>} : memref<128xi32, #tpu.memory_space<vmem>>, vector<16xi32>,
      %get3A_108 = arith.constant 64 : index
      %get3A_109 = tpu.vector_load %arg7[%get3A_108] {strides = array<i32>} : memref<128xi32, #tpu.memory_space<vmem>>, vector<16xi32>,
      %get3A_110 = vector.shape_cast %get3A_109 : vector<16xi32> to vector<16xi32>
      %sub3A_111 = vector.broadcast %mul3A_1 : i32 to vector<16xi32>
      %sub3A_112 = arith.subi %get3A_110, %sub3A_111 : vector<16xi32>
      %ge3A_113 = arith.constant 0 : i32
      %ge3A_114 = vector.broadcast %ge3A_113 : i32 to vector<16xi32>
      %ge3A_115 = arith.cmpi sge, %sub3A_112, %ge3A_114 : vector<16xi32>
      %lt3A_116 = arith.constant 12500 : i32
      %lt3A_117 = vector.broadcast %lt3A_116 : i32 to vector<16xi32>
      %lt3A_118 = arith.cmpi slt, %sub3A_112, %lt3A_117 : vector<16xi32>
      %and3A_119 = arith.andi %ge3A_115, %lt3A_118 : vector<16xi1>
      %jit3A_120 = arith.constant 12500 : i32
      %broadcast_in_dim3A_121 = vector.broadcast %jit3A_120 : i32 to vector<16xi32>
      %select_n3A_122 = arith.select %and3A_119, %sub3A_112, %broadcast_in_dim3A_121 : vector<16xi1>, vector<16xi32>
      %swap3A_123 = arith.constant 64 : index
      %swap3A_124 = tpu.vector_load %arg8[%swap3A_123] {strides = array<i32>} : memref<128xi32, #tpu.memory_space<vmem>>, vector<16xi32>,
      %swap3A_125 = vector.shape_cast %swap3A_124 : vector<16xi32> to vector<16xi32>
      %swap3A_126 = vector.shape_cast %select_n3A_122 : vector<16xi32> to vector<16xi32>
      tpu.vector_store %arg8[%swap3A_123], %swap3A_126 {strides = array<i32>} : memref<128xi32, #tpu.memory_space<vmem>>, vector<16xi32>,
      %get3A_127 = arith.constant 80 : index
      %get3A_128 = tpu.vector_load %arg7[%get3A_127] {strides = array<i32>} : memref<128xi32, #tpu.memory_space<vmem>>, vector<16xi32>,
      %get3A_129 = vector.shape_cast %get3A_128 : vector<16xi32> to vector<16xi32>
      %sub3A_130 = vector.broadcast %mul3A_1 : i32 to vector<16xi32>
      %sub3A_131 = arith.subi %get3A_129, %sub3A_130 : vector<16xi32>
      %ge3A_132 = arith.constant 0 : i32
      %ge3A_133 = vector.broadcast %ge3A_132 : i32 to vector<16xi32>
      %ge3A_134 = arith.cmpi sge, %sub3A_131, %ge3A_133 : vector<16xi32>
      %lt3A_135 = arith.constant 12500 : i32
      %lt3A_136 = vector.broadcast %lt3A_135 : i32 to vector<16xi32>
      %lt3A_137 = arith.cmpi slt, %sub3A_131, %lt3A_136 : vector<16xi32>
      %and3A_138 = arith.andi %ge3A_134, %lt3A_137 : vector<16xi1>
      %jit3A_139 = arith.constant 12500 : i32
      %broadcast_in_dim3A_140 = vector.broadcast %jit3A_139 : i32 to vector<16xi32>
      %select_n3A_141 = arith.select %and3A_138, %sub3A_131, %broadcast_in_dim3A_140 : vector<16xi1>, vector<16xi32>
      %swap3A_142 = arith.constant 80 : index
      %swap3A_143 = tpu.vector_load %arg8[%swap3A_142] {strides = array<i32>} : memref<128xi32, #tpu.memory_space<vmem>>, vector<16xi32>,
      %swap3A_144 = vector.shape_cast %swap3A_143 : vector<16xi32> to vector<16xi32>
      %swap3A_145 = vector.shape_cast %select_n3A_141 : vector<16xi32> to vector<16xi32>
      tpu.vector_store %arg8[%swap3A_142], %swap3A_145 {strides = array<i32>} : memref<128xi32, #tpu.memory_space<vmem>>, vector<16xi32>,
      %get3A_146 = arith.constant 96 : index
      %get3A_147 = tpu.vector_load %arg7[%get3A_146] {strides = array<i32>} : memref<128xi32, #tpu.memory_space<vmem>>, vector<16xi32>,
      %get3A_148 = vector.shape_cast %get3A_147 : vector<16xi32> to vector<16xi32>
      %sub3A_149 = vector.broadcast %mul3A_1 : i32 to vector<16xi32>
      %sub3A_150 = arith.subi %get3A_148, %sub3A_149 : vector<16xi32>
      %ge3A_151 = arith.constant 0 : i32
      %ge3A_152 = vector.broadcast %ge3A_151 : i32 to vector<16xi32>
      %ge3A_153 = arith.cmpi sge, %sub3A_150, %ge3A_152 : vector<16xi32>
      %lt3A_154 = arith.constant 12500 : i32
      %lt3A_155 = vector.broadcast %lt3A_154 : i32 to vector<16xi32>
      %lt3A_156 = arith.cmpi slt, %sub3A_150, %lt3A_155 : vector<16xi32>
      %and3A_157 = arith.andi %ge3A_153, %lt3A_156 : vector<16xi1>
      %jit3A_158 = arith.constant 12500 : i32
      %broadcast_in_dim3A_159 = vector.broadcast %jit3A_158 : i32 to vector<16xi32>
      %select_n3A_160 = arith.select %and3A_157, %sub3A_150, %broadcast_in_dim3A_159 : vector<16xi1>, vector<16xi32>
      %swap3A_161 = arith.constant 96 : index
      %swap3A_162 = tpu.vector_load %arg8[%swap3A_161] {strides = array<i32>} : memref<128xi32, #tpu.memory_space<vmem>>, vector<16xi32>,
      %swap3A_163 = vector.shape_cast %swap3A_162 : vector<16xi32> to vector<16xi32>
      %swap3A_164 = vector.shape_cast %select_n3A_160 : vector<16xi32> to vector<16xi32>
      tpu.vector_store %arg8[%swap3A_161], %swap3A_164 {strides = array<i32>} : memref<128xi32, #tpu.memory_space<vmem>>, vector<16xi32>,
      %get3A_165 = arith.constant 112 : index
      %get3A_166 = tpu.vector_load %arg7[%get3A_165] {strides = array<i32>} : memref<128xi32, #tpu.memory_space<vmem>>, vector<16xi32>,
      %get3A_167 = vector.shape_cast %get3A_166 : vector<16xi32> to vector<16xi32>
      %sub3A_168 = vector.broadcast %mul3A_1 : i32 to vector<16xi32>
      %sub3A_169 = arith.subi %get3A_167, %sub3A_168 : vector<16xi32>
      %ge3A_170 = arith.constant 0 : i32
      %ge3A_171 = vector.broadcast %ge3A_170 : i32 to vector<16xi32>
      %ge3A_172 = arith.cmpi sge, %sub3A_169, %ge3A_171 : vector<16xi32>
      %lt3A_173 = arith.constant 12500 : i32
      %lt3A_174 = vector.broadcast %lt3A_173 : i32 to vector<16xi32>
      %lt3A_175 = arith.cmpi slt, %sub3A_169, %lt3A_174 : vector<16xi32>
      %and3A_176 = arith.andi %ge3A_172, %lt3A_175 : vector<16xi1>
      %jit3A_177 = arith.constant 12500 : i32
      %broadcast_in_dim3A_178 = vector.broadcast %jit3A_177 : i32 to vector<16xi32>
      %select_n3A_179 = arith.select %and3A_176, %sub3A_169, %broadcast_in_dim3A_178 : vector<16xi1>, vector<16xi32>
      %swap3A_180 = arith.constant 112 : index
      %swap3A_181 = tpu.vector_load %arg8[%swap3A_180] {strides = array<i32>} : memref<128xi32, #tpu.memory_space<vmem>>, vector<16xi32>,
      %swap3A_182 = vector.shape_cast %swap3A_181 : vector<16xi32> to vector<16xi32>
      %swap3A_183 = vector.shape_cast %select_n3A_179 : vector<16xi32> to vector<16xi32>
      tpu.vector_store %arg8[%swap3A_180], %swap3A_183 {strides = array<i32>} : memref<128xi32, #tpu.memory_space<vmem>>, vector<16xi32>,
      "tpu.region"() ({
        %run_scoped3A = tpu.sem_alloc : memref<!tpu.dma_semaphore, #tpu.memory_space<semaphore_mem>>
        %dma_start3A = arith.constant 0 : i32
        %dma_start3A_185 = arith.constant 0 : i32
        %dma_start3A_186 = tpu.memref_slice %arg6[%dma_start3A, %dma_start3A_185] : memref<12544x16xf32, #tpu.memory_space<vmem_shared>> -> memref<12544x16xf32, #tpu.memory_space<vmem_shared>>
        tpu.enqueue_indirect_dma source(%arg9 : memref<128x16xf32, #tpu.memory_space<vmem>>) target(%dma_start3A_186 : memref<12544x16xf32, #tpu.memory_space<vmem_shared>>) offsets(%arg8 : memref<128xi32, #tpu.memory_space<vmem>>) semaphore(%run_scoped3A : memref<!tpu.dma_semaphore, #tpu.memory_space<semaphore_mem>>) {add = true}
        %dma_wait3A = arith.constant 0 : i32
        %dma_wait3A_187 = arith.constant 0 : i32
        %dma_wait3A_188 = tpu.memref_slice %arg6[%dma_wait3A, %dma_wait3A_187] : memref<12544x16xf32, #tpu.memory_space<vmem_shared>> -> memref<12544x16xf32, #tpu.memory_space<vmem_shared>>
        tpu.wait_indirect_dma semaphore(%run_scoped3A : memref<!tpu.dma_semaphore, #tpu.memory_space<semaphore_mem>>) src(%arg9 : memref<128x16xf32, #tpu.memory_space<vmem>>) dst(%dma_wait3A_188 : memref<12544x16xf32, #tpu.memory_space<vmem_shared>>)
        tpu.yield
      }) : () -> ()
      %scan3A_184 = arith.constant 0 : i32
      scf.yield %scan3A_184 : i32
    }
    %scan3A_12 = arith.constant 147 : i32
    %barrier3A_13 = arith.constant 0 : index
    tpu.barrier barrier_id(%barrier3A_13)
    "tpu.region"() ({
      %run_scoped3A = tpu.sem_alloc : memref<!tpu.dma_semaphore, #tpu.memory_space<semaphore_mem>>
      %dma_start3A = arith.constant 0 : i32
      %dma_start3A_34 = tpu.memref_slice %arg5[%add3A_6, %dma_start3A] : memref<50176x16xf32, #tpu.memory_space<hbm>> -> memref<784x16xf32, #tpu.memory_space<hbm>>
      %dma_start3A_35 = arith.constant 0 : i32
      %dma_start3A_36 = tpu.memref_slice %arg6[%mul3A_3, %dma_start3A_35] : memref<12544x16xf32, #tpu.memory_space<vmem_shared>> -> memref<784x16xf32, #tpu.memory_space<vmem_shared>>
      tpu.enqueue_dma source(%dma_start3A_36 : memref<784x16xf32, #tpu.memory_space<vmem_shared>>) target(%dma_start3A_34 : memref<784x16xf32, #tpu.memory_space<hbm>>) target_semaphore(%run_scoped3A : memref<!tpu.dma_semaphore, #tpu.memory_space<semaphore_mem>>)
      %dma_wait3A = arith.constant 0 : i32
      %dma_wait3A_37 = tpu.memref_slice %arg5[%add3A_6, %dma_wait3A] : memref<50176x16xf32, #tpu.memory_space<hbm>> -> memref<784x16xf32, #tpu.memory_space<hbm>>
      %dma_wait3A_38 = arith.constant 0 : i32
      %dma_wait3A_39 = tpu.memref_slice %arg6[%mul3A_3, %dma_wait3A_38] : memref<12544x16xf32, #tpu.memory_space<vmem_shared>> -> memref<784x16xf32, #tpu.memory_space<vmem_shared>>
      tpu.wait_dma2 semaphore(%run_scoped3A : memref<!tpu.dma_semaphore, #tpu.memory_space<semaphore_mem>>) src(%dma_wait3A_39 : memref<784x16xf32, #tpu.memory_space<vmem_shared>>) dst(%dma_wait3A_37 : memref<784x16xf32, #tpu.memory_space<hbm>>)
      tpu.yield
    }) : () -> ()
    %barrier3A_14 = arith.constant 0 : index
    tpu.barrier barrier_id(%barrier3A_14)
    %add3A_15 = arith.constant 2 : i32
    %add3A_16 = arith.addi %arg0, %add3A_15 : i32
    %mul3A_17 = arith.constant 12500 : i32
    %mul3A_18 = arith.muli %add3A_16, %mul3A_17 : i32
    %mul3A_19 = arith.constant 784 : i32
    %mul3A_20 = arith.muli %arg1, %mul3A_19 : i32
    %mul3A_21 = arith.constant 12544 : i32
    %mul3A_22 = arith.muli %add3A_16, %mul3A_21 : i32
    %add3A_23 = arith.addi %mul3A_22, %mul3A_20 : i32
    "tpu.region"() ({
      %run_scoped3A = tpu.sem_alloc : memref<!tpu.dma_semaphore, #tpu.memory_space<semaphore_mem>>
      %dma_start3A = arith.constant 0 : i32
      %dma_start3A_34 = tpu.memref_slice %arg6[%mul3A_20, %dma_start3A] : memref<12544x16xf32, #tpu.memory_space<vmem_shared>> -> memref<784x16xf32, #tpu.memory_space<vmem_shared>>
      tpu.enqueue_dma source(%arg3 : memref<784x16xf32, #tpu.memory_space<hbm>>) target(%dma_start3A_34 : memref<784x16xf32, #tpu.memory_space<vmem_shared>>) target_semaphore(%run_scoped3A : memref<!tpu.dma_semaphore, #tpu.memory_space<semaphore_mem>>)
      %dma_wait3A = arith.constant 0 : i32
      %dma_wait3A_35 = tpu.memref_slice %arg6[%mul3A_20, %dma_wait3A] : memref<12544x16xf32, #tpu.memory_space<vmem_shared>> -> memref<784x16xf32, #tpu.memory_space<vmem_shared>>
      tpu.wait_dma2 semaphore(%run_scoped3A : memref<!tpu.dma_semaphore, #tpu.memory_space<semaphore_mem>>) src(%arg3 : memref<784x16xf32, #tpu.memory_space<hbm>>) dst(%dma_wait3A_35 : memref<784x16xf32, #tpu.memory_space<vmem_shared>>)
      tpu.yield
    }) : () -> ()
    %barrier3A_24 = arith.constant 0 : index
    tpu.barrier barrier_id(%barrier3A_24)
    %scan3A_25 = arith.constant 0 : i32
    %scan3A_26 = arith.constant 0 : i32
    %scan3A_27 = arith.constant 147 : i32
    %scan3A_28 = arith.addi %scan3A_26, %scan3A_27 : i32
    %scan3A_29 = arith.constant 1 : i32
    %scan3A_30 = scf.for %scan3A_34 = %scan3A_26 to %scan3A_28 step %scan3A_29 iter_args(%scan3A_35 = %scan3A_25) -> (i32)  : i32 {
      %mul3A_36 = arith.constant 16 : i32
      %mul3A_37 = arith.muli %mul3A_36, %scan3A_34 : i32
      %add3A_38 = arith.addi %arg1, %mul3A_37 : i32
      %mul3A_39 = arith.constant 128 : i32
      %mul3A_40 = arith.muli %add3A_38, %mul3A_39 : i32
      "tpu.region"() ({
        %run_scoped3A = tpu.sem_alloc : memref<!tpu.dma_semaphore, #tpu.memory_space<semaphore_mem>>
        %dma_start3A = tpu.memref_slice %arg2[%mul3A_40] : memref<301056xi32, #tpu.memory_space<hbm>> -> memref<128xi32, #tpu.memory_space<hbm>>
        %dma_start3A_185 = tpu.memref_slice %arg2[%mul3A_40] : memref<301056xi32, #tpu.memory_space<hbm>> -> memref<128xi32, #tpu.memory_space<hbm>>
        tpu.enqueue_dma source(%dma_start3A_185 : memref<128xi32, #tpu.memory_space<hbm>>) target(%arg7 : memref<128xi32, #tpu.memory_space<vmem>>) target_semaphore(%run_scoped3A : memref<!tpu.dma_semaphore, #tpu.memory_space<semaphore_mem>>)
        %dma_wait3A = tpu.memref_slice %arg2[%mul3A_40] : memref<301056xi32, #tpu.memory_space<hbm>> -> memref<128xi32, #tpu.memory_space<hbm>>
        %dma_wait3A_186 = tpu.memref_slice %arg2[%mul3A_40] : memref<301056xi32, #tpu.memory_space<hbm>> -> memref<128xi32, #tpu.memory_space<hbm>>
        tpu.wait_dma2 semaphore(%run_scoped3A : memref<!tpu.dma_semaphore, #tpu.memory_space<semaphore_mem>>) src(%dma_wait3A_186 : memref<128xi32, #tpu.memory_space<hbm>>) dst(%arg7 : memref<128xi32, #tpu.memory_space<vmem>>)
        tpu.yield
      }) : () -> ()
      %get3A = arith.constant 0 : index
      %get3A_41 = tpu.vector_load %arg7[%get3A] {strides = array<i32>} : memref<128xi32, #tpu.memory_space<vmem>>, vector<16xi32>,
      %get3A_42 = vector.shape_cast %get3A_41 : vector<16xi32> to vector<16xi32>
      %sub3A = vector.broadcast %mul3A_18 : i32 to vector<16xi32>
      %sub3A_43 = arith.subi %get3A_42, %sub3A : vector<16xi32>
      %ge3A = arith.constant 0 : i32
      %ge3A_44 = vector.broadcast %ge3A : i32 to vector<16xi32>
      %ge3A_45 = arith.cmpi sge, %sub3A_43, %ge3A_44 : vector<16xi32>
      %lt3A = arith.constant 12500 : i32
      %lt3A_46 = vector.broadcast %lt3A : i32 to vector<16xi32>
      %lt3A_47 = arith.cmpi slt, %sub3A_43, %lt3A_46 : vector<16xi32>
      %and3A = arith.andi %ge3A_45, %lt3A_47 : vector<16xi1>
      %jit3A = arith.constant 12500 : i32
      %broadcast_in_dim3A = vector.broadcast %jit3A : i32 to vector<16xi32>
      %select_n3A = arith.select %and3A, %sub3A_43, %broadcast_in_dim3A : vector<16xi1>, vector<16xi32>
      %swap3A = arith.constant 0 : index
      %swap3A_48 = tpu.vector_load %arg8[%swap3A] {strides = array<i32>} : memref<128xi32, #tpu.memory_space<vmem>>, vector<16xi32>,
      %swap3A_49 = vector.shape_cast %swap3A_48 : vector<16xi32> to vector<16xi32>
      %swap3A_50 = vector.shape_cast %select_n3A : vector<16xi32> to vector<16xi32>
      tpu.vector_store %arg8[%swap3A], %swap3A_50 {strides = array<i32>} : memref<128xi32, #tpu.memory_space<vmem>>, vector<16xi32>,
      %get3A_51 = arith.constant 16 : index
      %get3A_52 = tpu.vector_load %arg7[%get3A_51] {strides = array<i32>} : memref<128xi32, #tpu.memory_space<vmem>>, vector<16xi32>,
      %get3A_53 = vector.shape_cast %get3A_52 : vector<16xi32> to vector<16xi32>
      %sub3A_54 = vector.broadcast %mul3A_18 : i32 to vector<16xi32>
      %sub3A_55 = arith.subi %get3A_53, %sub3A_54 : vector<16xi32>
      %ge3A_56 = arith.constant 0 : i32
      %ge3A_57 = vector.broadcast %ge3A_56 : i32 to vector<16xi32>
      %ge3A_58 = arith.cmpi sge, %sub3A_55, %ge3A_57 : vector<16xi32>
      %lt3A_59 = arith.constant 12500 : i32
      %lt3A_60 = vector.broadcast %lt3A_59 : i32 to vector<16xi32>
      %lt3A_61 = arith.cmpi slt, %sub3A_55, %lt3A_60 : vector<16xi32>
      %and3A_62 = arith.andi %ge3A_58, %lt3A_61 : vector<16xi1>
      %jit3A_63 = arith.constant 12500 : i32
      %broadcast_in_dim3A_64 = vector.broadcast %jit3A_63 : i32 to vector<16xi32>
      %select_n3A_65 = arith.select %and3A_62, %sub3A_55, %broadcast_in_dim3A_64 : vector<16xi1>, vector<16xi32>
      %swap3A_66 = arith.constant 16 : index
      %swap3A_67 = tpu.vector_load %arg8[%swap3A_66] {strides = array<i32>} : memref<128xi32, #tpu.memory_space<vmem>>, vector<16xi32>,
      %swap3A_68 = vector.shape_cast %swap3A_67 : vector<16xi32> to vector<16xi32>
      %swap3A_69 = vector.shape_cast %select_n3A_65 : vector<16xi32> to vector<16xi32>
      tpu.vector_store %arg8[%swap3A_66], %swap3A_69 {strides = array<i32>} : memref<128xi32, #tpu.memory_space<vmem>>, vector<16xi32>,
      %get3A_70 = arith.constant 32 : index
      %get3A_71 = tpu.vector_load %arg7[%get3A_70] {strides = array<i32>} : memref<128xi32, #tpu.memory_space<vmem>>, vector<16xi32>,
      %get3A_72 = vector.shape_cast %get3A_71 : vector<16xi32> to vector<16xi32>
      %sub3A_73 = vector.broadcast %mul3A_18 : i32 to vector<16xi32>
      %sub3A_74 = arith.subi %get3A_72, %sub3A_73 : vector<16xi32>
      %ge3A_75 = arith.constant 0 : i32
      %ge3A_76 = vector.broadcast %ge3A_75 : i32 to vector<16xi32>
      %ge3A_77 = arith.cmpi sge, %sub3A_74, %ge3A_76 : vector<16xi32>
      %lt3A_78 = arith.constant 12500 : i32
      %lt3A_79 = vector.broadcast %lt3A_78 : i32 to vector<16xi32>
      %lt3A_80 = arith.cmpi slt, %sub3A_74, %lt3A_79 : vector<16xi32>
      %and3A_81 = arith.andi %ge3A_77, %lt3A_80 : vector<16xi1>
      %jit3A_82 = arith.constant 12500 : i32
      %broadcast_in_dim3A_83 = vector.broadcast %jit3A_82 : i32 to vector<16xi32>
      %select_n3A_84 = arith.select %and3A_81, %sub3A_74, %broadcast_in_dim3A_83 : vector<16xi1>, vector<16xi32>
      %swap3A_85 = arith.constant 32 : index
      %swap3A_86 = tpu.vector_load %arg8[%swap3A_85] {strides = array<i32>} : memref<128xi32, #tpu.memory_space<vmem>>, vector<16xi32>,
      %swap3A_87 = vector.shape_cast %swap3A_86 : vector<16xi32> to vector<16xi32>
      %swap3A_88 = vector.shape_cast %select_n3A_84 : vector<16xi32> to vector<16xi32>
      tpu.vector_store %arg8[%swap3A_85], %swap3A_88 {strides = array<i32>} : memref<128xi32, #tpu.memory_space<vmem>>, vector<16xi32>,
      %get3A_89 = arith.constant 48 : index
      %get3A_90 = tpu.vector_load %arg7[%get3A_89] {strides = array<i32>} : memref<128xi32, #tpu.memory_space<vmem>>, vector<16xi32>,
      %get3A_91 = vector.shape_cast %get3A_90 : vector<16xi32> to vector<16xi32>
      %sub3A_92 = vector.broadcast %mul3A_18 : i32 to vector<16xi32>
      %sub3A_93 = arith.subi %get3A_91, %sub3A_92 : vector<16xi32>
      %ge3A_94 = arith.constant 0 : i32
      %ge3A_95 = vector.broadcast %ge3A_94 : i32 to vector<16xi32>
      %ge3A_96 = arith.cmpi sge, %sub3A_93, %ge3A_95 : vector<16xi32>
      %lt3A_97 = arith.constant 12500 : i32
      %lt3A_98 = vector.broadcast %lt3A_97 : i32 to vector<16xi32>
      %lt3A_99 = arith.cmpi slt, %sub3A_93, %lt3A_98 : vector<16xi32>
      %and3A_100 = arith.andi %ge3A_96, %lt3A_99 : vector<16xi1>
      %jit3A_101 = arith.constant 12500 : i32
      %broadcast_in_dim3A_102 = vector.broadcast %jit3A_101 : i32 to vector<16xi32>
      %select_n3A_103 = arith.select %and3A_100, %sub3A_93, %broadcast_in_dim3A_102 : vector<16xi1>, vector<16xi32>
      %swap3A_104 = arith.constant 48 : index
      %swap3A_105 = tpu.vector_load %arg8[%swap3A_104] {strides = array<i32>} : memref<128xi32, #tpu.memory_space<vmem>>, vector<16xi32>,
      %swap3A_106 = vector.shape_cast %swap3A_105 : vector<16xi32> to vector<16xi32>
      %swap3A_107 = vector.shape_cast %select_n3A_103 : vector<16xi32> to vector<16xi32>
      tpu.vector_store %arg8[%swap3A_104], %swap3A_107 {strides = array<i32>} : memref<128xi32, #tpu.memory_space<vmem>>, vector<16xi32>,
      %get3A_108 = arith.constant 64 : index
      %get3A_109 = tpu.vector_load %arg7[%get3A_108] {strides = array<i32>} : memref<128xi32, #tpu.memory_space<vmem>>, vector<16xi32>,
      %get3A_110 = vector.shape_cast %get3A_109 : vector<16xi32> to vector<16xi32>
      %sub3A_111 = vector.broadcast %mul3A_18 : i32 to vector<16xi32>
      %sub3A_112 = arith.subi %get3A_110, %sub3A_111 : vector<16xi32>
      %ge3A_113 = arith.constant 0 : i32
      %ge3A_114 = vector.broadcast %ge3A_113 : i32 to vector<16xi32>
      %ge3A_115 = arith.cmpi sge, %sub3A_112, %ge3A_114 : vector<16xi32>
      %lt3A_116 = arith.constant 12500 : i32
      %lt3A_117 = vector.broadcast %lt3A_116 : i32 to vector<16xi32>
      %lt3A_118 = arith.cmpi slt, %sub3A_112, %lt3A_117 : vector<16xi32>
      %and3A_119 = arith.andi %ge3A_115, %lt3A_118 : vector<16xi1>
      %jit3A_120 = arith.constant 12500 : i32
      %broadcast_in_dim3A_121 = vector.broadcast %jit3A_120 : i32 to vector<16xi32>
      %select_n3A_122 = arith.select %and3A_119, %sub3A_112, %broadcast_in_dim3A_121 : vector<16xi1>, vector<16xi32>
      %swap3A_123 = arith.constant 64 : index
      %swap3A_124 = tpu.vector_load %arg8[%swap3A_123] {strides = array<i32>} : memref<128xi32, #tpu.memory_space<vmem>>, vector<16xi32>,
      %swap3A_125 = vector.shape_cast %swap3A_124 : vector<16xi32> to vector<16xi32>
      %swap3A_126 = vector.shape_cast %select_n3A_122 : vector<16xi32> to vector<16xi32>
      tpu.vector_store %arg8[%swap3A_123], %swap3A_126 {strides = array<i32>} : memref<128xi32, #tpu.memory_space<vmem>>, vector<16xi32>,
      %get3A_127 = arith.constant 80 : index
      %get3A_128 = tpu.vector_load %arg7[%get3A_127] {strides = array<i32>} : memref<128xi32, #tpu.memory_space<vmem>>, vector<16xi32>,
      %get3A_129 = vector.shape_cast %get3A_128 : vector<16xi32> to vector<16xi32>
      %sub3A_130 = vector.broadcast %mul3A_18 : i32 to vector<16xi32>
      %sub3A_131 = arith.subi %get3A_129, %sub3A_130 : vector<16xi32>
      %ge3A_132 = arith.constant 0 : i32
      %ge3A_133 = vector.broadcast %ge3A_132 : i32 to vector<16xi32>
      %ge3A_134 = arith.cmpi sge, %sub3A_131, %ge3A_133 : vector<16xi32>
      %lt3A_135 = arith.constant 12500 : i32
      %lt3A_136 = vector.broadcast %lt3A_135 : i32 to vector<16xi32>
      %lt3A_137 = arith.cmpi slt, %sub3A_131, %lt3A_136 : vector<16xi32>
      %and3A_138 = arith.andi %ge3A_134, %lt3A_137 : vector<16xi1>
      %jit3A_139 = arith.constant 12500 : i32
      %broadcast_in_dim3A_140 = vector.broadcast %jit3A_139 : i32 to vector<16xi32>
      %select_n3A_141 = arith.select %and3A_138, %sub3A_131, %broadcast_in_dim3A_140 : vector<16xi1>, vector<16xi32>
      %swap3A_142 = arith.constant 80 : index
      %swap3A_143 = tpu.vector_load %arg8[%swap3A_142] {strides = array<i32>} : memref<128xi32, #tpu.memory_space<vmem>>, vector<16xi32>,
      %swap3A_144 = vector.shape_cast %swap3A_143 : vector<16xi32> to vector<16xi32>
      %swap3A_145 = vector.shape_cast %select_n3A_141 : vector<16xi32> to vector<16xi32>
      tpu.vector_store %arg8[%swap3A_142], %swap3A_145 {strides = array<i32>} : memref<128xi32, #tpu.memory_space<vmem>>, vector<16xi32>,
      %get3A_146 = arith.constant 96 : index
      %get3A_147 = tpu.vector_load %arg7[%get3A_146] {strides = array<i32>} : memref<128xi32, #tpu.memory_space<vmem>>, vector<16xi32>,
      %get3A_148 = vector.shape_cast %get3A_147 : vector<16xi32> to vector<16xi32>
      %sub3A_149 = vector.broadcast %mul3A_18 : i32 to vector<16xi32>
      %sub3A_150 = arith.subi %get3A_148, %sub3A_149 : vector<16xi32>
      %ge3A_151 = arith.constant 0 : i32
      %ge3A_152 = vector.broadcast %ge3A_151 : i32 to vector<16xi32>
      %ge3A_153 = arith.cmpi sge, %sub3A_150, %ge3A_152 : vector<16xi32>
      %lt3A_154 = arith.constant 12500 : i32
      %lt3A_155 = vector.broadcast %lt3A_154 : i32 to vector<16xi32>
      %lt3A_156 = arith.cmpi slt, %sub3A_150, %lt3A_155 : vector<16xi32>
      %and3A_157 = arith.andi %ge3A_153, %lt3A_156 : vector<16xi1>
      %jit3A_158 = arith.constant 12500 : i32
      %broadcast_in_dim3A_159 = vector.broadcast %jit3A_158 : i32 to vector<16xi32>
      %select_n3A_160 = arith.select %and3A_157, %sub3A_150, %broadcast_in_dim3A_159 : vector<16xi1>, vector<16xi32>
      %swap3A_161 = arith.constant 96 : index
      %swap3A_162 = tpu.vector_load %arg8[%swap3A_161] {strides = array<i32>} : memref<128xi32, #tpu.memory_space<vmem>>, vector<16xi32>,
      %swap3A_163 = vector.shape_cast %swap3A_162 : vector<16xi32> to vector<16xi32>
      %swap3A_164 = vector.shape_cast %select_n3A_160 : vector<16xi32> to vector<16xi32>
      tpu.vector_store %arg8[%swap3A_161], %swap3A_164 {strides = array<i32>} : memref<128xi32, #tpu.memory_space<vmem>>, vector<16xi32>,
      %get3A_165 = arith.constant 112 : index
      %get3A_166 = tpu.vector_load %arg7[%get3A_165] {strides = array<i32>} : memref<128xi32, #tpu.memory_space<vmem>>, vector<16xi32>,
      %get3A_167 = vector.shape_cast %get3A_166 : vector<16xi32> to vector<16xi32>
      %sub3A_168 = vector.broadcast %mul3A_18 : i32 to vector<16xi32>
      %sub3A_169 = arith.subi %get3A_167, %sub3A_168 : vector<16xi32>
      %ge3A_170 = arith.constant 0 : i32
      %ge3A_171 = vector.broadcast %ge3A_170 : i32 to vector<16xi32>
      %ge3A_172 = arith.cmpi sge, %sub3A_169, %ge3A_171 : vector<16xi32>
      %lt3A_173 = arith.constant 12500 : i32
      %lt3A_174 = vector.broadcast %lt3A_173 : i32 to vector<16xi32>
      %lt3A_175 = arith.cmpi slt, %sub3A_169, %lt3A_174 : vector<16xi32>
      %and3A_176 = arith.andi %ge3A_172, %lt3A_175 : vector<16xi1>
      %jit3A_177 = arith.constant 12500 : i32
      %broadcast_in_dim3A_178 = vector.broadcast %jit3A_177 : i32 to vector<16xi32>
      %select_n3A_179 = arith.select %and3A_176, %sub3A_169, %broadcast_in_dim3A_178 : vector<16xi1>, vector<16xi32>
      %swap3A_180 = arith.constant 112 : index
      %swap3A_181 = tpu.vector_load %arg8[%swap3A_180] {strides = array<i32>} : memref<128xi32, #tpu.memory_space<vmem>>, vector<16xi32>,
      %swap3A_182 = vector.shape_cast %swap3A_181 : vector<16xi32> to vector<16xi32>
      %swap3A_183 = vector.shape_cast %select_n3A_179 : vector<16xi32> to vector<16xi32>
      tpu.vector_store %arg8[%swap3A_180], %swap3A_183 {strides = array<i32>} : memref<128xi32, #tpu.memory_space<vmem>>, vector<16xi32>,
      "tpu.region"() ({
        %run_scoped3A = tpu.sem_alloc : memref<!tpu.dma_semaphore, #tpu.memory_space<semaphore_mem>>
        %dma_start3A = arith.constant 0 : i32
        %dma_start3A_185 = arith.constant 0 : i32
        %dma_start3A_186 = tpu.memref_slice %arg6[%dma_start3A, %dma_start3A_185] : memref<12544x16xf32, #tpu.memory_space<vmem_shared>> -> memref<12544x16xf32, #tpu.memory_space<vmem_shared>>
        tpu.enqueue_indirect_dma source(%arg9 : memref<128x16xf32, #tpu.memory_space<vmem>>) target(%dma_start3A_186 : memref<12544x16xf32, #tpu.memory_space<vmem_shared>>) offsets(%arg8 : memref<128xi32, #tpu.memory_space<vmem>>) semaphore(%run_scoped3A : memref<!tpu.dma_semaphore, #tpu.memory_space<semaphore_mem>>) {add = true}
        %dma_wait3A = arith.constant 0 : i32
        %dma_wait3A_187 = arith.constant 0 : i32
        %dma_wait3A_188 = tpu.memref_slice %arg6[%dma_wait3A, %dma_wait3A_187] : memref<12544x16xf32, #tpu.memory_space<vmem_shared>> -> memref<12544x16xf32, #tpu.memory_space<vmem_shared>>
        tpu.wait_indirect_dma semaphore(%run_scoped3A : memref<!tpu.dma_semaphore, #tpu.memory_space<semaphore_mem>>) src(%arg9 : memref<128x16xf32, #tpu.memory_space<vmem>>) dst(%dma_wait3A_188 : memref<12544x16xf32, #tpu.memory_space<vmem_shared>>)
        tpu.yield
      }) : () -> ()
      %scan3A_184 = arith.constant 0 : i32
      scf.yield %scan3A_184 : i32
    }
    %scan3A_31 = arith.constant 147 : i32
    %barrier3A_32 = arith.constant 0 : index
    tpu.barrier barrier_id(%barrier3A_32)
    "tpu.region"() ({
      %run_scoped3A = tpu.sem_alloc : memref<!tpu.dma_semaphore, #tpu.memory_space<semaphore_mem>>
      %dma_start3A = arith.constant 0 : i32
      %dma_start3A_34 = tpu.memref_slice %arg5[%add3A_23, %dma_start3A] : memref<50176x16xf32, #tpu.memory_space<hbm>> -> memref<784x16xf32, #tpu.memory_space<hbm>>
      %dma_start3A_35 = arith.constant 0 : i32
      %dma_start3A_36 = tpu.memref_slice %arg6[%mul3A_20, %dma_start3A_35] : memref<12544x16xf32, #tpu.memory_space<vmem_shared>> -> memref<784x16xf32, #tpu.memory_space<vmem_shared>>
      tpu.enqueue_dma source(%dma_start3A_36 : memref<784x16xf32, #tpu.memory_space<vmem_shared>>) target(%dma_start3A_34 : memref<784x16xf32, #tpu.memory_space<hbm>>) target_semaphore(%run_scoped3A : memref<!tpu.dma_semaphore, #tpu.memory_space<semaphore_mem>>)
      %dma_wait3A = arith.constant 0 : i32
      %dma_wait3A_37 = tpu.memref_slice %arg5[%add3A_23, %dma_wait3A] : memref<50176x16xf32, #tpu.memory_space<hbm>> -> memref<784x16xf32, #tpu.memory_space<hbm>>
      %dma_wait3A_38 = arith.constant 0 : i32
      %dma_wait3A_39 = tpu.memref_slice %arg6[%mul3A_20, %dma_wait3A_38] : memref<12544x16xf32, #tpu.memory_space<vmem_shared>> -> memref<784x16xf32, #tpu.memory_space<vmem_shared>>
      tpu.wait_dma2 semaphore(%run_scoped3A : memref<!tpu.dma_semaphore, #tpu.memory_space<semaphore_mem>>) src(%dma_wait3A_39 : memref<784x16xf32, #tpu.memory_space<vmem_shared>>) dst(%dma_wait3A_37 : memref<784x16xf32, #tpu.memory_space<hbm>>)
      tpu.yield
    }) : () -> ()
    %barrier3A_33 = arith.constant 0 : index
    tpu.barrier barrier_id(%barrier3A_33)
    return
  }
}

#map = affine_map<(d0, d1) -> (0)>
#map1 = affine_map<(d0, d1) -> (0, 0)>
module attributes {stable_mosaic.version = 14 : i64} {
  func.func @_agg_sum_body(%arg0: i32, %arg1: i32, %arg2: memref<301056xi32, #tpu.memory_space<hbm>>, %arg3: memref<301056xi32, #tpu.memory_space<hbm>>, %arg4: memref<50000x128xf32, #tpu.memory_space<hbm>>, %arg5: memref<784x128xf32, #tpu.memory_space<hbm>>, %arg6: memref<50176x128xf32, #tpu.memory_space<hbm>>, %arg7: memref<12544x128xf32, #tpu.memory_space<vmem_shared>>, %arg8: memref<128xi32, #tpu.memory_space<vmem>>, %arg9: memref<128xi32, #tpu.memory_space<vmem>>, %arg10: memref<128xi32, #tpu.memory_space<vmem>>, %arg11: memref<128x128xf32, #tpu.memory_space<vmem>>, %arg12: memref<!tpu.dma_semaphore, #tpu.memory_space<semaphore_mem>>) attributes {dimension_semantics = [#tpu.dimension_semantics<core_parallel>, #tpu.dimension_semantics<subcore_parallel>], iteration_bounds = array<i64: 2, 16>, scalar_prefetch = 0 : i64, scratch_operands = 6 : i64, tpu.core_type = #tpu.core_type<sc_vector_subcore>, window_params = [{transform_indices = #map}, {transform_indices = #map}, {transform_indices = #map1}, {transform_indices = #map1}, {transform_indices = #map1}]} {
    %add3A = arith.constant 0 : i32
    %add3A_0 = arith.addi %arg0, %add3A : i32
    %mul3A = arith.constant 12500 : i32
    %mul3A_1 = arith.muli %add3A_0, %mul3A : i32
    %mul3A_2 = arith.constant 784 : i32
    %mul3A_3 = arith.muli %arg1, %mul3A_2 : i32
    %mul3A_4 = arith.constant 12544 : i32
    %mul3A_5 = arith.muli %add3A_0, %mul3A_4 : i32
    %add3A_6 = arith.addi %mul3A_5, %mul3A_3 : i32
    "tpu.region"() ({
      %run_scoped3A = tpu.sem_alloc : memref<!tpu.dma_semaphore, #tpu.memory_space<semaphore_mem>>
      %dma_start3A = arith.constant 0 : i32
      %dma_start3A_34 = tpu.memref_slice %arg7[%mul3A_3, %dma_start3A] : memref<12544x128xf32, #tpu.memory_space<vmem_shared>> -> memref<784x128xf32, #tpu.memory_space<vmem_shared>>
      tpu.enqueue_dma source(%arg5 : memref<784x128xf32, #tpu.memory_space<hbm>>) target(%dma_start3A_34 : memref<784x128xf32, #tpu.memory_space<vmem_shared>>) target_semaphore(%run_scoped3A : memref<!tpu.dma_semaphore, #tpu.memory_space<semaphore_mem>>)
      %dma_wait3A = arith.constant 0 : i32
      %dma_wait3A_35 = tpu.memref_slice %arg7[%mul3A_3, %dma_wait3A] : memref<12544x128xf32, #tpu.memory_space<vmem_shared>> -> memref<784x128xf32, #tpu.memory_space<vmem_shared>>
      tpu.wait_dma2 semaphore(%run_scoped3A : memref<!tpu.dma_semaphore, #tpu.memory_space<semaphore_mem>>) src(%arg5 : memref<784x128xf32, #tpu.memory_space<hbm>>) dst(%dma_wait3A_35 : memref<784x128xf32, #tpu.memory_space<vmem_shared>>)
      tpu.yield
    }) : () -> ()
    %barrier3A = arith.constant 0 : index
    tpu.barrier barrier_id(%barrier3A)
    %scan3A = arith.constant 0 : i32
    %scan3A_7 = arith.constant 0 : i32
    %scan3A_8 = arith.constant 147 : i32
    %scan3A_9 = arith.addi %scan3A_7, %scan3A_8 : i32
    %scan3A_10 = arith.constant 1 : i32
    %scan3A_11 = scf.for %scan3A_34 = %scan3A_7 to %scan3A_9 step %scan3A_10 iter_args(%scan3A_35 = %scan3A) -> (i32)  : i32 {
      %mul3A_36 = arith.constant 16 : i32
      %mul3A_37 = arith.muli %mul3A_36, %scan3A_34 : i32
      %add3A_38 = arith.addi %arg1, %mul3A_37 : i32
      %mul3A_39 = arith.constant 128 : i32
      %mul3A_40 = arith.muli %add3A_38, %mul3A_39 : i32
      "tpu.region"() ({
        %run_scoped3A = tpu.sem_alloc : memref<!tpu.dma_semaphore, #tpu.memory_space<semaphore_mem>>
        %dma_start3A_189 = tpu.memref_slice %arg2[%mul3A_40] : memref<301056xi32, #tpu.memory_space<hbm>> -> memref<128xi32, #tpu.memory_space<hbm>>
        %dma_start3A_190 = tpu.memref_slice %arg2[%mul3A_40] : memref<301056xi32, #tpu.memory_space<hbm>> -> memref<128xi32, #tpu.memory_space<hbm>>
        tpu.enqueue_dma source(%dma_start3A_190 : memref<128xi32, #tpu.memory_space<hbm>>) target(%arg8 : memref<128xi32, #tpu.memory_space<vmem>>) target_semaphore(%run_scoped3A : memref<!tpu.dma_semaphore, #tpu.memory_space<semaphore_mem>>)
        %dma_wait3A_191 = tpu.memref_slice %arg2[%mul3A_40] : memref<301056xi32, #tpu.memory_space<hbm>> -> memref<128xi32, #tpu.memory_space<hbm>>
        %dma_wait3A_192 = tpu.memref_slice %arg2[%mul3A_40] : memref<301056xi32, #tpu.memory_space<hbm>> -> memref<128xi32, #tpu.memory_space<hbm>>
        tpu.wait_dma2 semaphore(%run_scoped3A : memref<!tpu.dma_semaphore, #tpu.memory_space<semaphore_mem>>) src(%dma_wait3A_192 : memref<128xi32, #tpu.memory_space<hbm>>) dst(%arg8 : memref<128xi32, #tpu.memory_space<vmem>>)
        tpu.yield
      }) : () -> ()
      "tpu.region"() ({
        %run_scoped3A = tpu.sem_alloc : memref<!tpu.dma_semaphore, #tpu.memory_space<semaphore_mem>>
        %dma_start3A_189 = tpu.memref_slice %arg3[%mul3A_40] : memref<301056xi32, #tpu.memory_space<hbm>> -> memref<128xi32, #tpu.memory_space<hbm>>
        %dma_start3A_190 = tpu.memref_slice %arg3[%mul3A_40] : memref<301056xi32, #tpu.memory_space<hbm>> -> memref<128xi32, #tpu.memory_space<hbm>>
        tpu.enqueue_dma source(%dma_start3A_190 : memref<128xi32, #tpu.memory_space<hbm>>) target(%arg9 : memref<128xi32, #tpu.memory_space<vmem>>) target_semaphore(%run_scoped3A : memref<!tpu.dma_semaphore, #tpu.memory_space<semaphore_mem>>)
        %dma_wait3A_191 = tpu.memref_slice %arg3[%mul3A_40] : memref<301056xi32, #tpu.memory_space<hbm>> -> memref<128xi32, #tpu.memory_space<hbm>>
        %dma_wait3A_192 = tpu.memref_slice %arg3[%mul3A_40] : memref<301056xi32, #tpu.memory_space<hbm>> -> memref<128xi32, #tpu.memory_space<hbm>>
        tpu.wait_dma2 semaphore(%run_scoped3A : memref<!tpu.dma_semaphore, #tpu.memory_space<semaphore_mem>>) src(%dma_wait3A_192 : memref<128xi32, #tpu.memory_space<hbm>>) dst(%arg9 : memref<128xi32, #tpu.memory_space<vmem>>)
        tpu.yield
      }) : () -> ()
      %dma_start3A = arith.constant 0 : i32
      %dma_start3A_41 = arith.constant 0 : i32
      %dma_start3A_42 = tpu.memref_slice %arg4[%dma_start3A, %dma_start3A_41] : memref<50000x128xf32, #tpu.memory_space<hbm>> -> memref<50000x128xf32, #tpu.memory_space<hbm>>
      tpu.enqueue_indirect_dma source(%dma_start3A_42 : memref<50000x128xf32, #tpu.memory_space<hbm>>) target(%arg11 : memref<128x128xf32, #tpu.memory_space<vmem>>) offsets(%arg8 : memref<128xi32, #tpu.memory_space<vmem>>) semaphore(%arg12 : memref<!tpu.dma_semaphore, #tpu.memory_space<semaphore_mem>>)
      %get3A = arith.constant 0 : index
      %get3A_43 = tpu.vector_load %arg9[%get3A] {strides = array<i32>} : memref<128xi32, #tpu.memory_space<vmem>>, vector<16xi32>,
      %get3A_44 = vector.shape_cast %get3A_43 : vector<16xi32> to vector<16xi32>
      %sub3A = vector.broadcast %mul3A_1 : i32 to vector<16xi32>
      %sub3A_45 = arith.subi %get3A_44, %sub3A : vector<16xi32>
      %ge3A = arith.constant 0 : i32
      %ge3A_46 = vector.broadcast %ge3A : i32 to vector<16xi32>
      %ge3A_47 = arith.cmpi sge, %sub3A_45, %ge3A_46 : vector<16xi32>
      %lt3A = arith.constant 12500 : i32
      %lt3A_48 = vector.broadcast %lt3A : i32 to vector<16xi32>
      %lt3A_49 = arith.cmpi slt, %sub3A_45, %lt3A_48 : vector<16xi32>
      %and3A = arith.andi %ge3A_47, %lt3A_49 : vector<16xi1>
      %jit3A = arith.constant 12500 : i32
      %broadcast_in_dim3A = vector.broadcast %jit3A : i32 to vector<16xi32>
      %select_n3A = arith.select %and3A, %sub3A_45, %broadcast_in_dim3A : vector<16xi1>, vector<16xi32>
      %swap3A = arith.constant 0 : index
      %swap3A_50 = tpu.vector_load %arg10[%swap3A] {strides = array<i32>} : memref<128xi32, #tpu.memory_space<vmem>>, vector<16xi32>,
      %swap3A_51 = vector.shape_cast %swap3A_50 : vector<16xi32> to vector<16xi32>
      %swap3A_52 = vector.shape_cast %select_n3A : vector<16xi32> to vector<16xi32>
      tpu.vector_store %arg10[%swap3A], %swap3A_52 {strides = array<i32>} : memref<128xi32, #tpu.memory_space<vmem>>, vector<16xi32>,
      %get3A_53 = arith.constant 16 : index
      %get3A_54 = tpu.vector_load %arg9[%get3A_53] {strides = array<i32>} : memref<128xi32, #tpu.memory_space<vmem>>, vector<16xi32>,
      %get3A_55 = vector.shape_cast %get3A_54 : vector<16xi32> to vector<16xi32>
      %sub3A_56 = vector.broadcast %mul3A_1 : i32 to vector<16xi32>
      %sub3A_57 = arith.subi %get3A_55, %sub3A_56 : vector<16xi32>
      %ge3A_58 = arith.constant 0 : i32
      %ge3A_59 = vector.broadcast %ge3A_58 : i32 to vector<16xi32>
      %ge3A_60 = arith.cmpi sge, %sub3A_57, %ge3A_59 : vector<16xi32>
      %lt3A_61 = arith.constant 12500 : i32
      %lt3A_62 = vector.broadcast %lt3A_61 : i32 to vector<16xi32>
      %lt3A_63 = arith.cmpi slt, %sub3A_57, %lt3A_62 : vector<16xi32>
      %and3A_64 = arith.andi %ge3A_60, %lt3A_63 : vector<16xi1>
      %jit3A_65 = arith.constant 12500 : i32
      %broadcast_in_dim3A_66 = vector.broadcast %jit3A_65 : i32 to vector<16xi32>
      %select_n3A_67 = arith.select %and3A_64, %sub3A_57, %broadcast_in_dim3A_66 : vector<16xi1>, vector<16xi32>
      %swap3A_68 = arith.constant 16 : index
      %swap3A_69 = tpu.vector_load %arg10[%swap3A_68] {strides = array<i32>} : memref<128xi32, #tpu.memory_space<vmem>>, vector<16xi32>,
      %swap3A_70 = vector.shape_cast %swap3A_69 : vector<16xi32> to vector<16xi32>
      %swap3A_71 = vector.shape_cast %select_n3A_67 : vector<16xi32> to vector<16xi32>
      tpu.vector_store %arg10[%swap3A_68], %swap3A_71 {strides = array<i32>} : memref<128xi32, #tpu.memory_space<vmem>>, vector<16xi32>,
      %get3A_72 = arith.constant 32 : index
      %get3A_73 = tpu.vector_load %arg9[%get3A_72] {strides = array<i32>} : memref<128xi32, #tpu.memory_space<vmem>>, vector<16xi32>,
      %get3A_74 = vector.shape_cast %get3A_73 : vector<16xi32> to vector<16xi32>
      %sub3A_75 = vector.broadcast %mul3A_1 : i32 to vector<16xi32>
      %sub3A_76 = arith.subi %get3A_74, %sub3A_75 : vector<16xi32>
      %ge3A_77 = arith.constant 0 : i32
      %ge3A_78 = vector.broadcast %ge3A_77 : i32 to vector<16xi32>
      %ge3A_79 = arith.cmpi sge, %sub3A_76, %ge3A_78 : vector<16xi32>
      %lt3A_80 = arith.constant 12500 : i32
      %lt3A_81 = vector.broadcast %lt3A_80 : i32 to vector<16xi32>
      %lt3A_82 = arith.cmpi slt, %sub3A_76, %lt3A_81 : vector<16xi32>
      %and3A_83 = arith.andi %ge3A_79, %lt3A_82 : vector<16xi1>
      %jit3A_84 = arith.constant 12500 : i32
      %broadcast_in_dim3A_85 = vector.broadcast %jit3A_84 : i32 to vector<16xi32>
      %select_n3A_86 = arith.select %and3A_83, %sub3A_76, %broadcast_in_dim3A_85 : vector<16xi1>, vector<16xi32>
      %swap3A_87 = arith.constant 32 : index
      %swap3A_88 = tpu.vector_load %arg10[%swap3A_87] {strides = array<i32>} : memref<128xi32, #tpu.memory_space<vmem>>, vector<16xi32>,
      %swap3A_89 = vector.shape_cast %swap3A_88 : vector<16xi32> to vector<16xi32>
      %swap3A_90 = vector.shape_cast %select_n3A_86 : vector<16xi32> to vector<16xi32>
      tpu.vector_store %arg10[%swap3A_87], %swap3A_90 {strides = array<i32>} : memref<128xi32, #tpu.memory_space<vmem>>, vector<16xi32>,
      %get3A_91 = arith.constant 48 : index
      %get3A_92 = tpu.vector_load %arg9[%get3A_91] {strides = array<i32>} : memref<128xi32, #tpu.memory_space<vmem>>, vector<16xi32>,
      %get3A_93 = vector.shape_cast %get3A_92 : vector<16xi32> to vector<16xi32>
      %sub3A_94 = vector.broadcast %mul3A_1 : i32 to vector<16xi32>
      %sub3A_95 = arith.subi %get3A_93, %sub3A_94 : vector<16xi32>
      %ge3A_96 = arith.constant 0 : i32
      %ge3A_97 = vector.broadcast %ge3A_96 : i32 to vector<16xi32>
      %ge3A_98 = arith.cmpi sge, %sub3A_95, %ge3A_97 : vector<16xi32>
      %lt3A_99 = arith.constant 12500 : i32
      %lt3A_100 = vector.broadcast %lt3A_99 : i32 to vector<16xi32>
      %lt3A_101 = arith.cmpi slt, %sub3A_95, %lt3A_100 : vector<16xi32>
      %and3A_102 = arith.andi %ge3A_98, %lt3A_101 : vector<16xi1>
      %jit3A_103 = arith.constant 12500 : i32
      %broadcast_in_dim3A_104 = vector.broadcast %jit3A_103 : i32 to vector<16xi32>
      %select_n3A_105 = arith.select %and3A_102, %sub3A_95, %broadcast_in_dim3A_104 : vector<16xi1>, vector<16xi32>
      %swap3A_106 = arith.constant 48 : index
      %swap3A_107 = tpu.vector_load %arg10[%swap3A_106] {strides = array<i32>} : memref<128xi32, #tpu.memory_space<vmem>>, vector<16xi32>,
      %swap3A_108 = vector.shape_cast %swap3A_107 : vector<16xi32> to vector<16xi32>
      %swap3A_109 = vector.shape_cast %select_n3A_105 : vector<16xi32> to vector<16xi32>
      tpu.vector_store %arg10[%swap3A_106], %swap3A_109 {strides = array<i32>} : memref<128xi32, #tpu.memory_space<vmem>>, vector<16xi32>,
      %get3A_110 = arith.constant 64 : index
      %get3A_111 = tpu.vector_load %arg9[%get3A_110] {strides = array<i32>} : memref<128xi32, #tpu.memory_space<vmem>>, vector<16xi32>,
      %get3A_112 = vector.shape_cast %get3A_111 : vector<16xi32> to vector<16xi32>
      %sub3A_113 = vector.broadcast %mul3A_1 : i32 to vector<16xi32>
      %sub3A_114 = arith.subi %get3A_112, %sub3A_113 : vector<16xi32>
      %ge3A_115 = arith.constant 0 : i32
      %ge3A_116 = vector.broadcast %ge3A_115 : i32 to vector<16xi32>
      %ge3A_117 = arith.cmpi sge, %sub3A_114, %ge3A_116 : vector<16xi32>
      %lt3A_118 = arith.constant 12500 : i32
      %lt3A_119 = vector.broadcast %lt3A_118 : i32 to vector<16xi32>
      %lt3A_120 = arith.cmpi slt, %sub3A_114, %lt3A_119 : vector<16xi32>
      %and3A_121 = arith.andi %ge3A_117, %lt3A_120 : vector<16xi1>
      %jit3A_122 = arith.constant 12500 : i32
      %broadcast_in_dim3A_123 = vector.broadcast %jit3A_122 : i32 to vector<16xi32>
      %select_n3A_124 = arith.select %and3A_121, %sub3A_114, %broadcast_in_dim3A_123 : vector<16xi1>, vector<16xi32>
      %swap3A_125 = arith.constant 64 : index
      %swap3A_126 = tpu.vector_load %arg10[%swap3A_125] {strides = array<i32>} : memref<128xi32, #tpu.memory_space<vmem>>, vector<16xi32>,
      %swap3A_127 = vector.shape_cast %swap3A_126 : vector<16xi32> to vector<16xi32>
      %swap3A_128 = vector.shape_cast %select_n3A_124 : vector<16xi32> to vector<16xi32>
      tpu.vector_store %arg10[%swap3A_125], %swap3A_128 {strides = array<i32>} : memref<128xi32, #tpu.memory_space<vmem>>, vector<16xi32>,
      %get3A_129 = arith.constant 80 : index
      %get3A_130 = tpu.vector_load %arg9[%get3A_129] {strides = array<i32>} : memref<128xi32, #tpu.memory_space<vmem>>, vector<16xi32>,
      %get3A_131 = vector.shape_cast %get3A_130 : vector<16xi32> to vector<16xi32>
      %sub3A_132 = vector.broadcast %mul3A_1 : i32 to vector<16xi32>
      %sub3A_133 = arith.subi %get3A_131, %sub3A_132 : vector<16xi32>
      %ge3A_134 = arith.constant 0 : i32
      %ge3A_135 = vector.broadcast %ge3A_134 : i32 to vector<16xi32>
      %ge3A_136 = arith.cmpi sge, %sub3A_133, %ge3A_135 : vector<16xi32>
      %lt3A_137 = arith.constant 12500 : i32
      %lt3A_138 = vector.broadcast %lt3A_137 : i32 to vector<16xi32>
      %lt3A_139 = arith.cmpi slt, %sub3A_133, %lt3A_138 : vector<16xi32>
      %and3A_140 = arith.andi %ge3A_136, %lt3A_139 : vector<16xi1>
      %jit3A_141 = arith.constant 12500 : i32
      %broadcast_in_dim3A_142 = vector.broadcast %jit3A_141 : i32 to vector<16xi32>
      %select_n3A_143 = arith.select %and3A_140, %sub3A_133, %broadcast_in_dim3A_142 : vector<16xi1>, vector<16xi32>
      %swap3A_144 = arith.constant 80 : index
      %swap3A_145 = tpu.vector_load %arg10[%swap3A_144] {strides = array<i32>} : memref<128xi32, #tpu.memory_space<vmem>>, vector<16xi32>,
      %swap3A_146 = vector.shape_cast %swap3A_145 : vector<16xi32> to vector<16xi32>
      %swap3A_147 = vector.shape_cast %select_n3A_143 : vector<16xi32> to vector<16xi32>
      tpu.vector_store %arg10[%swap3A_144], %swap3A_147 {strides = array<i32>} : memref<128xi32, #tpu.memory_space<vmem>>, vector<16xi32>,
      %get3A_148 = arith.constant 96 : index
      %get3A_149 = tpu.vector_load %arg9[%get3A_148] {strides = array<i32>} : memref<128xi32, #tpu.memory_space<vmem>>, vector<16xi32>,
      %get3A_150 = vector.shape_cast %get3A_149 : vector<16xi32> to vector<16xi32>
      %sub3A_151 = vector.broadcast %mul3A_1 : i32 to vector<16xi32>
      %sub3A_152 = arith.subi %get3A_150, %sub3A_151 : vector<16xi32>
      %ge3A_153 = arith.constant 0 : i32
      %ge3A_154 = vector.broadcast %ge3A_153 : i32 to vector<16xi32>
      %ge3A_155 = arith.cmpi sge, %sub3A_152, %ge3A_154 : vector<16xi32>
      %lt3A_156 = arith.constant 12500 : i32
      %lt3A_157 = vector.broadcast %lt3A_156 : i32 to vector<16xi32>
      %lt3A_158 = arith.cmpi slt, %sub3A_152, %lt3A_157 : vector<16xi32>
      %and3A_159 = arith.andi %ge3A_155, %lt3A_158 : vector<16xi1>
      %jit3A_160 = arith.constant 12500 : i32
      %broadcast_in_dim3A_161 = vector.broadcast %jit3A_160 : i32 to vector<16xi32>
      %select_n3A_162 = arith.select %and3A_159, %sub3A_152, %broadcast_in_dim3A_161 : vector<16xi1>, vector<16xi32>
      %swap3A_163 = arith.constant 96 : index
      %swap3A_164 = tpu.vector_load %arg10[%swap3A_163] {strides = array<i32>} : memref<128xi32, #tpu.memory_space<vmem>>, vector<16xi32>,
      %swap3A_165 = vector.shape_cast %swap3A_164 : vector<16xi32> to vector<16xi32>
      %swap3A_166 = vector.shape_cast %select_n3A_162 : vector<16xi32> to vector<16xi32>
      tpu.vector_store %arg10[%swap3A_163], %swap3A_166 {strides = array<i32>} : memref<128xi32, #tpu.memory_space<vmem>>, vector<16xi32>,
      %get3A_167 = arith.constant 112 : index
      %get3A_168 = tpu.vector_load %arg9[%get3A_167] {strides = array<i32>} : memref<128xi32, #tpu.memory_space<vmem>>, vector<16xi32>,
      %get3A_169 = vector.shape_cast %get3A_168 : vector<16xi32> to vector<16xi32>
      %sub3A_170 = vector.broadcast %mul3A_1 : i32 to vector<16xi32>
      %sub3A_171 = arith.subi %get3A_169, %sub3A_170 : vector<16xi32>
      %ge3A_172 = arith.constant 0 : i32
      %ge3A_173 = vector.broadcast %ge3A_172 : i32 to vector<16xi32>
      %ge3A_174 = arith.cmpi sge, %sub3A_171, %ge3A_173 : vector<16xi32>
      %lt3A_175 = arith.constant 12500 : i32
      %lt3A_176 = vector.broadcast %lt3A_175 : i32 to vector<16xi32>
      %lt3A_177 = arith.cmpi slt, %sub3A_171, %lt3A_176 : vector<16xi32>
      %and3A_178 = arith.andi %ge3A_174, %lt3A_177 : vector<16xi1>
      %jit3A_179 = arith.constant 12500 : i32
      %broadcast_in_dim3A_180 = vector.broadcast %jit3A_179 : i32 to vector<16xi32>
      %select_n3A_181 = arith.select %and3A_178, %sub3A_171, %broadcast_in_dim3A_180 : vector<16xi1>, vector<16xi32>
      %swap3A_182 = arith.constant 112 : index
      %swap3A_183 = tpu.vector_load %arg10[%swap3A_182] {strides = array<i32>} : memref<128xi32, #tpu.memory_space<vmem>>, vector<16xi32>,
      %swap3A_184 = vector.shape_cast %swap3A_183 : vector<16xi32> to vector<16xi32>
      %swap3A_185 = vector.shape_cast %select_n3A_181 : vector<16xi32> to vector<16xi32>
      tpu.vector_store %arg10[%swap3A_182], %swap3A_185 {strides = array<i32>} : memref<128xi32, #tpu.memory_space<vmem>>, vector<16xi32>,
      %dma_wait3A = arith.constant 0 : i32
      %dma_wait3A_186 = arith.constant 0 : i32
      %dma_wait3A_187 = tpu.memref_slice %arg4[%dma_wait3A, %dma_wait3A_186] : memref<50000x128xf32, #tpu.memory_space<hbm>> -> memref<50000x128xf32, #tpu.memory_space<hbm>>
      tpu.wait_indirect_dma semaphore(%arg12 : memref<!tpu.dma_semaphore, #tpu.memory_space<semaphore_mem>>) src(%dma_wait3A_187 : memref<50000x128xf32, #tpu.memory_space<hbm>>) dst(%arg11 : memref<128x128xf32, #tpu.memory_space<vmem>>)
      "tpu.region"() ({
        %run_scoped3A = tpu.sem_alloc : memref<!tpu.dma_semaphore, #tpu.memory_space<semaphore_mem>>
        %dma_start3A_189 = arith.constant 0 : i32
        %dma_start3A_190 = arith.constant 0 : i32
        %dma_start3A_191 = tpu.memref_slice %arg7[%dma_start3A_189, %dma_start3A_190] : memref<12544x128xf32, #tpu.memory_space<vmem_shared>> -> memref<12544x128xf32, #tpu.memory_space<vmem_shared>>
        tpu.enqueue_indirect_dma source(%arg11 : memref<128x128xf32, #tpu.memory_space<vmem>>) target(%dma_start3A_191 : memref<12544x128xf32, #tpu.memory_space<vmem_shared>>) offsets(%arg10 : memref<128xi32, #tpu.memory_space<vmem>>) semaphore(%run_scoped3A : memref<!tpu.dma_semaphore, #tpu.memory_space<semaphore_mem>>) {add = true}
        %dma_wait3A_192 = arith.constant 0 : i32
        %dma_wait3A_193 = arith.constant 0 : i32
        %dma_wait3A_194 = tpu.memref_slice %arg7[%dma_wait3A_192, %dma_wait3A_193] : memref<12544x128xf32, #tpu.memory_space<vmem_shared>> -> memref<12544x128xf32, #tpu.memory_space<vmem_shared>>
        tpu.wait_indirect_dma semaphore(%run_scoped3A : memref<!tpu.dma_semaphore, #tpu.memory_space<semaphore_mem>>) src(%arg11 : memref<128x128xf32, #tpu.memory_space<vmem>>) dst(%dma_wait3A_194 : memref<12544x128xf32, #tpu.memory_space<vmem_shared>>)
        tpu.yield
      }) : () -> ()
      %scan3A_188 = arith.constant 0 : i32
      scf.yield %scan3A_188 : i32
    }
    %scan3A_12 = arith.constant 147 : i32
    %barrier3A_13 = arith.constant 0 : index
    tpu.barrier barrier_id(%barrier3A_13)
    "tpu.region"() ({
      %run_scoped3A = tpu.sem_alloc : memref<!tpu.dma_semaphore, #tpu.memory_space<semaphore_mem>>
      %dma_start3A = arith.constant 0 : i32
      %dma_start3A_34 = tpu.memref_slice %arg6[%add3A_6, %dma_start3A] : memref<50176x128xf32, #tpu.memory_space<hbm>> -> memref<784x128xf32, #tpu.memory_space<hbm>>
      %dma_start3A_35 = arith.constant 0 : i32
      %dma_start3A_36 = tpu.memref_slice %arg7[%mul3A_3, %dma_start3A_35] : memref<12544x128xf32, #tpu.memory_space<vmem_shared>> -> memref<784x128xf32, #tpu.memory_space<vmem_shared>>
      tpu.enqueue_dma source(%dma_start3A_36 : memref<784x128xf32, #tpu.memory_space<vmem_shared>>) target(%dma_start3A_34 : memref<784x128xf32, #tpu.memory_space<hbm>>) target_semaphore(%run_scoped3A : memref<!tpu.dma_semaphore, #tpu.memory_space<semaphore_mem>>)
      %dma_wait3A = arith.constant 0 : i32
      %dma_wait3A_37 = tpu.memref_slice %arg6[%add3A_6, %dma_wait3A] : memref<50176x128xf32, #tpu.memory_space<hbm>> -> memref<784x128xf32, #tpu.memory_space<hbm>>
      %dma_wait3A_38 = arith.constant 0 : i32
      %dma_wait3A_39 = tpu.memref_slice %arg7[%mul3A_3, %dma_wait3A_38] : memref<12544x128xf32, #tpu.memory_space<vmem_shared>> -> memref<784x128xf32, #tpu.memory_space<vmem_shared>>
      tpu.wait_dma2 semaphore(%run_scoped3A : memref<!tpu.dma_semaphore, #tpu.memory_space<semaphore_mem>>) src(%dma_wait3A_39 : memref<784x128xf32, #tpu.memory_space<vmem_shared>>) dst(%dma_wait3A_37 : memref<784x128xf32, #tpu.memory_space<hbm>>)
      tpu.yield
    }) : () -> ()
    %barrier3A_14 = arith.constant 0 : index
    tpu.barrier barrier_id(%barrier3A_14)
    %add3A_15 = arith.constant 2 : i32
    %add3A_16 = arith.addi %arg0, %add3A_15 : i32
    %mul3A_17 = arith.constant 12500 : i32
    %mul3A_18 = arith.muli %add3A_16, %mul3A_17 : i32
    %mul3A_19 = arith.constant 784 : i32
    %mul3A_20 = arith.muli %arg1, %mul3A_19 : i32
    %mul3A_21 = arith.constant 12544 : i32
    %mul3A_22 = arith.muli %add3A_16, %mul3A_21 : i32
    %add3A_23 = arith.addi %mul3A_22, %mul3A_20 : i32
    "tpu.region"() ({
      %run_scoped3A = tpu.sem_alloc : memref<!tpu.dma_semaphore, #tpu.memory_space<semaphore_mem>>
      %dma_start3A = arith.constant 0 : i32
      %dma_start3A_34 = tpu.memref_slice %arg7[%mul3A_20, %dma_start3A] : memref<12544x128xf32, #tpu.memory_space<vmem_shared>> -> memref<784x128xf32, #tpu.memory_space<vmem_shared>>
      tpu.enqueue_dma source(%arg5 : memref<784x128xf32, #tpu.memory_space<hbm>>) target(%dma_start3A_34 : memref<784x128xf32, #tpu.memory_space<vmem_shared>>) target_semaphore(%run_scoped3A : memref<!tpu.dma_semaphore, #tpu.memory_space<semaphore_mem>>)
      %dma_wait3A = arith.constant 0 : i32
      %dma_wait3A_35 = tpu.memref_slice %arg7[%mul3A_20, %dma_wait3A] : memref<12544x128xf32, #tpu.memory_space<vmem_shared>> -> memref<784x128xf32, #tpu.memory_space<vmem_shared>>
      tpu.wait_dma2 semaphore(%run_scoped3A : memref<!tpu.dma_semaphore, #tpu.memory_space<semaphore_mem>>) src(%arg5 : memref<784x128xf32, #tpu.memory_space<hbm>>) dst(%dma_wait3A_35 : memref<784x128xf32, #tpu.memory_space<vmem_shared>>)
      tpu.yield
    }) : () -> ()
    %barrier3A_24 = arith.constant 0 : index
    tpu.barrier barrier_id(%barrier3A_24)
    %scan3A_25 = arith.constant 0 : i32
    %scan3A_26 = arith.constant 0 : i32
    %scan3A_27 = arith.constant 147 : i32
    %scan3A_28 = arith.addi %scan3A_26, %scan3A_27 : i32
    %scan3A_29 = arith.constant 1 : i32
    %scan3A_30 = scf.for %scan3A_34 = %scan3A_26 to %scan3A_28 step %scan3A_29 iter_args(%scan3A_35 = %scan3A_25) -> (i32)  : i32 {
      %mul3A_36 = arith.constant 16 : i32
      %mul3A_37 = arith.muli %mul3A_36, %scan3A_34 : i32
      %add3A_38 = arith.addi %arg1, %mul3A_37 : i32
      %mul3A_39 = arith.constant 128 : i32
      %mul3A_40 = arith.muli %add3A_38, %mul3A_39 : i32
      "tpu.region"() ({
        %run_scoped3A = tpu.sem_alloc : memref<!tpu.dma_semaphore, #tpu.memory_space<semaphore_mem>>
        %dma_start3A_189 = tpu.memref_slice %arg2[%mul3A_40] : memref<301056xi32, #tpu.memory_space<hbm>> -> memref<128xi32, #tpu.memory_space<hbm>>
        %dma_start3A_190 = tpu.memref_slice %arg2[%mul3A_40] : memref<301056xi32, #tpu.memory_space<hbm>> -> memref<128xi32, #tpu.memory_space<hbm>>
        tpu.enqueue_dma source(%dma_start3A_190 : memref<128xi32, #tpu.memory_space<hbm>>) target(%arg8 : memref<128xi32, #tpu.memory_space<vmem>>) target_semaphore(%run_scoped3A : memref<!tpu.dma_semaphore, #tpu.memory_space<semaphore_mem>>)
        %dma_wait3A_191 = tpu.memref_slice %arg2[%mul3A_40] : memref<301056xi32, #tpu.memory_space<hbm>> -> memref<128xi32, #tpu.memory_space<hbm>>
        %dma_wait3A_192 = tpu.memref_slice %arg2[%mul3A_40] : memref<301056xi32, #tpu.memory_space<hbm>> -> memref<128xi32, #tpu.memory_space<hbm>>
        tpu.wait_dma2 semaphore(%run_scoped3A : memref<!tpu.dma_semaphore, #tpu.memory_space<semaphore_mem>>) src(%dma_wait3A_192 : memref<128xi32, #tpu.memory_space<hbm>>) dst(%arg8 : memref<128xi32, #tpu.memory_space<vmem>>)
        tpu.yield
      }) : () -> ()
      "tpu.region"() ({
        %run_scoped3A = tpu.sem_alloc : memref<!tpu.dma_semaphore, #tpu.memory_space<semaphore_mem>>
        %dma_start3A_189 = tpu.memref_slice %arg3[%mul3A_40] : memref<301056xi32, #tpu.memory_space<hbm>> -> memref<128xi32, #tpu.memory_space<hbm>>
        %dma_start3A_190 = tpu.memref_slice %arg3[%mul3A_40] : memref<301056xi32, #tpu.memory_space<hbm>> -> memref<128xi32, #tpu.memory_space<hbm>>
        tpu.enqueue_dma source(%dma_start3A_190 : memref<128xi32, #tpu.memory_space<hbm>>) target(%arg9 : memref<128xi32, #tpu.memory_space<vmem>>) target_semaphore(%run_scoped3A : memref<!tpu.dma_semaphore, #tpu.memory_space<semaphore_mem>>)
        %dma_wait3A_191 = tpu.memref_slice %arg3[%mul3A_40] : memref<301056xi32, #tpu.memory_space<hbm>> -> memref<128xi32, #tpu.memory_space<hbm>>
        %dma_wait3A_192 = tpu.memref_slice %arg3[%mul3A_40] : memref<301056xi32, #tpu.memory_space<hbm>> -> memref<128xi32, #tpu.memory_space<hbm>>
        tpu.wait_dma2 semaphore(%run_scoped3A : memref<!tpu.dma_semaphore, #tpu.memory_space<semaphore_mem>>) src(%dma_wait3A_192 : memref<128xi32, #tpu.memory_space<hbm>>) dst(%arg9 : memref<128xi32, #tpu.memory_space<vmem>>)
        tpu.yield
      }) : () -> ()
      %dma_start3A = arith.constant 0 : i32
      %dma_start3A_41 = arith.constant 0 : i32
      %dma_start3A_42 = tpu.memref_slice %arg4[%dma_start3A, %dma_start3A_41] : memref<50000x128xf32, #tpu.memory_space<hbm>> -> memref<50000x128xf32, #tpu.memory_space<hbm>>
      tpu.enqueue_indirect_dma source(%dma_start3A_42 : memref<50000x128xf32, #tpu.memory_space<hbm>>) target(%arg11 : memref<128x128xf32, #tpu.memory_space<vmem>>) offsets(%arg8 : memref<128xi32, #tpu.memory_space<vmem>>) semaphore(%arg12 : memref<!tpu.dma_semaphore, #tpu.memory_space<semaphore_mem>>)
      %get3A = arith.constant 0 : index
      %get3A_43 = tpu.vector_load %arg9[%get3A] {strides = array<i32>} : memref<128xi32, #tpu.memory_space<vmem>>, vector<16xi32>,
      %get3A_44 = vector.shape_cast %get3A_43 : vector<16xi32> to vector<16xi32>
      %sub3A = vector.broadcast %mul3A_18 : i32 to vector<16xi32>
      %sub3A_45 = arith.subi %get3A_44, %sub3A : vector<16xi32>
      %ge3A = arith.constant 0 : i32
      %ge3A_46 = vector.broadcast %ge3A : i32 to vector<16xi32>
      %ge3A_47 = arith.cmpi sge, %sub3A_45, %ge3A_46 : vector<16xi32>
      %lt3A = arith.constant 12500 : i32
      %lt3A_48 = vector.broadcast %lt3A : i32 to vector<16xi32>
      %lt3A_49 = arith.cmpi slt, %sub3A_45, %lt3A_48 : vector<16xi32>
      %and3A = arith.andi %ge3A_47, %lt3A_49 : vector<16xi1>
      %jit3A = arith.constant 12500 : i32
      %broadcast_in_dim3A = vector.broadcast %jit3A : i32 to vector<16xi32>
      %select_n3A = arith.select %and3A, %sub3A_45, %broadcast_in_dim3A : vector<16xi1>, vector<16xi32>
      %swap3A = arith.constant 0 : index
      %swap3A_50 = tpu.vector_load %arg10[%swap3A] {strides = array<i32>} : memref<128xi32, #tpu.memory_space<vmem>>, vector<16xi32>,
      %swap3A_51 = vector.shape_cast %swap3A_50 : vector<16xi32> to vector<16xi32>
      %swap3A_52 = vector.shape_cast %select_n3A : vector<16xi32> to vector<16xi32>
      tpu.vector_store %arg10[%swap3A], %swap3A_52 {strides = array<i32>} : memref<128xi32, #tpu.memory_space<vmem>>, vector<16xi32>,
      %get3A_53 = arith.constant 16 : index
      %get3A_54 = tpu.vector_load %arg9[%get3A_53] {strides = array<i32>} : memref<128xi32, #tpu.memory_space<vmem>>, vector<16xi32>,
      %get3A_55 = vector.shape_cast %get3A_54 : vector<16xi32> to vector<16xi32>
      %sub3A_56 = vector.broadcast %mul3A_18 : i32 to vector<16xi32>
      %sub3A_57 = arith.subi %get3A_55, %sub3A_56 : vector<16xi32>
      %ge3A_58 = arith.constant 0 : i32
      %ge3A_59 = vector.broadcast %ge3A_58 : i32 to vector<16xi32>
      %ge3A_60 = arith.cmpi sge, %sub3A_57, %ge3A_59 : vector<16xi32>
      %lt3A_61 = arith.constant 12500 : i32
      %lt3A_62 = vector.broadcast %lt3A_61 : i32 to vector<16xi32>
      %lt3A_63 = arith.cmpi slt, %sub3A_57, %lt3A_62 : vector<16xi32>
      %and3A_64 = arith.andi %ge3A_60, %lt3A_63 : vector<16xi1>
      %jit3A_65 = arith.constant 12500 : i32
      %broadcast_in_dim3A_66 = vector.broadcast %jit3A_65 : i32 to vector<16xi32>
      %select_n3A_67 = arith.select %and3A_64, %sub3A_57, %broadcast_in_dim3A_66 : vector<16xi1>, vector<16xi32>
      %swap3A_68 = arith.constant 16 : index
      %swap3A_69 = tpu.vector_load %arg10[%swap3A_68] {strides = array<i32>} : memref<128xi32, #tpu.memory_space<vmem>>, vector<16xi32>,
      %swap3A_70 = vector.shape_cast %swap3A_69 : vector<16xi32> to vector<16xi32>
      %swap3A_71 = vector.shape_cast %select_n3A_67 : vector<16xi32> to vector<16xi32>
      tpu.vector_store %arg10[%swap3A_68], %swap3A_71 {strides = array<i32>} : memref<128xi32, #tpu.memory_space<vmem>>, vector<16xi32>,
      %get3A_72 = arith.constant 32 : index
      %get3A_73 = tpu.vector_load %arg9[%get3A_72] {strides = array<i32>} : memref<128xi32, #tpu.memory_space<vmem>>, vector<16xi32>,
      %get3A_74 = vector.shape_cast %get3A_73 : vector<16xi32> to vector<16xi32>
      %sub3A_75 = vector.broadcast %mul3A_18 : i32 to vector<16xi32>
      %sub3A_76 = arith.subi %get3A_74, %sub3A_75 : vector<16xi32>
      %ge3A_77 = arith.constant 0 : i32
      %ge3A_78 = vector.broadcast %ge3A_77 : i32 to vector<16xi32>
      %ge3A_79 = arith.cmpi sge, %sub3A_76, %ge3A_78 : vector<16xi32>
      %lt3A_80 = arith.constant 12500 : i32
      %lt3A_81 = vector.broadcast %lt3A_80 : i32 to vector<16xi32>
      %lt3A_82 = arith.cmpi slt, %sub3A_76, %lt3A_81 : vector<16xi32>
      %and3A_83 = arith.andi %ge3A_79, %lt3A_82 : vector<16xi1>
      %jit3A_84 = arith.constant 12500 : i32
      %broadcast_in_dim3A_85 = vector.broadcast %jit3A_84 : i32 to vector<16xi32>
      %select_n3A_86 = arith.select %and3A_83, %sub3A_76, %broadcast_in_dim3A_85 : vector<16xi1>, vector<16xi32>
      %swap3A_87 = arith.constant 32 : index
      %swap3A_88 = tpu.vector_load %arg10[%swap3A_87] {strides = array<i32>} : memref<128xi32, #tpu.memory_space<vmem>>, vector<16xi32>,
      %swap3A_89 = vector.shape_cast %swap3A_88 : vector<16xi32> to vector<16xi32>
      %swap3A_90 = vector.shape_cast %select_n3A_86 : vector<16xi32> to vector<16xi32>
      tpu.vector_store %arg10[%swap3A_87], %swap3A_90 {strides = array<i32>} : memref<128xi32, #tpu.memory_space<vmem>>, vector<16xi32>,
      %get3A_91 = arith.constant 48 : index
      %get3A_92 = tpu.vector_load %arg9[%get3A_91] {strides = array<i32>} : memref<128xi32, #tpu.memory_space<vmem>>, vector<16xi32>,
      %get3A_93 = vector.shape_cast %get3A_92 : vector<16xi32> to vector<16xi32>
      %sub3A_94 = vector.broadcast %mul3A_18 : i32 to vector<16xi32>
      %sub3A_95 = arith.subi %get3A_93, %sub3A_94 : vector<16xi32>
      %ge3A_96 = arith.constant 0 : i32
      %ge3A_97 = vector.broadcast %ge3A_96 : i32 to vector<16xi32>
      %ge3A_98 = arith.cmpi sge, %sub3A_95, %ge3A_97 : vector<16xi32>
      %lt3A_99 = arith.constant 12500 : i32
      %lt3A_100 = vector.broadcast %lt3A_99 : i32 to vector<16xi32>
      %lt3A_101 = arith.cmpi slt, %sub3A_95, %lt3A_100 : vector<16xi32>
      %and3A_102 = arith.andi %ge3A_98, %lt3A_101 : vector<16xi1>
      %jit3A_103 = arith.constant 12500 : i32
      %broadcast_in_dim3A_104 = vector.broadcast %jit3A_103 : i32 to vector<16xi32>
      %select_n3A_105 = arith.select %and3A_102, %sub3A_95, %broadcast_in_dim3A_104 : vector<16xi1>, vector<16xi32>
      %swap3A_106 = arith.constant 48 : index
      %swap3A_107 = tpu.vector_load %arg10[%swap3A_106] {strides = array<i32>} : memref<128xi32, #tpu.memory_space<vmem>>, vector<16xi32>,
      %swap3A_108 = vector.shape_cast %swap3A_107 : vector<16xi32> to vector<16xi32>
      %swap3A_109 = vector.shape_cast %select_n3A_105 : vector<16xi32> to vector<16xi32>
      tpu.vector_store %arg10[%swap3A_106], %swap3A_109 {strides = array<i32>} : memref<128xi32, #tpu.memory_space<vmem>>, vector<16xi32>,
      %get3A_110 = arith.constant 64 : index
      %get3A_111 = tpu.vector_load %arg9[%get3A_110] {strides = array<i32>} : memref<128xi32, #tpu.memory_space<vmem>>, vector<16xi32>,
      %get3A_112 = vector.shape_cast %get3A_111 : vector<16xi32> to vector<16xi32>
      %sub3A_113 = vector.broadcast %mul3A_18 : i32 to vector<16xi32>
      %sub3A_114 = arith.subi %get3A_112, %sub3A_113 : vector<16xi32>
      %ge3A_115 = arith.constant 0 : i32
      %ge3A_116 = vector.broadcast %ge3A_115 : i32 to vector<16xi32>
      %ge3A_117 = arith.cmpi sge, %sub3A_114, %ge3A_116 : vector<16xi32>
      %lt3A_118 = arith.constant 12500 : i32
      %lt3A_119 = vector.broadcast %lt3A_118 : i32 to vector<16xi32>
      %lt3A_120 = arith.cmpi slt, %sub3A_114, %lt3A_119 : vector<16xi32>
      %and3A_121 = arith.andi %ge3A_117, %lt3A_120 : vector<16xi1>
      %jit3A_122 = arith.constant 12500 : i32
      %broadcast_in_dim3A_123 = vector.broadcast %jit3A_122 : i32 to vector<16xi32>
      %select_n3A_124 = arith.select %and3A_121, %sub3A_114, %broadcast_in_dim3A_123 : vector<16xi1>, vector<16xi32>
      %swap3A_125 = arith.constant 64 : index
      %swap3A_126 = tpu.vector_load %arg10[%swap3A_125] {strides = array<i32>} : memref<128xi32, #tpu.memory_space<vmem>>, vector<16xi32>,
      %swap3A_127 = vector.shape_cast %swap3A_126 : vector<16xi32> to vector<16xi32>
      %swap3A_128 = vector.shape_cast %select_n3A_124 : vector<16xi32> to vector<16xi32>
      tpu.vector_store %arg10[%swap3A_125], %swap3A_128 {strides = array<i32>} : memref<128xi32, #tpu.memory_space<vmem>>, vector<16xi32>,
      %get3A_129 = arith.constant 80 : index
      %get3A_130 = tpu.vector_load %arg9[%get3A_129] {strides = array<i32>} : memref<128xi32, #tpu.memory_space<vmem>>, vector<16xi32>,
      %get3A_131 = vector.shape_cast %get3A_130 : vector<16xi32> to vector<16xi32>
      %sub3A_132 = vector.broadcast %mul3A_18 : i32 to vector<16xi32>
      %sub3A_133 = arith.subi %get3A_131, %sub3A_132 : vector<16xi32>
      %ge3A_134 = arith.constant 0 : i32
      %ge3A_135 = vector.broadcast %ge3A_134 : i32 to vector<16xi32>
      %ge3A_136 = arith.cmpi sge, %sub3A_133, %ge3A_135 : vector<16xi32>
      %lt3A_137 = arith.constant 12500 : i32
      %lt3A_138 = vector.broadcast %lt3A_137 : i32 to vector<16xi32>
      %lt3A_139 = arith.cmpi slt, %sub3A_133, %lt3A_138 : vector<16xi32>
      %and3A_140 = arith.andi %ge3A_136, %lt3A_139 : vector<16xi1>
      %jit3A_141 = arith.constant 12500 : i32
      %broadcast_in_dim3A_142 = vector.broadcast %jit3A_141 : i32 to vector<16xi32>
      %select_n3A_143 = arith.select %and3A_140, %sub3A_133, %broadcast_in_dim3A_142 : vector<16xi1>, vector<16xi32>
      %swap3A_144 = arith.constant 80 : index
      %swap3A_145 = tpu.vector_load %arg10[%swap3A_144] {strides = array<i32>} : memref<128xi32, #tpu.memory_space<vmem>>, vector<16xi32>,
      %swap3A_146 = vector.shape_cast %swap3A_145 : vector<16xi32> to vector<16xi32>
      %swap3A_147 = vector.shape_cast %select_n3A_143 : vector<16xi32> to vector<16xi32>
      tpu.vector_store %arg10[%swap3A_144], %swap3A_147 {strides = array<i32>} : memref<128xi32, #tpu.memory_space<vmem>>, vector<16xi32>,
      %get3A_148 = arith.constant 96 : index
      %get3A_149 = tpu.vector_load %arg9[%get3A_148] {strides = array<i32>} : memref<128xi32, #tpu.memory_space<vmem>>, vector<16xi32>,
      %get3A_150 = vector.shape_cast %get3A_149 : vector<16xi32> to vector<16xi32>
      %sub3A_151 = vector.broadcast %mul3A_18 : i32 to vector<16xi32>
      %sub3A_152 = arith.subi %get3A_150, %sub3A_151 : vector<16xi32>
      %ge3A_153 = arith.constant 0 : i32
      %ge3A_154 = vector.broadcast %ge3A_153 : i32 to vector<16xi32>
      %ge3A_155 = arith.cmpi sge, %sub3A_152, %ge3A_154 : vector<16xi32>
      %lt3A_156 = arith.constant 12500 : i32
      %lt3A_157 = vector.broadcast %lt3A_156 : i32 to vector<16xi32>
      %lt3A_158 = arith.cmpi slt, %sub3A_152, %lt3A_157 : vector<16xi32>
      %and3A_159 = arith.andi %ge3A_155, %lt3A_158 : vector<16xi1>
      %jit3A_160 = arith.constant 12500 : i32
      %broadcast_in_dim3A_161 = vector.broadcast %jit3A_160 : i32 to vector<16xi32>
      %select_n3A_162 = arith.select %and3A_159, %sub3A_152, %broadcast_in_dim3A_161 : vector<16xi1>, vector<16xi32>
      %swap3A_163 = arith.constant 96 : index
      %swap3A_164 = tpu.vector_load %arg10[%swap3A_163] {strides = array<i32>} : memref<128xi32, #tpu.memory_space<vmem>>, vector<16xi32>,
      %swap3A_165 = vector.shape_cast %swap3A_164 : vector<16xi32> to vector<16xi32>
      %swap3A_166 = vector.shape_cast %select_n3A_162 : vector<16xi32> to vector<16xi32>
      tpu.vector_store %arg10[%swap3A_163], %swap3A_166 {strides = array<i32>} : memref<128xi32, #tpu.memory_space<vmem>>, vector<16xi32>,
      %get3A_167 = arith.constant 112 : index
      %get3A_168 = tpu.vector_load %arg9[%get3A_167] {strides = array<i32>} : memref<128xi32, #tpu.memory_space<vmem>>, vector<16xi32>,
      %get3A_169 = vector.shape_cast %get3A_168 : vector<16xi32> to vector<16xi32>
      %sub3A_170 = vector.broadcast %mul3A_18 : i32 to vector<16xi32>
      %sub3A_171 = arith.subi %get3A_169, %sub3A_170 : vector<16xi32>
      %ge3A_172 = arith.constant 0 : i32
      %ge3A_173 = vector.broadcast %ge3A_172 : i32 to vector<16xi32>
      %ge3A_174 = arith.cmpi sge, %sub3A_171, %ge3A_173 : vector<16xi32>
      %lt3A_175 = arith.constant 12500 : i32
      %lt3A_176 = vector.broadcast %lt3A_175 : i32 to vector<16xi32>
      %lt3A_177 = arith.cmpi slt, %sub3A_171, %lt3A_176 : vector<16xi32>
      %and3A_178 = arith.andi %ge3A_174, %lt3A_177 : vector<16xi1>
      %jit3A_179 = arith.constant 12500 : i32
      %broadcast_in_dim3A_180 = vector.broadcast %jit3A_179 : i32 to vector<16xi32>
      %select_n3A_181 = arith.select %and3A_178, %sub3A_171, %broadcast_in_dim3A_180 : vector<16xi1>, vector<16xi32>
      %swap3A_182 = arith.constant 112 : index
      %swap3A_183 = tpu.vector_load %arg10[%swap3A_182] {strides = array<i32>} : memref<128xi32, #tpu.memory_space<vmem>>, vector<16xi32>,
      %swap3A_184 = vector.shape_cast %swap3A_183 : vector<16xi32> to vector<16xi32>
      %swap3A_185 = vector.shape_cast %select_n3A_181 : vector<16xi32> to vector<16xi32>
      tpu.vector_store %arg10[%swap3A_182], %swap3A_185 {strides = array<i32>} : memref<128xi32, #tpu.memory_space<vmem>>, vector<16xi32>,
      %dma_wait3A = arith.constant 0 : i32
      %dma_wait3A_186 = arith.constant 0 : i32
      %dma_wait3A_187 = tpu.memref_slice %arg4[%dma_wait3A, %dma_wait3A_186] : memref<50000x128xf32, #tpu.memory_space<hbm>> -> memref<50000x128xf32, #tpu.memory_space<hbm>>
      tpu.wait_indirect_dma semaphore(%arg12 : memref<!tpu.dma_semaphore, #tpu.memory_space<semaphore_mem>>) src(%dma_wait3A_187 : memref<50000x128xf32, #tpu.memory_space<hbm>>) dst(%arg11 : memref<128x128xf32, #tpu.memory_space<vmem>>)
      "tpu.region"() ({
        %run_scoped3A = tpu.sem_alloc : memref<!tpu.dma_semaphore, #tpu.memory_space<semaphore_mem>>
        %dma_start3A_189 = arith.constant 0 : i32
        %dma_start3A_190 = arith.constant 0 : i32
        %dma_start3A_191 = tpu.memref_slice %arg7[%dma_start3A_189, %dma_start3A_190] : memref<12544x128xf32, #tpu.memory_space<vmem_shared>> -> memref<12544x128xf32, #tpu.memory_space<vmem_shared>>
        tpu.enqueue_indirect_dma source(%arg11 : memref<128x128xf32, #tpu.memory_space<vmem>>) target(%dma_start3A_191 : memref<12544x128xf32, #tpu.memory_space<vmem_shared>>) offsets(%arg10 : memref<128xi32, #tpu.memory_space<vmem>>) semaphore(%run_scoped3A : memref<!tpu.dma_semaphore, #tpu.memory_space<semaphore_mem>>) {add = true}
        %dma_wait3A_192 = arith.constant 0 : i32
        %dma_wait3A_193 = arith.constant 0 : i32
        %dma_wait3A_194 = tpu.memref_slice %arg7[%dma_wait3A_192, %dma_wait3A_193] : memref<12544x128xf32, #tpu.memory_space<vmem_shared>> -> memref<12544x128xf32, #tpu.memory_space<vmem_shared>>
        tpu.wait_indirect_dma semaphore(%run_scoped3A : memref<!tpu.dma_semaphore, #tpu.memory_space<semaphore_mem>>) src(%arg11 : memref<128x128xf32, #tpu.memory_space<vmem>>) dst(%dma_wait3A_194 : memref<12544x128xf32, #tpu.memory_space<vmem_shared>>)
        tpu.yield
      }) : () -> ()
      %scan3A_188 = arith.constant 0 : i32
      scf.yield %scan3A_188 : i32
    }
    %scan3A_31 = arith.constant 147 : i32
    %barrier3A_32 = arith.constant 0 : index
    tpu.barrier barrier_id(%barrier3A_32)
    "tpu.region"() ({
      %run_scoped3A = tpu.sem_alloc : memref<!tpu.dma_semaphore, #tpu.memory_space<semaphore_mem>>
      %dma_start3A = arith.constant 0 : i32
      %dma_start3A_34 = tpu.memref_slice %arg6[%add3A_23, %dma_start3A] : memref<50176x128xf32, #tpu.memory_space<hbm>> -> memref<784x128xf32, #tpu.memory_space<hbm>>
      %dma_start3A_35 = arith.constant 0 : i32
      %dma_start3A_36 = tpu.memref_slice %arg7[%mul3A_20, %dma_start3A_35] : memref<12544x128xf32, #tpu.memory_space<vmem_shared>> -> memref<784x128xf32, #tpu.memory_space<vmem_shared>>
      tpu.enqueue_dma source(%dma_start3A_36 : memref<784x128xf32, #tpu.memory_space<vmem_shared>>) target(%dma_start3A_34 : memref<784x128xf32, #tpu.memory_space<hbm>>) target_semaphore(%run_scoped3A : memref<!tpu.dma_semaphore, #tpu.memory_space<semaphore_mem>>)
      %dma_wait3A = arith.constant 0 : i32
      %dma_wait3A_37 = tpu.memref_slice %arg6[%add3A_23, %dma_wait3A] : memref<50176x128xf32, #tpu.memory_space<hbm>> -> memref<784x128xf32, #tpu.memory_space<hbm>>
      %dma_wait3A_38 = arith.constant 0 : i32
      %dma_wait3A_39 = tpu.memref_slice %arg7[%mul3A_20, %dma_wait3A_38] : memref<12544x128xf32, #tpu.memory_space<vmem_shared>> -> memref<784x128xf32, #tpu.memory_space<vmem_shared>>
      tpu.wait_dma2 semaphore(%run_scoped3A : memref<!tpu.dma_semaphore, #tpu.memory_space<semaphore_mem>>) src(%dma_wait3A_39 : memref<784x128xf32, #tpu.memory_space<vmem_shared>>) dst(%dma_wait3A_37 : memref<784x128xf32, #tpu.memory_space<hbm>>)
      tpu.yield
    }) : () -> ()
    %barrier3A_33 = arith.constant 0 : index
    tpu.barrier barrier_id(%barrier3A_33)
    return
  }
}

#map = affine_map<(d0, d1) -> (0)>
#map1 = affine_map<(d0, d1) -> (0, 0)>
module attributes {stable_mosaic.version = 14 : i64} {
  func.func @_agg_sum_body(%arg0: i32, %arg1: i32, %arg2: memref<301056xi32, #tpu.memory_space<hbm>>, %arg3: memref<301056xi32, #tpu.memory_space<hbm>>, %arg4: memref<50000x128xf32, #tpu.memory_space<hbm>>, %arg5: memref<784x128xf32, #tpu.memory_space<hbm>>, %arg6: memref<50176x128xf32, #tpu.memory_space<hbm>>, %arg7: memref<12544x128xf32, #tpu.memory_space<vmem_shared>>, %arg8: memref<128xi32, #tpu.memory_space<vmem>>, %arg9: memref<128xi32, #tpu.memory_space<vmem>>, %arg10: memref<128xi32, #tpu.memory_space<vmem>>, %arg11: memref<128x128xf32, #tpu.memory_space<vmem>>, %arg12: memref<!tpu.dma_semaphore, #tpu.memory_space<semaphore_mem>>) attributes {dimension_semantics = [#tpu.dimension_semantics<core_parallel>, #tpu.dimension_semantics<subcore_parallel>], iteration_bounds = array<i64: 2, 16>, scalar_prefetch = 0 : i64, scratch_operands = 6 : i64, tpu.core_type = #tpu.core_type<sc_vector_subcore>, window_params = [{transform_indices = #map}, {transform_indices = #map}, {transform_indices = #map1}, {transform_indices = #map1}, {transform_indices = #map1}]} {
    %add3A = arith.constant 0 : i32
    %add3A_0 = arith.addi %arg0, %add3A : i32
    %mul3A = arith.constant 12500 : i32
    %mul3A_1 = arith.muli %add3A_0, %mul3A : i32
    %mul3A_2 = arith.constant 784 : i32
    %mul3A_3 = arith.muli %arg1, %mul3A_2 : i32
    %mul3A_4 = arith.constant 12544 : i32
    %mul3A_5 = arith.muli %add3A_0, %mul3A_4 : i32
    %add3A_6 = arith.addi %mul3A_5, %mul3A_3 : i32
    "tpu.region"() ({
      %run_scoped3A = tpu.sem_alloc : memref<!tpu.dma_semaphore, #tpu.memory_space<semaphore_mem>>
      %dma_start3A = arith.constant 0 : i32
      %dma_start3A_34 = tpu.memref_slice %arg7[%mul3A_3, %dma_start3A] : memref<12544x128xf32, #tpu.memory_space<vmem_shared>> -> memref<784x128xf32, #tpu.memory_space<vmem_shared>>
      tpu.enqueue_dma source(%arg5 : memref<784x128xf32, #tpu.memory_space<hbm>>) target(%dma_start3A_34 : memref<784x128xf32, #tpu.memory_space<vmem_shared>>) target_semaphore(%run_scoped3A : memref<!tpu.dma_semaphore, #tpu.memory_space<semaphore_mem>>)
      %dma_wait3A = arith.constant 0 : i32
      %dma_wait3A_35 = tpu.memref_slice %arg7[%mul3A_3, %dma_wait3A] : memref<12544x128xf32, #tpu.memory_space<vmem_shared>> -> memref<784x128xf32, #tpu.memory_space<vmem_shared>>
      tpu.wait_dma2 semaphore(%run_scoped3A : memref<!tpu.dma_semaphore, #tpu.memory_space<semaphore_mem>>) src(%arg5 : memref<784x128xf32, #tpu.memory_space<hbm>>) dst(%dma_wait3A_35 : memref<784x128xf32, #tpu.memory_space<vmem_shared>>)
      tpu.yield
    }) : () -> ()
    %barrier3A = arith.constant 0 : index
    tpu.barrier barrier_id(%barrier3A)
    %scan3A = arith.constant 0 : i32
    %scan3A_7 = arith.constant 0 : i32
    %scan3A_8 = arith.constant 147 : i32
    %scan3A_9 = arith.addi %scan3A_7, %scan3A_8 : i32
    %scan3A_10 = arith.constant 1 : i32
    %scan3A_11 = scf.for %scan3A_34 = %scan3A_7 to %scan3A_9 step %scan3A_10 iter_args(%scan3A_35 = %scan3A) -> (i32)  : i32 {
      %mul3A_36 = arith.constant 16 : i32
      %mul3A_37 = arith.muli %mul3A_36, %scan3A_34 : i32
      %add3A_38 = arith.addi %arg1, %mul3A_37 : i32
      %mul3A_39 = arith.constant 128 : i32
      %mul3A_40 = arith.muli %add3A_38, %mul3A_39 : i32
      "tpu.region"() ({
        %run_scoped3A = tpu.sem_alloc : memref<!tpu.dma_semaphore, #tpu.memory_space<semaphore_mem>>
        %dma_start3A_189 = tpu.memref_slice %arg2[%mul3A_40] : memref<301056xi32, #tpu.memory_space<hbm>> -> memref<128xi32, #tpu.memory_space<hbm>>
        %dma_start3A_190 = tpu.memref_slice %arg2[%mul3A_40] : memref<301056xi32, #tpu.memory_space<hbm>> -> memref<128xi32, #tpu.memory_space<hbm>>
        tpu.enqueue_dma source(%dma_start3A_190 : memref<128xi32, #tpu.memory_space<hbm>>) target(%arg8 : memref<128xi32, #tpu.memory_space<vmem>>) target_semaphore(%run_scoped3A : memref<!tpu.dma_semaphore, #tpu.memory_space<semaphore_mem>>)
        %dma_wait3A_191 = tpu.memref_slice %arg2[%mul3A_40] : memref<301056xi32, #tpu.memory_space<hbm>> -> memref<128xi32, #tpu.memory_space<hbm>>
        %dma_wait3A_192 = tpu.memref_slice %arg2[%mul3A_40] : memref<301056xi32, #tpu.memory_space<hbm>> -> memref<128xi32, #tpu.memory_space<hbm>>
        tpu.wait_dma2 semaphore(%run_scoped3A : memref<!tpu.dma_semaphore, #tpu.memory_space<semaphore_mem>>) src(%dma_wait3A_192 : memref<128xi32, #tpu.memory_space<hbm>>) dst(%arg8 : memref<128xi32, #tpu.memory_space<vmem>>)
        tpu.yield
      }) : () -> ()
      "tpu.region"() ({
        %run_scoped3A = tpu.sem_alloc : memref<!tpu.dma_semaphore, #tpu.memory_space<semaphore_mem>>
        %dma_start3A_189 = tpu.memref_slice %arg3[%mul3A_40] : memref<301056xi32, #tpu.memory_space<hbm>> -> memref<128xi32, #tpu.memory_space<hbm>>
        %dma_start3A_190 = tpu.memref_slice %arg3[%mul3A_40] : memref<301056xi32, #tpu.memory_space<hbm>> -> memref<128xi32, #tpu.memory_space<hbm>>
        tpu.enqueue_dma source(%dma_start3A_190 : memref<128xi32, #tpu.memory_space<hbm>>) target(%arg9 : memref<128xi32, #tpu.memory_space<vmem>>) target_semaphore(%run_scoped3A : memref<!tpu.dma_semaphore, #tpu.memory_space<semaphore_mem>>)
        %dma_wait3A_191 = tpu.memref_slice %arg3[%mul3A_40] : memref<301056xi32, #tpu.memory_space<hbm>> -> memref<128xi32, #tpu.memory_space<hbm>>
        %dma_wait3A_192 = tpu.memref_slice %arg3[%mul3A_40] : memref<301056xi32, #tpu.memory_space<hbm>> -> memref<128xi32, #tpu.memory_space<hbm>>
        tpu.wait_dma2 semaphore(%run_scoped3A : memref<!tpu.dma_semaphore, #tpu.memory_space<semaphore_mem>>) src(%dma_wait3A_192 : memref<128xi32, #tpu.memory_space<hbm>>) dst(%arg9 : memref<128xi32, #tpu.memory_space<vmem>>)
        tpu.yield
      }) : () -> ()
      %dma_start3A = arith.constant 0 : i32
      %dma_start3A_41 = arith.constant 0 : i32
      %dma_start3A_42 = tpu.memref_slice %arg4[%dma_start3A, %dma_start3A_41] : memref<50000x128xf32, #tpu.memory_space<hbm>> -> memref<50000x128xf32, #tpu.memory_space<hbm>>
      tpu.enqueue_indirect_dma source(%dma_start3A_42 : memref<50000x128xf32, #tpu.memory_space<hbm>>) target(%arg11 : memref<128x128xf32, #tpu.memory_space<vmem>>) offsets(%arg8 : memref<128xi32, #tpu.memory_space<vmem>>) semaphore(%arg12 : memref<!tpu.dma_semaphore, #tpu.memory_space<semaphore_mem>>)
      %get3A = arith.constant 0 : index
      %get3A_43 = tpu.vector_load %arg9[%get3A] {strides = array<i32>} : memref<128xi32, #tpu.memory_space<vmem>>, vector<16xi32>,
      %get3A_44 = vector.shape_cast %get3A_43 : vector<16xi32> to vector<16xi32>
      %sub3A = vector.broadcast %mul3A_1 : i32 to vector<16xi32>
      %sub3A_45 = arith.subi %get3A_44, %sub3A : vector<16xi32>
      %ge3A = arith.constant 0 : i32
      %ge3A_46 = vector.broadcast %ge3A : i32 to vector<16xi32>
      %ge3A_47 = arith.cmpi sge, %sub3A_45, %ge3A_46 : vector<16xi32>
      %lt3A = arith.constant 12500 : i32
      %lt3A_48 = vector.broadcast %lt3A : i32 to vector<16xi32>
      %lt3A_49 = arith.cmpi slt, %sub3A_45, %lt3A_48 : vector<16xi32>
      %and3A = arith.andi %ge3A_47, %lt3A_49 : vector<16xi1>
      %jit3A = arith.constant 12500 : i32
      %broadcast_in_dim3A = vector.broadcast %jit3A : i32 to vector<16xi32>
      %select_n3A = arith.select %and3A, %sub3A_45, %broadcast_in_dim3A : vector<16xi1>, vector<16xi32>
      %swap3A = arith.constant 0 : index
      %swap3A_50 = tpu.vector_load %arg10[%swap3A] {strides = array<i32>} : memref<128xi32, #tpu.memory_space<vmem>>, vector<16xi32>,
      %swap3A_51 = vector.shape_cast %swap3A_50 : vector<16xi32> to vector<16xi32>
      %swap3A_52 = vector.shape_cast %select_n3A : vector<16xi32> to vector<16xi32>
      tpu.vector_store %arg10[%swap3A], %swap3A_52 {strides = array<i32>} : memref<128xi32, #tpu.memory_space<vmem>>, vector<16xi32>,
      %get3A_53 = arith.constant 16 : index
      %get3A_54 = tpu.vector_load %arg9[%get3A_53] {strides = array<i32>} : memref<128xi32, #tpu.memory_space<vmem>>, vector<16xi32>,
      %get3A_55 = vector.shape_cast %get3A_54 : vector<16xi32> to vector<16xi32>
      %sub3A_56 = vector.broadcast %mul3A_1 : i32 to vector<16xi32>
      %sub3A_57 = arith.subi %get3A_55, %sub3A_56 : vector<16xi32>
      %ge3A_58 = arith.constant 0 : i32
      %ge3A_59 = vector.broadcast %ge3A_58 : i32 to vector<16xi32>
      %ge3A_60 = arith.cmpi sge, %sub3A_57, %ge3A_59 : vector<16xi32>
      %lt3A_61 = arith.constant 12500 : i32
      %lt3A_62 = vector.broadcast %lt3A_61 : i32 to vector<16xi32>
      %lt3A_63 = arith.cmpi slt, %sub3A_57, %lt3A_62 : vector<16xi32>
      %and3A_64 = arith.andi %ge3A_60, %lt3A_63 : vector<16xi1>
      %jit3A_65 = arith.constant 12500 : i32
      %broadcast_in_dim3A_66 = vector.broadcast %jit3A_65 : i32 to vector<16xi32>
      %select_n3A_67 = arith.select %and3A_64, %sub3A_57, %broadcast_in_dim3A_66 : vector<16xi1>, vector<16xi32>
      %swap3A_68 = arith.constant 16 : index
      %swap3A_69 = tpu.vector_load %arg10[%swap3A_68] {strides = array<i32>} : memref<128xi32, #tpu.memory_space<vmem>>, vector<16xi32>,
      %swap3A_70 = vector.shape_cast %swap3A_69 : vector<16xi32> to vector<16xi32>
      %swap3A_71 = vector.shape_cast %select_n3A_67 : vector<16xi32> to vector<16xi32>
      tpu.vector_store %arg10[%swap3A_68], %swap3A_71 {strides = array<i32>} : memref<128xi32, #tpu.memory_space<vmem>>, vector<16xi32>,
      %get3A_72 = arith.constant 32 : index
      %get3A_73 = tpu.vector_load %arg9[%get3A_72] {strides = array<i32>} : memref<128xi32, #tpu.memory_space<vmem>>, vector<16xi32>,
      %get3A_74 = vector.shape_cast %get3A_73 : vector<16xi32> to vector<16xi32>
      %sub3A_75 = vector.broadcast %mul3A_1 : i32 to vector<16xi32>
      %sub3A_76 = arith.subi %get3A_74, %sub3A_75 : vector<16xi32>
      %ge3A_77 = arith.constant 0 : i32
      %ge3A_78 = vector.broadcast %ge3A_77 : i32 to vector<16xi32>
      %ge3A_79 = arith.cmpi sge, %sub3A_76, %ge3A_78 : vector<16xi32>
      %lt3A_80 = arith.constant 12500 : i32
      %lt3A_81 = vector.broadcast %lt3A_80 : i32 to vector<16xi32>
      %lt3A_82 = arith.cmpi slt, %sub3A_76, %lt3A_81 : vector<16xi32>
      %and3A_83 = arith.andi %ge3A_79, %lt3A_82 : vector<16xi1>
      %jit3A_84 = arith.constant 12500 : i32
      %broadcast_in_dim3A_85 = vector.broadcast %jit3A_84 : i32 to vector<16xi32>
      %select_n3A_86 = arith.select %and3A_83, %sub3A_76, %broadcast_in_dim3A_85 : vector<16xi1>, vector<16xi32>
      %swap3A_87 = arith.constant 32 : index
      %swap3A_88 = tpu.vector_load %arg10[%swap3A_87] {strides = array<i32>} : memref<128xi32, #tpu.memory_space<vmem>>, vector<16xi32>,
      %swap3A_89 = vector.shape_cast %swap3A_88 : vector<16xi32> to vector<16xi32>
      %swap3A_90 = vector.shape_cast %select_n3A_86 : vector<16xi32> to vector<16xi32>
      tpu.vector_store %arg10[%swap3A_87], %swap3A_90 {strides = array<i32>} : memref<128xi32, #tpu.memory_space<vmem>>, vector<16xi32>,
      %get3A_91 = arith.constant 48 : index
      %get3A_92 = tpu.vector_load %arg9[%get3A_91] {strides = array<i32>} : memref<128xi32, #tpu.memory_space<vmem>>, vector<16xi32>,
      %get3A_93 = vector.shape_cast %get3A_92 : vector<16xi32> to vector<16xi32>
      %sub3A_94 = vector.broadcast %mul3A_1 : i32 to vector<16xi32>
      %sub3A_95 = arith.subi %get3A_93, %sub3A_94 : vector<16xi32>
      %ge3A_96 = arith.constant 0 : i32
      %ge3A_97 = vector.broadcast %ge3A_96 : i32 to vector<16xi32>
      %ge3A_98 = arith.cmpi sge, %sub3A_95, %ge3A_97 : vector<16xi32>
      %lt3A_99 = arith.constant 12500 : i32
      %lt3A_100 = vector.broadcast %lt3A_99 : i32 to vector<16xi32>
      %lt3A_101 = arith.cmpi slt, %sub3A_95, %lt3A_100 : vector<16xi32>
      %and3A_102 = arith.andi %ge3A_98, %lt3A_101 : vector<16xi1>
      %jit3A_103 = arith.constant 12500 : i32
      %broadcast_in_dim3A_104 = vector.broadcast %jit3A_103 : i32 to vector<16xi32>
      %select_n3A_105 = arith.select %and3A_102, %sub3A_95, %broadcast_in_dim3A_104 : vector<16xi1>, vector<16xi32>
      %swap3A_106 = arith.constant 48 : index
      %swap3A_107 = tpu.vector_load %arg10[%swap3A_106] {strides = array<i32>} : memref<128xi32, #tpu.memory_space<vmem>>, vector<16xi32>,
      %swap3A_108 = vector.shape_cast %swap3A_107 : vector<16xi32> to vector<16xi32>
      %swap3A_109 = vector.shape_cast %select_n3A_105 : vector<16xi32> to vector<16xi32>
      tpu.vector_store %arg10[%swap3A_106], %swap3A_109 {strides = array<i32>} : memref<128xi32, #tpu.memory_space<vmem>>, vector<16xi32>,
      %get3A_110 = arith.constant 64 : index
      %get3A_111 = tpu.vector_load %arg9[%get3A_110] {strides = array<i32>} : memref<128xi32, #tpu.memory_space<vmem>>, vector<16xi32>,
      %get3A_112 = vector.shape_cast %get3A_111 : vector<16xi32> to vector<16xi32>
      %sub3A_113 = vector.broadcast %mul3A_1 : i32 to vector<16xi32>
      %sub3A_114 = arith.subi %get3A_112, %sub3A_113 : vector<16xi32>
      %ge3A_115 = arith.constant 0 : i32
      %ge3A_116 = vector.broadcast %ge3A_115 : i32 to vector<16xi32>
      %ge3A_117 = arith.cmpi sge, %sub3A_114, %ge3A_116 : vector<16xi32>
      %lt3A_118 = arith.constant 12500 : i32
      %lt3A_119 = vector.broadcast %lt3A_118 : i32 to vector<16xi32>
      %lt3A_120 = arith.cmpi slt, %sub3A_114, %lt3A_119 : vector<16xi32>
      %and3A_121 = arith.andi %ge3A_117, %lt3A_120 : vector<16xi1>
      %jit3A_122 = arith.constant 12500 : i32
      %broadcast_in_dim3A_123 = vector.broadcast %jit3A_122 : i32 to vector<16xi32>
      %select_n3A_124 = arith.select %and3A_121, %sub3A_114, %broadcast_in_dim3A_123 : vector<16xi1>, vector<16xi32>
      %swap3A_125 = arith.constant 64 : index
      %swap3A_126 = tpu.vector_load %arg10[%swap3A_125] {strides = array<i32>} : memref<128xi32, #tpu.memory_space<vmem>>, vector<16xi32>,
      %swap3A_127 = vector.shape_cast %swap3A_126 : vector<16xi32> to vector<16xi32>
      %swap3A_128 = vector.shape_cast %select_n3A_124 : vector<16xi32> to vector<16xi32>
      tpu.vector_store %arg10[%swap3A_125], %swap3A_128 {strides = array<i32>} : memref<128xi32, #tpu.memory_space<vmem>>, vector<16xi32>,
      %get3A_129 = arith.constant 80 : index
      %get3A_130 = tpu.vector_load %arg9[%get3A_129] {strides = array<i32>} : memref<128xi32, #tpu.memory_space<vmem>>, vector<16xi32>,
      %get3A_131 = vector.shape_cast %get3A_130 : vector<16xi32> to vector<16xi32>
      %sub3A_132 = vector.broadcast %mul3A_1 : i32 to vector<16xi32>
      %sub3A_133 = arith.subi %get3A_131, %sub3A_132 : vector<16xi32>
      %ge3A_134 = arith.constant 0 : i32
      %ge3A_135 = vector.broadcast %ge3A_134 : i32 to vector<16xi32>
      %ge3A_136 = arith.cmpi sge, %sub3A_133, %ge3A_135 : vector<16xi32>
      %lt3A_137 = arith.constant 12500 : i32
      %lt3A_138 = vector.broadcast %lt3A_137 : i32 to vector<16xi32>
      %lt3A_139 = arith.cmpi slt, %sub3A_133, %lt3A_138 : vector<16xi32>
      %and3A_140 = arith.andi %ge3A_136, %lt3A_139 : vector<16xi1>
      %jit3A_141 = arith.constant 12500 : i32
      %broadcast_in_dim3A_142 = vector.broadcast %jit3A_141 : i32 to vector<16xi32>
      %select_n3A_143 = arith.select %and3A_140, %sub3A_133, %broadcast_in_dim3A_142 : vector<16xi1>, vector<16xi32>
      %swap3A_144 = arith.constant 80 : index
      %swap3A_145 = tpu.vector_load %arg10[%swap3A_144] {strides = array<i32>} : memref<128xi32, #tpu.memory_space<vmem>>, vector<16xi32>,
      %swap3A_146 = vector.shape_cast %swap3A_145 : vector<16xi32> to vector<16xi32>
      %swap3A_147 = vector.shape_cast %select_n3A_143 : vector<16xi32> to vector<16xi32>
      tpu.vector_store %arg10[%swap3A_144], %swap3A_147 {strides = array<i32>} : memref<128xi32, #tpu.memory_space<vmem>>, vector<16xi32>,
      %get3A_148 = arith.constant 96 : index
      %get3A_149 = tpu.vector_load %arg9[%get3A_148] {strides = array<i32>} : memref<128xi32, #tpu.memory_space<vmem>>, vector<16xi32>,
      %get3A_150 = vector.shape_cast %get3A_149 : vector<16xi32> to vector<16xi32>
      %sub3A_151 = vector.broadcast %mul3A_1 : i32 to vector<16xi32>
      %sub3A_152 = arith.subi %get3A_150, %sub3A_151 : vector<16xi32>
      %ge3A_153 = arith.constant 0 : i32
      %ge3A_154 = vector.broadcast %ge3A_153 : i32 to vector<16xi32>
      %ge3A_155 = arith.cmpi sge, %sub3A_152, %ge3A_154 : vector<16xi32>
      %lt3A_156 = arith.constant 12500 : i32
      %lt3A_157 = vector.broadcast %lt3A_156 : i32 to vector<16xi32>
      %lt3A_158 = arith.cmpi slt, %sub3A_152, %lt3A_157 : vector<16xi32>
      %and3A_159 = arith.andi %ge3A_155, %lt3A_158 : vector<16xi1>
      %jit3A_160 = arith.constant 12500 : i32
      %broadcast_in_dim3A_161 = vector.broadcast %jit3A_160 : i32 to vector<16xi32>
      %select_n3A_162 = arith.select %and3A_159, %sub3A_152, %broadcast_in_dim3A_161 : vector<16xi1>, vector<16xi32>
      %swap3A_163 = arith.constant 96 : index
      %swap3A_164 = tpu.vector_load %arg10[%swap3A_163] {strides = array<i32>} : memref<128xi32, #tpu.memory_space<vmem>>, vector<16xi32>,
      %swap3A_165 = vector.shape_cast %swap3A_164 : vector<16xi32> to vector<16xi32>
      %swap3A_166 = vector.shape_cast %select_n3A_162 : vector<16xi32> to vector<16xi32>
      tpu.vector_store %arg10[%swap3A_163], %swap3A_166 {strides = array<i32>} : memref<128xi32, #tpu.memory_space<vmem>>, vector<16xi32>,
      %get3A_167 = arith.constant 112 : index
      %get3A_168 = tpu.vector_load %arg9[%get3A_167] {strides = array<i32>} : memref<128xi32, #tpu.memory_space<vmem>>, vector<16xi32>,
      %get3A_169 = vector.shape_cast %get3A_168 : vector<16xi32> to vector<16xi32>
      %sub3A_170 = vector.broadcast %mul3A_1 : i32 to vector<16xi32>
      %sub3A_171 = arith.subi %get3A_169, %sub3A_170 : vector<16xi32>
      %ge3A_172 = arith.constant 0 : i32
      %ge3A_173 = vector.broadcast %ge3A_172 : i32 to vector<16xi32>
      %ge3A_174 = arith.cmpi sge, %sub3A_171, %ge3A_173 : vector<16xi32>
      %lt3A_175 = arith.constant 12500 : i32
      %lt3A_176 = vector.broadcast %lt3A_175 : i32 to vector<16xi32>
      %lt3A_177 = arith.cmpi slt, %sub3A_171, %lt3A_176 : vector<16xi32>
      %and3A_178 = arith.andi %ge3A_174, %lt3A_177 : vector<16xi1>
      %jit3A_179 = arith.constant 12500 : i32
      %broadcast_in_dim3A_180 = vector.broadcast %jit3A_179 : i32 to vector<16xi32>
      %select_n3A_181 = arith.select %and3A_178, %sub3A_171, %broadcast_in_dim3A_180 : vector<16xi1>, vector<16xi32>
      %swap3A_182 = arith.constant 112 : index
      %swap3A_183 = tpu.vector_load %arg10[%swap3A_182] {strides = array<i32>} : memref<128xi32, #tpu.memory_space<vmem>>, vector<16xi32>,
      %swap3A_184 = vector.shape_cast %swap3A_183 : vector<16xi32> to vector<16xi32>
      %swap3A_185 = vector.shape_cast %select_n3A_181 : vector<16xi32> to vector<16xi32>
      tpu.vector_store %arg10[%swap3A_182], %swap3A_185 {strides = array<i32>} : memref<128xi32, #tpu.memory_space<vmem>>, vector<16xi32>,
      %dma_wait3A = arith.constant 0 : i32
      %dma_wait3A_186 = arith.constant 0 : i32
      %dma_wait3A_187 = tpu.memref_slice %arg4[%dma_wait3A, %dma_wait3A_186] : memref<50000x128xf32, #tpu.memory_space<hbm>> -> memref<50000x128xf32, #tpu.memory_space<hbm>>
      tpu.wait_indirect_dma semaphore(%arg12 : memref<!tpu.dma_semaphore, #tpu.memory_space<semaphore_mem>>) src(%dma_wait3A_187 : memref<50000x128xf32, #tpu.memory_space<hbm>>) dst(%arg11 : memref<128x128xf32, #tpu.memory_space<vmem>>)
      "tpu.region"() ({
        %run_scoped3A = tpu.sem_alloc : memref<!tpu.dma_semaphore, #tpu.memory_space<semaphore_mem>>
        %dma_start3A_189 = arith.constant 0 : i32
        %dma_start3A_190 = arith.constant 0 : i32
        %dma_start3A_191 = tpu.memref_slice %arg7[%dma_start3A_189, %dma_start3A_190] : memref<12544x128xf32, #tpu.memory_space<vmem_shared>> -> memref<12544x128xf32, #tpu.memory_space<vmem_shared>>
        tpu.enqueue_indirect_dma source(%arg11 : memref<128x128xf32, #tpu.memory_space<vmem>>) target(%dma_start3A_191 : memref<12544x128xf32, #tpu.memory_space<vmem_shared>>) offsets(%arg10 : memref<128xi32, #tpu.memory_space<vmem>>) semaphore(%run_scoped3A : memref<!tpu.dma_semaphore, #tpu.memory_space<semaphore_mem>>) {add = true}
        %dma_wait3A_192 = arith.constant 0 : i32
        %dma_wait3A_193 = arith.constant 0 : i32
        %dma_wait3A_194 = tpu.memref_slice %arg7[%dma_wait3A_192, %dma_wait3A_193] : memref<12544x128xf32, #tpu.memory_space<vmem_shared>> -> memref<12544x128xf32, #tpu.memory_space<vmem_shared>>
        tpu.wait_indirect_dma semaphore(%run_scoped3A : memref<!tpu.dma_semaphore, #tpu.memory_space<semaphore_mem>>) src(%arg11 : memref<128x128xf32, #tpu.memory_space<vmem>>) dst(%dma_wait3A_194 : memref<12544x128xf32, #tpu.memory_space<vmem_shared>>)
        tpu.yield
      }) : () -> ()
      %scan3A_188 = arith.constant 0 : i32
      scf.yield %scan3A_188 : i32
    }
    %scan3A_12 = arith.constant 147 : i32
    %barrier3A_13 = arith.constant 0 : index
    tpu.barrier barrier_id(%barrier3A_13)
    "tpu.region"() ({
      %run_scoped3A = tpu.sem_alloc : memref<!tpu.dma_semaphore, #tpu.memory_space<semaphore_mem>>
      %dma_start3A = arith.constant 0 : i32
      %dma_start3A_34 = tpu.memref_slice %arg6[%add3A_6, %dma_start3A] : memref<50176x128xf32, #tpu.memory_space<hbm>> -> memref<784x128xf32, #tpu.memory_space<hbm>>
      %dma_start3A_35 = arith.constant 0 : i32
      %dma_start3A_36 = tpu.memref_slice %arg7[%mul3A_3, %dma_start3A_35] : memref<12544x128xf32, #tpu.memory_space<vmem_shared>> -> memref<784x128xf32, #tpu.memory_space<vmem_shared>>
      tpu.enqueue_dma source(%dma_start3A_36 : memref<784x128xf32, #tpu.memory_space<vmem_shared>>) target(%dma_start3A_34 : memref<784x128xf32, #tpu.memory_space<hbm>>) target_semaphore(%run_scoped3A : memref<!tpu.dma_semaphore, #tpu.memory_space<semaphore_mem>>)
      %dma_wait3A = arith.constant 0 : i32
      %dma_wait3A_37 = tpu.memref_slice %arg6[%add3A_6, %dma_wait3A] : memref<50176x128xf32, #tpu.memory_space<hbm>> -> memref<784x128xf32, #tpu.memory_space<hbm>>
      %dma_wait3A_38 = arith.constant 0 : i32
      %dma_wait3A_39 = tpu.memref_slice %arg7[%mul3A_3, %dma_wait3A_38] : memref<12544x128xf32, #tpu.memory_space<vmem_shared>> -> memref<784x128xf32, #tpu.memory_space<vmem_shared>>
      tpu.wait_dma2 semaphore(%run_scoped3A : memref<!tpu.dma_semaphore, #tpu.memory_space<semaphore_mem>>) src(%dma_wait3A_39 : memref<784x128xf32, #tpu.memory_space<vmem_shared>>) dst(%dma_wait3A_37 : memref<784x128xf32, #tpu.memory_space<hbm>>)
      tpu.yield
    }) : () -> ()
    %barrier3A_14 = arith.constant 0 : index
    tpu.barrier barrier_id(%barrier3A_14)
    %add3A_15 = arith.constant 2 : i32
    %add3A_16 = arith.addi %arg0, %add3A_15 : i32
    %mul3A_17 = arith.constant 12500 : i32
    %mul3A_18 = arith.muli %add3A_16, %mul3A_17 : i32
    %mul3A_19 = arith.constant 784 : i32
    %mul3A_20 = arith.muli %arg1, %mul3A_19 : i32
    %mul3A_21 = arith.constant 12544 : i32
    %mul3A_22 = arith.muli %add3A_16, %mul3A_21 : i32
    %add3A_23 = arith.addi %mul3A_22, %mul3A_20 : i32
    "tpu.region"() ({
      %run_scoped3A = tpu.sem_alloc : memref<!tpu.dma_semaphore, #tpu.memory_space<semaphore_mem>>
      %dma_start3A = arith.constant 0 : i32
      %dma_start3A_34 = tpu.memref_slice %arg7[%mul3A_20, %dma_start3A] : memref<12544x128xf32, #tpu.memory_space<vmem_shared>> -> memref<784x128xf32, #tpu.memory_space<vmem_shared>>
      tpu.enqueue_dma source(%arg5 : memref<784x128xf32, #tpu.memory_space<hbm>>) target(%dma_start3A_34 : memref<784x128xf32, #tpu.memory_space<vmem_shared>>) target_semaphore(%run_scoped3A : memref<!tpu.dma_semaphore, #tpu.memory_space<semaphore_mem>>)
      %dma_wait3A = arith.constant 0 : i32
      %dma_wait3A_35 = tpu.memref_slice %arg7[%mul3A_20, %dma_wait3A] : memref<12544x128xf32, #tpu.memory_space<vmem_shared>> -> memref<784x128xf32, #tpu.memory_space<vmem_shared>>
      tpu.wait_dma2 semaphore(%run_scoped3A : memref<!tpu.dma_semaphore, #tpu.memory_space<semaphore_mem>>) src(%arg5 : memref<784x128xf32, #tpu.memory_space<hbm>>) dst(%dma_wait3A_35 : memref<784x128xf32, #tpu.memory_space<vmem_shared>>)
      tpu.yield
    }) : () -> ()
    %barrier3A_24 = arith.constant 0 : index
    tpu.barrier barrier_id(%barrier3A_24)
    %scan3A_25 = arith.constant 0 : i32
    %scan3A_26 = arith.constant 0 : i32
    %scan3A_27 = arith.constant 147 : i32
    %scan3A_28 = arith.addi %scan3A_26, %scan3A_27 : i32
    %scan3A_29 = arith.constant 1 : i32
    %scan3A_30 = scf.for %scan3A_34 = %scan3A_26 to %scan3A_28 step %scan3A_29 iter_args(%scan3A_35 = %scan3A_25) -> (i32)  : i32 {
      %mul3A_36 = arith.constant 16 : i32
      %mul3A_37 = arith.muli %mul3A_36, %scan3A_34 : i32
      %add3A_38 = arith.addi %arg1, %mul3A_37 : i32
      %mul3A_39 = arith.constant 128 : i32
      %mul3A_40 = arith.muli %add3A_38, %mul3A_39 : i32
      "tpu.region"() ({
        %run_scoped3A = tpu.sem_alloc : memref<!tpu.dma_semaphore, #tpu.memory_space<semaphore_mem>>
        %dma_start3A_189 = tpu.memref_slice %arg2[%mul3A_40] : memref<301056xi32, #tpu.memory_space<hbm>> -> memref<128xi32, #tpu.memory_space<hbm>>
        %dma_start3A_190 = tpu.memref_slice %arg2[%mul3A_40] : memref<301056xi32, #tpu.memory_space<hbm>> -> memref<128xi32, #tpu.memory_space<hbm>>
        tpu.enqueue_dma source(%dma_start3A_190 : memref<128xi32, #tpu.memory_space<hbm>>) target(%arg8 : memref<128xi32, #tpu.memory_space<vmem>>) target_semaphore(%run_scoped3A : memref<!tpu.dma_semaphore, #tpu.memory_space<semaphore_mem>>)
        %dma_wait3A_191 = tpu.memref_slice %arg2[%mul3A_40] : memref<301056xi32, #tpu.memory_space<hbm>> -> memref<128xi32, #tpu.memory_space<hbm>>
        %dma_wait3A_192 = tpu.memref_slice %arg2[%mul3A_40] : memref<301056xi32, #tpu.memory_space<hbm>> -> memref<128xi32, #tpu.memory_space<hbm>>
        tpu.wait_dma2 semaphore(%run_scoped3A : memref<!tpu.dma_semaphore, #tpu.memory_space<semaphore_mem>>) src(%dma_wait3A_192 : memref<128xi32, #tpu.memory_space<hbm>>) dst(%arg8 : memref<128xi32, #tpu.memory_space<vmem>>)
        tpu.yield
      }) : () -> ()
      "tpu.region"() ({
        %run_scoped3A = tpu.sem_alloc : memref<!tpu.dma_semaphore, #tpu.memory_space<semaphore_mem>>
        %dma_start3A_189 = tpu.memref_slice %arg3[%mul3A_40] : memref<301056xi32, #tpu.memory_space<hbm>> -> memref<128xi32, #tpu.memory_space<hbm>>
        %dma_start3A_190 = tpu.memref_slice %arg3[%mul3A_40] : memref<301056xi32, #tpu.memory_space<hbm>> -> memref<128xi32, #tpu.memory_space<hbm>>
        tpu.enqueue_dma source(%dma_start3A_190 : memref<128xi32, #tpu.memory_space<hbm>>) target(%arg9 : memref<128xi32, #tpu.memory_space<vmem>>) target_semaphore(%run_scoped3A : memref<!tpu.dma_semaphore, #tpu.memory_space<semaphore_mem>>)
        %dma_wait3A_191 = tpu.memref_slice %arg3[%mul3A_40] : memref<301056xi32, #tpu.memory_space<hbm>> -> memref<128xi32, #tpu.memory_space<hbm>>
        %dma_wait3A_192 = tpu.memref_slice %arg3[%mul3A_40] : memref<301056xi32, #tpu.memory_space<hbm>> -> memref<128xi32, #tpu.memory_space<hbm>>
        tpu.wait_dma2 semaphore(%run_scoped3A : memref<!tpu.dma_semaphore, #tpu.memory_space<semaphore_mem>>) src(%dma_wait3A_192 : memref<128xi32, #tpu.memory_space<hbm>>) dst(%arg9 : memref<128xi32, #tpu.memory_space<vmem>>)
        tpu.yield
      }) : () -> ()
      %dma_start3A = arith.constant 0 : i32
      %dma_start3A_41 = arith.constant 0 : i32
      %dma_start3A_42 = tpu.memref_slice %arg4[%dma_start3A, %dma_start3A_41] : memref<50000x128xf32, #tpu.memory_space<hbm>> -> memref<50000x128xf32, #tpu.memory_space<hbm>>
      tpu.enqueue_indirect_dma source(%dma_start3A_42 : memref<50000x128xf32, #tpu.memory_space<hbm>>) target(%arg11 : memref<128x128xf32, #tpu.memory_space<vmem>>) offsets(%arg8 : memref<128xi32, #tpu.memory_space<vmem>>) semaphore(%arg12 : memref<!tpu.dma_semaphore, #tpu.memory_space<semaphore_mem>>)
      %get3A = arith.constant 0 : index
      %get3A_43 = tpu.vector_load %arg9[%get3A] {strides = array<i32>} : memref<128xi32, #tpu.memory_space<vmem>>, vector<16xi32>,
      %get3A_44 = vector.shape_cast %get3A_43 : vector<16xi32> to vector<16xi32>
      %sub3A = vector.broadcast %mul3A_18 : i32 to vector<16xi32>
      %sub3A_45 = arith.subi %get3A_44, %sub3A : vector<16xi32>
      %ge3A = arith.constant 0 : i32
      %ge3A_46 = vector.broadcast %ge3A : i32 to vector<16xi32>
      %ge3A_47 = arith.cmpi sge, %sub3A_45, %ge3A_46 : vector<16xi32>
      %lt3A = arith.constant 12500 : i32
      %lt3A_48 = vector.broadcast %lt3A : i32 to vector<16xi32>
      %lt3A_49 = arith.cmpi slt, %sub3A_45, %lt3A_48 : vector<16xi32>
      %and3A = arith.andi %ge3A_47, %lt3A_49 : vector<16xi1>
      %jit3A = arith.constant 12500 : i32
      %broadcast_in_dim3A = vector.broadcast %jit3A : i32 to vector<16xi32>
      %select_n3A = arith.select %and3A, %sub3A_45, %broadcast_in_dim3A : vector<16xi1>, vector<16xi32>
      %swap3A = arith.constant 0 : index
      %swap3A_50 = tpu.vector_load %arg10[%swap3A] {strides = array<i32>} : memref<128xi32, #tpu.memory_space<vmem>>, vector<16xi32>,
      %swap3A_51 = vector.shape_cast %swap3A_50 : vector<16xi32> to vector<16xi32>
      %swap3A_52 = vector.shape_cast %select_n3A : vector<16xi32> to vector<16xi32>
      tpu.vector_store %arg10[%swap3A], %swap3A_52 {strides = array<i32>} : memref<128xi32, #tpu.memory_space<vmem>>, vector<16xi32>,
      %get3A_53 = arith.constant 16 : index
      %get3A_54 = tpu.vector_load %arg9[%get3A_53] {strides = array<i32>} : memref<128xi32, #tpu.memory_space<vmem>>, vector<16xi32>,
      %get3A_55 = vector.shape_cast %get3A_54 : vector<16xi32> to vector<16xi32>
      %sub3A_56 = vector.broadcast %mul3A_18 : i32 to vector<16xi32>
      %sub3A_57 = arith.subi %get3A_55, %sub3A_56 : vector<16xi32>
      %ge3A_58 = arith.constant 0 : i32
      %ge3A_59 = vector.broadcast %ge3A_58 : i32 to vector<16xi32>
      %ge3A_60 = arith.cmpi sge, %sub3A_57, %ge3A_59 : vector<16xi32>
      %lt3A_61 = arith.constant 12500 : i32
      %lt3A_62 = vector.broadcast %lt3A_61 : i32 to vector<16xi32>
      %lt3A_63 = arith.cmpi slt, %sub3A_57, %lt3A_62 : vector<16xi32>
      %and3A_64 = arith.andi %ge3A_60, %lt3A_63 : vector<16xi1>
      %jit3A_65 = arith.constant 12500 : i32
      %broadcast_in_dim3A_66 = vector.broadcast %jit3A_65 : i32 to vector<16xi32>
      %select_n3A_67 = arith.select %and3A_64, %sub3A_57, %broadcast_in_dim3A_66 : vector<16xi1>, vector<16xi32>
      %swap3A_68 = arith.constant 16 : index
      %swap3A_69 = tpu.vector_load %arg10[%swap3A_68] {strides = array<i32>} : memref<128xi32, #tpu.memory_space<vmem>>, vector<16xi32>,
      %swap3A_70 = vector.shape_cast %swap3A_69 : vector<16xi32> to vector<16xi32>
      %swap3A_71 = vector.shape_cast %select_n3A_67 : vector<16xi32> to vector<16xi32>
      tpu.vector_store %arg10[%swap3A_68], %swap3A_71 {strides = array<i32>} : memref<128xi32, #tpu.memory_space<vmem>>, vector<16xi32>,
      %get3A_72 = arith.constant 32 : index
      %get3A_73 = tpu.vector_load %arg9[%get3A_72] {strides = array<i32>} : memref<128xi32, #tpu.memory_space<vmem>>, vector<16xi32>,
      %get3A_74 = vector.shape_cast %get3A_73 : vector<16xi32> to vector<16xi32>
      %sub3A_75 = vector.broadcast %mul3A_18 : i32 to vector<16xi32>
      %sub3A_76 = arith.subi %get3A_74, %sub3A_75 : vector<16xi32>
      %ge3A_77 = arith.constant 0 : i32
      %ge3A_78 = vector.broadcast %ge3A_77 : i32 to vector<16xi32>
      %ge3A_79 = arith.cmpi sge, %sub3A_76, %ge3A_78 : vector<16xi32>
      %lt3A_80 = arith.constant 12500 : i32
      %lt3A_81 = vector.broadcast %lt3A_80 : i32 to vector<16xi32>
      %lt3A_82 = arith.cmpi slt, %sub3A_76, %lt3A_81 : vector<16xi32>
      %and3A_83 = arith.andi %ge3A_79, %lt3A_82 : vector<16xi1>
      %jit3A_84 = arith.constant 12500 : i32
      %broadcast_in_dim3A_85 = vector.broadcast %jit3A_84 : i32 to vector<16xi32>
      %select_n3A_86 = arith.select %and3A_83, %sub3A_76, %broadcast_in_dim3A_85 : vector<16xi1>, vector<16xi32>
      %swap3A_87 = arith.constant 32 : index
      %swap3A_88 = tpu.vector_load %arg10[%swap3A_87] {strides = array<i32>} : memref<128xi32, #tpu.memory_space<vmem>>, vector<16xi32>,
      %swap3A_89 = vector.shape_cast %swap3A_88 : vector<16xi32> to vector<16xi32>
      %swap3A_90 = vector.shape_cast %select_n3A_86 : vector<16xi32> to vector<16xi32>
      tpu.vector_store %arg10[%swap3A_87], %swap3A_90 {strides = array<i32>} : memref<128xi32, #tpu.memory_space<vmem>>, vector<16xi32>,
      %get3A_91 = arith.constant 48 : index
      %get3A_92 = tpu.vector_load %arg9[%get3A_91] {strides = array<i32>} : memref<128xi32, #tpu.memory_space<vmem>>, vector<16xi32>,
      %get3A_93 = vector.shape_cast %get3A_92 : vector<16xi32> to vector<16xi32>
      %sub3A_94 = vector.broadcast %mul3A_18 : i32 to vector<16xi32>
      %sub3A_95 = arith.subi %get3A_93, %sub3A_94 : vector<16xi32>
      %ge3A_96 = arith.constant 0 : i32
      %ge3A_97 = vector.broadcast %ge3A_96 : i32 to vector<16xi32>
      %ge3A_98 = arith.cmpi sge, %sub3A_95, %ge3A_97 : vector<16xi32>
      %lt3A_99 = arith.constant 12500 : i32
      %lt3A_100 = vector.broadcast %lt3A_99 : i32 to vector<16xi32>
      %lt3A_101 = arith.cmpi slt, %sub3A_95, %lt3A_100 : vector<16xi32>
      %and3A_102 = arith.andi %ge3A_98, %lt3A_101 : vector<16xi1>
      %jit3A_103 = arith.constant 12500 : i32
      %broadcast_in_dim3A_104 = vector.broadcast %jit3A_103 : i32 to vector<16xi32>
      %select_n3A_105 = arith.select %and3A_102, %sub3A_95, %broadcast_in_dim3A_104 : vector<16xi1>, vector<16xi32>
      %swap3A_106 = arith.constant 48 : index
      %swap3A_107 = tpu.vector_load %arg10[%swap3A_106] {strides = array<i32>} : memref<128xi32, #tpu.memory_space<vmem>>, vector<16xi32>,
      %swap3A_108 = vector.shape_cast %swap3A_107 : vector<16xi32> to vector<16xi32>
      %swap3A_109 = vector.shape_cast %select_n3A_105 : vector<16xi32> to vector<16xi32>
      tpu.vector_store %arg10[%swap3A_106], %swap3A_109 {strides = array<i32>} : memref<128xi32, #tpu.memory_space<vmem>>, vector<16xi32>,
      %get3A_110 = arith.constant 64 : index
      %get3A_111 = tpu.vector_load %arg9[%get3A_110] {strides = array<i32>} : memref<128xi32, #tpu.memory_space<vmem>>, vector<16xi32>,
      %get3A_112 = vector.shape_cast %get3A_111 : vector<16xi32> to vector<16xi32>
      %sub3A_113 = vector.broadcast %mul3A_18 : i32 to vector<16xi32>
      %sub3A_114 = arith.subi %get3A_112, %sub3A_113 : vector<16xi32>
      %ge3A_115 = arith.constant 0 : i32
      %ge3A_116 = vector.broadcast %ge3A_115 : i32 to vector<16xi32>
      %ge3A_117 = arith.cmpi sge, %sub3A_114, %ge3A_116 : vector<16xi32>
      %lt3A_118 = arith.constant 12500 : i32
      %lt3A_119 = vector.broadcast %lt3A_118 : i32 to vector<16xi32>
      %lt3A_120 = arith.cmpi slt, %sub3A_114, %lt3A_119 : vector<16xi32>
      %and3A_121 = arith.andi %ge3A_117, %lt3A_120 : vector<16xi1>
      %jit3A_122 = arith.constant 12500 : i32
      %broadcast_in_dim3A_123 = vector.broadcast %jit3A_122 : i32 to vector<16xi32>
      %select_n3A_124 = arith.select %and3A_121, %sub3A_114, %broadcast_in_dim3A_123 : vector<16xi1>, vector<16xi32>
      %swap3A_125 = arith.constant 64 : index
      %swap3A_126 = tpu.vector_load %arg10[%swap3A_125] {strides = array<i32>} : memref<128xi32, #tpu.memory_space<vmem>>, vector<16xi32>,
      %swap3A_127 = vector.shape_cast %swap3A_126 : vector<16xi32> to vector<16xi32>
      %swap3A_128 = vector.shape_cast %select_n3A_124 : vector<16xi32> to vector<16xi32>
      tpu.vector_store %arg10[%swap3A_125], %swap3A_128 {strides = array<i32>} : memref<128xi32, #tpu.memory_space<vmem>>, vector<16xi32>,
      %get3A_129 = arith.constant 80 : index
      %get3A_130 = tpu.vector_load %arg9[%get3A_129] {strides = array<i32>} : memref<128xi32, #tpu.memory_space<vmem>>, vector<16xi32>,
      %get3A_131 = vector.shape_cast %get3A_130 : vector<16xi32> to vector<16xi32>
      %sub3A_132 = vector.broadcast %mul3A_18 : i32 to vector<16xi32>
      %sub3A_133 = arith.subi %get3A_131, %sub3A_132 : vector<16xi32>
      %ge3A_134 = arith.constant 0 : i32
      %ge3A_135 = vector.broadcast %ge3A_134 : i32 to vector<16xi32>
      %ge3A_136 = arith.cmpi sge, %sub3A_133, %ge3A_135 : vector<16xi32>
      %lt3A_137 = arith.constant 12500 : i32
      %lt3A_138 = vector.broadcast %lt3A_137 : i32 to vector<16xi32>
      %lt3A_139 = arith.cmpi slt, %sub3A_133, %lt3A_138 : vector<16xi32>
      %and3A_140 = arith.andi %ge3A_136, %lt3A_139 : vector<16xi1>
      %jit3A_141 = arith.constant 12500 : i32
      %broadcast_in_dim3A_142 = vector.broadcast %jit3A_141 : i32 to vector<16xi32>
      %select_n3A_143 = arith.select %and3A_140, %sub3A_133, %broadcast_in_dim3A_142 : vector<16xi1>, vector<16xi32>
      %swap3A_144 = arith.constant 80 : index
      %swap3A_145 = tpu.vector_load %arg10[%swap3A_144] {strides = array<i32>} : memref<128xi32, #tpu.memory_space<vmem>>, vector<16xi32>,
      %swap3A_146 = vector.shape_cast %swap3A_145 : vector<16xi32> to vector<16xi32>
      %swap3A_147 = vector.shape_cast %select_n3A_143 : vector<16xi32> to vector<16xi32>
      tpu.vector_store %arg10[%swap3A_144], %swap3A_147 {strides = array<i32>} : memref<128xi32, #tpu.memory_space<vmem>>, vector<16xi32>,
      %get3A_148 = arith.constant 96 : index
      %get3A_149 = tpu.vector_load %arg9[%get3A_148] {strides = array<i32>} : memref<128xi32, #tpu.memory_space<vmem>>, vector<16xi32>,
      %get3A_150 = vector.shape_cast %get3A_149 : vector<16xi32> to vector<16xi32>
      %sub3A_151 = vector.broadcast %mul3A_18 : i32 to vector<16xi32>
      %sub3A_152 = arith.subi %get3A_150, %sub3A_151 : vector<16xi32>
      %ge3A_153 = arith.constant 0 : i32
      %ge3A_154 = vector.broadcast %ge3A_153 : i32 to vector<16xi32>
      %ge3A_155 = arith.cmpi sge, %sub3A_152, %ge3A_154 : vector<16xi32>
      %lt3A_156 = arith.constant 12500 : i32
      %lt3A_157 = vector.broadcast %lt3A_156 : i32 to vector<16xi32>
      %lt3A_158 = arith.cmpi slt, %sub3A_152, %lt3A_157 : vector<16xi32>
      %and3A_159 = arith.andi %ge3A_155, %lt3A_158 : vector<16xi1>
      %jit3A_160 = arith.constant 12500 : i32
      %broadcast_in_dim3A_161 = vector.broadcast %jit3A_160 : i32 to vector<16xi32>
      %select_n3A_162 = arith.select %and3A_159, %sub3A_152, %broadcast_in_dim3A_161 : vector<16xi1>, vector<16xi32>
      %swap3A_163 = arith.constant 96 : index
      %swap3A_164 = tpu.vector_load %arg10[%swap3A_163] {strides = array<i32>} : memref<128xi32, #tpu.memory_space<vmem>>, vector<16xi32>,
      %swap3A_165 = vector.shape_cast %swap3A_164 : vector<16xi32> to vector<16xi32>
      %swap3A_166 = vector.shape_cast %select_n3A_162 : vector<16xi32> to vector<16xi32>
      tpu.vector_store %arg10[%swap3A_163], %swap3A_166 {strides = array<i32>} : memref<128xi32, #tpu.memory_space<vmem>>, vector<16xi32>,
      %get3A_167 = arith.constant 112 : index
      %get3A_168 = tpu.vector_load %arg9[%get3A_167] {strides = array<i32>} : memref<128xi32, #tpu.memory_space<vmem>>, vector<16xi32>,
      %get3A_169 = vector.shape_cast %get3A_168 : vector<16xi32> to vector<16xi32>
      %sub3A_170 = vector.broadcast %mul3A_18 : i32 to vector<16xi32>
      %sub3A_171 = arith.subi %get3A_169, %sub3A_170 : vector<16xi32>
      %ge3A_172 = arith.constant 0 : i32
      %ge3A_173 = vector.broadcast %ge3A_172 : i32 to vector<16xi32>
      %ge3A_174 = arith.cmpi sge, %sub3A_171, %ge3A_173 : vector<16xi32>
      %lt3A_175 = arith.constant 12500 : i32
      %lt3A_176 = vector.broadcast %lt3A_175 : i32 to vector<16xi32>
      %lt3A_177 = arith.cmpi slt, %sub3A_171, %lt3A_176 : vector<16xi32>
      %and3A_178 = arith.andi %ge3A_174, %lt3A_177 : vector<16xi1>
      %jit3A_179 = arith.constant 12500 : i32
      %broadcast_in_dim3A_180 = vector.broadcast %jit3A_179 : i32 to vector<16xi32>
      %select_n3A_181 = arith.select %and3A_178, %sub3A_171, %broadcast_in_dim3A_180 : vector<16xi1>, vector<16xi32>
      %swap3A_182 = arith.constant 112 : index
      %swap3A_183 = tpu.vector_load %arg10[%swap3A_182] {strides = array<i32>} : memref<128xi32, #tpu.memory_space<vmem>>, vector<16xi32>,
      %swap3A_184 = vector.shape_cast %swap3A_183 : vector<16xi32> to vector<16xi32>
      %swap3A_185 = vector.shape_cast %select_n3A_181 : vector<16xi32> to vector<16xi32>
      tpu.vector_store %arg10[%swap3A_182], %swap3A_185 {strides = array<i32>} : memref<128xi32, #tpu.memory_space<vmem>>, vector<16xi32>,
      %dma_wait3A = arith.constant 0 : i32
      %dma_wait3A_186 = arith.constant 0 : i32
      %dma_wait3A_187 = tpu.memref_slice %arg4[%dma_wait3A, %dma_wait3A_186] : memref<50000x128xf32, #tpu.memory_space<hbm>> -> memref<50000x128xf32, #tpu.memory_space<hbm>>
      tpu.wait_indirect_dma semaphore(%arg12 : memref<!tpu.dma_semaphore, #tpu.memory_space<semaphore_mem>>) src(%dma_wait3A_187 : memref<50000x128xf32, #tpu.memory_space<hbm>>) dst(%arg11 : memref<128x128xf32, #tpu.memory_space<vmem>>)
      "tpu.region"() ({
        %run_scoped3A = tpu.sem_alloc : memref<!tpu.dma_semaphore, #tpu.memory_space<semaphore_mem>>
        %dma_start3A_189 = arith.constant 0 : i32
        %dma_start3A_190 = arith.constant 0 : i32
        %dma_start3A_191 = tpu.memref_slice %arg7[%dma_start3A_189, %dma_start3A_190] : memref<12544x128xf32, #tpu.memory_space<vmem_shared>> -> memref<12544x128xf32, #tpu.memory_space<vmem_shared>>
        tpu.enqueue_indirect_dma source(%arg11 : memref<128x128xf32, #tpu.memory_space<vmem>>) target(%dma_start3A_191 : memref<12544x128xf32, #tpu.memory_space<vmem_shared>>) offsets(%arg10 : memref<128xi32, #tpu.memory_space<vmem>>) semaphore(%run_scoped3A : memref<!tpu.dma_semaphore, #tpu.memory_space<semaphore_mem>>) {add = true}
        %dma_wait3A_192 = arith.constant 0 : i32
        %dma_wait3A_193 = arith.constant 0 : i32
        %dma_wait3A_194 = tpu.memref_slice %arg7[%dma_wait3A_192, %dma_wait3A_193] : memref<12544x128xf32, #tpu.memory_space<vmem_shared>> -> memref<12544x128xf32, #tpu.memory_space<vmem_shared>>
        tpu.wait_indirect_dma semaphore(%run_scoped3A : memref<!tpu.dma_semaphore, #tpu.memory_space<semaphore_mem>>) src(%arg11 : memref<128x128xf32, #tpu.memory_space<vmem>>) dst(%dma_wait3A_194 : memref<12544x128xf32, #tpu.memory_space<vmem_shared>>)
        tpu.yield
      }) : () -> ()
      %scan3A_188 = arith.constant 0 : i32
      scf.yield %scan3A_188 : i32
    }
    %scan3A_31 = arith.constant 147 : i32
    %barrier3A_32 = arith.constant 0 : index
    tpu.barrier barrier_id(%barrier3A_32)
    "tpu.region"() ({
      %run_scoped3A = tpu.sem_alloc : memref<!tpu.dma_semaphore, #tpu.memory_space<semaphore_mem>>
      %dma_start3A = arith.constant 0 : i32
      %dma_start3A_34 = tpu.memref_slice %arg6[%add3A_23, %dma_start3A] : memref<50176x128xf32, #tpu.memory_space<hbm>> -> memref<784x128xf32, #tpu.memory_space<hbm>>
      %dma_start3A_35 = arith.constant 0 : i32
      %dma_start3A_36 = tpu.memref_slice %arg7[%mul3A_20, %dma_start3A_35] : memref<12544x128xf32, #tpu.memory_space<vmem_shared>> -> memref<784x128xf32, #tpu.memory_space<vmem_shared>>
      tpu.enqueue_dma source(%dma_start3A_36 : memref<784x128xf32, #tpu.memory_space<vmem_shared>>) target(%dma_start3A_34 : memref<784x128xf32, #tpu.memory_space<hbm>>) target_semaphore(%run_scoped3A : memref<!tpu.dma_semaphore, #tpu.memory_space<semaphore_mem>>)
      %dma_wait3A = arith.constant 0 : i32
      %dma_wait3A_37 = tpu.memref_slice %arg6[%add3A_23, %dma_wait3A] : memref<50176x128xf32, #tpu.memory_space<hbm>> -> memref<784x128xf32, #tpu.memory_space<hbm>>
      %dma_wait3A_38 = arith.constant 0 : i32
      %dma_wait3A_39 = tpu.memref_slice %arg7[%mul3A_20, %dma_wait3A_38] : memref<12544x128xf32, #tpu.memory_space<vmem_shared>> -> memref<784x128xf32, #tpu.memory_space<vmem_shared>>
      tpu.wait_dma2 semaphore(%run_scoped3A : memref<!tpu.dma_semaphore, #tpu.memory_space<semaphore_mem>>) src(%dma_wait3A_39 : memref<784x128xf32, #tpu.memory_space<vmem_shared>>) dst(%dma_wait3A_37 : memref<784x128xf32, #tpu.memory_space<hbm>>)
      tpu.yield
    }) : () -> ()
    %barrier3A_33 = arith.constant 0 : index
    tpu.barrier barrier_id(%barrier3A_33)
    return
  }
}

#map = affine_map<(d0, d1) -> (0)>
#map1 = affine_map<(d0, d1) -> (0, 0)>
module attributes {stable_mosaic.version = 14 : i64} {
  func.func @_agg_cnt_body(%arg0: i32, %arg1: i32, %arg2: memref<301056xi32, #tpu.memory_space<hbm>>, %arg3: memref<784x16xf32, #tpu.memory_space<hbm>>, %arg4: memref<128x16xf32, #tpu.memory_space<hbm>>, %arg5: memref<50176x16xf32, #tpu.memory_space<hbm>>, %arg6: memref<12544x16xf32, #tpu.memory_space<vmem_shared>>, %arg7: memref<128xi32, #tpu.memory_space<vmem>>, %arg8: memref<128xi32, #tpu.memory_space<vmem>>, %arg9: memref<128x16xf32, #tpu.memory_space<vmem>>) attributes {dimension_semantics = [#tpu.dimension_semantics<core_parallel>, #tpu.dimension_semantics<subcore_parallel>], iteration_bounds = array<i64: 2, 16>, scalar_prefetch = 0 : i64, scratch_operands = 4 : i64, tpu.core_type = #tpu.core_type<sc_vector_subcore>, window_params = [{transform_indices = #map}, {transform_indices = #map1}, {transform_indices = #map1}, {transform_indices = #map1}]} {
    "tpu.region"() ({
      %run_scoped3A = tpu.sem_alloc : memref<!tpu.dma_semaphore, #tpu.memory_space<semaphore_mem>>
      tpu.enqueue_dma source(%arg4 : memref<128x16xf32, #tpu.memory_space<hbm>>) target(%arg9 : memref<128x16xf32, #tpu.memory_space<vmem>>) target_semaphore(%run_scoped3A : memref<!tpu.dma_semaphore, #tpu.memory_space<semaphore_mem>>)
      tpu.wait_dma2 semaphore(%run_scoped3A : memref<!tpu.dma_semaphore, #tpu.memory_space<semaphore_mem>>) src(%arg4 : memref<128x16xf32, #tpu.memory_space<hbm>>) dst(%arg9 : memref<128x16xf32, #tpu.memory_space<vmem>>)
      tpu.yield
    }) : () -> ()
    %add3A = arith.constant 0 : i32
    %add3A_0 = arith.addi %arg0, %add3A : i32
    %mul3A = arith.constant 12500 : i32
    %mul3A_1 = arith.muli %add3A_0, %mul3A : i32
    %mul3A_2 = arith.constant 784 : i32
    %mul3A_3 = arith.muli %arg1, %mul3A_2 : i32
    %mul3A_4 = arith.constant 12544 : i32
    %mul3A_5 = arith.muli %add3A_0, %mul3A_4 : i32
    %add3A_6 = arith.addi %mul3A_5, %mul3A_3 : i32
    "tpu.region"() ({
      %run_scoped3A = tpu.sem_alloc : memref<!tpu.dma_semaphore, #tpu.memory_space<semaphore_mem>>
      %dma_start3A = arith.constant 0 : i32
      %dma_start3A_34 = tpu.memref_slice %arg6[%mul3A_3, %dma_start3A] : memref<12544x16xf32, #tpu.memory_space<vmem_shared>> -> memref<784x16xf32, #tpu.memory_space<vmem_shared>>
      tpu.enqueue_dma source(%arg3 : memref<784x16xf32, #tpu.memory_space<hbm>>) target(%dma_start3A_34 : memref<784x16xf32, #tpu.memory_space<vmem_shared>>) target_semaphore(%run_scoped3A : memref<!tpu.dma_semaphore, #tpu.memory_space<semaphore_mem>>)
      %dma_wait3A = arith.constant 0 : i32
      %dma_wait3A_35 = tpu.memref_slice %arg6[%mul3A_3, %dma_wait3A] : memref<12544x16xf32, #tpu.memory_space<vmem_shared>> -> memref<784x16xf32, #tpu.memory_space<vmem_shared>>
      tpu.wait_dma2 semaphore(%run_scoped3A : memref<!tpu.dma_semaphore, #tpu.memory_space<semaphore_mem>>) src(%arg3 : memref<784x16xf32, #tpu.memory_space<hbm>>) dst(%dma_wait3A_35 : memref<784x16xf32, #tpu.memory_space<vmem_shared>>)
      tpu.yield
    }) : () -> ()
    %barrier3A = arith.constant 0 : index
    tpu.barrier barrier_id(%barrier3A)
    %scan3A = arith.constant 0 : i32
    %scan3A_7 = arith.constant 0 : i32
    %scan3A_8 = arith.constant 147 : i32
    %scan3A_9 = arith.addi %scan3A_7, %scan3A_8 : i32
    %scan3A_10 = arith.constant 1 : i32
    %scan3A_11 = scf.for %scan3A_34 = %scan3A_7 to %scan3A_9 step %scan3A_10 iter_args(%scan3A_35 = %scan3A) -> (i32)  : i32 {
      %mul3A_36 = arith.constant 16 : i32
      %mul3A_37 = arith.muli %mul3A_36, %scan3A_34 : i32
      %add3A_38 = arith.addi %arg1, %mul3A_37 : i32
      %mul3A_39 = arith.constant 128 : i32
      %mul3A_40 = arith.muli %add3A_38, %mul3A_39 : i32
      "tpu.region"() ({
        %run_scoped3A = tpu.sem_alloc : memref<!tpu.dma_semaphore, #tpu.memory_space<semaphore_mem>>
        %dma_start3A = tpu.memref_slice %arg2[%mul3A_40] : memref<301056xi32, #tpu.memory_space<hbm>> -> memref<128xi32, #tpu.memory_space<hbm>>
        %dma_start3A_185 = tpu.memref_slice %arg2[%mul3A_40] : memref<301056xi32, #tpu.memory_space<hbm>> -> memref<128xi32, #tpu.memory_space<hbm>>
        tpu.enqueue_dma source(%dma_start3A_185 : memref<128xi32, #tpu.memory_space<hbm>>) target(%arg7 : memref<128xi32, #tpu.memory_space<vmem>>) target_semaphore(%run_scoped3A : memref<!tpu.dma_semaphore, #tpu.memory_space<semaphore_mem>>)
        %dma_wait3A = tpu.memref_slice %arg2[%mul3A_40] : memref<301056xi32, #tpu.memory_space<hbm>> -> memref<128xi32, #tpu.memory_space<hbm>>
        %dma_wait3A_186 = tpu.memref_slice %arg2[%mul3A_40] : memref<301056xi32, #tpu.memory_space<hbm>> -> memref<128xi32, #tpu.memory_space<hbm>>
        tpu.wait_dma2 semaphore(%run_scoped3A : memref<!tpu.dma_semaphore, #tpu.memory_space<semaphore_mem>>) src(%dma_wait3A_186 : memref<128xi32, #tpu.memory_space<hbm>>) dst(%arg7 : memref<128xi32, #tpu.memory_space<vmem>>)
        tpu.yield
      }) : () -> ()
      %get3A = arith.constant 0 : index
      %get3A_41 = tpu.vector_load %arg7[%get3A] {strides = array<i32>} : memref<128xi32, #tpu.memory_space<vmem>>, vector<16xi32>,
      %get3A_42 = vector.shape_cast %get3A_41 : vector<16xi32> to vector<16xi32>
      %sub3A = vector.broadcast %mul3A_1 : i32 to vector<16xi32>
      %sub3A_43 = arith.subi %get3A_42, %sub3A : vector<16xi32>
      %ge3A = arith.constant 0 : i32
      %ge3A_44 = vector.broadcast %ge3A : i32 to vector<16xi32>
      %ge3A_45 = arith.cmpi sge, %sub3A_43, %ge3A_44 : vector<16xi32>
      %lt3A = arith.constant 12500 : i32
      %lt3A_46 = vector.broadcast %lt3A : i32 to vector<16xi32>
      %lt3A_47 = arith.cmpi slt, %sub3A_43, %lt3A_46 : vector<16xi32>
      %and3A = arith.andi %ge3A_45, %lt3A_47 : vector<16xi1>
      %jit3A = arith.constant 12500 : i32
      %broadcast_in_dim3A = vector.broadcast %jit3A : i32 to vector<16xi32>
      %select_n3A = arith.select %and3A, %sub3A_43, %broadcast_in_dim3A : vector<16xi1>, vector<16xi32>
      %swap3A = arith.constant 0 : index
      %swap3A_48 = tpu.vector_load %arg8[%swap3A] {strides = array<i32>} : memref<128xi32, #tpu.memory_space<vmem>>, vector<16xi32>,
      %swap3A_49 = vector.shape_cast %swap3A_48 : vector<16xi32> to vector<16xi32>
      %swap3A_50 = vector.shape_cast %select_n3A : vector<16xi32> to vector<16xi32>
      tpu.vector_store %arg8[%swap3A], %swap3A_50 {strides = array<i32>} : memref<128xi32, #tpu.memory_space<vmem>>, vector<16xi32>,
      %get3A_51 = arith.constant 16 : index
      %get3A_52 = tpu.vector_load %arg7[%get3A_51] {strides = array<i32>} : memref<128xi32, #tpu.memory_space<vmem>>, vector<16xi32>,
      %get3A_53 = vector.shape_cast %get3A_52 : vector<16xi32> to vector<16xi32>
      %sub3A_54 = vector.broadcast %mul3A_1 : i32 to vector<16xi32>
      %sub3A_55 = arith.subi %get3A_53, %sub3A_54 : vector<16xi32>
      %ge3A_56 = arith.constant 0 : i32
      %ge3A_57 = vector.broadcast %ge3A_56 : i32 to vector<16xi32>
      %ge3A_58 = arith.cmpi sge, %sub3A_55, %ge3A_57 : vector<16xi32>
      %lt3A_59 = arith.constant 12500 : i32
      %lt3A_60 = vector.broadcast %lt3A_59 : i32 to vector<16xi32>
      %lt3A_61 = arith.cmpi slt, %sub3A_55, %lt3A_60 : vector<16xi32>
      %and3A_62 = arith.andi %ge3A_58, %lt3A_61 : vector<16xi1>
      %jit3A_63 = arith.constant 12500 : i32
      %broadcast_in_dim3A_64 = vector.broadcast %jit3A_63 : i32 to vector<16xi32>
      %select_n3A_65 = arith.select %and3A_62, %sub3A_55, %broadcast_in_dim3A_64 : vector<16xi1>, vector<16xi32>
      %swap3A_66 = arith.constant 16 : index
      %swap3A_67 = tpu.vector_load %arg8[%swap3A_66] {strides = array<i32>} : memref<128xi32, #tpu.memory_space<vmem>>, vector<16xi32>,
      %swap3A_68 = vector.shape_cast %swap3A_67 : vector<16xi32> to vector<16xi32>
      %swap3A_69 = vector.shape_cast %select_n3A_65 : vector<16xi32> to vector<16xi32>
      tpu.vector_store %arg8[%swap3A_66], %swap3A_69 {strides = array<i32>} : memref<128xi32, #tpu.memory_space<vmem>>, vector<16xi32>,
      %get3A_70 = arith.constant 32 : index
      %get3A_71 = tpu.vector_load %arg7[%get3A_70] {strides = array<i32>} : memref<128xi32, #tpu.memory_space<vmem>>, vector<16xi32>,
      %get3A_72 = vector.shape_cast %get3A_71 : vector<16xi32> to vector<16xi32>
      %sub3A_73 = vector.broadcast %mul3A_1 : i32 to vector<16xi32>
      %sub3A_74 = arith.subi %get3A_72, %sub3A_73 : vector<16xi32>
      %ge3A_75 = arith.constant 0 : i32
      %ge3A_76 = vector.broadcast %ge3A_75 : i32 to vector<16xi32>
      %ge3A_77 = arith.cmpi sge, %sub3A_74, %ge3A_76 : vector<16xi32>
      %lt3A_78 = arith.constant 12500 : i32
      %lt3A_79 = vector.broadcast %lt3A_78 : i32 to vector<16xi32>
      %lt3A_80 = arith.cmpi slt, %sub3A_74, %lt3A_79 : vector<16xi32>
      %and3A_81 = arith.andi %ge3A_77, %lt3A_80 : vector<16xi1>
      %jit3A_82 = arith.constant 12500 : i32
      %broadcast_in_dim3A_83 = vector.broadcast %jit3A_82 : i32 to vector<16xi32>
      %select_n3A_84 = arith.select %and3A_81, %sub3A_74, %broadcast_in_dim3A_83 : vector<16xi1>, vector<16xi32>
      %swap3A_85 = arith.constant 32 : index
      %swap3A_86 = tpu.vector_load %arg8[%swap3A_85] {strides = array<i32>} : memref<128xi32, #tpu.memory_space<vmem>>, vector<16xi32>,
      %swap3A_87 = vector.shape_cast %swap3A_86 : vector<16xi32> to vector<16xi32>
      %swap3A_88 = vector.shape_cast %select_n3A_84 : vector<16xi32> to vector<16xi32>
      tpu.vector_store %arg8[%swap3A_85], %swap3A_88 {strides = array<i32>} : memref<128xi32, #tpu.memory_space<vmem>>, vector<16xi32>,
      %get3A_89 = arith.constant 48 : index
      %get3A_90 = tpu.vector_load %arg7[%get3A_89] {strides = array<i32>} : memref<128xi32, #tpu.memory_space<vmem>>, vector<16xi32>,
      %get3A_91 = vector.shape_cast %get3A_90 : vector<16xi32> to vector<16xi32>
      %sub3A_92 = vector.broadcast %mul3A_1 : i32 to vector<16xi32>
      %sub3A_93 = arith.subi %get3A_91, %sub3A_92 : vector<16xi32>
      %ge3A_94 = arith.constant 0 : i32
      %ge3A_95 = vector.broadcast %ge3A_94 : i32 to vector<16xi32>
      %ge3A_96 = arith.cmpi sge, %sub3A_93, %ge3A_95 : vector<16xi32>
      %lt3A_97 = arith.constant 12500 : i32
      %lt3A_98 = vector.broadcast %lt3A_97 : i32 to vector<16xi32>
      %lt3A_99 = arith.cmpi slt, %sub3A_93, %lt3A_98 : vector<16xi32>
      %and3A_100 = arith.andi %ge3A_96, %lt3A_99 : vector<16xi1>
      %jit3A_101 = arith.constant 12500 : i32
      %broadcast_in_dim3A_102 = vector.broadcast %jit3A_101 : i32 to vector<16xi32>
      %select_n3A_103 = arith.select %and3A_100, %sub3A_93, %broadcast_in_dim3A_102 : vector<16xi1>, vector<16xi32>
      %swap3A_104 = arith.constant 48 : index
      %swap3A_105 = tpu.vector_load %arg8[%swap3A_104] {strides = array<i32>} : memref<128xi32, #tpu.memory_space<vmem>>, vector<16xi32>,
      %swap3A_106 = vector.shape_cast %swap3A_105 : vector<16xi32> to vector<16xi32>
      %swap3A_107 = vector.shape_cast %select_n3A_103 : vector<16xi32> to vector<16xi32>
      tpu.vector_store %arg8[%swap3A_104], %swap3A_107 {strides = array<i32>} : memref<128xi32, #tpu.memory_space<vmem>>, vector<16xi32>,
      %get3A_108 = arith.constant 64 : index
      %get3A_109 = tpu.vector_load %arg7[%get3A_108] {strides = array<i32>} : memref<128xi32, #tpu.memory_space<vmem>>, vector<16xi32>,
      %get3A_110 = vector.shape_cast %get3A_109 : vector<16xi32> to vector<16xi32>
      %sub3A_111 = vector.broadcast %mul3A_1 : i32 to vector<16xi32>
      %sub3A_112 = arith.subi %get3A_110, %sub3A_111 : vector<16xi32>
      %ge3A_113 = arith.constant 0 : i32
      %ge3A_114 = vector.broadcast %ge3A_113 : i32 to vector<16xi32>
      %ge3A_115 = arith.cmpi sge, %sub3A_112, %ge3A_114 : vector<16xi32>
      %lt3A_116 = arith.constant 12500 : i32
      %lt3A_117 = vector.broadcast %lt3A_116 : i32 to vector<16xi32>
      %lt3A_118 = arith.cmpi slt, %sub3A_112, %lt3A_117 : vector<16xi32>
      %and3A_119 = arith.andi %ge3A_115, %lt3A_118 : vector<16xi1>
      %jit3A_120 = arith.constant 12500 : i32
      %broadcast_in_dim3A_121 = vector.broadcast %jit3A_120 : i32 to vector<16xi32>
      %select_n3A_122 = arith.select %and3A_119, %sub3A_112, %broadcast_in_dim3A_121 : vector<16xi1>, vector<16xi32>
      %swap3A_123 = arith.constant 64 : index
      %swap3A_124 = tpu.vector_load %arg8[%swap3A_123] {strides = array<i32>} : memref<128xi32, #tpu.memory_space<vmem>>, vector<16xi32>,
      %swap3A_125 = vector.shape_cast %swap3A_124 : vector<16xi32> to vector<16xi32>
      %swap3A_126 = vector.shape_cast %select_n3A_122 : vector<16xi32> to vector<16xi32>
      tpu.vector_store %arg8[%swap3A_123], %swap3A_126 {strides = array<i32>} : memref<128xi32, #tpu.memory_space<vmem>>, vector<16xi32>,
      %get3A_127 = arith.constant 80 : index
      %get3A_128 = tpu.vector_load %arg7[%get3A_127] {strides = array<i32>} : memref<128xi32, #tpu.memory_space<vmem>>, vector<16xi32>,
      %get3A_129 = vector.shape_cast %get3A_128 : vector<16xi32> to vector<16xi32>
      %sub3A_130 = vector.broadcast %mul3A_1 : i32 to vector<16xi32>
      %sub3A_131 = arith.subi %get3A_129, %sub3A_130 : vector<16xi32>
      %ge3A_132 = arith.constant 0 : i32
      %ge3A_133 = vector.broadcast %ge3A_132 : i32 to vector<16xi32>
      %ge3A_134 = arith.cmpi sge, %sub3A_131, %ge3A_133 : vector<16xi32>
      %lt3A_135 = arith.constant 12500 : i32
      %lt3A_136 = vector.broadcast %lt3A_135 : i32 to vector<16xi32>
      %lt3A_137 = arith.cmpi slt, %sub3A_131, %lt3A_136 : vector<16xi32>
      %and3A_138 = arith.andi %ge3A_134, %lt3A_137 : vector<16xi1>
      %jit3A_139 = arith.constant 12500 : i32
      %broadcast_in_dim3A_140 = vector.broadcast %jit3A_139 : i32 to vector<16xi32>
      %select_n3A_141 = arith.select %and3A_138, %sub3A_131, %broadcast_in_dim3A_140 : vector<16xi1>, vector<16xi32>
      %swap3A_142 = arith.constant 80 : index
      %swap3A_143 = tpu.vector_load %arg8[%swap3A_142] {strides = array<i32>} : memref<128xi32, #tpu.memory_space<vmem>>, vector<16xi32>,
      %swap3A_144 = vector.shape_cast %swap3A_143 : vector<16xi32> to vector<16xi32>
      %swap3A_145 = vector.shape_cast %select_n3A_141 : vector<16xi32> to vector<16xi32>
      tpu.vector_store %arg8[%swap3A_142], %swap3A_145 {strides = array<i32>} : memref<128xi32, #tpu.memory_space<vmem>>, vector<16xi32>,
      %get3A_146 = arith.constant 96 : index
      %get3A_147 = tpu.vector_load %arg7[%get3A_146] {strides = array<i32>} : memref<128xi32, #tpu.memory_space<vmem>>, vector<16xi32>,
      %get3A_148 = vector.shape_cast %get3A_147 : vector<16xi32> to vector<16xi32>
      %sub3A_149 = vector.broadcast %mul3A_1 : i32 to vector<16xi32>
      %sub3A_150 = arith.subi %get3A_148, %sub3A_149 : vector<16xi32>
      %ge3A_151 = arith.constant 0 : i32
      %ge3A_152 = vector.broadcast %ge3A_151 : i32 to vector<16xi32>
      %ge3A_153 = arith.cmpi sge, %sub3A_150, %ge3A_152 : vector<16xi32>
      %lt3A_154 = arith.constant 12500 : i32
      %lt3A_155 = vector.broadcast %lt3A_154 : i32 to vector<16xi32>
      %lt3A_156 = arith.cmpi slt, %sub3A_150, %lt3A_155 : vector<16xi32>
      %and3A_157 = arith.andi %ge3A_153, %lt3A_156 : vector<16xi1>
      %jit3A_158 = arith.constant 12500 : i32
      %broadcast_in_dim3A_159 = vector.broadcast %jit3A_158 : i32 to vector<16xi32>
      %select_n3A_160 = arith.select %and3A_157, %sub3A_150, %broadcast_in_dim3A_159 : vector<16xi1>, vector<16xi32>
      %swap3A_161 = arith.constant 96 : index
      %swap3A_162 = tpu.vector_load %arg8[%swap3A_161] {strides = array<i32>} : memref<128xi32, #tpu.memory_space<vmem>>, vector<16xi32>,
      %swap3A_163 = vector.shape_cast %swap3A_162 : vector<16xi32> to vector<16xi32>
      %swap3A_164 = vector.shape_cast %select_n3A_160 : vector<16xi32> to vector<16xi32>
      tpu.vector_store %arg8[%swap3A_161], %swap3A_164 {strides = array<i32>} : memref<128xi32, #tpu.memory_space<vmem>>, vector<16xi32>,
      %get3A_165 = arith.constant 112 : index
      %get3A_166 = tpu.vector_load %arg7[%get3A_165] {strides = array<i32>} : memref<128xi32, #tpu.memory_space<vmem>>, vector<16xi32>,
      %get3A_167 = vector.shape_cast %get3A_166 : vector<16xi32> to vector<16xi32>
      %sub3A_168 = vector.broadcast %mul3A_1 : i32 to vector<16xi32>
      %sub3A_169 = arith.subi %get3A_167, %sub3A_168 : vector<16xi32>
      %ge3A_170 = arith.constant 0 : i32
      %ge3A_171 = vector.broadcast %ge3A_170 : i32 to vector<16xi32>
      %ge3A_172 = arith.cmpi sge, %sub3A_169, %ge3A_171 : vector<16xi32>
      %lt3A_173 = arith.constant 12500 : i32
      %lt3A_174 = vector.broadcast %lt3A_173 : i32 to vector<16xi32>
      %lt3A_175 = arith.cmpi slt, %sub3A_169, %lt3A_174 : vector<16xi32>
      %and3A_176 = arith.andi %ge3A_172, %lt3A_175 : vector<16xi1>
      %jit3A_177 = arith.constant 12500 : i32
      %broadcast_in_dim3A_178 = vector.broadcast %jit3A_177 : i32 to vector<16xi32>
      %select_n3A_179 = arith.select %and3A_176, %sub3A_169, %broadcast_in_dim3A_178 : vector<16xi1>, vector<16xi32>
      %swap3A_180 = arith.constant 112 : index
      %swap3A_181 = tpu.vector_load %arg8[%swap3A_180] {strides = array<i32>} : memref<128xi32, #tpu.memory_space<vmem>>, vector<16xi32>,
      %swap3A_182 = vector.shape_cast %swap3A_181 : vector<16xi32> to vector<16xi32>
      %swap3A_183 = vector.shape_cast %select_n3A_179 : vector<16xi32> to vector<16xi32>
      tpu.vector_store %arg8[%swap3A_180], %swap3A_183 {strides = array<i32>} : memref<128xi32, #tpu.memory_space<vmem>>, vector<16xi32>,
      "tpu.region"() ({
        %run_scoped3A = tpu.sem_alloc : memref<!tpu.dma_semaphore, #tpu.memory_space<semaphore_mem>>
        %dma_start3A = arith.constant 0 : i32
        %dma_start3A_185 = arith.constant 0 : i32
        %dma_start3A_186 = tpu.memref_slice %arg6[%dma_start3A, %dma_start3A_185] : memref<12544x16xf32, #tpu.memory_space<vmem_shared>> -> memref<12544x16xf32, #tpu.memory_space<vmem_shared>>
        tpu.enqueue_indirect_dma source(%arg9 : memref<128x16xf32, #tpu.memory_space<vmem>>) target(%dma_start3A_186 : memref<12544x16xf32, #tpu.memory_space<vmem_shared>>) offsets(%arg8 : memref<128xi32, #tpu.memory_space<vmem>>) semaphore(%run_scoped3A : memref<!tpu.dma_semaphore, #tpu.memory_space<semaphore_mem>>) {add = true}
        %dma_wait3A = arith.constant 0 : i32
        %dma_wait3A_187 = arith.constant 0 : i32
        %dma_wait3A_188 = tpu.memref_slice %arg6[%dma_wait3A, %dma_wait3A_187] : memref<12544x16xf32, #tpu.memory_space<vmem_shared>> -> memref<12544x16xf32, #tpu.memory_space<vmem_shared>>
        tpu.wait_indirect_dma semaphore(%run_scoped3A : memref<!tpu.dma_semaphore, #tpu.memory_space<semaphore_mem>>) src(%arg9 : memref<128x16xf32, #tpu.memory_space<vmem>>) dst(%dma_wait3A_188 : memref<12544x16xf32, #tpu.memory_space<vmem_shared>>)
        tpu.yield
      }) : () -> ()
      %scan3A_184 = arith.constant 0 : i32
      scf.yield %scan3A_184 : i32
    }
    %scan3A_12 = arith.constant 147 : i32
    %barrier3A_13 = arith.constant 0 : index
    tpu.barrier barrier_id(%barrier3A_13)
    "tpu.region"() ({
      %run_scoped3A = tpu.sem_alloc : memref<!tpu.dma_semaphore, #tpu.memory_space<semaphore_mem>>
      %dma_start3A = arith.constant 0 : i32
      %dma_start3A_34 = tpu.memref_slice %arg5[%add3A_6, %dma_start3A] : memref<50176x16xf32, #tpu.memory_space<hbm>> -> memref<784x16xf32, #tpu.memory_space<hbm>>
      %dma_start3A_35 = arith.constant 0 : i32
      %dma_start3A_36 = tpu.memref_slice %arg6[%mul3A_3, %dma_start3A_35] : memref<12544x16xf32, #tpu.memory_space<vmem_shared>> -> memref<784x16xf32, #tpu.memory_space<vmem_shared>>
      tpu.enqueue_dma source(%dma_start3A_36 : memref<784x16xf32, #tpu.memory_space<vmem_shared>>) target(%dma_start3A_34 : memref<784x16xf32, #tpu.memory_space<hbm>>) target_semaphore(%run_scoped3A : memref<!tpu.dma_semaphore, #tpu.memory_space<semaphore_mem>>)
      %dma_wait3A = arith.constant 0 : i32
      %dma_wait3A_37 = tpu.memref_slice %arg5[%add3A_6, %dma_wait3A] : memref<50176x16xf32, #tpu.memory_space<hbm>> -> memref<784x16xf32, #tpu.memory_space<hbm>>
      %dma_wait3A_38 = arith.constant 0 : i32
      %dma_wait3A_39 = tpu.memref_slice %arg6[%mul3A_3, %dma_wait3A_38] : memref<12544x16xf32, #tpu.memory_space<vmem_shared>> -> memref<784x16xf32, #tpu.memory_space<vmem_shared>>
      tpu.wait_dma2 semaphore(%run_scoped3A : memref<!tpu.dma_semaphore, #tpu.memory_space<semaphore_mem>>) src(%dma_wait3A_39 : memref<784x16xf32, #tpu.memory_space<vmem_shared>>) dst(%dma_wait3A_37 : memref<784x16xf32, #tpu.memory_space<hbm>>)
      tpu.yield
    }) : () -> ()
    %barrier3A_14 = arith.constant 0 : index
    tpu.barrier barrier_id(%barrier3A_14)
    %add3A_15 = arith.constant 2 : i32
    %add3A_16 = arith.addi %arg0, %add3A_15 : i32
    %mul3A_17 = arith.constant 12500 : i32
    %mul3A_18 = arith.muli %add3A_16, %mul3A_17 : i32
    %mul3A_19 = arith.constant 784 : i32
    %mul3A_20 = arith.muli %arg1, %mul3A_19 : i32
    %mul3A_21 = arith.constant 12544 : i32
    %mul3A_22 = arith.muli %add3A_16, %mul3A_21 : i32
    %add3A_23 = arith.addi %mul3A_22, %mul3A_20 : i32
    "tpu.region"() ({
      %run_scoped3A = tpu.sem_alloc : memref<!tpu.dma_semaphore, #tpu.memory_space<semaphore_mem>>
      %dma_start3A = arith.constant 0 : i32
      %dma_start3A_34 = tpu.memref_slice %arg6[%mul3A_20, %dma_start3A] : memref<12544x16xf32, #tpu.memory_space<vmem_shared>> -> memref<784x16xf32, #tpu.memory_space<vmem_shared>>
      tpu.enqueue_dma source(%arg3 : memref<784x16xf32, #tpu.memory_space<hbm>>) target(%dma_start3A_34 : memref<784x16xf32, #tpu.memory_space<vmem_shared>>) target_semaphore(%run_scoped3A : memref<!tpu.dma_semaphore, #tpu.memory_space<semaphore_mem>>)
      %dma_wait3A = arith.constant 0 : i32
      %dma_wait3A_35 = tpu.memref_slice %arg6[%mul3A_20, %dma_wait3A] : memref<12544x16xf32, #tpu.memory_space<vmem_shared>> -> memref<784x16xf32, #tpu.memory_space<vmem_shared>>
      tpu.wait_dma2 semaphore(%run_scoped3A : memref<!tpu.dma_semaphore, #tpu.memory_space<semaphore_mem>>) src(%arg3 : memref<784x16xf32, #tpu.memory_space<hbm>>) dst(%dma_wait3A_35 : memref<784x16xf32, #tpu.memory_space<vmem_shared>>)
      tpu.yield
    }) : () -> ()
    %barrier3A_24 = arith.constant 0 : index
    tpu.barrier barrier_id(%barrier3A_24)
    %scan3A_25 = arith.constant 0 : i32
    %scan3A_26 = arith.constant 0 : i32
    %scan3A_27 = arith.constant 147 : i32
    %scan3A_28 = arith.addi %scan3A_26, %scan3A_27 : i32
    %scan3A_29 = arith.constant 1 : i32
    %scan3A_30 = scf.for %scan3A_34 = %scan3A_26 to %scan3A_28 step %scan3A_29 iter_args(%scan3A_35 = %scan3A_25) -> (i32)  : i32 {
      %mul3A_36 = arith.constant 16 : i32
      %mul3A_37 = arith.muli %mul3A_36, %scan3A_34 : i32
      %add3A_38 = arith.addi %arg1, %mul3A_37 : i32
      %mul3A_39 = arith.constant 128 : i32
      %mul3A_40 = arith.muli %add3A_38, %mul3A_39 : i32
      "tpu.region"() ({
        %run_scoped3A = tpu.sem_alloc : memref<!tpu.dma_semaphore, #tpu.memory_space<semaphore_mem>>
        %dma_start3A = tpu.memref_slice %arg2[%mul3A_40] : memref<301056xi32, #tpu.memory_space<hbm>> -> memref<128xi32, #tpu.memory_space<hbm>>
        %dma_start3A_185 = tpu.memref_slice %arg2[%mul3A_40] : memref<301056xi32, #tpu.memory_space<hbm>> -> memref<128xi32, #tpu.memory_space<hbm>>
        tpu.enqueue_dma source(%dma_start3A_185 : memref<128xi32, #tpu.memory_space<hbm>>) target(%arg7 : memref<128xi32, #tpu.memory_space<vmem>>) target_semaphore(%run_scoped3A : memref<!tpu.dma_semaphore, #tpu.memory_space<semaphore_mem>>)
        %dma_wait3A = tpu.memref_slice %arg2[%mul3A_40] : memref<301056xi32, #tpu.memory_space<hbm>> -> memref<128xi32, #tpu.memory_space<hbm>>
        %dma_wait3A_186 = tpu.memref_slice %arg2[%mul3A_40] : memref<301056xi32, #tpu.memory_space<hbm>> -> memref<128xi32, #tpu.memory_space<hbm>>
        tpu.wait_dma2 semaphore(%run_scoped3A : memref<!tpu.dma_semaphore, #tpu.memory_space<semaphore_mem>>) src(%dma_wait3A_186 : memref<128xi32, #tpu.memory_space<hbm>>) dst(%arg7 : memref<128xi32, #tpu.memory_space<vmem>>)
        tpu.yield
      }) : () -> ()
      %get3A = arith.constant 0 : index
      %get3A_41 = tpu.vector_load %arg7[%get3A] {strides = array<i32>} : memref<128xi32, #tpu.memory_space<vmem>>, vector<16xi32>,
      %get3A_42 = vector.shape_cast %get3A_41 : vector<16xi32> to vector<16xi32>
      %sub3A = vector.broadcast %mul3A_18 : i32 to vector<16xi32>
      %sub3A_43 = arith.subi %get3A_42, %sub3A : vector<16xi32>
      %ge3A = arith.constant 0 : i32
      %ge3A_44 = vector.broadcast %ge3A : i32 to vector<16xi32>
      %ge3A_45 = arith.cmpi sge, %sub3A_43, %ge3A_44 : vector<16xi32>
      %lt3A = arith.constant 12500 : i32
      %lt3A_46 = vector.broadcast %lt3A : i32 to vector<16xi32>
      %lt3A_47 = arith.cmpi slt, %sub3A_43, %lt3A_46 : vector<16xi32>
      %and3A = arith.andi %ge3A_45, %lt3A_47 : vector<16xi1>
      %jit3A = arith.constant 12500 : i32
      %broadcast_in_dim3A = vector.broadcast %jit3A : i32 to vector<16xi32>
      %select_n3A = arith.select %and3A, %sub3A_43, %broadcast_in_dim3A : vector<16xi1>, vector<16xi32>
      %swap3A = arith.constant 0 : index
      %swap3A_48 = tpu.vector_load %arg8[%swap3A] {strides = array<i32>} : memref<128xi32, #tpu.memory_space<vmem>>, vector<16xi32>,
      %swap3A_49 = vector.shape_cast %swap3A_48 : vector<16xi32> to vector<16xi32>
      %swap3A_50 = vector.shape_cast %select_n3A : vector<16xi32> to vector<16xi32>
      tpu.vector_store %arg8[%swap3A], %swap3A_50 {strides = array<i32>} : memref<128xi32, #tpu.memory_space<vmem>>, vector<16xi32>,
      %get3A_51 = arith.constant 16 : index
      %get3A_52 = tpu.vector_load %arg7[%get3A_51] {strides = array<i32>} : memref<128xi32, #tpu.memory_space<vmem>>, vector<16xi32>,
      %get3A_53 = vector.shape_cast %get3A_52 : vector<16xi32> to vector<16xi32>
      %sub3A_54 = vector.broadcast %mul3A_18 : i32 to vector<16xi32>
      %sub3A_55 = arith.subi %get3A_53, %sub3A_54 : vector<16xi32>
      %ge3A_56 = arith.constant 0 : i32
      %ge3A_57 = vector.broadcast %ge3A_56 : i32 to vector<16xi32>
      %ge3A_58 = arith.cmpi sge, %sub3A_55, %ge3A_57 : vector<16xi32>
      %lt3A_59 = arith.constant 12500 : i32
      %lt3A_60 = vector.broadcast %lt3A_59 : i32 to vector<16xi32>
      %lt3A_61 = arith.cmpi slt, %sub3A_55, %lt3A_60 : vector<16xi32>
      %and3A_62 = arith.andi %ge3A_58, %lt3A_61 : vector<16xi1>
      %jit3A_63 = arith.constant 12500 : i32
      %broadcast_in_dim3A_64 = vector.broadcast %jit3A_63 : i32 to vector<16xi32>
      %select_n3A_65 = arith.select %and3A_62, %sub3A_55, %broadcast_in_dim3A_64 : vector<16xi1>, vector<16xi32>
      %swap3A_66 = arith.constant 16 : index
      %swap3A_67 = tpu.vector_load %arg8[%swap3A_66] {strides = array<i32>} : memref<128xi32, #tpu.memory_space<vmem>>, vector<16xi32>,
      %swap3A_68 = vector.shape_cast %swap3A_67 : vector<16xi32> to vector<16xi32>
      %swap3A_69 = vector.shape_cast %select_n3A_65 : vector<16xi32> to vector<16xi32>
      tpu.vector_store %arg8[%swap3A_66], %swap3A_69 {strides = array<i32>} : memref<128xi32, #tpu.memory_space<vmem>>, vector<16xi32>,
      %get3A_70 = arith.constant 32 : index
      %get3A_71 = tpu.vector_load %arg7[%get3A_70] {strides = array<i32>} : memref<128xi32, #tpu.memory_space<vmem>>, vector<16xi32>,
      %get3A_72 = vector.shape_cast %get3A_71 : vector<16xi32> to vector<16xi32>
      %sub3A_73 = vector.broadcast %mul3A_18 : i32 to vector<16xi32>
      %sub3A_74 = arith.subi %get3A_72, %sub3A_73 : vector<16xi32>
      %ge3A_75 = arith.constant 0 : i32
      %ge3A_76 = vector.broadcast %ge3A_75 : i32 to vector<16xi32>
      %ge3A_77 = arith.cmpi sge, %sub3A_74, %ge3A_76 : vector<16xi32>
      %lt3A_78 = arith.constant 12500 : i32
      %lt3A_79 = vector.broadcast %lt3A_78 : i32 to vector<16xi32>
      %lt3A_80 = arith.cmpi slt, %sub3A_74, %lt3A_79 : vector<16xi32>
      %and3A_81 = arith.andi %ge3A_77, %lt3A_80 : vector<16xi1>
      %jit3A_82 = arith.constant 12500 : i32
      %broadcast_in_dim3A_83 = vector.broadcast %jit3A_82 : i32 to vector<16xi32>
      %select_n3A_84 = arith.select %and3A_81, %sub3A_74, %broadcast_in_dim3A_83 : vector<16xi1>, vector<16xi32>
      %swap3A_85 = arith.constant 32 : index
      %swap3A_86 = tpu.vector_load %arg8[%swap3A_85] {strides = array<i32>} : memref<128xi32, #tpu.memory_space<vmem>>, vector<16xi32>,
      %swap3A_87 = vector.shape_cast %swap3A_86 : vector<16xi32> to vector<16xi32>
      %swap3A_88 = vector.shape_cast %select_n3A_84 : vector<16xi32> to vector<16xi32>
      tpu.vector_store %arg8[%swap3A_85], %swap3A_88 {strides = array<i32>} : memref<128xi32, #tpu.memory_space<vmem>>, vector<16xi32>,
      %get3A_89 = arith.constant 48 : index
      %get3A_90 = tpu.vector_load %arg7[%get3A_89] {strides = array<i32>} : memref<128xi32, #tpu.memory_space<vmem>>, vector<16xi32>,
      %get3A_91 = vector.shape_cast %get3A_90 : vector<16xi32> to vector<16xi32>
      %sub3A_92 = vector.broadcast %mul3A_18 : i32 to vector<16xi32>
      %sub3A_93 = arith.subi %get3A_91, %sub3A_92 : vector<16xi32>
      %ge3A_94 = arith.constant 0 : i32
      %ge3A_95 = vector.broadcast %ge3A_94 : i32 to vector<16xi32>
      %ge3A_96 = arith.cmpi sge, %sub3A_93, %ge3A_95 : vector<16xi32>
      %lt3A_97 = arith.constant 12500 : i32
      %lt3A_98 = vector.broadcast %lt3A_97 : i32 to vector<16xi32>
      %lt3A_99 = arith.cmpi slt, %sub3A_93, %lt3A_98 : vector<16xi32>
      %and3A_100 = arith.andi %ge3A_96, %lt3A_99 : vector<16xi1>
      %jit3A_101 = arith.constant 12500 : i32
      %broadcast_in_dim3A_102 = vector.broadcast %jit3A_101 : i32 to vector<16xi32>
      %select_n3A_103 = arith.select %and3A_100, %sub3A_93, %broadcast_in_dim3A_102 : vector<16xi1>, vector<16xi32>
      %swap3A_104 = arith.constant 48 : index
      %swap3A_105 = tpu.vector_load %arg8[%swap3A_104] {strides = array<i32>} : memref<128xi32, #tpu.memory_space<vmem>>, vector<16xi32>,
      %swap3A_106 = vector.shape_cast %swap3A_105 : vector<16xi32> to vector<16xi32>
      %swap3A_107 = vector.shape_cast %select_n3A_103 : vector<16xi32> to vector<16xi32>
      tpu.vector_store %arg8[%swap3A_104], %swap3A_107 {strides = array<i32>} : memref<128xi32, #tpu.memory_space<vmem>>, vector<16xi32>,
      %get3A_108 = arith.constant 64 : index
      %get3A_109 = tpu.vector_load %arg7[%get3A_108] {strides = array<i32>} : memref<128xi32, #tpu.memory_space<vmem>>, vector<16xi32>,
      %get3A_110 = vector.shape_cast %get3A_109 : vector<16xi32> to vector<16xi32>
      %sub3A_111 = vector.broadcast %mul3A_18 : i32 to vector<16xi32>
      %sub3A_112 = arith.subi %get3A_110, %sub3A_111 : vector<16xi32>
      %ge3A_113 = arith.constant 0 : i32
      %ge3A_114 = vector.broadcast %ge3A_113 : i32 to vector<16xi32>
      %ge3A_115 = arith.cmpi sge, %sub3A_112, %ge3A_114 : vector<16xi32>
      %lt3A_116 = arith.constant 12500 : i32
      %lt3A_117 = vector.broadcast %lt3A_116 : i32 to vector<16xi32>
      %lt3A_118 = arith.cmpi slt, %sub3A_112, %lt3A_117 : vector<16xi32>
      %and3A_119 = arith.andi %ge3A_115, %lt3A_118 : vector<16xi1>
      %jit3A_120 = arith.constant 12500 : i32
      %broadcast_in_dim3A_121 = vector.broadcast %jit3A_120 : i32 to vector<16xi32>
      %select_n3A_122 = arith.select %and3A_119, %sub3A_112, %broadcast_in_dim3A_121 : vector<16xi1>, vector<16xi32>
      %swap3A_123 = arith.constant 64 : index
      %swap3A_124 = tpu.vector_load %arg8[%swap3A_123] {strides = array<i32>} : memref<128xi32, #tpu.memory_space<vmem>>, vector<16xi32>,
      %swap3A_125 = vector.shape_cast %swap3A_124 : vector<16xi32> to vector<16xi32>
      %swap3A_126 = vector.shape_cast %select_n3A_122 : vector<16xi32> to vector<16xi32>
      tpu.vector_store %arg8[%swap3A_123], %swap3A_126 {strides = array<i32>} : memref<128xi32, #tpu.memory_space<vmem>>, vector<16xi32>,
      %get3A_127 = arith.constant 80 : index
      %get3A_128 = tpu.vector_load %arg7[%get3A_127] {strides = array<i32>} : memref<128xi32, #tpu.memory_space<vmem>>, vector<16xi32>,
      %get3A_129 = vector.shape_cast %get3A_128 : vector<16xi32> to vector<16xi32>
      %sub3A_130 = vector.broadcast %mul3A_18 : i32 to vector<16xi32>
      %sub3A_131 = arith.subi %get3A_129, %sub3A_130 : vector<16xi32>
      %ge3A_132 = arith.constant 0 : i32
      %ge3A_133 = vector.broadcast %ge3A_132 : i32 to vector<16xi32>
      %ge3A_134 = arith.cmpi sge, %sub3A_131, %ge3A_133 : vector<16xi32>
      %lt3A_135 = arith.constant 12500 : i32
      %lt3A_136 = vector.broadcast %lt3A_135 : i32 to vector<16xi32>
      %lt3A_137 = arith.cmpi slt, %sub3A_131, %lt3A_136 : vector<16xi32>
      %and3A_138 = arith.andi %ge3A_134, %lt3A_137 : vector<16xi1>
      %jit3A_139 = arith.constant 12500 : i32
      %broadcast_in_dim3A_140 = vector.broadcast %jit3A_139 : i32 to vector<16xi32>
      %select_n3A_141 = arith.select %and3A_138, %sub3A_131, %broadcast_in_dim3A_140 : vector<16xi1>, vector<16xi32>
      %swap3A_142 = arith.constant 80 : index
      %swap3A_143 = tpu.vector_load %arg8[%swap3A_142] {strides = array<i32>} : memref<128xi32, #tpu.memory_space<vmem>>, vector<16xi32>,
      %swap3A_144 = vector.shape_cast %swap3A_143 : vector<16xi32> to vector<16xi32>
      %swap3A_145 = vector.shape_cast %select_n3A_141 : vector<16xi32> to vector<16xi32>
      tpu.vector_store %arg8[%swap3A_142], %swap3A_145 {strides = array<i32>} : memref<128xi32, #tpu.memory_space<vmem>>, vector<16xi32>,
      %get3A_146 = arith.constant 96 : index
      %get3A_147 = tpu.vector_load %arg7[%get3A_146] {strides = array<i32>} : memref<128xi32, #tpu.memory_space<vmem>>, vector<16xi32>,
      %get3A_148 = vector.shape_cast %get3A_147 : vector<16xi32> to vector<16xi32>
      %sub3A_149 = vector.broadcast %mul3A_18 : i32 to vector<16xi32>
      %sub3A_150 = arith.subi %get3A_148, %sub3A_149 : vector<16xi32>
      %ge3A_151 = arith.constant 0 : i32
      %ge3A_152 = vector.broadcast %ge3A_151 : i32 to vector<16xi32>
      %ge3A_153 = arith.cmpi sge, %sub3A_150, %ge3A_152 : vector<16xi32>
      %lt3A_154 = arith.constant 12500 : i32
      %lt3A_155 = vector.broadcast %lt3A_154 : i32 to vector<16xi32>
      %lt3A_156 = arith.cmpi slt, %sub3A_150, %lt3A_155 : vector<16xi32>
      %and3A_157 = arith.andi %ge3A_153, %lt3A_156 : vector<16xi1>
      %jit3A_158 = arith.constant 12500 : i32
      %broadcast_in_dim3A_159 = vector.broadcast %jit3A_158 : i32 to vector<16xi32>
      %select_n3A_160 = arith.select %and3A_157, %sub3A_150, %broadcast_in_dim3A_159 : vector<16xi1>, vector<16xi32>
      %swap3A_161 = arith.constant 96 : index
      %swap3A_162 = tpu.vector_load %arg8[%swap3A_161] {strides = array<i32>} : memref<128xi32, #tpu.memory_space<vmem>>, vector<16xi32>,
      %swap3A_163 = vector.shape_cast %swap3A_162 : vector<16xi32> to vector<16xi32>
      %swap3A_164 = vector.shape_cast %select_n3A_160 : vector<16xi32> to vector<16xi32>
      tpu.vector_store %arg8[%swap3A_161], %swap3A_164 {strides = array<i32>} : memref<128xi32, #tpu.memory_space<vmem>>, vector<16xi32>,
      %get3A_165 = arith.constant 112 : index
      %get3A_166 = tpu.vector_load %arg7[%get3A_165] {strides = array<i32>} : memref<128xi32, #tpu.memory_space<vmem>>, vector<16xi32>,
      %get3A_167 = vector.shape_cast %get3A_166 : vector<16xi32> to vector<16xi32>
      %sub3A_168 = vector.broadcast %mul3A_18 : i32 to vector<16xi32>
      %sub3A_169 = arith.subi %get3A_167, %sub3A_168 : vector<16xi32>
      %ge3A_170 = arith.constant 0 : i32
      %ge3A_171 = vector.broadcast %ge3A_170 : i32 to vector<16xi32>
      %ge3A_172 = arith.cmpi sge, %sub3A_169, %ge3A_171 : vector<16xi32>
      %lt3A_173 = arith.constant 12500 : i32
      %lt3A_174 = vector.broadcast %lt3A_173 : i32 to vector<16xi32>
      %lt3A_175 = arith.cmpi slt, %sub3A_169, %lt3A_174 : vector<16xi32>
      %and3A_176 = arith.andi %ge3A_172, %lt3A_175 : vector<16xi1>
      %jit3A_177 = arith.constant 12500 : i32
      %broadcast_in_dim3A_178 = vector.broadcast %jit3A_177 : i32 to vector<16xi32>
      %select_n3A_179 = arith.select %and3A_176, %sub3A_169, %broadcast_in_dim3A_178 : vector<16xi1>, vector<16xi32>
      %swap3A_180 = arith.constant 112 : index
      %swap3A_181 = tpu.vector_load %arg8[%swap3A_180] {strides = array<i32>} : memref<128xi32, #tpu.memory_space<vmem>>, vector<16xi32>,
      %swap3A_182 = vector.shape_cast %swap3A_181 : vector<16xi32> to vector<16xi32>
      %swap3A_183 = vector.shape_cast %select_n3A_179 : vector<16xi32> to vector<16xi32>
      tpu.vector_store %arg8[%swap3A_180], %swap3A_183 {strides = array<i32>} : memref<128xi32, #tpu.memory_space<vmem>>, vector<16xi32>,
      "tpu.region"() ({
        %run_scoped3A = tpu.sem_alloc : memref<!tpu.dma_semaphore, #tpu.memory_space<semaphore_mem>>
        %dma_start3A = arith.constant 0 : i32
        %dma_start3A_185 = arith.constant 0 : i32
        %dma_start3A_186 = tpu.memref_slice %arg6[%dma_start3A, %dma_start3A_185] : memref<12544x16xf32, #tpu.memory_space<vmem_shared>> -> memref<12544x16xf32, #tpu.memory_space<vmem_shared>>
        tpu.enqueue_indirect_dma source(%arg9 : memref<128x16xf32, #tpu.memory_space<vmem>>) target(%dma_start3A_186 : memref<12544x16xf32, #tpu.memory_space<vmem_shared>>) offsets(%arg8 : memref<128xi32, #tpu.memory_space<vmem>>) semaphore(%run_scoped3A : memref<!tpu.dma_semaphore, #tpu.memory_space<semaphore_mem>>) {add = true}
        %dma_wait3A = arith.constant 0 : i32
        %dma_wait3A_187 = arith.constant 0 : i32
        %dma_wait3A_188 = tpu.memref_slice %arg6[%dma_wait3A, %dma_wait3A_187] : memref<12544x16xf32, #tpu.memory_space<vmem_shared>> -> memref<12544x16xf32, #tpu.memory_space<vmem_shared>>
        tpu.wait_indirect_dma semaphore(%run_scoped3A : memref<!tpu.dma_semaphore, #tpu.memory_space<semaphore_mem>>) src(%arg9 : memref<128x16xf32, #tpu.memory_space<vmem>>) dst(%dma_wait3A_188 : memref<12544x16xf32, #tpu.memory_space<vmem_shared>>)
        tpu.yield
      }) : () -> ()
      %scan3A_184 = arith.constant 0 : i32
      scf.yield %scan3A_184 : i32
    }
    %scan3A_31 = arith.constant 147 : i32
    %barrier3A_32 = arith.constant 0 : index
    tpu.barrier barrier_id(%barrier3A_32)
    "tpu.region"() ({
      %run_scoped3A = tpu.sem_alloc : memref<!tpu.dma_semaphore, #tpu.memory_space<semaphore_mem>>
      %dma_start3A = arith.constant 0 : i32
      %dma_start3A_34 = tpu.memref_slice %arg5[%add3A_23, %dma_start3A] : memref<50176x16xf32, #tpu.memory_space<hbm>> -> memref<784x16xf32, #tpu.memory_space<hbm>>
      %dma_start3A_35 = arith.constant 0 : i32
      %dma_start3A_36 = tpu.memref_slice %arg6[%mul3A_20, %dma_start3A_35] : memref<12544x16xf32, #tpu.memory_space<vmem_shared>> -> memref<784x16xf32, #tpu.memory_space<vmem_shared>>
      tpu.enqueue_dma source(%dma_start3A_36 : memref<784x16xf32, #tpu.memory_space<vmem_shared>>) target(%dma_start3A_34 : memref<784x16xf32, #tpu.memory_space<hbm>>) target_semaphore(%run_scoped3A : memref<!tpu.dma_semaphore, #tpu.memory_space<semaphore_mem>>)
      %dma_wait3A = arith.constant 0 : i32
      %dma_wait3A_37 = tpu.memref_slice %arg5[%add3A_23, %dma_wait3A] : memref<50176x16xf32, #tpu.memory_space<hbm>> -> memref<784x16xf32, #tpu.memory_space<hbm>>
      %dma_wait3A_38 = arith.constant 0 : i32
      %dma_wait3A_39 = tpu.memref_slice %arg6[%mul3A_20, %dma_wait3A_38] : memref<12544x16xf32, #tpu.memory_space<vmem_shared>> -> memref<784x16xf32, #tpu.memory_space<vmem_shared>>
      tpu.wait_dma2 semaphore(%run_scoped3A : memref<!tpu.dma_semaphore, #tpu.memory_space<semaphore_mem>>) src(%dma_wait3A_39 : memref<784x16xf32, #tpu.memory_space<vmem_shared>>) dst(%dma_wait3A_37 : memref<784x16xf32, #tpu.memory_space<hbm>>)
      tpu.yield
    }) : () -> ()
    %barrier3A_33 = arith.constant 0 : index
    tpu.barrier barrier_id(%barrier3A_33)
    return
  }
}

#map = affine_map<(d0, d1) -> (0)>
#map1 = affine_map<(d0, d1) -> (0, 0)>
module attributes {stable_mosaic.version = 14 : i64} {
  func.func @_agg_sum_body(%arg0: i32, %arg1: i32, %arg2: memref<301056xi32, #tpu.memory_space<hbm>>, %arg3: memref<301056xi32, #tpu.memory_space<hbm>>, %arg4: memref<50000x128xf32, #tpu.memory_space<hbm>>, %arg5: memref<784x128xf32, #tpu.memory_space<hbm>>, %arg6: memref<50176x128xf32, #tpu.memory_space<hbm>>, %arg7: memref<12544x128xf32, #tpu.memory_space<vmem_shared>>, %arg8: memref<128xi32, #tpu.memory_space<vmem>>, %arg9: memref<128xi32, #tpu.memory_space<vmem>>, %arg10: memref<128xi32, #tpu.memory_space<vmem>>, %arg11: memref<128x128xf32, #tpu.memory_space<vmem>>, %arg12: memref<!tpu.dma_semaphore, #tpu.memory_space<semaphore_mem>>) attributes {dimension_semantics = [#tpu.dimension_semantics<core_parallel>, #tpu.dimension_semantics<subcore_parallel>], iteration_bounds = array<i64: 2, 16>, scalar_prefetch = 0 : i64, scratch_operands = 6 : i64, tpu.core_type = #tpu.core_type<sc_vector_subcore>, window_params = [{transform_indices = #map}, {transform_indices = #map}, {transform_indices = #map1}, {transform_indices = #map1}, {transform_indices = #map1}]} {
    %add3A = arith.constant 0 : i32
    %add3A_0 = arith.addi %arg0, %add3A : i32
    %mul3A = arith.constant 12500 : i32
    %mul3A_1 = arith.muli %add3A_0, %mul3A : i32
    %mul3A_2 = arith.constant 784 : i32
    %mul3A_3 = arith.muli %arg1, %mul3A_2 : i32
    %mul3A_4 = arith.constant 12544 : i32
    %mul3A_5 = arith.muli %add3A_0, %mul3A_4 : i32
    %add3A_6 = arith.addi %mul3A_5, %mul3A_3 : i32
    "tpu.region"() ({
      %run_scoped3A = tpu.sem_alloc : memref<!tpu.dma_semaphore, #tpu.memory_space<semaphore_mem>>
      %dma_start3A = arith.constant 0 : i32
      %dma_start3A_34 = tpu.memref_slice %arg7[%mul3A_3, %dma_start3A] : memref<12544x128xf32, #tpu.memory_space<vmem_shared>> -> memref<784x128xf32, #tpu.memory_space<vmem_shared>>
      tpu.enqueue_dma source(%arg5 : memref<784x128xf32, #tpu.memory_space<hbm>>) target(%dma_start3A_34 : memref<784x128xf32, #tpu.memory_space<vmem_shared>>) target_semaphore(%run_scoped3A : memref<!tpu.dma_semaphore, #tpu.memory_space<semaphore_mem>>)
      %dma_wait3A = arith.constant 0 : i32
      %dma_wait3A_35 = tpu.memref_slice %arg7[%mul3A_3, %dma_wait3A] : memref<12544x128xf32, #tpu.memory_space<vmem_shared>> -> memref<784x128xf32, #tpu.memory_space<vmem_shared>>
      tpu.wait_dma2 semaphore(%run_scoped3A : memref<!tpu.dma_semaphore, #tpu.memory_space<semaphore_mem>>) src(%arg5 : memref<784x128xf32, #tpu.memory_space<hbm>>) dst(%dma_wait3A_35 : memref<784x128xf32, #tpu.memory_space<vmem_shared>>)
      tpu.yield
    }) : () -> ()
    %barrier3A = arith.constant 0 : index
    tpu.barrier barrier_id(%barrier3A)
    %scan3A = arith.constant 0 : i32
    %scan3A_7 = arith.constant 0 : i32
    %scan3A_8 = arith.constant 147 : i32
    %scan3A_9 = arith.addi %scan3A_7, %scan3A_8 : i32
    %scan3A_10 = arith.constant 1 : i32
    %scan3A_11 = scf.for %scan3A_34 = %scan3A_7 to %scan3A_9 step %scan3A_10 iter_args(%scan3A_35 = %scan3A) -> (i32)  : i32 {
      %mul3A_36 = arith.constant 16 : i32
      %mul3A_37 = arith.muli %mul3A_36, %scan3A_34 : i32
      %add3A_38 = arith.addi %arg1, %mul3A_37 : i32
      %mul3A_39 = arith.constant 128 : i32
      %mul3A_40 = arith.muli %add3A_38, %mul3A_39 : i32
      "tpu.region"() ({
        %run_scoped3A = tpu.sem_alloc : memref<!tpu.dma_semaphore, #tpu.memory_space<semaphore_mem>>
        %dma_start3A_189 = tpu.memref_slice %arg2[%mul3A_40] : memref<301056xi32, #tpu.memory_space<hbm>> -> memref<128xi32, #tpu.memory_space<hbm>>
        %dma_start3A_190 = tpu.memref_slice %arg2[%mul3A_40] : memref<301056xi32, #tpu.memory_space<hbm>> -> memref<128xi32, #tpu.memory_space<hbm>>
        tpu.enqueue_dma source(%dma_start3A_190 : memref<128xi32, #tpu.memory_space<hbm>>) target(%arg8 : memref<128xi32, #tpu.memory_space<vmem>>) target_semaphore(%run_scoped3A : memref<!tpu.dma_semaphore, #tpu.memory_space<semaphore_mem>>)
        %dma_wait3A_191 = tpu.memref_slice %arg2[%mul3A_40] : memref<301056xi32, #tpu.memory_space<hbm>> -> memref<128xi32, #tpu.memory_space<hbm>>
        %dma_wait3A_192 = tpu.memref_slice %arg2[%mul3A_40] : memref<301056xi32, #tpu.memory_space<hbm>> -> memref<128xi32, #tpu.memory_space<hbm>>
        tpu.wait_dma2 semaphore(%run_scoped3A : memref<!tpu.dma_semaphore, #tpu.memory_space<semaphore_mem>>) src(%dma_wait3A_192 : memref<128xi32, #tpu.memory_space<hbm>>) dst(%arg8 : memref<128xi32, #tpu.memory_space<vmem>>)
        tpu.yield
      }) : () -> ()
      "tpu.region"() ({
        %run_scoped3A = tpu.sem_alloc : memref<!tpu.dma_semaphore, #tpu.memory_space<semaphore_mem>>
        %dma_start3A_189 = tpu.memref_slice %arg3[%mul3A_40] : memref<301056xi32, #tpu.memory_space<hbm>> -> memref<128xi32, #tpu.memory_space<hbm>>
        %dma_start3A_190 = tpu.memref_slice %arg3[%mul3A_40] : memref<301056xi32, #tpu.memory_space<hbm>> -> memref<128xi32, #tpu.memory_space<hbm>>
        tpu.enqueue_dma source(%dma_start3A_190 : memref<128xi32, #tpu.memory_space<hbm>>) target(%arg9 : memref<128xi32, #tpu.memory_space<vmem>>) target_semaphore(%run_scoped3A : memref<!tpu.dma_semaphore, #tpu.memory_space<semaphore_mem>>)
        %dma_wait3A_191 = tpu.memref_slice %arg3[%mul3A_40] : memref<301056xi32, #tpu.memory_space<hbm>> -> memref<128xi32, #tpu.memory_space<hbm>>
        %dma_wait3A_192 = tpu.memref_slice %arg3[%mul3A_40] : memref<301056xi32, #tpu.memory_space<hbm>> -> memref<128xi32, #tpu.memory_space<hbm>>
        tpu.wait_dma2 semaphore(%run_scoped3A : memref<!tpu.dma_semaphore, #tpu.memory_space<semaphore_mem>>) src(%dma_wait3A_192 : memref<128xi32, #tpu.memory_space<hbm>>) dst(%arg9 : memref<128xi32, #tpu.memory_space<vmem>>)
        tpu.yield
      }) : () -> ()
      %dma_start3A = arith.constant 0 : i32
      %dma_start3A_41 = arith.constant 0 : i32
      %dma_start3A_42 = tpu.memref_slice %arg4[%dma_start3A, %dma_start3A_41] : memref<50000x128xf32, #tpu.memory_space<hbm>> -> memref<50000x128xf32, #tpu.memory_space<hbm>>
      tpu.enqueue_indirect_dma source(%dma_start3A_42 : memref<50000x128xf32, #tpu.memory_space<hbm>>) target(%arg11 : memref<128x128xf32, #tpu.memory_space<vmem>>) offsets(%arg8 : memref<128xi32, #tpu.memory_space<vmem>>) semaphore(%arg12 : memref<!tpu.dma_semaphore, #tpu.memory_space<semaphore_mem>>)
      %get3A = arith.constant 0 : index
      %get3A_43 = tpu.vector_load %arg9[%get3A] {strides = array<i32>} : memref<128xi32, #tpu.memory_space<vmem>>, vector<16xi32>,
      %get3A_44 = vector.shape_cast %get3A_43 : vector<16xi32> to vector<16xi32>
      %sub3A = vector.broadcast %mul3A_1 : i32 to vector<16xi32>
      %sub3A_45 = arith.subi %get3A_44, %sub3A : vector<16xi32>
      %ge3A = arith.constant 0 : i32
      %ge3A_46 = vector.broadcast %ge3A : i32 to vector<16xi32>
      %ge3A_47 = arith.cmpi sge, %sub3A_45, %ge3A_46 : vector<16xi32>
      %lt3A = arith.constant 12500 : i32
      %lt3A_48 = vector.broadcast %lt3A : i32 to vector<16xi32>
      %lt3A_49 = arith.cmpi slt, %sub3A_45, %lt3A_48 : vector<16xi32>
      %and3A = arith.andi %ge3A_47, %lt3A_49 : vector<16xi1>
      %jit3A = arith.constant 12500 : i32
      %broadcast_in_dim3A = vector.broadcast %jit3A : i32 to vector<16xi32>
      %select_n3A = arith.select %and3A, %sub3A_45, %broadcast_in_dim3A : vector<16xi1>, vector<16xi32>
      %swap3A = arith.constant 0 : index
      %swap3A_50 = tpu.vector_load %arg10[%swap3A] {strides = array<i32>} : memref<128xi32, #tpu.memory_space<vmem>>, vector<16xi32>,
      %swap3A_51 = vector.shape_cast %swap3A_50 : vector<16xi32> to vector<16xi32>
      %swap3A_52 = vector.shape_cast %select_n3A : vector<16xi32> to vector<16xi32>
      tpu.vector_store %arg10[%swap3A], %swap3A_52 {strides = array<i32>} : memref<128xi32, #tpu.memory_space<vmem>>, vector<16xi32>,
      %get3A_53 = arith.constant 16 : index
      %get3A_54 = tpu.vector_load %arg9[%get3A_53] {strides = array<i32>} : memref<128xi32, #tpu.memory_space<vmem>>, vector<16xi32>,
      %get3A_55 = vector.shape_cast %get3A_54 : vector<16xi32> to vector<16xi32>
      %sub3A_56 = vector.broadcast %mul3A_1 : i32 to vector<16xi32>
      %sub3A_57 = arith.subi %get3A_55, %sub3A_56 : vector<16xi32>
      %ge3A_58 = arith.constant 0 : i32
      %ge3A_59 = vector.broadcast %ge3A_58 : i32 to vector<16xi32>
      %ge3A_60 = arith.cmpi sge, %sub3A_57, %ge3A_59 : vector<16xi32>
      %lt3A_61 = arith.constant 12500 : i32
      %lt3A_62 = vector.broadcast %lt3A_61 : i32 to vector<16xi32>
      %lt3A_63 = arith.cmpi slt, %sub3A_57, %lt3A_62 : vector<16xi32>
      %and3A_64 = arith.andi %ge3A_60, %lt3A_63 : vector<16xi1>
      %jit3A_65 = arith.constant 12500 : i32
      %broadcast_in_dim3A_66 = vector.broadcast %jit3A_65 : i32 to vector<16xi32>
      %select_n3A_67 = arith.select %and3A_64, %sub3A_57, %broadcast_in_dim3A_66 : vector<16xi1>, vector<16xi32>
      %swap3A_68 = arith.constant 16 : index
      %swap3A_69 = tpu.vector_load %arg10[%swap3A_68] {strides = array<i32>} : memref<128xi32, #tpu.memory_space<vmem>>, vector<16xi32>,
      %swap3A_70 = vector.shape_cast %swap3A_69 : vector<16xi32> to vector<16xi32>
      %swap3A_71 = vector.shape_cast %select_n3A_67 : vector<16xi32> to vector<16xi32>
      tpu.vector_store %arg10[%swap3A_68], %swap3A_71 {strides = array<i32>} : memref<128xi32, #tpu.memory_space<vmem>>, vector<16xi32>,
      %get3A_72 = arith.constant 32 : index
      %get3A_73 = tpu.vector_load %arg9[%get3A_72] {strides = array<i32>} : memref<128xi32, #tpu.memory_space<vmem>>, vector<16xi32>,
      %get3A_74 = vector.shape_cast %get3A_73 : vector<16xi32> to vector<16xi32>
      %sub3A_75 = vector.broadcast %mul3A_1 : i32 to vector<16xi32>
      %sub3A_76 = arith.subi %get3A_74, %sub3A_75 : vector<16xi32>
      %ge3A_77 = arith.constant 0 : i32
      %ge3A_78 = vector.broadcast %ge3A_77 : i32 to vector<16xi32>
      %ge3A_79 = arith.cmpi sge, %sub3A_76, %ge3A_78 : vector<16xi32>
      %lt3A_80 = arith.constant 12500 : i32
      %lt3A_81 = vector.broadcast %lt3A_80 : i32 to vector<16xi32>
      %lt3A_82 = arith.cmpi slt, %sub3A_76, %lt3A_81 : vector<16xi32>
      %and3A_83 = arith.andi %ge3A_79, %lt3A_82 : vector<16xi1>
      %jit3A_84 = arith.constant 12500 : i32
      %broadcast_in_dim3A_85 = vector.broadcast %jit3A_84 : i32 to vector<16xi32>
      %select_n3A_86 = arith.select %and3A_83, %sub3A_76, %broadcast_in_dim3A_85 : vector<16xi1>, vector<16xi32>
      %swap3A_87 = arith.constant 32 : index
      %swap3A_88 = tpu.vector_load %arg10[%swap3A_87] {strides = array<i32>} : memref<128xi32, #tpu.memory_space<vmem>>, vector<16xi32>,
      %swap3A_89 = vector.shape_cast %swap3A_88 : vector<16xi32> to vector<16xi32>
      %swap3A_90 = vector.shape_cast %select_n3A_86 : vector<16xi32> to vector<16xi32>
      tpu.vector_store %arg10[%swap3A_87], %swap3A_90 {strides = array<i32>} : memref<128xi32, #tpu.memory_space<vmem>>, vector<16xi32>,
      %get3A_91 = arith.constant 48 : index
      %get3A_92 = tpu.vector_load %arg9[%get3A_91] {strides = array<i32>} : memref<128xi32, #tpu.memory_space<vmem>>, vector<16xi32>,
      %get3A_93 = vector.shape_cast %get3A_92 : vector<16xi32> to vector<16xi32>
      %sub3A_94 = vector.broadcast %mul3A_1 : i32 to vector<16xi32>
      %sub3A_95 = arith.subi %get3A_93, %sub3A_94 : vector<16xi32>
      %ge3A_96 = arith.constant 0 : i32
      %ge3A_97 = vector.broadcast %ge3A_96 : i32 to vector<16xi32>
      %ge3A_98 = arith.cmpi sge, %sub3A_95, %ge3A_97 : vector<16xi32>
      %lt3A_99 = arith.constant 12500 : i32
      %lt3A_100 = vector.broadcast %lt3A_99 : i32 to vector<16xi32>
      %lt3A_101 = arith.cmpi slt, %sub3A_95, %lt3A_100 : vector<16xi32>
      %and3A_102 = arith.andi %ge3A_98, %lt3A_101 : vector<16xi1>
      %jit3A_103 = arith.constant 12500 : i32
      %broadcast_in_dim3A_104 = vector.broadcast %jit3A_103 : i32 to vector<16xi32>
      %select_n3A_105 = arith.select %and3A_102, %sub3A_95, %broadcast_in_dim3A_104 : vector<16xi1>, vector<16xi32>
      %swap3A_106 = arith.constant 48 : index
      %swap3A_107 = tpu.vector_load %arg10[%swap3A_106] {strides = array<i32>} : memref<128xi32, #tpu.memory_space<vmem>>, vector<16xi32>,
      %swap3A_108 = vector.shape_cast %swap3A_107 : vector<16xi32> to vector<16xi32>
      %swap3A_109 = vector.shape_cast %select_n3A_105 : vector<16xi32> to vector<16xi32>
      tpu.vector_store %arg10[%swap3A_106], %swap3A_109 {strides = array<i32>} : memref<128xi32, #tpu.memory_space<vmem>>, vector<16xi32>,
      %get3A_110 = arith.constant 64 : index
      %get3A_111 = tpu.vector_load %arg9[%get3A_110] {strides = array<i32>} : memref<128xi32, #tpu.memory_space<vmem>>, vector<16xi32>,
      %get3A_112 = vector.shape_cast %get3A_111 : vector<16xi32> to vector<16xi32>
      %sub3A_113 = vector.broadcast %mul3A_1 : i32 to vector<16xi32>
      %sub3A_114 = arith.subi %get3A_112, %sub3A_113 : vector<16xi32>
      %ge3A_115 = arith.constant 0 : i32
      %ge3A_116 = vector.broadcast %ge3A_115 : i32 to vector<16xi32>
      %ge3A_117 = arith.cmpi sge, %sub3A_114, %ge3A_116 : vector<16xi32>
      %lt3A_118 = arith.constant 12500 : i32
      %lt3A_119 = vector.broadcast %lt3A_118 : i32 to vector<16xi32>
      %lt3A_120 = arith.cmpi slt, %sub3A_114, %lt3A_119 : vector<16xi32>
      %and3A_121 = arith.andi %ge3A_117, %lt3A_120 : vector<16xi1>
      %jit3A_122 = arith.constant 12500 : i32
      %broadcast_in_dim3A_123 = vector.broadcast %jit3A_122 : i32 to vector<16xi32>
      %select_n3A_124 = arith.select %and3A_121, %sub3A_114, %broadcast_in_dim3A_123 : vector<16xi1>, vector<16xi32>
      %swap3A_125 = arith.constant 64 : index
      %swap3A_126 = tpu.vector_load %arg10[%swap3A_125] {strides = array<i32>} : memref<128xi32, #tpu.memory_space<vmem>>, vector<16xi32>,
      %swap3A_127 = vector.shape_cast %swap3A_126 : vector<16xi32> to vector<16xi32>
      %swap3A_128 = vector.shape_cast %select_n3A_124 : vector<16xi32> to vector<16xi32>
      tpu.vector_store %arg10[%swap3A_125], %swap3A_128 {strides = array<i32>} : memref<128xi32, #tpu.memory_space<vmem>>, vector<16xi32>,
      %get3A_129 = arith.constant 80 : index
      %get3A_130 = tpu.vector_load %arg9[%get3A_129] {strides = array<i32>} : memref<128xi32, #tpu.memory_space<vmem>>, vector<16xi32>,
      %get3A_131 = vector.shape_cast %get3A_130 : vector<16xi32> to vector<16xi32>
      %sub3A_132 = vector.broadcast %mul3A_1 : i32 to vector<16xi32>
      %sub3A_133 = arith.subi %get3A_131, %sub3A_132 : vector<16xi32>
      %ge3A_134 = arith.constant 0 : i32
      %ge3A_135 = vector.broadcast %ge3A_134 : i32 to vector<16xi32>
      %ge3A_136 = arith.cmpi sge, %sub3A_133, %ge3A_135 : vector<16xi32>
      %lt3A_137 = arith.constant 12500 : i32
      %lt3A_138 = vector.broadcast %lt3A_137 : i32 to vector<16xi32>
      %lt3A_139 = arith.cmpi slt, %sub3A_133, %lt3A_138 : vector<16xi32>
      %and3A_140 = arith.andi %ge3A_136, %lt3A_139 : vector<16xi1>
      %jit3A_141 = arith.constant 12500 : i32
      %broadcast_in_dim3A_142 = vector.broadcast %jit3A_141 : i32 to vector<16xi32>
      %select_n3A_143 = arith.select %and3A_140, %sub3A_133, %broadcast_in_dim3A_142 : vector<16xi1>, vector<16xi32>
      %swap3A_144 = arith.constant 80 : index
      %swap3A_145 = tpu.vector_load %arg10[%swap3A_144] {strides = array<i32>} : memref<128xi32, #tpu.memory_space<vmem>>, vector<16xi32>,
      %swap3A_146 = vector.shape_cast %swap3A_145 : vector<16xi32> to vector<16xi32>
      %swap3A_147 = vector.shape_cast %select_n3A_143 : vector<16xi32> to vector<16xi32>
      tpu.vector_store %arg10[%swap3A_144], %swap3A_147 {strides = array<i32>} : memref<128xi32, #tpu.memory_space<vmem>>, vector<16xi32>,
      %get3A_148 = arith.constant 96 : index
      %get3A_149 = tpu.vector_load %arg9[%get3A_148] {strides = array<i32>} : memref<128xi32, #tpu.memory_space<vmem>>, vector<16xi32>,
      %get3A_150 = vector.shape_cast %get3A_149 : vector<16xi32> to vector<16xi32>
      %sub3A_151 = vector.broadcast %mul3A_1 : i32 to vector<16xi32>
      %sub3A_152 = arith.subi %get3A_150, %sub3A_151 : vector<16xi32>
      %ge3A_153 = arith.constant 0 : i32
      %ge3A_154 = vector.broadcast %ge3A_153 : i32 to vector<16xi32>
      %ge3A_155 = arith.cmpi sge, %sub3A_152, %ge3A_154 : vector<16xi32>
      %lt3A_156 = arith.constant 12500 : i32
      %lt3A_157 = vector.broadcast %lt3A_156 : i32 to vector<16xi32>
      %lt3A_158 = arith.cmpi slt, %sub3A_152, %lt3A_157 : vector<16xi32>
      %and3A_159 = arith.andi %ge3A_155, %lt3A_158 : vector<16xi1>
      %jit3A_160 = arith.constant 12500 : i32
      %broadcast_in_dim3A_161 = vector.broadcast %jit3A_160 : i32 to vector<16xi32>
      %select_n3A_162 = arith.select %and3A_159, %sub3A_152, %broadcast_in_dim3A_161 : vector<16xi1>, vector<16xi32>
      %swap3A_163 = arith.constant 96 : index
      %swap3A_164 = tpu.vector_load %arg10[%swap3A_163] {strides = array<i32>} : memref<128xi32, #tpu.memory_space<vmem>>, vector<16xi32>,
      %swap3A_165 = vector.shape_cast %swap3A_164 : vector<16xi32> to vector<16xi32>
      %swap3A_166 = vector.shape_cast %select_n3A_162 : vector<16xi32> to vector<16xi32>
      tpu.vector_store %arg10[%swap3A_163], %swap3A_166 {strides = array<i32>} : memref<128xi32, #tpu.memory_space<vmem>>, vector<16xi32>,
      %get3A_167 = arith.constant 112 : index
      %get3A_168 = tpu.vector_load %arg9[%get3A_167] {strides = array<i32>} : memref<128xi32, #tpu.memory_space<vmem>>, vector<16xi32>,
      %get3A_169 = vector.shape_cast %get3A_168 : vector<16xi32> to vector<16xi32>
      %sub3A_170 = vector.broadcast %mul3A_1 : i32 to vector<16xi32>
      %sub3A_171 = arith.subi %get3A_169, %sub3A_170 : vector<16xi32>
      %ge3A_172 = arith.constant 0 : i32
      %ge3A_173 = vector.broadcast %ge3A_172 : i32 to vector<16xi32>
      %ge3A_174 = arith.cmpi sge, %sub3A_171, %ge3A_173 : vector<16xi32>
      %lt3A_175 = arith.constant 12500 : i32
      %lt3A_176 = vector.broadcast %lt3A_175 : i32 to vector<16xi32>
      %lt3A_177 = arith.cmpi slt, %sub3A_171, %lt3A_176 : vector<16xi32>
      %and3A_178 = arith.andi %ge3A_174, %lt3A_177 : vector<16xi1>
      %jit3A_179 = arith.constant 12500 : i32
      %broadcast_in_dim3A_180 = vector.broadcast %jit3A_179 : i32 to vector<16xi32>
      %select_n3A_181 = arith.select %and3A_178, %sub3A_171, %broadcast_in_dim3A_180 : vector<16xi1>, vector<16xi32>
      %swap3A_182 = arith.constant 112 : index
      %swap3A_183 = tpu.vector_load %arg10[%swap3A_182] {strides = array<i32>} : memref<128xi32, #tpu.memory_space<vmem>>, vector<16xi32>,
      %swap3A_184 = vector.shape_cast %swap3A_183 : vector<16xi32> to vector<16xi32>
      %swap3A_185 = vector.shape_cast %select_n3A_181 : vector<16xi32> to vector<16xi32>
      tpu.vector_store %arg10[%swap3A_182], %swap3A_185 {strides = array<i32>} : memref<128xi32, #tpu.memory_space<vmem>>, vector<16xi32>,
      %dma_wait3A = arith.constant 0 : i32
      %dma_wait3A_186 = arith.constant 0 : i32
      %dma_wait3A_187 = tpu.memref_slice %arg4[%dma_wait3A, %dma_wait3A_186] : memref<50000x128xf32, #tpu.memory_space<hbm>> -> memref<50000x128xf32, #tpu.memory_space<hbm>>
      tpu.wait_indirect_dma semaphore(%arg12 : memref<!tpu.dma_semaphore, #tpu.memory_space<semaphore_mem>>) src(%dma_wait3A_187 : memref<50000x128xf32, #tpu.memory_space<hbm>>) dst(%arg11 : memref<128x128xf32, #tpu.memory_space<vmem>>)
      "tpu.region"() ({
        %run_scoped3A = tpu.sem_alloc : memref<!tpu.dma_semaphore, #tpu.memory_space<semaphore_mem>>
        %dma_start3A_189 = arith.constant 0 : i32
        %dma_start3A_190 = arith.constant 0 : i32
        %dma_start3A_191 = tpu.memref_slice %arg7[%dma_start3A_189, %dma_start3A_190] : memref<12544x128xf32, #tpu.memory_space<vmem_shared>> -> memref<12544x128xf32, #tpu.memory_space<vmem_shared>>
        tpu.enqueue_indirect_dma source(%arg11 : memref<128x128xf32, #tpu.memory_space<vmem>>) target(%dma_start3A_191 : memref<12544x128xf32, #tpu.memory_space<vmem_shared>>) offsets(%arg10 : memref<128xi32, #tpu.memory_space<vmem>>) semaphore(%run_scoped3A : memref<!tpu.dma_semaphore, #tpu.memory_space<semaphore_mem>>) {add = true}
        %dma_wait3A_192 = arith.constant 0 : i32
        %dma_wait3A_193 = arith.constant 0 : i32
        %dma_wait3A_194 = tpu.memref_slice %arg7[%dma_wait3A_192, %dma_wait3A_193] : memref<12544x128xf32, #tpu.memory_space<vmem_shared>> -> memref<12544x128xf32, #tpu.memory_space<vmem_shared>>
        tpu.wait_indirect_dma semaphore(%run_scoped3A : memref<!tpu.dma_semaphore, #tpu.memory_space<semaphore_mem>>) src(%arg11 : memref<128x128xf32, #tpu.memory_space<vmem>>) dst(%dma_wait3A_194 : memref<12544x128xf32, #tpu.memory_space<vmem_shared>>)
        tpu.yield
      }) : () -> ()
      %scan3A_188 = arith.constant 0 : i32
      scf.yield %scan3A_188 : i32
    }
    %scan3A_12 = arith.constant 147 : i32
    %barrier3A_13 = arith.constant 0 : index
    tpu.barrier barrier_id(%barrier3A_13)
    "tpu.region"() ({
      %run_scoped3A = tpu.sem_alloc : memref<!tpu.dma_semaphore, #tpu.memory_space<semaphore_mem>>
      %dma_start3A = arith.constant 0 : i32
      %dma_start3A_34 = tpu.memref_slice %arg6[%add3A_6, %dma_start3A] : memref<50176x128xf32, #tpu.memory_space<hbm>> -> memref<784x128xf32, #tpu.memory_space<hbm>>
      %dma_start3A_35 = arith.constant 0 : i32
      %dma_start3A_36 = tpu.memref_slice %arg7[%mul3A_3, %dma_start3A_35] : memref<12544x128xf32, #tpu.memory_space<vmem_shared>> -> memref<784x128xf32, #tpu.memory_space<vmem_shared>>
      tpu.enqueue_dma source(%dma_start3A_36 : memref<784x128xf32, #tpu.memory_space<vmem_shared>>) target(%dma_start3A_34 : memref<784x128xf32, #tpu.memory_space<hbm>>) target_semaphore(%run_scoped3A : memref<!tpu.dma_semaphore, #tpu.memory_space<semaphore_mem>>)
      %dma_wait3A = arith.constant 0 : i32
      %dma_wait3A_37 = tpu.memref_slice %arg6[%add3A_6, %dma_wait3A] : memref<50176x128xf32, #tpu.memory_space<hbm>> -> memref<784x128xf32, #tpu.memory_space<hbm>>
      %dma_wait3A_38 = arith.constant 0 : i32
      %dma_wait3A_39 = tpu.memref_slice %arg7[%mul3A_3, %dma_wait3A_38] : memref<12544x128xf32, #tpu.memory_space<vmem_shared>> -> memref<784x128xf32, #tpu.memory_space<vmem_shared>>
      tpu.wait_dma2 semaphore(%run_scoped3A : memref<!tpu.dma_semaphore, #tpu.memory_space<semaphore_mem>>) src(%dma_wait3A_39 : memref<784x128xf32, #tpu.memory_space<vmem_shared>>) dst(%dma_wait3A_37 : memref<784x128xf32, #tpu.memory_space<hbm>>)
      tpu.yield
    }) : () -> ()
    %barrier3A_14 = arith.constant 0 : index
    tpu.barrier barrier_id(%barrier3A_14)
    %add3A_15 = arith.constant 2 : i32
    %add3A_16 = arith.addi %arg0, %add3A_15 : i32
    %mul3A_17 = arith.constant 12500 : i32
    %mul3A_18 = arith.muli %add3A_16, %mul3A_17 : i32
    %mul3A_19 = arith.constant 784 : i32
    %mul3A_20 = arith.muli %arg1, %mul3A_19 : i32
    %mul3A_21 = arith.constant 12544 : i32
    %mul3A_22 = arith.muli %add3A_16, %mul3A_21 : i32
    %add3A_23 = arith.addi %mul3A_22, %mul3A_20 : i32
    "tpu.region"() ({
      %run_scoped3A = tpu.sem_alloc : memref<!tpu.dma_semaphore, #tpu.memory_space<semaphore_mem>>
      %dma_start3A = arith.constant 0 : i32
      %dma_start3A_34 = tpu.memref_slice %arg7[%mul3A_20, %dma_start3A] : memref<12544x128xf32, #tpu.memory_space<vmem_shared>> -> memref<784x128xf32, #tpu.memory_space<vmem_shared>>
      tpu.enqueue_dma source(%arg5 : memref<784x128xf32, #tpu.memory_space<hbm>>) target(%dma_start3A_34 : memref<784x128xf32, #tpu.memory_space<vmem_shared>>) target_semaphore(%run_scoped3A : memref<!tpu.dma_semaphore, #tpu.memory_space<semaphore_mem>>)
      %dma_wait3A = arith.constant 0 : i32
      %dma_wait3A_35 = tpu.memref_slice %arg7[%mul3A_20, %dma_wait3A] : memref<12544x128xf32, #tpu.memory_space<vmem_shared>> -> memref<784x128xf32, #tpu.memory_space<vmem_shared>>
      tpu.wait_dma2 semaphore(%run_scoped3A : memref<!tpu.dma_semaphore, #tpu.memory_space<semaphore_mem>>) src(%arg5 : memref<784x128xf32, #tpu.memory_space<hbm>>) dst(%dma_wait3A_35 : memref<784x128xf32, #tpu.memory_space<vmem_shared>>)
      tpu.yield
    }) : () -> ()
    %barrier3A_24 = arith.constant 0 : index
    tpu.barrier barrier_id(%barrier3A_24)
    %scan3A_25 = arith.constant 0 : i32
    %scan3A_26 = arith.constant 0 : i32
    %scan3A_27 = arith.constant 147 : i32
    %scan3A_28 = arith.addi %scan3A_26, %scan3A_27 : i32
    %scan3A_29 = arith.constant 1 : i32
    %scan3A_30 = scf.for %scan3A_34 = %scan3A_26 to %scan3A_28 step %scan3A_29 iter_args(%scan3A_35 = %scan3A_25) -> (i32)  : i32 {
      %mul3A_36 = arith.constant 16 : i32
      %mul3A_37 = arith.muli %mul3A_36, %scan3A_34 : i32
      %add3A_38 = arith.addi %arg1, %mul3A_37 : i32
      %mul3A_39 = arith.constant 128 : i32
      %mul3A_40 = arith.muli %add3A_38, %mul3A_39 : i32
      "tpu.region"() ({
        %run_scoped3A = tpu.sem_alloc : memref<!tpu.dma_semaphore, #tpu.memory_space<semaphore_mem>>
        %dma_start3A_189 = tpu.memref_slice %arg2[%mul3A_40] : memref<301056xi32, #tpu.memory_space<hbm>> -> memref<128xi32, #tpu.memory_space<hbm>>
        %dma_start3A_190 = tpu.memref_slice %arg2[%mul3A_40] : memref<301056xi32, #tpu.memory_space<hbm>> -> memref<128xi32, #tpu.memory_space<hbm>>
        tpu.enqueue_dma source(%dma_start3A_190 : memref<128xi32, #tpu.memory_space<hbm>>) target(%arg8 : memref<128xi32, #tpu.memory_space<vmem>>) target_semaphore(%run_scoped3A : memref<!tpu.dma_semaphore, #tpu.memory_space<semaphore_mem>>)
        %dma_wait3A_191 = tpu.memref_slice %arg2[%mul3A_40] : memref<301056xi32, #tpu.memory_space<hbm>> -> memref<128xi32, #tpu.memory_space<hbm>>
        %dma_wait3A_192 = tpu.memref_slice %arg2[%mul3A_40] : memref<301056xi32, #tpu.memory_space<hbm>> -> memref<128xi32, #tpu.memory_space<hbm>>
        tpu.wait_dma2 semaphore(%run_scoped3A : memref<!tpu.dma_semaphore, #tpu.memory_space<semaphore_mem>>) src(%dma_wait3A_192 : memref<128xi32, #tpu.memory_space<hbm>>) dst(%arg8 : memref<128xi32, #tpu.memory_space<vmem>>)
        tpu.yield
      }) : () -> ()
      "tpu.region"() ({
        %run_scoped3A = tpu.sem_alloc : memref<!tpu.dma_semaphore, #tpu.memory_space<semaphore_mem>>
        %dma_start3A_189 = tpu.memref_slice %arg3[%mul3A_40] : memref<301056xi32, #tpu.memory_space<hbm>> -> memref<128xi32, #tpu.memory_space<hbm>>
        %dma_start3A_190 = tpu.memref_slice %arg3[%mul3A_40] : memref<301056xi32, #tpu.memory_space<hbm>> -> memref<128xi32, #tpu.memory_space<hbm>>
        tpu.enqueue_dma source(%dma_start3A_190 : memref<128xi32, #tpu.memory_space<hbm>>) target(%arg9 : memref<128xi32, #tpu.memory_space<vmem>>) target_semaphore(%run_scoped3A : memref<!tpu.dma_semaphore, #tpu.memory_space<semaphore_mem>>)
        %dma_wait3A_191 = tpu.memref_slice %arg3[%mul3A_40] : memref<301056xi32, #tpu.memory_space<hbm>> -> memref<128xi32, #tpu.memory_space<hbm>>
        %dma_wait3A_192 = tpu.memref_slice %arg3[%mul3A_40] : memref<301056xi32, #tpu.memory_space<hbm>> -> memref<128xi32, #tpu.memory_space<hbm>>
        tpu.wait_dma2 semaphore(%run_scoped3A : memref<!tpu.dma_semaphore, #tpu.memory_space<semaphore_mem>>) src(%dma_wait3A_192 : memref<128xi32, #tpu.memory_space<hbm>>) dst(%arg9 : memref<128xi32, #tpu.memory_space<vmem>>)
        tpu.yield
      }) : () -> ()
      %dma_start3A = arith.constant 0 : i32
      %dma_start3A_41 = arith.constant 0 : i32
      %dma_start3A_42 = tpu.memref_slice %arg4[%dma_start3A, %dma_start3A_41] : memref<50000x128xf32, #tpu.memory_space<hbm>> -> memref<50000x128xf32, #tpu.memory_space<hbm>>
      tpu.enqueue_indirect_dma source(%dma_start3A_42 : memref<50000x128xf32, #tpu.memory_space<hbm>>) target(%arg11 : memref<128x128xf32, #tpu.memory_space<vmem>>) offsets(%arg8 : memref<128xi32, #tpu.memory_space<vmem>>) semaphore(%arg12 : memref<!tpu.dma_semaphore, #tpu.memory_space<semaphore_mem>>)
      %get3A = arith.constant 0 : index
      %get3A_43 = tpu.vector_load %arg9[%get3A] {strides = array<i32>} : memref<128xi32, #tpu.memory_space<vmem>>, vector<16xi32>,
      %get3A_44 = vector.shape_cast %get3A_43 : vector<16xi32> to vector<16xi32>
      %sub3A = vector.broadcast %mul3A_18 : i32 to vector<16xi32>
      %sub3A_45 = arith.subi %get3A_44, %sub3A : vector<16xi32>
      %ge3A = arith.constant 0 : i32
      %ge3A_46 = vector.broadcast %ge3A : i32 to vector<16xi32>
      %ge3A_47 = arith.cmpi sge, %sub3A_45, %ge3A_46 : vector<16xi32>
      %lt3A = arith.constant 12500 : i32
      %lt3A_48 = vector.broadcast %lt3A : i32 to vector<16xi32>
      %lt3A_49 = arith.cmpi slt, %sub3A_45, %lt3A_48 : vector<16xi32>
      %and3A = arith.andi %ge3A_47, %lt3A_49 : vector<16xi1>
      %jit3A = arith.constant 12500 : i32
      %broadcast_in_dim3A = vector.broadcast %jit3A : i32 to vector<16xi32>
      %select_n3A = arith.select %and3A, %sub3A_45, %broadcast_in_dim3A : vector<16xi1>, vector<16xi32>
      %swap3A = arith.constant 0 : index
      %swap3A_50 = tpu.vector_load %arg10[%swap3A] {strides = array<i32>} : memref<128xi32, #tpu.memory_space<vmem>>, vector<16xi32>,
      %swap3A_51 = vector.shape_cast %swap3A_50 : vector<16xi32> to vector<16xi32>
      %swap3A_52 = vector.shape_cast %select_n3A : vector<16xi32> to vector<16xi32>
      tpu.vector_store %arg10[%swap3A], %swap3A_52 {strides = array<i32>} : memref<128xi32, #tpu.memory_space<vmem>>, vector<16xi32>,
      %get3A_53 = arith.constant 16 : index
      %get3A_54 = tpu.vector_load %arg9[%get3A_53] {strides = array<i32>} : memref<128xi32, #tpu.memory_space<vmem>>, vector<16xi32>,
      %get3A_55 = vector.shape_cast %get3A_54 : vector<16xi32> to vector<16xi32>
      %sub3A_56 = vector.broadcast %mul3A_18 : i32 to vector<16xi32>
      %sub3A_57 = arith.subi %get3A_55, %sub3A_56 : vector<16xi32>
      %ge3A_58 = arith.constant 0 : i32
      %ge3A_59 = vector.broadcast %ge3A_58 : i32 to vector<16xi32>
      %ge3A_60 = arith.cmpi sge, %sub3A_57, %ge3A_59 : vector<16xi32>
      %lt3A_61 = arith.constant 12500 : i32
      %lt3A_62 = vector.broadcast %lt3A_61 : i32 to vector<16xi32>
      %lt3A_63 = arith.cmpi slt, %sub3A_57, %lt3A_62 : vector<16xi32>
      %and3A_64 = arith.andi %ge3A_60, %lt3A_63 : vector<16xi1>
      %jit3A_65 = arith.constant 12500 : i32
      %broadcast_in_dim3A_66 = vector.broadcast %jit3A_65 : i32 to vector<16xi32>
      %select_n3A_67 = arith.select %and3A_64, %sub3A_57, %broadcast_in_dim3A_66 : vector<16xi1>, vector<16xi32>
      %swap3A_68 = arith.constant 16 : index
      %swap3A_69 = tpu.vector_load %arg10[%swap3A_68] {strides = array<i32>} : memref<128xi32, #tpu.memory_space<vmem>>, vector<16xi32>,
      %swap3A_70 = vector.shape_cast %swap3A_69 : vector<16xi32> to vector<16xi32>
      %swap3A_71 = vector.shape_cast %select_n3A_67 : vector<16xi32> to vector<16xi32>
      tpu.vector_store %arg10[%swap3A_68], %swap3A_71 {strides = array<i32>} : memref<128xi32, #tpu.memory_space<vmem>>, vector<16xi32>,
      %get3A_72 = arith.constant 32 : index
      %get3A_73 = tpu.vector_load %arg9[%get3A_72] {strides = array<i32>} : memref<128xi32, #tpu.memory_space<vmem>>, vector<16xi32>,
      %get3A_74 = vector.shape_cast %get3A_73 : vector<16xi32> to vector<16xi32>
      %sub3A_75 = vector.broadcast %mul3A_18 : i32 to vector<16xi32>
      %sub3A_76 = arith.subi %get3A_74, %sub3A_75 : vector<16xi32>
      %ge3A_77 = arith.constant 0 : i32
      %ge3A_78 = vector.broadcast %ge3A_77 : i32 to vector<16xi32>
      %ge3A_79 = arith.cmpi sge, %sub3A_76, %ge3A_78 : vector<16xi32>
      %lt3A_80 = arith.constant 12500 : i32
      %lt3A_81 = vector.broadcast %lt3A_80 : i32 to vector<16xi32>
      %lt3A_82 = arith.cmpi slt, %sub3A_76, %lt3A_81 : vector<16xi32>
      %and3A_83 = arith.andi %ge3A_79, %lt3A_82 : vector<16xi1>
      %jit3A_84 = arith.constant 12500 : i32
      %broadcast_in_dim3A_85 = vector.broadcast %jit3A_84 : i32 to vector<16xi32>
      %select_n3A_86 = arith.select %and3A_83, %sub3A_76, %broadcast_in_dim3A_85 : vector<16xi1>, vector<16xi32>
      %swap3A_87 = arith.constant 32 : index
      %swap3A_88 = tpu.vector_load %arg10[%swap3A_87] {strides = array<i32>} : memref<128xi32, #tpu.memory_space<vmem>>, vector<16xi32>,
      %swap3A_89 = vector.shape_cast %swap3A_88 : vector<16xi32> to vector<16xi32>
      %swap3A_90 = vector.shape_cast %select_n3A_86 : vector<16xi32> to vector<16xi32>
      tpu.vector_store %arg10[%swap3A_87], %swap3A_90 {strides = array<i32>} : memref<128xi32, #tpu.memory_space<vmem>>, vector<16xi32>,
      %get3A_91 = arith.constant 48 : index
      %get3A_92 = tpu.vector_load %arg9[%get3A_91] {strides = array<i32>} : memref<128xi32, #tpu.memory_space<vmem>>, vector<16xi32>,
      %get3A_93 = vector.shape_cast %get3A_92 : vector<16xi32> to vector<16xi32>
      %sub3A_94 = vector.broadcast %mul3A_18 : i32 to vector<16xi32>
      %sub3A_95 = arith.subi %get3A_93, %sub3A_94 : vector<16xi32>
      %ge3A_96 = arith.constant 0 : i32
      %ge3A_97 = vector.broadcast %ge3A_96 : i32 to vector<16xi32>
      %ge3A_98 = arith.cmpi sge, %sub3A_95, %ge3A_97 : vector<16xi32>
      %lt3A_99 = arith.constant 12500 : i32
      %lt3A_100 = vector.broadcast %lt3A_99 : i32 to vector<16xi32>
      %lt3A_101 = arith.cmpi slt, %sub3A_95, %lt3A_100 : vector<16xi32>
      %and3A_102 = arith.andi %ge3A_98, %lt3A_101 : vector<16xi1>
      %jit3A_103 = arith.constant 12500 : i32
      %broadcast_in_dim3A_104 = vector.broadcast %jit3A_103 : i32 to vector<16xi32>
      %select_n3A_105 = arith.select %and3A_102, %sub3A_95, %broadcast_in_dim3A_104 : vector<16xi1>, vector<16xi32>
      %swap3A_106 = arith.constant 48 : index
      %swap3A_107 = tpu.vector_load %arg10[%swap3A_106] {strides = array<i32>} : memref<128xi32, #tpu.memory_space<vmem>>, vector<16xi32>,
      %swap3A_108 = vector.shape_cast %swap3A_107 : vector<16xi32> to vector<16xi32>
      %swap3A_109 = vector.shape_cast %select_n3A_105 : vector<16xi32> to vector<16xi32>
      tpu.vector_store %arg10[%swap3A_106], %swap3A_109 {strides = array<i32>} : memref<128xi32, #tpu.memory_space<vmem>>, vector<16xi32>,
      %get3A_110 = arith.constant 64 : index
      %get3A_111 = tpu.vector_load %arg9[%get3A_110] {strides = array<i32>} : memref<128xi32, #tpu.memory_space<vmem>>, vector<16xi32>,
      %get3A_112 = vector.shape_cast %get3A_111 : vector<16xi32> to vector<16xi32>
      %sub3A_113 = vector.broadcast %mul3A_18 : i32 to vector<16xi32>
      %sub3A_114 = arith.subi %get3A_112, %sub3A_113 : vector<16xi32>
      %ge3A_115 = arith.constant 0 : i32
      %ge3A_116 = vector.broadcast %ge3A_115 : i32 to vector<16xi32>
      %ge3A_117 = arith.cmpi sge, %sub3A_114, %ge3A_116 : vector<16xi32>
      %lt3A_118 = arith.constant 12500 : i32
      %lt3A_119 = vector.broadcast %lt3A_118 : i32 to vector<16xi32>
      %lt3A_120 = arith.cmpi slt, %sub3A_114, %lt3A_119 : vector<16xi32>
      %and3A_121 = arith.andi %ge3A_117, %lt3A_120 : vector<16xi1>
      %jit3A_122 = arith.constant 12500 : i32
      %broadcast_in_dim3A_123 = vector.broadcast %jit3A_122 : i32 to vector<16xi32>
      %select_n3A_124 = arith.select %and3A_121, %sub3A_114, %broadcast_in_dim3A_123 : vector<16xi1>, vector<16xi32>
      %swap3A_125 = arith.constant 64 : index
      %swap3A_126 = tpu.vector_load %arg10[%swap3A_125] {strides = array<i32>} : memref<128xi32, #tpu.memory_space<vmem>>, vector<16xi32>,
      %swap3A_127 = vector.shape_cast %swap3A_126 : vector<16xi32> to vector<16xi32>
      %swap3A_128 = vector.shape_cast %select_n3A_124 : vector<16xi32> to vector<16xi32>
      tpu.vector_store %arg10[%swap3A_125], %swap3A_128 {strides = array<i32>} : memref<128xi32, #tpu.memory_space<vmem>>, vector<16xi32>,
      %get3A_129 = arith.constant 80 : index
      %get3A_130 = tpu.vector_load %arg9[%get3A_129] {strides = array<i32>} : memref<128xi32, #tpu.memory_space<vmem>>, vector<16xi32>,
      %get3A_131 = vector.shape_cast %get3A_130 : vector<16xi32> to vector<16xi32>
      %sub3A_132 = vector.broadcast %mul3A_18 : i32 to vector<16xi32>
      %sub3A_133 = arith.subi %get3A_131, %sub3A_132 : vector<16xi32>
      %ge3A_134 = arith.constant 0 : i32
      %ge3A_135 = vector.broadcast %ge3A_134 : i32 to vector<16xi32>
      %ge3A_136 = arith.cmpi sge, %sub3A_133, %ge3A_135 : vector<16xi32>
      %lt3A_137 = arith.constant 12500 : i32
      %lt3A_138 = vector.broadcast %lt3A_137 : i32 to vector<16xi32>
      %lt3A_139 = arith.cmpi slt, %sub3A_133, %lt3A_138 : vector<16xi32>
      %and3A_140 = arith.andi %ge3A_136, %lt3A_139 : vector<16xi1>
      %jit3A_141 = arith.constant 12500 : i32
      %broadcast_in_dim3A_142 = vector.broadcast %jit3A_141 : i32 to vector<16xi32>
      %select_n3A_143 = arith.select %and3A_140, %sub3A_133, %broadcast_in_dim3A_142 : vector<16xi1>, vector<16xi32>
      %swap3A_144 = arith.constant 80 : index
      %swap3A_145 = tpu.vector_load %arg10[%swap3A_144] {strides = array<i32>} : memref<128xi32, #tpu.memory_space<vmem>>, vector<16xi32>,
      %swap3A_146 = vector.shape_cast %swap3A_145 : vector<16xi32> to vector<16xi32>
      %swap3A_147 = vector.shape_cast %select_n3A_143 : vector<16xi32> to vector<16xi32>
      tpu.vector_store %arg10[%swap3A_144], %swap3A_147 {strides = array<i32>} : memref<128xi32, #tpu.memory_space<vmem>>, vector<16xi32>,
      %get3A_148 = arith.constant 96 : index
      %get3A_149 = tpu.vector_load %arg9[%get3A_148] {strides = array<i32>} : memref<128xi32, #tpu.memory_space<vmem>>, vector<16xi32>,
      %get3A_150 = vector.shape_cast %get3A_149 : vector<16xi32> to vector<16xi32>
      %sub3A_151 = vector.broadcast %mul3A_18 : i32 to vector<16xi32>
      %sub3A_152 = arith.subi %get3A_150, %sub3A_151 : vector<16xi32>
      %ge3A_153 = arith.constant 0 : i32
      %ge3A_154 = vector.broadcast %ge3A_153 : i32 to vector<16xi32>
      %ge3A_155 = arith.cmpi sge, %sub3A_152, %ge3A_154 : vector<16xi32>
      %lt3A_156 = arith.constant 12500 : i32
      %lt3A_157 = vector.broadcast %lt3A_156 : i32 to vector<16xi32>
      %lt3A_158 = arith.cmpi slt, %sub3A_152, %lt3A_157 : vector<16xi32>
      %and3A_159 = arith.andi %ge3A_155, %lt3A_158 : vector<16xi1>
      %jit3A_160 = arith.constant 12500 : i32
      %broadcast_in_dim3A_161 = vector.broadcast %jit3A_160 : i32 to vector<16xi32>
      %select_n3A_162 = arith.select %and3A_159, %sub3A_152, %broadcast_in_dim3A_161 : vector<16xi1>, vector<16xi32>
      %swap3A_163 = arith.constant 96 : index
      %swap3A_164 = tpu.vector_load %arg10[%swap3A_163] {strides = array<i32>} : memref<128xi32, #tpu.memory_space<vmem>>, vector<16xi32>,
      %swap3A_165 = vector.shape_cast %swap3A_164 : vector<16xi32> to vector<16xi32>
      %swap3A_166 = vector.shape_cast %select_n3A_162 : vector<16xi32> to vector<16xi32>
      tpu.vector_store %arg10[%swap3A_163], %swap3A_166 {strides = array<i32>} : memref<128xi32, #tpu.memory_space<vmem>>, vector<16xi32>,
      %get3A_167 = arith.constant 112 : index
      %get3A_168 = tpu.vector_load %arg9[%get3A_167] {strides = array<i32>} : memref<128xi32, #tpu.memory_space<vmem>>, vector<16xi32>,
      %get3A_169 = vector.shape_cast %get3A_168 : vector<16xi32> to vector<16xi32>
      %sub3A_170 = vector.broadcast %mul3A_18 : i32 to vector<16xi32>
      %sub3A_171 = arith.subi %get3A_169, %sub3A_170 : vector<16xi32>
      %ge3A_172 = arith.constant 0 : i32
      %ge3A_173 = vector.broadcast %ge3A_172 : i32 to vector<16xi32>
      %ge3A_174 = arith.cmpi sge, %sub3A_171, %ge3A_173 : vector<16xi32>
      %lt3A_175 = arith.constant 12500 : i32
      %lt3A_176 = vector.broadcast %lt3A_175 : i32 to vector<16xi32>
      %lt3A_177 = arith.cmpi slt, %sub3A_171, %lt3A_176 : vector<16xi32>
      %and3A_178 = arith.andi %ge3A_174, %lt3A_177 : vector<16xi1>
      %jit3A_179 = arith.constant 12500 : i32
      %broadcast_in_dim3A_180 = vector.broadcast %jit3A_179 : i32 to vector<16xi32>
      %select_n3A_181 = arith.select %and3A_178, %sub3A_171, %broadcast_in_dim3A_180 : vector<16xi1>, vector<16xi32>
      %swap3A_182 = arith.constant 112 : index
      %swap3A_183 = tpu.vector_load %arg10[%swap3A_182] {strides = array<i32>} : memref<128xi32, #tpu.memory_space<vmem>>, vector<16xi32>,
      %swap3A_184 = vector.shape_cast %swap3A_183 : vector<16xi32> to vector<16xi32>
      %swap3A_185 = vector.shape_cast %select_n3A_181 : vector<16xi32> to vector<16xi32>
      tpu.vector_store %arg10[%swap3A_182], %swap3A_185 {strides = array<i32>} : memref<128xi32, #tpu.memory_space<vmem>>, vector<16xi32>,
      %dma_wait3A = arith.constant 0 : i32
      %dma_wait3A_186 = arith.constant 0 : i32
      %dma_wait3A_187 = tpu.memref_slice %arg4[%dma_wait3A, %dma_wait3A_186] : memref<50000x128xf32, #tpu.memory_space<hbm>> -> memref<50000x128xf32, #tpu.memory_space<hbm>>
      tpu.wait_indirect_dma semaphore(%arg12 : memref<!tpu.dma_semaphore, #tpu.memory_space<semaphore_mem>>) src(%dma_wait3A_187 : memref<50000x128xf32, #tpu.memory_space<hbm>>) dst(%arg11 : memref<128x128xf32, #tpu.memory_space<vmem>>)
      "tpu.region"() ({
        %run_scoped3A = tpu.sem_alloc : memref<!tpu.dma_semaphore, #tpu.memory_space<semaphore_mem>>
        %dma_start3A_189 = arith.constant 0 : i32
        %dma_start3A_190 = arith.constant 0 : i32
        %dma_start3A_191 = tpu.memref_slice %arg7[%dma_start3A_189, %dma_start3A_190] : memref<12544x128xf32, #tpu.memory_space<vmem_shared>> -> memref<12544x128xf32, #tpu.memory_space<vmem_shared>>
        tpu.enqueue_indirect_dma source(%arg11 : memref<128x128xf32, #tpu.memory_space<vmem>>) target(%dma_start3A_191 : memref<12544x128xf32, #tpu.memory_space<vmem_shared>>) offsets(%arg10 : memref<128xi32, #tpu.memory_space<vmem>>) semaphore(%run_scoped3A : memref<!tpu.dma_semaphore, #tpu.memory_space<semaphore_mem>>) {add = true}
        %dma_wait3A_192 = arith.constant 0 : i32
        %dma_wait3A_193 = arith.constant 0 : i32
        %dma_wait3A_194 = tpu.memref_slice %arg7[%dma_wait3A_192, %dma_wait3A_193] : memref<12544x128xf32, #tpu.memory_space<vmem_shared>> -> memref<12544x128xf32, #tpu.memory_space<vmem_shared>>
        tpu.wait_indirect_dma semaphore(%run_scoped3A : memref<!tpu.dma_semaphore, #tpu.memory_space<semaphore_mem>>) src(%arg11 : memref<128x128xf32, #tpu.memory_space<vmem>>) dst(%dma_wait3A_194 : memref<12544x128xf32, #tpu.memory_space<vmem_shared>>)
        tpu.yield
      }) : () -> ()
      %scan3A_188 = arith.constant 0 : i32
      scf.yield %scan3A_188 : i32
    }
    %scan3A_31 = arith.constant 147 : i32
    %barrier3A_32 = arith.constant 0 : index
    tpu.barrier barrier_id(%barrier3A_32)
    "tpu.region"() ({
      %run_scoped3A = tpu.sem_alloc : memref<!tpu.dma_semaphore, #tpu.memory_space<semaphore_mem>>
      %dma_start3A = arith.constant 0 : i32
      %dma_start3A_34 = tpu.memref_slice %arg6[%add3A_23, %dma_start3A] : memref<50176x128xf32, #tpu.memory_space<hbm>> -> memref<784x128xf32, #tpu.memory_space<hbm>>
      %dma_start3A_35 = arith.constant 0 : i32
      %dma_start3A_36 = tpu.memref_slice %arg7[%mul3A_20, %dma_start3A_35] : memref<12544x128xf32, #tpu.memory_space<vmem_shared>> -> memref<784x128xf32, #tpu.memory_space<vmem_shared>>
      tpu.enqueue_dma source(%dma_start3A_36 : memref<784x128xf32, #tpu.memory_space<vmem_shared>>) target(%dma_start3A_34 : memref<784x128xf32, #tpu.memory_space<hbm>>) target_semaphore(%run_scoped3A : memref<!tpu.dma_semaphore, #tpu.memory_space<semaphore_mem>>)
      %dma_wait3A = arith.constant 0 : i32
      %dma_wait3A_37 = tpu.memref_slice %arg6[%add3A_23, %dma_wait3A] : memref<50176x128xf32, #tpu.memory_space<hbm>> -> memref<784x128xf32, #tpu.memory_space<hbm>>
      %dma_wait3A_38 = arith.constant 0 : i32
      %dma_wait3A_39 = tpu.memref_slice %arg7[%mul3A_20, %dma_wait3A_38] : memref<12544x128xf32, #tpu.memory_space<vmem_shared>> -> memref<784x128xf32, #tpu.memory_space<vmem_shared>>
      tpu.wait_dma2 semaphore(%run_scoped3A : memref<!tpu.dma_semaphore, #tpu.memory_space<semaphore_mem>>) src(%dma_wait3A_39 : memref<784x128xf32, #tpu.memory_space<vmem_shared>>) dst(%dma_wait3A_37 : memref<784x128xf32, #tpu.memory_space<hbm>>)
      tpu.yield
    }) : () -> ()
    %barrier3A_33 = arith.constant 0 : index
    tpu.barrier barrier_id(%barrier3A_33)
    return
  }
}

module attributes {stable_mosaic.version = 14 : i64} {
  func.func @_mlp_body(%arg0: i32, %arg1: memref<1000x128xf32, #tpu.memory_space<vmem>>, %arg2: memref<128x128xf32, #tpu.memory_space<vmem>>, %arg3: memref<1x128xf32, #tpu.memory_space<vmem>>, %arg4: memref<128x128xf32, #tpu.memory_space<vmem>>, %arg5: memref<1x128xf32, #tpu.memory_space<vmem>>, %arg6: memref<1000x128xf32, #tpu.memory_space<vmem>>) attributes {dimension_semantics = [#tpu.dimension_semantics<parallel>], iteration_bounds = array<i64: 50>, scalar_prefetch = 0 : i64, scratch_operands = 0 : i64, tpu.core_type = #tpu.core_type<tc>, window_params = [{transform_indices = @transform_0, window_bounds = array<i64: 1000, 128>}, {pipeline_mode = #tpu.pipeline_mode<synchronous>, transform_indices = @transform_1, window_bounds = array<i64: 128, 128>}, {pipeline_mode = #tpu.pipeline_mode<synchronous>, transform_indices = @transform_2, window_bounds = array<i64: 1, 128>}, {pipeline_mode = #tpu.pipeline_mode<synchronous>, transform_indices = @transform_3, window_bounds = array<i64: 128, 128>}, {pipeline_mode = #tpu.pipeline_mode<synchronous>, transform_indices = @transform_4, window_bounds = array<i64: 1, 128>}, {transform_indices = @transform_5, window_bounds = array<i64: 1000, 128>}]} {
    %get3A = arith.constant 0 : index
    %get3A_0 = arith.constant 0 : index
    %get3A_1 = vector.load %arg1[%get3A, %get3A_0] : memref<1000x128xf32, #tpu.memory_space<vmem>>, vector<1000x128xf32>
    %get3A_2 = arith.constant 0 : index
    %get3A_3 = arith.constant 0 : index
    %get3A_4 = vector.load %arg2[%get3A_2, %get3A_3] : memref<128x128xf32, #tpu.memory_space<vmem>>, vector<128x128xf32>
    %get3A_5 = arith.constant 0 : index
    %get3A_6 = arith.constant 0 : index
    %get3A_7 = vector.load %arg3[%get3A_5, %get3A_6] : memref<1x128xf32, #tpu.memory_space<vmem>>, vector<1x128xf32>
    %dot_general3A = arith.constant dense<0.000000e+00> : vector<1000x128xf32>
    %dot_general3A_8 = tpu.matmul %get3A_1, %get3A_4, %dot_general3A {dimension_numbers = #tpu.dot_dimension_numbers<[1], [0], [0], [1], [0, 0, 1, 1], [], []>, transpose_lhs_hint = false} : vector<1000x128xf32>, vector<128x128xf32>, vector<1000x128xf32> -> vector<1000x128xf32>
    %add3A = vector.broadcast %get3A_7 : vector<1x128xf32> to vector<1000x128xf32>
    %add3A_9 = arith.addf %dot_general3A_8, %add3A : vector<1000x128xf32>
    %max3A = arith.constant 0.000000e+00 : f32
    %max3A_10 = vector.broadcast %max3A : f32 to vector<1000x128xf32>
    %max3A_11 = arith.maximumf %add3A_9, %max3A_10 : vector<1000x128xf32>
    %get3A_12 = arith.constant 0 : index
    %get3A_13 = arith.constant 0 : index
    %get3A_14 = vector.load %arg4[%get3A_12, %get3A_13] : memref<128x128xf32, #tpu.memory_space<vmem>>, vector<128x128xf32>
    %get3A_15 = arith.constant 0 : index
    %get3A_16 = arith.constant 0 : index
    %get3A_17 = vector.load %arg5[%get3A_15, %get3A_16] : memref<1x128xf32, #tpu.memory_space<vmem>>, vector<1x128xf32>
    %dot_general3A_18 = arith.constant dense<0.000000e+00> : vector<1000x128xf32>
    %dot_general3A_19 = tpu.matmul %max3A_11, %get3A_14, %dot_general3A_18 {dimension_numbers = #tpu.dot_dimension_numbers<[1], [0], [0], [1], [0, 0, 1, 1], [], []>, transpose_lhs_hint = false} : vector<1000x128xf32>, vector<128x128xf32>, vector<1000x128xf32> -> vector<1000x128xf32>
    %add3A_20 = vector.broadcast %get3A_17 : vector<1x128xf32> to vector<1000x128xf32>
    %add3A_21 = arith.addf %dot_general3A_19, %add3A_20 : vector<1000x128xf32>
    %max3A_22 = arith.constant 0.000000e+00 : f32
    %max3A_23 = vector.broadcast %max3A_22 : f32 to vector<1000x128xf32>
    %max3A_24 = arith.maximumf %add3A_21, %max3A_23 : vector<1000x128xf32>
    %swap3A = arith.constant 0 : index
    %swap3A_25 = arith.constant 0 : index
    %swap3A_26 = vector.load %arg6[%swap3A, %swap3A_25] : memref<1000x128xf32, #tpu.memory_space<vmem>>, vector<1000x128xf32>
    tpu.vector_store %arg6[%swap3A, %swap3A_25], %max3A_24 {strides = array<i32>} : memref<1000x128xf32, #tpu.memory_space<vmem>>, vector<1000x128xf32>,
    return
  }
  func.func @transform_0(%arg0: i32) -> (i32, i32) {
    %c0_i32 = arith.constant 0 : i32
    %c0_i32_0 = arith.constant 0 : i32
    return %arg0, %c0_i32 : i32, i32
  }
  func.func @transform_1(%arg0: i32) -> (i32, i32) {
    %c0_i32 = arith.constant 0 : i32
    %c0_i32_0 = arith.constant 0 : i32
    %c0_i32_1 = arith.constant 0 : i32
    return %c0_i32, %c0_i32_0 : i32, i32
  }
  func.func @transform_2(%arg0: i32) -> (i32, i32) {
    %c0_i32 = arith.constant 0 : i32
    %c0_i32_0 = arith.constant 0 : i32
    %c0_i32_1 = arith.constant 0 : i32
    return %c0_i32, %c0_i32_0 : i32, i32
  }
  func.func @transform_3(%arg0: i32) -> (i32, i32) {
    %c0_i32 = arith.constant 0 : i32
    %c0_i32_0 = arith.constant 0 : i32
    %c0_i32_1 = arith.constant 0 : i32
    return %c0_i32, %c0_i32_0 : i32, i32
  }
  func.func @transform_4(%arg0: i32) -> (i32, i32) {
    %c0_i32 = arith.constant 0 : i32
    %c0_i32_0 = arith.constant 0 : i32
    %c0_i32_1 = arith.constant 0 : i32
    return %c0_i32, %c0_i32_0 : i32, i32
  }
  func.func @transform_5(%arg0: i32) -> (i32, i32) {
    %c0_i32 = arith.constant 0 : i32
    %c0_i32_0 = arith.constant 0 : i32
    return %arg0, %c0_i32 : i32, i32
  }
}

module attributes {stable_mosaic.version = 14 : i64} {
  func.func @_mlp_body(%arg0: i32, %arg1: memref<1000x128xf32, #tpu.memory_space<vmem>>, %arg2: memref<128x128xf32, #tpu.memory_space<vmem>>, %arg3: memref<1x128xf32, #tpu.memory_space<vmem>>, %arg4: memref<128x128xf32, #tpu.memory_space<vmem>>, %arg5: memref<1x128xf32, #tpu.memory_space<vmem>>, %arg6: memref<128x128xf32, #tpu.memory_space<vmem>>, %arg7: memref<1x128xf32, #tpu.memory_space<vmem>>, %arg8: memref<1000x128xf32, #tpu.memory_space<vmem>>) attributes {dimension_semantics = [#tpu.dimension_semantics<parallel>], iteration_bounds = array<i64: 50>, scalar_prefetch = 0 : i64, scratch_operands = 0 : i64, tpu.core_type = #tpu.core_type<tc>, window_params = [{transform_indices = @transform_0, window_bounds = array<i64: 1000, 128>}, {pipeline_mode = #tpu.pipeline_mode<synchronous>, transform_indices = @transform_1, window_bounds = array<i64: 128, 128>}, {pipeline_mode = #tpu.pipeline_mode<synchronous>, transform_indices = @transform_2, window_bounds = array<i64: 1, 128>}, {pipeline_mode = #tpu.pipeline_mode<synchronous>, transform_indices = @transform_3, window_bounds = array<i64: 128, 128>}, {pipeline_mode = #tpu.pipeline_mode<synchronous>, transform_indices = @transform_4, window_bounds = array<i64: 1, 128>}, {pipeline_mode = #tpu.pipeline_mode<synchronous>, transform_indices = @transform_5, window_bounds = array<i64: 128, 128>}, {pipeline_mode = #tpu.pipeline_mode<synchronous>, transform_indices = @transform_6, window_bounds = array<i64: 1, 128>}, {transform_indices = @transform_7, window_bounds = array<i64: 1000, 128>}]} {
    %get3A = arith.constant 0 : index
    %get3A_0 = arith.constant 0 : index
    %get3A_1 = vector.load %arg1[%get3A, %get3A_0] : memref<1000x128xf32, #tpu.memory_space<vmem>>, vector<1000x128xf32>
    %get3A_2 = arith.constant 0 : index
    %get3A_3 = arith.constant 0 : index
    %get3A_4 = vector.load %arg2[%get3A_2, %get3A_3] : memref<128x128xf32, #tpu.memory_space<vmem>>, vector<128x128xf32>
    %get3A_5 = arith.constant 0 : index
    %get3A_6 = arith.constant 0 : index
    %get3A_7 = vector.load %arg3[%get3A_5, %get3A_6] : memref<1x128xf32, #tpu.memory_space<vmem>>, vector<1x128xf32>
    %dot_general3A = arith.constant dense<0.000000e+00> : vector<1000x128xf32>
    %dot_general3A_8 = tpu.matmul %get3A_1, %get3A_4, %dot_general3A {dimension_numbers = #tpu.dot_dimension_numbers<[1], [0], [0], [1], [0, 0, 1, 1], [], []>, transpose_lhs_hint = false} : vector<1000x128xf32>, vector<128x128xf32>, vector<1000x128xf32> -> vector<1000x128xf32>
    %add3A = vector.broadcast %get3A_7 : vector<1x128xf32> to vector<1000x128xf32>
    %add3A_9 = arith.addf %dot_general3A_8, %add3A : vector<1000x128xf32>
    %max3A = arith.constant 0.000000e+00 : f32
    %max3A_10 = vector.broadcast %max3A : f32 to vector<1000x128xf32>
    %max3A_11 = arith.maximumf %add3A_9, %max3A_10 : vector<1000x128xf32>
    %get3A_12 = arith.constant 0 : index
    %get3A_13 = arith.constant 0 : index
    %get3A_14 = vector.load %arg4[%get3A_12, %get3A_13] : memref<128x128xf32, #tpu.memory_space<vmem>>, vector<128x128xf32>
    %get3A_15 = arith.constant 0 : index
    %get3A_16 = arith.constant 0 : index
    %get3A_17 = vector.load %arg5[%get3A_15, %get3A_16] : memref<1x128xf32, #tpu.memory_space<vmem>>, vector<1x128xf32>
    %dot_general3A_18 = arith.constant dense<0.000000e+00> : vector<1000x128xf32>
    %dot_general3A_19 = tpu.matmul %max3A_11, %get3A_14, %dot_general3A_18 {dimension_numbers = #tpu.dot_dimension_numbers<[1], [0], [0], [1], [0, 0, 1, 1], [], []>, transpose_lhs_hint = false} : vector<1000x128xf32>, vector<128x128xf32>, vector<1000x128xf32> -> vector<1000x128xf32>
    %add3A_20 = vector.broadcast %get3A_17 : vector<1x128xf32> to vector<1000x128xf32>
    %add3A_21 = arith.addf %dot_general3A_19, %add3A_20 : vector<1000x128xf32>
    %max3A_22 = arith.constant 0.000000e+00 : f32
    %max3A_23 = vector.broadcast %max3A_22 : f32 to vector<1000x128xf32>
    %max3A_24 = arith.maximumf %add3A_21, %max3A_23 : vector<1000x128xf32>
    %get3A_25 = arith.constant 0 : index
    %get3A_26 = arith.constant 0 : index
    %get3A_27 = vector.load %arg6[%get3A_25, %get3A_26] : memref<128x128xf32, #tpu.memory_space<vmem>>, vector<128x128xf32>
    %get3A_28 = arith.constant 0 : index
    %get3A_29 = arith.constant 0 : index
    %get3A_30 = vector.load %arg7[%get3A_28, %get3A_29] : memref<1x128xf32, #tpu.memory_space<vmem>>, vector<1x128xf32>
    %dot_general3A_31 = arith.constant dense<0.000000e+00> : vector<1000x128xf32>
    %dot_general3A_32 = tpu.matmul %max3A_24, %get3A_27, %dot_general3A_31 {dimension_numbers = #tpu.dot_dimension_numbers<[1], [0], [0], [1], [0, 0, 1, 1], [], []>, transpose_lhs_hint = false} : vector<1000x128xf32>, vector<128x128xf32>, vector<1000x128xf32> -> vector<1000x128xf32>
    %add3A_33 = vector.broadcast %get3A_30 : vector<1x128xf32> to vector<1000x128xf32>
    %add3A_34 = arith.addf %dot_general3A_32, %add3A_33 : vector<1000x128xf32>
    %max3A_35 = arith.constant 0.000000e+00 : f32
    %max3A_36 = vector.broadcast %max3A_35 : f32 to vector<1000x128xf32>
    %max3A_37 = arith.maximumf %add3A_34, %max3A_36 : vector<1000x128xf32>
    %swap3A = arith.constant 0 : index
    %swap3A_38 = arith.constant 0 : index
    %swap3A_39 = vector.load %arg8[%swap3A, %swap3A_38] : memref<1000x128xf32, #tpu.memory_space<vmem>>, vector<1000x128xf32>
    tpu.vector_store %arg8[%swap3A, %swap3A_38], %max3A_37 {strides = array<i32>} : memref<1000x128xf32, #tpu.memory_space<vmem>>, vector<1000x128xf32>,
    return
  }
  func.func @transform_0(%arg0: i32) -> (i32, i32) {
    %c0_i32 = arith.constant 0 : i32
    %c0_i32_0 = arith.constant 0 : i32
    return %arg0, %c0_i32 : i32, i32
  }
  func.func @transform_1(%arg0: i32) -> (i32, i32) {
    %c0_i32 = arith.constant 0 : i32
    %c0_i32_0 = arith.constant 0 : i32
    %c0_i32_1 = arith.constant 0 : i32
    return %c0_i32, %c0_i32_0 : i32, i32
  }
  func.func @transform_2(%arg0: i32) -> (i32, i32) {
    %c0_i32 = arith.constant 0 : i32
    %c0_i32_0 = arith.constant 0 : i32
    %c0_i32_1 = arith.constant 0 : i32
    return %c0_i32, %c0_i32_0 : i32, i32
  }
  func.func @transform_3(%arg0: i32) -> (i32, i32) {
    %c0_i32 = arith.constant 0 : i32
    %c0_i32_0 = arith.constant 0 : i32
    %c0_i32_1 = arith.constant 0 : i32
    return %c0_i32, %c0_i32_0 : i32, i32
  }
  func.func @transform_4(%arg0: i32) -> (i32, i32) {
    %c0_i32 = arith.constant 0 : i32
    %c0_i32_0 = arith.constant 0 : i32
    %c0_i32_1 = arith.constant 0 : i32
    return %c0_i32, %c0_i32_0 : i32, i32
  }
  func.func @transform_5(%arg0: i32) -> (i32, i32) {
    %c0_i32 = arith.constant 0 : i32
    %c0_i32_0 = arith.constant 0 : i32
    %c0_i32_1 = arith.constant 0 : i32
    return %c0_i32, %c0_i32_0 : i32, i32
  }
  func.func @transform_6(%arg0: i32) -> (i32, i32) {
    %c0_i32 = arith.constant 0 : i32
    %c0_i32_0 = arith.constant 0 : i32
    %c0_i32_1 = arith.constant 0 : i32
    return %c0_i32, %c0_i32_0 : i32, i32
  }
  func.func @transform_7(%arg0: i32) -> (i32, i32) {
    %c0_i32 = arith.constant 0 : i32
    %c0_i32_0 = arith.constant 0 : i32
    return %arg0, %c0_i32 : i32, i32
  }
}

module attributes {stable_mosaic.version = 14 : i64} {
  func.func @_combine_body(%arg0: i32, %arg1: memref<1000x128xf32, #tpu.memory_space<vmem>>, %arg2: memref<1000x16xf32, #tpu.memory_space<vmem>>, %arg3: memref<1000x128xf32, #tpu.memory_space<vmem>>, %arg4: memref<1000x16xf32, #tpu.memory_space<vmem>>, %arg5: memref<1000x128xf32, #tpu.memory_space<vmem>>, %arg6: memref<128x128xf32, #tpu.memory_space<vmem>>, %arg7: memref<1x128xf32, #tpu.memory_space<vmem>>, %arg8: memref<128x128xf32, #tpu.memory_space<vmem>>, %arg9: memref<128x128xf32, #tpu.memory_space<vmem>>, %arg10: memref<1x128xf32, #tpu.memory_space<vmem>>, %arg11: memref<128x128xf32, #tpu.memory_space<vmem>>, %arg12: memref<1x128xf32, #tpu.memory_space<vmem>>, %arg13: memref<1x128xf32, #tpu.memory_space<vmem>>, %arg14: memref<1000x128xf32, #tpu.memory_space<vmem>>) attributes {dimension_semantics = [#tpu.dimension_semantics<parallel>], iteration_bounds = array<i64: 50>, scalar_prefetch = 0 : i64, scratch_operands = 0 : i64, tpu.core_type = #tpu.core_type<tc>, window_params = [{transform_indices = @transform_0, window_bounds = array<i64: 1000, 128>}, {transform_indices = @transform_1, window_bounds = array<i64: 1000, 16>}, {transform_indices = @transform_2, window_bounds = array<i64: 1000, 128>}, {transform_indices = @transform_3, window_bounds = array<i64: 1000, 16>}, {transform_indices = @transform_4, window_bounds = array<i64: 1000, 128>}, {pipeline_mode = #tpu.pipeline_mode<synchronous>, transform_indices = @transform_5, window_bounds = array<i64: 128, 128>}, {pipeline_mode = #tpu.pipeline_mode<synchronous>, transform_indices = @transform_6, window_bounds = array<i64: 1, 128>}, {pipeline_mode = #tpu.pipeline_mode<synchronous>, transform_indices = @transform_7, window_bounds = array<i64: 128, 128>}, {pipeline_mode = #tpu.pipeline_mode<synchronous>, transform_indices = @transform_8, window_bounds = array<i64: 128, 128>}, {pipeline_mode = #tpu.pipeline_mode<synchronous>, transform_indices = @transform_9, window_bounds = array<i64: 1, 128>}, {pipeline_mode = #tpu.pipeline_mode<synchronous>, transform_indices = @transform_10, window_bounds = array<i64: 128, 128>}, {pipeline_mode = #tpu.pipeline_mode<synchronous>, transform_indices = @transform_11, window_bounds = array<i64: 1, 128>}, {pipeline_mode = #tpu.pipeline_mode<synchronous>, transform_indices = @transform_12, window_bounds = array<i64: 1, 128>}, {transform_indices = @transform_13, window_bounds = array<i64: 1000, 128>}]} {
    %get3A = arith.constant 0 : index
    %get3A_0 = arith.constant 0 : index
    %get3A_1 = vector.load %arg1[%get3A, %get3A_0] : memref<1000x128xf32, #tpu.memory_space<vmem>>, vector<1000x128xf32>
    %get3A_2 = arith.constant 0 : index
    %get3A_3 = arith.constant 0 : index
    %get3A_4 = vector.load %arg2[%get3A_2, %get3A_3] : memref<1000x16xf32, #tpu.memory_space<vmem>>, vector<1000x16xf32>
    %slice3A = vector.extract_strided_slice %get3A_4 {offsets = [0, 0], sizes = [1000, 1], strides = [1, 1]} : vector<1000x16xf32> to vector<1000x1xf32>
    %max3A = arith.constant 1.000000e+00 : f32
    %max3A_5 = vector.broadcast %max3A : f32 to vector<1000x1xf32>
    %max3A_6 = arith.maximumf %slice3A, %max3A_5 : vector<1000x1xf32>
    %div3A = vector.broadcast %max3A_6 : vector<1000x1xf32> to vector<1000x128xf32>
    %div3A_7 = arith.divf %get3A_1, %div3A : vector<1000x128xf32>
    %get3A_8 = arith.constant 0 : index
    %get3A_9 = arith.constant 0 : index
    %get3A_10 = vector.load %arg3[%get3A_8, %get3A_9] : memref<1000x128xf32, #tpu.memory_space<vmem>>, vector<1000x128xf32>
    %get3A_11 = arith.constant 0 : index
    %get3A_12 = arith.constant 0 : index
    %get3A_13 = vector.load %arg4[%get3A_11, %get3A_12] : memref<1000x16xf32, #tpu.memory_space<vmem>>, vector<1000x16xf32>
    %slice3A_14 = vector.extract_strided_slice %get3A_13 {offsets = [0, 0], sizes = [1000, 1], strides = [1, 1]} : vector<1000x16xf32> to vector<1000x1xf32>
    %max3A_15 = arith.constant 1.000000e+00 : f32
    %max3A_16 = vector.broadcast %max3A_15 : f32 to vector<1000x1xf32>
    %max3A_17 = arith.maximumf %slice3A_14, %max3A_16 : vector<1000x1xf32>
    %div3A_18 = vector.broadcast %max3A_17 : vector<1000x1xf32> to vector<1000x128xf32>
    %div3A_19 = arith.divf %get3A_10, %div3A_18 : vector<1000x128xf32>
    %get3A_20 = arith.constant 0 : index
    %get3A_21 = arith.constant 0 : index
    %get3A_22 = vector.load %arg5[%get3A_20, %get3A_21] : memref<1000x128xf32, #tpu.memory_space<vmem>>, vector<1000x128xf32>
    %get3A_23 = arith.constant 0 : index
    %get3A_24 = arith.constant 0 : index
    %get3A_25 = vector.load %arg6[%get3A_23, %get3A_24] : memref<128x128xf32, #tpu.memory_space<vmem>>, vector<128x128xf32>
    %dot_general3A = arith.constant dense<0.000000e+00> : vector<1000x128xf32>
    %dot_general3A_26 = tpu.matmul %div3A_7, %get3A_25, %dot_general3A {dimension_numbers = #tpu.dot_dimension_numbers<[1], [0], [0], [1], [0, 0, 1, 1], [], []>, transpose_lhs_hint = false} : vector<1000x128xf32>, vector<128x128xf32>, vector<1000x128xf32> -> vector<1000x128xf32>
    %get3A_27 = arith.constant 0 : index
    %get3A_28 = arith.constant 0 : index
    %get3A_29 = vector.load %arg7[%get3A_27, %get3A_28] : memref<1x128xf32, #tpu.memory_space<vmem>>, vector<1x128xf32>
    %add3A = vector.broadcast %get3A_29 : vector<1x128xf32> to vector<1000x128xf32>
    %add3A_30 = arith.addf %dot_general3A_26, %add3A : vector<1000x128xf32>
    %get3A_31 = arith.constant 0 : index
    %get3A_32 = arith.constant 0 : index
    %get3A_33 = vector.load %arg8[%get3A_31, %get3A_32] : memref<128x128xf32, #tpu.memory_space<vmem>>, vector<128x128xf32>
    %dot_general3A_34 = arith.constant dense<0.000000e+00> : vector<1000x128xf32>
    %dot_general3A_35 = tpu.matmul %get3A_22, %get3A_33, %dot_general3A_34 {dimension_numbers = #tpu.dot_dimension_numbers<[1], [0], [0], [1], [0, 0, 1, 1], [], []>, transpose_lhs_hint = false} : vector<1000x128xf32>, vector<128x128xf32>, vector<1000x128xf32> -> vector<1000x128xf32>
    %add3A_36 = arith.addf %add3A_30, %dot_general3A_35 : vector<1000x128xf32>
    %get3A_37 = arith.constant 0 : index
    %get3A_38 = arith.constant 0 : index
    %get3A_39 = vector.load %arg9[%get3A_37, %get3A_38] : memref<128x128xf32, #tpu.memory_space<vmem>>, vector<128x128xf32>
    %dot_general3A_40 = arith.constant dense<0.000000e+00> : vector<1000x128xf32>
    %dot_general3A_41 = tpu.matmul %div3A_19, %get3A_39, %dot_general3A_40 {dimension_numbers = #tpu.dot_dimension_numbers<[1], [0], [0], [1], [0, 0, 1, 1], [], []>, transpose_lhs_hint = false} : vector<1000x128xf32>, vector<128x128xf32>, vector<1000x128xf32> -> vector<1000x128xf32>
    %add3A_42 = arith.addf %add3A_36, %dot_general3A_41 : vector<1000x128xf32>
    %get3A_43 = arith.constant 0 : index
    %get3A_44 = arith.constant 0 : index
    %get3A_45 = vector.load %arg10[%get3A_43, %get3A_44] : memref<1x128xf32, #tpu.memory_space<vmem>>, vector<1x128xf32>
    %add3A_46 = vector.broadcast %get3A_45 : vector<1x128xf32> to vector<1000x128xf32>
    %add3A_47 = arith.addf %add3A_42, %add3A_46 : vector<1000x128xf32>
    %get3A_48 = arith.constant 0 : index
    %get3A_49 = arith.constant 0 : index
    %get3A_50 = vector.load %arg11[%get3A_48, %get3A_49] : memref<128x128xf32, #tpu.memory_space<vmem>>, vector<128x128xf32>
    %dot_general3A_51 = arith.constant dense<0.000000e+00> : vector<1000x128xf32>
    %dot_general3A_52 = tpu.matmul %get3A_22, %get3A_50, %dot_general3A_51 {dimension_numbers = #tpu.dot_dimension_numbers<[1], [0], [0], [1], [0, 0, 1, 1], [], []>, transpose_lhs_hint = false} : vector<1000x128xf32>, vector<128x128xf32>, vector<1000x128xf32> -> vector<1000x128xf32>
    %add3A_53 = arith.addf %add3A_47, %dot_general3A_52 : vector<1000x128xf32>
    %max3A_54 = arith.constant 0.000000e+00 : f32
    %max3A_55 = vector.broadcast %max3A_54 : f32 to vector<1000x128xf32>
    %max3A_56 = arith.maximumf %add3A_53, %max3A_55 : vector<1000x128xf32>
    %reduce_sum3A = arith.constant dense<0.000000e+00> : vector<1000xf32>
    %reduce_sum3A_57 = vector.multi_reduction <add>, %max3A_56, %reduce_sum3A [1] : vector<1000x128xf32> to vector<1000xf32>
    %broadcast_in_dim3A = vector.shape_cast %reduce_sum3A_57 : vector<1000xf32> to vector<1000x1xf32>
    %div3A_58 = arith.constant 1.280000e+02 : f32
    %div3A_59 = vector.broadcast %div3A_58 : f32 to vector<1000x1xf32>
    %div3A_60 = arith.divf %broadcast_in_dim3A, %div3A_59 : vector<1000x1xf32>
    %sub3A = vector.broadcast %div3A_60 : vector<1000x1xf32> to vector<1000x128xf32>
    %sub3A_61 = arith.subf %max3A_56, %sub3A : vector<1000x128xf32>
    %integer_pow3A = arith.mulf %sub3A_61, %sub3A_61 : vector<1000x128xf32>
    %reduce_sum3A_62 = arith.constant dense<0.000000e+00> : vector<1000xf32>
    %reduce_sum3A_63 = vector.multi_reduction <add>, %integer_pow3A, %reduce_sum3A_62 [1] : vector<1000x128xf32> to vector<1000xf32>
    %broadcast_in_dim3A_64 = vector.shape_cast %reduce_sum3A_63 : vector<1000xf32> to vector<1000x1xf32>
    %div3A_65 = arith.constant 1.280000e+02 : f32
    %div3A_66 = vector.broadcast %div3A_65 : f32 to vector<1000x1xf32>
    %div3A_67 = arith.divf %broadcast_in_dim3A_64, %div3A_66 : vector<1000x1xf32>
    %sub3A_68 = vector.broadcast %div3A_60 : vector<1000x1xf32> to vector<1000x128xf32>
    %sub3A_69 = arith.subf %max3A_56, %sub3A_68 : vector<1000x128xf32>
    %add3A_70 = arith.constant 9.99999974E-6 : f32
    %add3A_71 = vector.broadcast %add3A_70 : f32 to vector<1000x1xf32>
    %add3A_72 = arith.addf %div3A_67, %add3A_71 : vector<1000x1xf32>
    %rsqrt3A = math.rsqrt %add3A_72 : vector<1000x1xf32>
    %mul3A = vector.broadcast %rsqrt3A : vector<1000x1xf32> to vector<1000x128xf32>
    %mul3A_73 = arith.mulf %sub3A_69, %mul3A : vector<1000x128xf32>
    %get3A_74 = arith.constant 0 : index
    %get3A_75 = arith.constant 0 : index
    %get3A_76 = vector.load %arg12[%get3A_74, %get3A_75] : memref<1x128xf32, #tpu.memory_space<vmem>>, vector<1x128xf32>
    %mul3A_77 = vector.broadcast %get3A_76 : vector<1x128xf32> to vector<1000x128xf32>
    %mul3A_78 = arith.mulf %mul3A_73, %mul3A_77 : vector<1000x128xf32>
    %get3A_79 = arith.constant 0 : index
    %get3A_80 = arith.constant 0 : index
    %get3A_81 = vector.load %arg13[%get3A_79, %get3A_80] : memref<1x128xf32, #tpu.memory_space<vmem>>, vector<1x128xf32>
    %add3A_82 = vector.broadcast %get3A_81 : vector<1x128xf32> to vector<1000x128xf32>
    %add3A_83 = arith.addf %mul3A_78, %add3A_82 : vector<1000x128xf32>
    %add3A_84 = arith.addf %add3A_83, %get3A_22 : vector<1000x128xf32>
    %swap3A = arith.constant 0 : index
    %swap3A_85 = arith.constant 0 : index
    %swap3A_86 = vector.load %arg14[%swap3A, %swap3A_85] : memref<1000x128xf32, #tpu.memory_space<vmem>>, vector<1000x128xf32>
    tpu.vector_store %arg14[%swap3A, %swap3A_85], %add3A_84 {strides = array<i32>} : memref<1000x128xf32, #tpu.memory_space<vmem>>, vector<1000x128xf32>,
    return
  }
  func.func @transform_0(%arg0: i32) -> (i32, i32) {
    %c0_i32 = arith.constant 0 : i32
    %c0_i32_0 = arith.constant 0 : i32
    return %arg0, %c0_i32 : i32, i32
  }
  func.func @transform_1(%arg0: i32) -> (i32, i32) {
    %c0_i32 = arith.constant 0 : i32
    %c0_i32_0 = arith.constant 0 : i32
    return %arg0, %c0_i32 : i32, i32
  }
  func.func @transform_2(%arg0: i32) -> (i32, i32) {
    %c0_i32 = arith.constant 0 : i32
    %c0_i32_0 = arith.constant 0 : i32
    return %arg0, %c0_i32 : i32, i32
  }
  func.func @transform_3(%arg0: i32) -> (i32, i32) {
    %c0_i32 = arith.constant 0 : i32
    %c0_i32_0 = arith.constant 0 : i32
    return %arg0, %c0_i32 : i32, i32
  }
  func.func @transform_4(%arg0: i32) -> (i32, i32) {
    %c0_i32 = arith.constant 0 : i32
    %c0_i32_0 = arith.constant 0 : i32
    return %arg0, %c0_i32 : i32, i32
  }
  func.func @transform_5(%arg0: i32) -> (i32, i32) {
    %c0_i32 = arith.constant 0 : i32
    %c0_i32_0 = arith.constant 0 : i32
    %c0_i32_1 = arith.constant 0 : i32
    return %c0_i32, %c0_i32_0 : i32, i32
  }
  func.func @transform_6(%arg0: i32) -> (i32, i32) {
    %c0_i32 = arith.constant 0 : i32
    %c0_i32_0 = arith.constant 0 : i32
    %c0_i32_1 = arith.constant 0 : i32
    return %c0_i32, %c0_i32_0 : i32, i32
  }
  func.func @transform_7(%arg0: i32) -> (i32, i32) {
    %c0_i32 = arith.constant 0 : i32
    %c0_i32_0 = arith.constant 0 : i32
    %c0_i32_1 = arith.constant 0 : i32
    return %c0_i32, %c0_i32_0 : i32, i32
  }
  func.func @transform_8(%arg0: i32) -> (i32, i32) {
    %c0_i32 = arith.constant 0 : i32
    %c0_i32_0 = arith.constant 0 : i32
    %c0_i32_1 = arith.constant 0 : i32
    return %c0_i32, %c0_i32_0 : i32, i32
  }
  func.func @transform_9(%arg0: i32) -> (i32, i32) {
    %c0_i32 = arith.constant 0 : i32
    %c0_i32_0 = arith.constant 0 : i32
    %c0_i32_1 = arith.constant 0 : i32
    return %c0_i32, %c0_i32_0 : i32, i32
  }
  func.func @transform_10(%arg0: i32) -> (i32, i32) {
    %c0_i32 = arith.constant 0 : i32
    %c0_i32_0 = arith.constant 0 : i32
    %c0_i32_1 = arith.constant 0 : i32
    return %c0_i32, %c0_i32_0 : i32, i32
  }
  func.func @transform_11(%arg0: i32) -> (i32, i32) {
    %c0_i32 = arith.constant 0 : i32
    %c0_i32_0 = arith.constant 0 : i32
    %c0_i32_1 = arith.constant 0 : i32
    return %c0_i32, %c0_i32_0 : i32, i32
  }
  func.func @transform_12(%arg0: i32) -> (i32, i32) {
    %c0_i32 = arith.constant 0 : i32
    %c0_i32_0 = arith.constant 0 : i32
    %c0_i32_1 = arith.constant 0 : i32
    return %c0_i32, %c0_i32_0 : i32, i32
  }
  func.func @transform_13(%arg0: i32) -> (i32, i32) {
    %c0_i32 = arith.constant 0 : i32
    %c0_i32_0 = arith.constant 0 : i32
    return %arg0, %c0_i32 : i32, i32
  }
}

module attributes {stable_mosaic.version = 14 : i64} {
  func.func @_final_body(%arg0: i32, %arg1: memref<1000x128xf32, #tpu.memory_space<vmem>>, %arg2: memref<1000x16xf32, #tpu.memory_space<vmem>>, %arg3: memref<1000x128xf32, #tpu.memory_space<vmem>>, %arg4: memref<128x128xf32, #tpu.memory_space<vmem>>, %arg5: memref<1x128xf32, #tpu.memory_space<vmem>>, %arg6: memref<128x128xf32, #tpu.memory_space<vmem>>, %arg7: memref<1000x128xf32, #tpu.memory_space<vmem>>) attributes {dimension_semantics = [#tpu.dimension_semantics<parallel>], iteration_bounds = array<i64: 50>, scalar_prefetch = 0 : i64, scratch_operands = 0 : i64, tpu.core_type = #tpu.core_type<tc>, window_params = [{transform_indices = @transform_0, window_bounds = array<i64: 1000, 128>}, {transform_indices = @transform_1, window_bounds = array<i64: 1000, 16>}, {transform_indices = @transform_2, window_bounds = array<i64: 1000, 128>}, {pipeline_mode = #tpu.pipeline_mode<synchronous>, transform_indices = @transform_3, window_bounds = array<i64: 128, 128>}, {pipeline_mode = #tpu.pipeline_mode<synchronous>, transform_indices = @transform_4, window_bounds = array<i64: 1, 128>}, {pipeline_mode = #tpu.pipeline_mode<synchronous>, transform_indices = @transform_5, window_bounds = array<i64: 128, 128>}, {transform_indices = @transform_6, window_bounds = array<i64: 1000, 128>}]} {
    %get3A = arith.constant 0 : index
    %get3A_0 = arith.constant 0 : index
    %get3A_1 = vector.load %arg1[%get3A, %get3A_0] : memref<1000x128xf32, #tpu.memory_space<vmem>>, vector<1000x128xf32>
    %get3A_2 = arith.constant 0 : index
    %get3A_3 = arith.constant 0 : index
    %get3A_4 = vector.load %arg2[%get3A_2, %get3A_3] : memref<1000x16xf32, #tpu.memory_space<vmem>>, vector<1000x16xf32>
    %slice3A = vector.extract_strided_slice %get3A_4 {offsets = [0, 0], sizes = [1000, 1], strides = [1, 1]} : vector<1000x16xf32> to vector<1000x1xf32>
    %max3A = arith.constant 1.000000e+00 : f32
    %max3A_5 = vector.broadcast %max3A : f32 to vector<1000x1xf32>
    %max3A_6 = arith.maximumf %slice3A, %max3A_5 : vector<1000x1xf32>
    %div3A = vector.broadcast %max3A_6 : vector<1000x1xf32> to vector<1000x128xf32>
    %div3A_7 = arith.divf %get3A_1, %div3A : vector<1000x128xf32>
    %get3A_8 = arith.constant 0 : index
    %get3A_9 = arith.constant 0 : index
    %get3A_10 = vector.load %arg3[%get3A_8, %get3A_9] : memref<1000x128xf32, #tpu.memory_space<vmem>>, vector<1000x128xf32>
    %get3A_11 = arith.constant 0 : index
    %get3A_12 = arith.constant 0 : index
    %get3A_13 = vector.load %arg4[%get3A_11, %get3A_12] : memref<128x128xf32, #tpu.memory_space<vmem>>, vector<128x128xf32>
    %dot_general3A = arith.constant dense<0.000000e+00> : vector<1000x128xf32>
    %dot_general3A_14 = tpu.matmul %div3A_7, %get3A_13, %dot_general3A {dimension_numbers = #tpu.dot_dimension_numbers<[1], [0], [0], [1], [0, 0, 1, 1], [], []>, transpose_lhs_hint = false} : vector<1000x128xf32>, vector<128x128xf32>, vector<1000x128xf32> -> vector<1000x128xf32>
    %get3A_15 = arith.constant 0 : index
    %get3A_16 = arith.constant 0 : index
    %get3A_17 = vector.load %arg5[%get3A_15, %get3A_16] : memref<1x128xf32, #tpu.memory_space<vmem>>, vector<1x128xf32>
    %add3A = vector.broadcast %get3A_17 : vector<1x128xf32> to vector<1000x128xf32>
    %add3A_18 = arith.addf %dot_general3A_14, %add3A : vector<1000x128xf32>
    %get3A_19 = arith.constant 0 : index
    %get3A_20 = arith.constant 0 : index
    %get3A_21 = vector.load %arg6[%get3A_19, %get3A_20] : memref<128x128xf32, #tpu.memory_space<vmem>>, vector<128x128xf32>
    %dot_general3A_22 = arith.constant dense<0.000000e+00> : vector<1000x128xf32>
    %dot_general3A_23 = tpu.matmul %get3A_10, %get3A_21, %dot_general3A_22 {dimension_numbers = #tpu.dot_dimension_numbers<[1], [0], [0], [1], [0, 0, 1, 1], [], []>, transpose_lhs_hint = false} : vector<1000x128xf32>, vector<128x128xf32>, vector<1000x128xf32> -> vector<1000x128xf32>
    %add3A_24 = arith.addf %add3A_18, %dot_general3A_23 : vector<1000x128xf32>
    %max3A_25 = arith.constant 0.000000e+00 : f32
    %max3A_26 = vector.broadcast %max3A_25 : f32 to vector<1000x128xf32>
    %max3A_27 = arith.maximumf %add3A_24, %max3A_26 : vector<1000x128xf32>
    %add3A_28 = arith.addf %max3A_27, %get3A_10 : vector<1000x128xf32>
    %swap3A = arith.constant 0 : index
    %swap3A_29 = arith.constant 0 : index
    %swap3A_30 = vector.load %arg7[%swap3A, %swap3A_29] : memref<1000x128xf32, #tpu.memory_space<vmem>>, vector<1000x128xf32>
    tpu.vector_store %arg7[%swap3A, %swap3A_29], %add3A_28 {strides = array<i32>} : memref<1000x128xf32, #tpu.memory_space<vmem>>, vector<1000x128xf32>,
    return
  }
  func.func @transform_0(%arg0: i32) -> (i32, i32) {
    %c0_i32 = arith.constant 0 : i32
    %c0_i32_0 = arith.constant 0 : i32
    return %arg0, %c0_i32 : i32, i32
  }
  func.func @transform_1(%arg0: i32) -> (i32, i32) {
    %c0_i32 = arith.constant 0 : i32
    %c0_i32_0 = arith.constant 0 : i32
    return %arg0, %c0_i32 : i32, i32
  }
  func.func @transform_2(%arg0: i32) -> (i32, i32) {
    %c0_i32 = arith.constant 0 : i32
    %c0_i32_0 = arith.constant 0 : i32
    return %arg0, %c0_i32 : i32, i32
  }
  func.func @transform_3(%arg0: i32) -> (i32, i32) {
    %c0_i32 = arith.constant 0 : i32
    %c0_i32_0 = arith.constant 0 : i32
    %c0_i32_1 = arith.constant 0 : i32
    return %c0_i32, %c0_i32_0 : i32, i32
  }
  func.func @transform_4(%arg0: i32) -> (i32, i32) {
    %c0_i32 = arith.constant 0 : i32
    %c0_i32_0 = arith.constant 0 : i32
    %c0_i32_1 = arith.constant 0 : i32
    return %c0_i32, %c0_i32_0 : i32, i32
  }
  func.func @transform_5(%arg0: i32) -> (i32, i32) {
    %c0_i32 = arith.constant 0 : i32
    %c0_i32_0 = arith.constant 0 : i32
    %c0_i32_1 = arith.constant 0 : i32
    return %c0_i32, %c0_i32_0 : i32, i32
  }
  func.func @transform_6(%arg0: i32) -> (i32, i32) {
    %c0_i32 = arith.constant 0 : i32
    %c0_i32_0 = arith.constant 0 : i32
    return %arg0, %c0_i32 : i32, i32
  }
}

</mosaic_0001>

<sc_bundles>
// kernel: kernel.11.cloned.1.call-start
scs
__scs_entry_jumppad:
0x0: {  	(pc) =	sbr.rel $0x88, $3  }
0x1: {  	(tag) =	ssettag $0x0;
	lr =	simm.s32 $0x1  }
0x2: {  	[smem:$0x3F88] =	sst lr;
	_ =	strace $0xD0000000  }
0x3: {  	_ = 	snop  }
0x4: {  	_ = 	snop  }
0x5: {  	_ = 	snop  }
0x6: {  	_ = 	snop  }
0x7: {  	_ = 	snop  }
__scs_overlays_trampoline_lowered:
0x8: {  	[smem:$0x3F97] =	sst s0  }
0x9: {  	[smem:$0x3F98] =	sst s1  }
0xa: {  	[smem:$0x3F99] =	sst s2  }
0xb: {  	[smem:$0x3F9A] =	sst s3  }
0xc: {  	[smem:$0x3F9B] =	sst s4  }
0xd: {  	[smem:$0x3F9C] =	sst s5  }
0xe: {  	[smem:$0x3F9D] =	sst s6  }
0xf: {  	[smem:$0x3F9E] =	sst s7  }
0x10: {  	[smem:$0x3F9F] =	sst s8  }
0x11: {  	[smem:$0x3FA0] =	sst s9;
	s0 =	simm.s32 @!p0 $0x0  }
0x12: {  	s1 =	sld [smem:$0x3F86];
	s0 =	simm.s32 @p0 $0x1  }
0x13: {  	[smem:$0x3FA1] =	sst s0;
	s0 =	simm.s32 @!p1 $0x0  }
0x14: {  	s2 =	sld [smem:$0x3F85];
	s0 =	simm.s32 @p1 $0x1  }
0x15: {  	[smem:$0x3FA2] =	sst s0;
	s0 =	simm.s32 @!p2 $0x0  }
0x16: {  	s3 =	sld [smem:$0x3FDB];
	s0 =	simm.s32 @p2 $0x1  }
0x17: {  	s4 =	simm.s32 $0x1BF5;
	[smem:$0x3FA4] =	sst s0  }
0x18: {  	s0 =	sld [smem:$0x3F87];
	_ =	swait.ge [sflag:s4], $0x0  }
0x19: {  	s7 =	sld [smem:$0x3F88]  }
0x1a: {  	s8 =	sadd.s32 $0xFFFFE003, lr  }
0x1b: {  	s9 =	sadd.s32 $0xFFFFFEF7, lr;
	s5 =	simm.s32 $0xFFFFFFFF;
	p2 =	slt.u32 s8, $0xFFFFF086  }
0x1c: {  	p1 =	slt.u32 s9, $0xF7A;
	s5 =	simm.s32 @!p2 $0x0  }
0x1d: {  	s5 =	simm.s32 @p1 $0x1;
	p0 =	seq.s32 s7, s2  }
0x1e: {  	s7 =	smul.u32 @!p0 $0xF7A, s2;
	p2 =	seq.s32 @!p0 s5, $0x0  }
0x1f: {  	s9 =	smul.u32 $0xF7A, s1;
	s8 =	simm.s32 @!p0 $0x1BF5;
	p2 =	por !p2, p0  }
0x20: {  	[sflag:s8] =	ssyncset.s32 @!p0 $0xFFFFF086;
	s6 =	sadd.s32 @!p0 s3, s7;
	s7 =	simm.s32 @!p0 $0x108  }
0x21: {  	s3 =	sadd.s32 s3, s9;
	s6 =	sadd.s32 @!p0 $0x88, s6;
	s7 =	simm.s32 @p2 $0x1082  }
0x22: {  	[simem:s7], [sflag:s8] =	dma.local @!p0 [hbm:s6], $0xF7A  }
0x23: {  	s9 =	sor.u32 $0xD0000000, s2;
	s6 =	simm.s32 $0x108;
	_ =	swait.ge @!p0 [sflag:s8], $0x0  }
0x24: {  	s3 =	sadd.s32 $0x88, s3;
	s6 =	simm.s32 @!p1 $0x1082;
	[sflag:s4] =	ssyncset.s32 $0xFFFFF086  }
0x25: {  	[simem:s6], [sflag:s4] =	dma.local [hbm:s3], $0xF7A  }
0x26: {  	[smem:$0x3F88] =	sst s1;
	(tag) =	ssettag s2;
	_ =	strace s9  }
0x27: {  	s1 =	sld [smem:$0x3F98]  }
0x28: {  	s2 =	sld [smem:$0x3F99]  }
0x29: {  	s4 =	sld [smem:$0x3F9B]  }
0x2a: {  	p0 =	seq.s32 s5, $0x0;
	s5 =	sld [smem:$0x3F9C]  }
0x2b: {  	s6 =	sld [smem:$0x3F9D]  }
0x2c: {  	s7 =	sld [smem:$0x3F9E]  }
0x2d: {  	s3 =	simm.s32 $0x108;
	s8 =	sld [smem:$0x3F9F]  }
0x2e: {  	s3 =	simm.s32 @!p0 $0x1082;
	s9 =	sld [smem:$0x3FA0]  }
0x2f: {  	lr =	sadd.s32 s0, s3;
	s0 =	sld [smem:$0x3F97]  }
0x30: {  	s3 =	sld [smem:$0x3F9A]  }
0x31: {  	[smem:$0x3FA3] =	sst s10  }
0x32: {  	s10 =	sld [smem:$0x3FA1];
	_ =	sdelay $0x3  }
0x33: {  	p0 =	seq.s32 s10, $0x1;
	s10 =	sld [smem:$0x3FA3];
	_ =	sdelay $0x3  }
0x34: {  	[smem:$0x3FA3] =	sst s10  }
0x35: {  	s10 =	sld [smem:$0x3FA2];
	_ =	sdelay $0x3  }
0x36: {  	p1 =	seq.s32 s10, $0x1;
	s10 =	sld [smem:$0x3FA3];
	_ =	sdelay $0x3  }
0x37: {  	[smem:$0x3FA3] =	sst s10  }
0x38: {  	s10 =	sld [smem:$0x3FA4]  }
0x39: {  	_ = 	snop;
	(pc) =	sbr.ind lr, $3  }
0x3a: {  	_ = 	snop  }
0x3b: {  	_ = 	snop  }
0x3c: {  	p2 =	seq.s32 s10, $0x1;
	s10 =	sld [smem:$0x3FA3]  }
0x3d: {  	_ =	shalt  }
0x3e: {  	_ =	shalt  }
0x3f: {  	_ =	shalt  }
0x40: {  	_ =	shalt  }
0x41: {  	_ =	shalt  }
0x42: {  	_ =	shalt  }
0x43: {  	_ =	shalt  }
0x44: {  	_ =	shalt  }
0x45: {  	_ =	shalt  }
0x46: {  	_ =	shalt  }
0x47: {  	_ =	shalt  }
0x48: {  	_ =	shalt  }
0x49: {  	_ =	shalt  }
0x4a: {  	_ =	shalt  }
0x4b: {  	_ =	shalt  }
0x4c: {  	_ =	shalt  }
0x4d: {  	_ =	shalt  }
0x4e: {  	_ =	shalt  }
0x4f: {  	_ =	shalt  }
0x50: {  	_ =	shalt  }
0x51: {  	_ =	shalt  }
0x52: {  	_ =	shalt  }
0x53: {  	_ =	shalt  }
0x54: {  	_ =	shalt  }
0x55: {  	_ =	shalt  }
0x56: {  	_ =	shalt  }
0x57: {  	_ =	shalt  }
0x58: {  	_ =	shalt  }
0x59: {  	_ =	shalt  }
0x5a: {  	_ =	shalt  }
0x5b: {  	_ =	shalt  }
0x5c: {  	_ =	shalt  }
0x5d: {  	_ =	shalt  }
0x5e: {  	_ =	shalt  }
0x5f: {  	_ =	shalt  }
0x60: {  	_ =	shalt  }
0x61: {  	_ =	shalt  }
0x62: {  	_ =	shalt  }
0x63: {  	_ =	shalt  }
0x64: {  	_ =	shalt  }
0x65: {  	_ =	shalt  }
0x66: {  	_ =	shalt  }
0x67: {  	_ =	shalt  }
0x68: {  	_ =	shalt  }
0x69: {  	_ =	shalt  }
0x6a: {  	_ =	shalt  }
0x6b: {  	_ =	shalt  }
0x6c: {  	_ =	shalt  }
0x6d: {  	_ =	shalt  }
0x6e: {  	_ =	shalt  }
0x6f: {  	_ =	shalt  }
0x70: {  	_ =	shalt  }
0x71: {  	_ =	shalt  }
0x72: {  	_ =	shalt  }
0x73: {  	_ =	shalt  }
0x74: {  	_ =	shalt  }
0x75: {  	_ =	shalt  }
0x76: {  	_ =	shalt  }
0x77: {  	_ =	shalt  }
0x78: {  	_ =	shalt  }
0x79: {  	_ =	shalt  }
0x7a: {  	_ =	shalt  }
0x7b: {  	_ =	shalt  }
0x7c: {  	_ =	shalt  }
0x7d: {  	_ =	shalt  }
0x7e: {  	_ =	shalt  }
0x7f: {  	_ =	shalt  }
0x80: {  	_ =	shalt  }
0x81: {  	_ =	shalt  }
0x82: {  	_ =	shalt  }
0x83: {  	_ =	shalt  }
0x84: {  	_ =	shalt  }
0x85: {  	_ =	shalt  }
0x86: {  	_ =	shalt  }
0x87: {  	_ =	shalt  }
.Lfunc_end0:
.L_simem_size_0:
called_computation_lowered:
.L_overlay_start_0:
0x88: {  	s2 =	sld [smem:$0x3FD9]  }
0x89: {  	s3 =	sld [smem:$0x3FFE];
	_ =	sdelay $0x1  }
0x8a: {  	s1 =	srdreg.scid  }
0x8b: {  	s0 =	sand.u32 $0x1, s1  }
0x8c: {  	s17 =	sshll.u32 s0, $0xA;
	s2 =	sadd.s32 s3, s2  }
0x8d: {  	s2 =	sadd.s32 s2, s17  }
0x8e: {  	[smem:$0x3FAF] =	sst s2  }
0x8f: {  	_ = 	snop  }
0x90: {  	s18 =	sld [smem:$0x3FD0];
	(tm) =	ssettm $0x1  }
0x91: {  	s19 =	sld [smem:$0x3FFB];
	_ =	sdelay $0x3  }
0x92: {  	_ =	strace s19  }
0x93: {  	s2 =	sld [smem:$0x3FFC];
	_ =	sdelay $0x3  }
0x94: {  	_ =	strace s2  }
0x95: {  	s2 =	sld [smem:$0x3FFD];
	_ =	sdelay $0x3  }
0x96: {  	_ =	strace s2  }
0x97: {  	_ =	strace $0x8FFFFFFF  }
0x98: {  	s20 =	sld [smem:$0x3FDB];
	_ =	sdelay $0x1  }
0x99: {  	s4 =	simm.s32 $_scs_section_size  }
0x9a: {  	s5 =	simm.s32 $_size__tile_overlayer_lowered;
	s6 =	simm.s32 $_tile_overlayer_lowered  }
0x9b: {  	s7 =	simm.s32 $0x1BFF;
	s21 =	sshll.u32 s6, $0x1;
	s4 =	sadd.s32 s4, s20  }
0x9c: {  	s22 =	simm.s32 $0x0;
	s5 =	sshll.u32 s5, $0x1;
	s6 =	sadd.s32 s21, s4  }
0x9d: {  	[timem:s22], [sflag:s7] =	dma.local [hbm:s6], s5  }
0x9e: {  	_ =	swait.ge [sflag:s7], s5  }
0x9f: {  	s5 =	ssub.s32 $0x0, s5;
	[sflag:s7] =	ssyncset.done $0x0  }
0xa0: {  	[sflag:s7] =	ssyncadd.s32 s5;
	_ =	sdelay $0x1  }
0xa1: {  	s23 =	simm.s32 $0x1B8B  }
0xa2: {  	_ =	swait.ge [sflag:s23], $0x1  }
0xa3: {  	[sflag:s23] =	ssyncset.done $0x0  }
0xa4: {  	[sflag:s23] =	ssyncadd.s32 $0xFFFFFFFF  }
0xa5: {  	s5 =	sld [smem:$0x0]  }
0xa6: {  	s6 =	sand.u32 $0xFFFFFFFE, s1  }
0xa7: {  	p0 =	sne.s32 s1, s6  }
0xa8: {  	s6 =	sshll.u32 @p0 s6, $0xE  }
0xa9: {  	s6 =	sadd.s32 @p0 $0x11B8D, s6;
	s7 =	sshll.u32 @p0 s5, $0x11  }
0xaa: {  	s6 =	sor.u32 @p0 s7, s6  }
0xab: {  	[sflag:s6] =	ssyncadd.remote.s32 @p0 $0x1;
	_ =	sdelay $0x1  }
0xac: {  	s6 =	simm.s32 @p0 $0x1B8D  }
0xad: {  	_ =	swait.eq @p0 [sflag:s6], $0x1  }
0xae: {  	[sflag:s6] =	ssyncadd.s32 @p0 $0xFFFFFFFF  }
0xaf: {  	s7 =	sshll.u32 @!p0 s1, $0xE  }
0xb0: {  	s7 =	sor.u32 @!p0 $0x4000, s7;
	s6 =	simm.s32 @!p0 $0x1B8D  }
0xb1: {  	s5 =	sshll.u32 @!p0 s5, $0x11;
	s7 =	sadd.s32 @!p0 $0x11B8D, s7;
	_ =	swait.eq @!p0 [sflag:s6], $0x1  }
0xb2: {  	s5 =	sor.u32 @!p0 s5, s7;
	[sflag:s6] =	ssyncadd.s32 @!p0 $0xFFFFFFFF  }
0xb3: {  	s25 =	simm.s32 $0x1B8E;
	s24 =	sld [smem:$0x3FFE];
	[sflag:s5] =	ssyncadd.remote.s32 @!p0 $0x1  }
0xb4: {  	s26 =	simm.s32 $execute0_lowered;
	[smem:$0x3FD2] =	sst s25  }
0xb5: {  	s6 =	sshll.u32 s26, $0x1;
	_ =	strace $0x80000049;
	[dreg:$0x1] =	wrdreg $0xFFFFFFFF  }
0xb6: {  	s28 =	simm.s32 $_size_execute0_lowered;
	s4 =	sadd.s32 s4, s6;
	[dreg:$0x0] =	wrdreg $0x0  }
0xb7: {  	s6 =	sshll.u32 s28, $0x1;
	[dreg:$0x2] =	wrdreg s4  }
0xb8: {  	[dreg:$0x3] =	wrdreg s6  }
0xb9: {  	[dreg:$0x4] =	wrdreg $0xC0  }
0xba: {  	_ =	task [dreg:s22], $0x5FFFF  }
0xbb: {  	[dreg:$0x1] =	wrdreg $0xFFFFFFFF  }
0xbc: {  	[dreg:$0x0] =	wrdreg $0x60  }
0xbd: {  	[dreg:$0x2] =	wrdreg s24  }
0xbe: {  	[dreg:$0x3] =	wrdreg s18  }
0xbf: {  	[dreg:$0x4] =	wrdreg $0x0  }
0xc0: {  	[dreg:$0x5] =	wrdreg $0x9  }
0xc1: {  	_ =	task.clear_ibuf [dreg:s22], $0x6FFFF;
	_ =	strace $0x90000049  }
0xc2: {  	s29 =	simm.s32 $0x9;
	_ =	strace $0x8000004B  }
0xc3: {  	_ =	swait.ge [sflag:s29], $0x1  }
0xc4: {  	[sflag:s29] =	ssyncadd.s32 $0xFFFFFFFF  }
0xc5: {  	_ =	strace $0x9000004B  }
0xc6: {  	_ =	sfence  }
0xc7: {  	s30 =	sld [smem:$0x0];
	_ =	sdelay $0x2  }
0xc8: {  	s31 =	sshll.u32 s1, $0xD;
	s1 =	sshrl.u32 s1, $0x2  }
0xc9: {  	s4 =	sand.u32 $0x4000, s31;
	s1 =	sadd.s32 s1, s30  }
0xca: {  	s0 =	sor.u32 s4, s0;
	s1 =	sshll.u32 s1, $0x11  }
0xcb: {  	s0 =	sor.u32 s1, s0  }
0xcc: {  	s0 =	sadd.s32 $0x8F2B, s0  }
0xcd: {  	[sflag:s0] =	ssyncadd.remote.s32 $0x1  }
0xce: {  	_ =	sfence.sel $0xFFFF  }
0xcf: {  	[dreg:$0x0] =	wrdreg $0xFFFFFFFF;
	(pc) =	sbr.abs _section_cstart, $3  }
0xd0: {  	[dreg:$0x1] =	wrdreg $0xFFFFFFFF  }
0xd1: {  	_ =	task.clear_ibuf [dreg:s22], $0x2FFFF;
	_ =	strace $0x9FFFFFFF  }
0xd2: {  	(tm) =	ssettm $0x7FFFFFFF  }
0xd3: {  	_ =	shalt  }
tec
execute0_lowered:
.L_overlay_start_1:
0x0: {  	(tag) =	ssettag $0x1  }
0x1: {  	s6 =	rddreg [dreg:$0x0]  }
0x2: {  	s1 =	rddreg [dreg:$0x1]  }
0x3: {  	s3 =	rddreg [dreg:$0x2]  }
0x4: {  	s0 =	rddreg [dreg:$0x3]  }
0x5: {  	s4 =	simm.s32 $0x0;
	s2 =	stileid.u32;
	s7 =	srdreg.scid  }
0x6: {  	s16 =	simm.s32 $0x80;
	s17 =	simm.s32 $0x18980;
	s20 =	simm.s32 $0x0  }
0x7: {  	[smem:$0x7FF] =	sst s4;
	s5 =	sshll.u32 s2, $0x4;
	s8 =	smul.u32 $0x310, s2  }
0x8: {  	s7 =	sand.u32 $0x1, s7;
	s13 =	smul.u32 $0x62000, s2;
	s15 =	sadd.s32 $0x1B3C00, s6  }
0x9: {  	s31 =	sshll.u32 s2, $0x6;
	_ =	strace $0x8000004A;
	s11 =	sadd.s32 s5, s6  }
0xa: {  	s5 =	sadd.s32 $0xDA200, s6;
	s9 =	ssub.s32 $0x2, s7;
	s10 =	smul.u32 $0x3100, s7  }
0xb: {  	s14 =	sor.u32 $0x2, s7;
	s18 =	smul.u32 $0x30D4, s7;
	s6 =	sor.u32 $0x1C02, s31  }
0xc: {  	s12 =	sshrl.u32 s9, $0x1;
	s26 =	smul.u32 $0x3100, s14;
	s29 =	sshrl.u32 s13, $0x2  }
0xd: {  	s19 =	smul.u32 $0x30D4, s14;
	s13 =	simm.s32 $0x2;
	s14 =	simm.s32 $0x18800  }
0xe: {  	s9 =	ssub.s32 s9, s12;
	s28 =	sadd.s32 s8, s10;
	s30 =	sadd.s32 s29, s3  }
0xf: {  	s10 =	sadd.s32 $0x1AA800, s11;
	s11 =	sadd.s32 $0x1A1400, s11;
	v0 =	vmov s18;
	s18 =	simm.s32 $0x1  }
0x10: {  	s8 =	sadd.s32 s8, s26;
	s7 =	sshll.u32 s28, $0x4;
	s9 =	smax.u32 s9, $0x1  }
0x11: {  	s12 =	sshrl.u32 s30, $0x3;
	v1 =	vmov s19;
	s19 =	simm.s32 $0x18900;
	s8 =	sshll.u32 s8, $0x4  }
0x12: {  	s7 =	sadd.s32 s15, s7;
	s8 =	sadd.s32 s15, s8;
	s15 =	simm.s32 $0x18880  }
.LBB2_1:
0x13: {  	[spmem:s12], [sflag:s6] =	dma.local [hbm:s5], $0x3100  }
0x14: {  	_ =	swait.ge [sflag:s13], $0x3100  }
0x15: {  	[sflag:s13] =	ssyncset.done $0x0  }
0x16: {  	[sflag:s13] =	ssyncadd.s32 $0xFFFFCF00  }
0x17: {  	s21 =	sadd.s32 $0x0, s10;
	[bflag:$0x0] =	sbarrier.arrive $0xFFFF  }
0x18: {  	[tilespmem:s14], [sflag:$0x2] =	stream.linear.gather [hbm4b:s21+s4], $0x80, $0x38;
	[tilespmem:$0x1C980] =	vst v63  }
0x19: {  	_ =	swait.ge [sflag:s13], $0x80  }
0x1a: {  	[sflag:s13] =	ssyncset.done $0x0  }
0x1b: {  	s31 =	sadd.s32 $0x0, s11;
	[sflag:s13] =	ssyncadd.s32 $0xFFFFFF80  }
0x1c: {  	[tilespmem:s15], [sflag:$0x2] =	stream.linear.gather [hbm4b:s31+s4], $0x80, $0x38;
	[tilespmem:$0x1C980] =	vst v63  }
0x1d: {  	_ =	swait.ge [sflag:s13], $0x80  }
0x1e: {  	[sflag:s13] =	ssyncset.done $0x0  }
0x1f: {  	[sflag:s13] =	ssyncadd.s32 $0xFFFFFF80  }
0x20: {  	[tilespmem:s17], [sflag:$0x1] =	stream.indirect.gather [hbm4b:s1+s16], $0x80, s14, s16, $0xb8;
	[tilespmem:$0x1C980] =	vst v63  }
0x21: {  	v2 =	vld [tilespmem:$0x188F0]  }
0x22: {  	v3 =	vld [tilespmem:$0x188E0]  }
0x23: {  	v4 =	vld [tilespmem:$0x188B0]  }
0x24: {  	v5 =	vld [tilespmem:$0x188A0]  }
0x25: {  	v6 =	vld [tilespmem:$0x18890]  }
0x26: {  	v7 =	vld [tilespmem:$0x188C0];
	v2 =	vsub.s32 v2, v0  }
0x27: {  	v8 =	vld [tilespmem:$0x18880];
	v3 =	vsub.s32 v3, v0;
	v2 =	vmin.u32 v2, $0x30D4  }
0x28: {  	v9 =	vld [tilespmem:$0x188D0];
	v4 =	vsub.s32 v4, v0;
	v3 =	vmin.u32 v3, $0x30D4;
	[tilespmem:$0x18970] =	vst v2  }
0x29: {  	v4 =	vmin.u32 v4, $0x30D4;
	v2 =	vsub.s32 v5, v0;
	[tilespmem:$0x18960] =	vst v3  }
0x2a: {  	v3 =	vsub.s32 v6, v0;
	[tilespmem:$0x18930] =	vst v4;
	v2 =	vmin.u32 v2, $0x30D4  }
0x2b: {  	v3 =	vmin.u32 v3, $0x30D4;
	[tilespmem:$0x18920] =	vst v2;
	v2 =	vsub.s32 v7, v0  }
0x2c: {  	v63 =	vsub.s32 v8, v0;
	[tilespmem:$0x18910] =	vst v3;
	v2 =	vmin.u32 v2, $0x30D4  }
0x2d: {  	v3 =	vmin.u32 v63, $0x30D4;
	[tilespmem:$0x18940] =	vst v2;
	v2 =	vsub.s32 v9, v0  }
0x2e: {  	s21 =	simm.s32 $0x100;
	[tilespmem:$0x18900] =	vst v3;
	v2 =	vmin.u32 v2, $0x30D4  }
.LBB2_2:
0x2f: {  	p0 =	sne.s32 s21, $0x9200;
	[tilespmem:$0x18950] =	vst v2;
	s22 =	smov.u32 s21;
	s21 =	sadd.s32 $0x100, s21  }
0x30: {  	_ =	swait.ge [sflag:s18], $0x4000  }
0x31: {  	[sflag:s18] =	ssyncset.done $0x0  }
0x32: {  	[sflag:s18] =	ssyncadd.s32 $0xFFFFC000  }
0x33: {  	[spmem:s3] =	stream.indirect.scatter.add.f32 [tilespmem:s17], [sflag:$0x2], $0x80, s19, s16, $0xb8;
	[tilespmem:$0x1C980] =	vst v63  }
0x34: {  	_ =	swait.ge [sflag:s13], $0x4000  }
0x35: {  	[sflag:s13] =	ssyncset.done $0x0  }
0x36: {  	s23 =	sadd.s32 s22, s10;
	[sflag:s13] =	ssyncadd.s32 $0xFFFFC000  }
0x37: {  	[tilespmem:s14], [sflag:$0x2] =	stream.linear.gather [hbm4b:s23+s4], $0x80, $0x38;
	[tilespmem:$0x1C980] =	vst v63  }
0x38: {  	_ =	swait.ge [sflag:s13], $0x80  }
0x39: {  	[sflag:s13] =	ssyncset.done $0x0  }
0x3a: {  	s22 =	sadd.s32 s22, s11;
	[sflag:s13] =	ssyncadd.s32 $0xFFFFFF80  }
0x3b: {  	[tilespmem:s15], [sflag:$0x2] =	stream.linear.gather [hbm4b:s22+s4], $0x80, $0x38;
	[tilespmem:$0x1C980] =	vst v63  }
0x3c: {  	_ =	swait.ge [sflag:s13], $0x80  }
0x3d: {  	[sflag:s13] =	ssyncset.done $0x0  }
0x3e: {  	[sflag:s13] =	ssyncadd.s32 $0xFFFFFF80  }
0x3f: {  	[tilespmem:s17], [sflag:$0x1] =	stream.indirect.gather [hbm4b:s1+s16], $0x80, s14, s16, $0xb8;
	[tilespmem:$0x1C980] =	vst v63  }
0x40: {  	v2 =	vld [tilespmem:$0x188F0]  }
0x41: {  	v3 =	vld [tilespmem:$0x188E0]  }
0x42: {  	v4 =	vld [tilespmem:$0x188B0]  }
0x43: {  	v5 =	vld [tilespmem:$0x188A0]  }
0x44: {  	v6 =	vld [tilespmem:$0x18890]  }
0x45: {  	v7 =	vld [tilespmem:$0x188C0];
	v2 =	vsub.s32 v2, v0  }
0x46: {  	v8 =	vld [tilespmem:$0x18880];
	v3 =	vsub.s32 v3, v0;
	v2 =	vmin.u32 v2, $0x30D4  }
0x47: {  	v4 =	vsub.s32 v4, v0;
	v9 =	vld [tilespmem:$0x188D0];
	v3 =	vmin.u32 v3, $0x30D4;
	[tilespmem:$0x18970] =	vst v2  }
0x48: {  	v2 =	vsub.s32 v5, v0;
	v4 =	vmin.u32 v4, $0x30D4;
	[tilespmem:$0x18960] =	vst v3  }
.Ltmp0:
0x49: {  	v3 =	vsub.s32 v6, v0;
	v2 =	vmin.u32 v2, $0x30D4;
	[tilespmem:$0x18930] =	vst v4;
	(pc) =	sbr.rel @p0 .LBB2_2-.Ltmp0, $4  }
0x4a: {  	v3 =	vmin.u32 v3, $0x30D4;
	[tilespmem:$0x18920] =	vst v2;
	v2 =	vsub.s32 v7, v0  }
0x4b: {  	v4 =	vsub.s32 v8, v0;
	[tilespmem:$0x18910] =	vst v3;
	v2 =	vmin.u32 v2, $0x30D4  }
0x4c: {  	v3 =	vmin.u32 v4, $0x30D4;
	[tilespmem:$0x18940] =	vst v2;
	v2 =	vsub.s32 v9, v0  }
0x4d: {  	[tilespmem:$0x18900] =	vst v3;
	v2 =	vmin.u32 v2, $0x30D4  }
0x4e: {  	[tilespmem:$0x18950] =	vst v2  }
0x4f: {  	_ =	swait.ge [sflag:s18], $0x4000  }
0x50: {  	[sflag:s18] =	ssyncset.done $0x0  }
0x51: {  	[sflag:s18] =	ssyncadd.s32 $0xFFFFC000  }
0x52: {  	[spmem:s3] =	stream.indirect.scatter.add.f32 [tilespmem:s17], [sflag:$0x2], $0x80, s19, s16, $0xb8;
	[tilespmem:$0x1C980] =	vst v63  }
0x53: {  	_ =	swait.ge [sflag:s13], $0x4000  }
0x54: {  	[sflag:s13] =	ssyncset.done $0x0  }
0x55: {  	[sflag:s13] =	ssyncadd.s32 $0xFFFFC000  }
0x56: {  	[bflag:$0x0] =	sbarrier.arrive $0xFFFF  }
0x57: {  	[hbm:s7], [sflag:s6] =	dma.local [spmem:s12], $0x3100  }
0x58: {  	_ =	swait.ge [sflag:s13], $0x3100  }
0x59: {  	[sflag:s13] =	ssyncset.done $0x0  }
0x5a: {  	[sflag:s13] =	ssyncadd.s32 $0xFFFFCF00  }
0x5b: {  	[bflag:$0x0] =	sbarrier.arrive $0xFFFF  }
0x5c: {  	[spmem:s12], [sflag:s6] =	dma.local [hbm:s5], $0x3100  }
0x5d: {  	_ =	swait.ge [sflag:s13], $0x3100  }
0x5e: {  	[sflag:s13] =	ssyncset.done $0x0  }
0x5f: {  	[sflag:s13] =	ssyncadd.s32 $0xFFFFCF00  }
0x60: {  	s21 =	sadd.s32 $0x0, s10;
	[bflag:$0x0] =	sbarrier.arrive $0xFFFF  }
0x61: {  	[tilespmem:s14], [sflag:$0x2] =	stream.linear.gather [hbm4b:s21+s4], $0x80, $0x38;
	[tilespmem:$0x1C980] =	vst v63  }
0x62: {  	_ =	swait.ge [sflag:s13], $0x80  }
0x63: {  	[sflag:s13] =	ssyncset.done $0x0  }
0x64: {  	s31 =	sadd.s32 $0x0, s11;
	[sflag:s13] =	ssyncadd.s32 $0xFFFFFF80  }
0x65: {  	[tilespmem:s15], [sflag:$0x2] =	stream.linear.gather [hbm4b:s31+s4], $0x80, $0x38;
	[tilespmem:$0x1C980] =	vst v63  }
0x66: {  	_ =	swait.ge [sflag:s13], $0x80  }
0x67: {  	[sflag:s13] =	ssyncset.done $0x0  }
0x68: {  	[sflag:s13] =	ssyncadd.s32 $0xFFFFFF80  }
0x69: {  	[tilespmem:s17], [sflag:$0x1] =	stream.indirect.gather [hbm4b:s1+s16], $0x80, s14, s16, $0xb8;
	[tilespmem:$0x1C980] =	vst v63  }
0x6a: {  	v2 =	vld [tilespmem:$0x188F0]  }
0x6b: {  	v3 =	vld [tilespmem:$0x188E0]  }
0x6c: {  	v4 =	vld [tilespmem:$0x188B0]  }
0x6d: {  	v5 =	vld [tilespmem:$0x188A0]  }
0x6e: {  	v6 =	vld [tilespmem:$0x18890]  }
0x6f: {  	v7 =	vld [tilespmem:$0x188C0];
	v2 =	vsub.s32 v2, v1  }
0x70: {  	v8 =	vld [tilespmem:$0x18880];
	v3 =	vsub.s32 v3, v1;
	v2 =	vmin.u32 v2, $0x30D4  }
0x71: {  	v9 =	vld [tilespmem:$0x188D0];
	v4 =	vsub.s32 v4, v1;
	v3 =	vmin.u32 v3, $0x30D4;
	[tilespmem:$0x18970] =	vst v2  }
0x72: {  	v4 =	vmin.u32 v4, $0x30D4;
	v2 =	vsub.s32 v5, v1;
	[tilespmem:$0x18960] =	vst v3  }
0x73: {  	v3 =	vsub.s32 v6, v1;
	[tilespmem:$0x18930] =	vst v4;
	v2 =	vmin.u32 v2, $0x30D4  }
0x74: {  	v3 =	vmin.u32 v3, $0x30D4;
	[tilespmem:$0x18920] =	vst v2;
	v2 =	vsub.s32 v7, v1  }
0x75: {  	v63 =	vsub.s32 v8, v1;
	[tilespmem:$0x18910] =	vst v3;
	v2 =	vmin.u32 v2, $0x30D4  }
0x76: {  	v3 =	vmin.u32 v63, $0x30D4;
	[tilespmem:$0x18940] =	vst v2;
	v2 =	vsub.s32 v9, v1  }
0x77: {  	s21 =	simm.s32 $0x100;
	[tilespmem:$0x18900] =	vst v3;
	v2 =	vmin.u32 v2, $0x30D4  }
.LBB2_4:
0x78: {  	p0 =	sne.s32 s21, $0x9200;
	[tilespmem:$0x18950] =	vst v2;
	s22 =	smov.u32 s21;
	s21 =	sadd.s32 $0x100, s21  }
0x79: {  	_ =	swait.ge [sflag:s18], $0x4000  }
0x7a: {  	[sflag:s18] =	ssyncset.done $0x0  }
0x7b: {  	[sflag:s18] =	ssyncadd.s32 $0xFFFFC000  }
0x7c: {  	[spmem:s3] =	stream.indirect.scatter.add.f32 [tilespmem:s17], [sflag:$0x2], $0x80, s19, s16, $0xb8;
	[tilespmem:$0x1C980] =	vst v63  }
0x7d: {  	_ =	swait.ge [sflag:s13], $0x4000  }
0x7e: {  	[sflag:s13] =	ssyncset.done $0x0  }
0x7f: {  	s23 =	sadd.s32 s22, s10;
	[sflag:s13] =	ssyncadd.s32 $0xFFFFC000  }
0x80: {  	[tilespmem:s14], [sflag:$0x2] =	stream.linear.gather [hbm4b:s23+s4], $0x80, $0x38;
	[tilespmem:$0x1C980] =	vst v63  }
0x81: {  	_ =	swait.ge [sflag:s13], $0x80  }
0x82: {  	[sflag:s13] =	ssyncset.done $0x0  }
0x83: {  	s22 =	sadd.s32 s22, s11;
	[sflag:s13] =	ssyncadd.s32 $0xFFFFFF80  }
0x84: {  	[tilespmem:s15], [sflag:$0x2] =	stream.linear.gather [hbm4b:s22+s4], $0x80, $0x38;
	[tilespmem:$0x1C980] =	vst v63  }
0x85: {  	_ =	swait.ge [sflag:s13], $0x80  }
0x86: {  	[sflag:s13] =	ssyncset.done $0x0  }
0x87: {  	[sflag:s13] =	ssyncadd.s32 $0xFFFFFF80  }
0x88: {  	[tilespmem:s17], [sflag:$0x1] =	stream.indirect.gather [hbm4b:s1+s16], $0x80, s14, s16, $0xb8;
	[tilespmem:$0x1C980] =	vst v63  }
0x89: {  	v2 =	vld [tilespmem:$0x188F0]  }
0x8a: {  	v3 =	vld [tilespmem:$0x188E0]  }
0x8b: {  	v4 =	vld [tilespmem:$0x188B0]  }
0x8c: {  	v5 =	vld [tilespmem:$0x188A0]  }
0x8d: {  	v6 =	vld [tilespmem:$0x18890]  }
0x8e: {  	v7 =	vld [tilespmem:$0x188C0];
	v2 =	vsub.s32 v2, v1  }
0x8f: {  	v8 =	vld [tilespmem:$0x18880];
	v3 =	vsub.s32 v3, v1;
	v2 =	vmin.u32 v2, $0x30D4  }
0x90: {  	v4 =	vsub.s32 v4, v1;
	v9 =	vld [tilespmem:$0x188D0];
	v3 =	vmin.u32 v3, $0x30D4;
	[tilespmem:$0x18970] =	vst v2  }
0x91: {  	v2 =	vsub.s32 v5, v1;
	v4 =	vmin.u32 v4, $0x30D4;
	[tilespmem:$0x18960] =	vst v3  }
.Ltmp1:
0x92: {  	v3 =	vsub.s32 v6, v1;
	v2 =	vmin.u32 v2, $0x30D4;
	[tilespmem:$0x18930] =	vst v4;
	(pc) =	sbr.rel @p0 .LBB2_4-.Ltmp1, $4  }
0x93: {  	v3 =	vmin.u32 v3, $0x30D4;
	[tilespmem:$0x18920] =	vst v2;
	v2 =	vsub.s32 v7, v1  }
0x94: {  	v4 =	vsub.s32 v8, v1;
	[tilespmem:$0x18910] =	vst v3;
	v2 =	vmin.u32 v2, $0x30D4  }
0x95: {  	v3 =	vmin.u32 v4, $0x30D4;
	[tilespmem:$0x18940] =	vst v2;
	v2 =	vsub.s32 v9, v1  }
0x96: {  	[tilespmem:$0x18900] =	vst v3;
	v2 =	vmin.u32 v2, $0x30D4  }
0x97: {  	[tilespmem:$0x18950] =	vst v2  }
0x98: {  	_ =	swait.ge [sflag:s18], $0x4000  }
0x99: {  	[sflag:s18] =	ssyncset.done $0x0  }
0x9a: {  	[sflag:s18] =	ssyncadd.s32 $0xFFFFC000  }
0x9b: {  	[spmem:s3] =	stream.indirect.scatter.add.f32 [tilespmem:s17], [sflag:$0x2], $0x80, s19, s16, $0xb8;
	[tilespmem:$0x1C980] =	vst v63  }
0x9c: {  	_ =	swait.ge [sflag:s13], $0x4000  }
0x9d: {  	[sflag:s13] =	ssyncset.done $0x0  }
0x9e: {  	s20 =	sadd.s32 $0x1, s20;
	[sflag:s13] =	ssyncadd.s32 $0xFFFFC000  }
0x9f: {  	p0 =	sne.s32 s20, s9;
	[bflag:$0x0] =	sbarrier.arrive $0xFFFF  }
0xa0: {  	[hbm:s8], [sflag:s6] =	dma.local [spmem:s12], $0x3100  }
.Ltmp2:
0xa1: {  	_ =	swait.ge [sflag:s13], $0x3100;
	(pc) =	sbr.rel @p0 .LBB2_1-.Ltmp2, $3  }
0xa2: {  	[sflag:s13] =	ssyncset.done $0x0  }
0xa3: {  	[sflag:s13] =	ssyncadd.s32 $0xFFFFCF00  }
0xa4: {  	[bflag:$0x0] =	sbarrier.arrive $0xFFFF;
	_ =	sdelay $0x1  }
0xa5: {  	_ =	sfence.sel $0x180000  }
0xa6: {  	[bflag:$0x0] =	sbarrier.arrive $0xFFFF  }
0xa7: {  	p0 =	sne.s32 s2, $0x0;
	_ =	strace $0x9000004A  }
0xa8: {  	s0 =	sadd.s32 @!p0 $0x100000, s0;
	[bflag:$0x2] =	sbarrier.arrive $0xFFFF  }
0xa9: {  	[sflag:s0] =	ssyncadd.tile.s32 @!p0 $0x1;
	_ =	shalt  }
.Lfunc_end2:
_tile_overlayer_lowered:
.L_overlay_start_2:
0xaa: {  	(tag) =	ssettag $0x2  }
0xab: {  	s0 =	rddreg [dreg:$0x0];
	s2 =	stileid.u32  }
0xac: {  	s1 =	rddreg [dreg:$0x1];
	p0 =	sne.s32 s2, $0x0  }
0xad: {  	s3 =	rddreg [dreg:$0x2];
	[bflag:$0x3] =	sbarrier.arrive $0xFFFF;
	s2 =	simm.s32 @!p0 $0x1C02  }
0xae: {  	[timem:s3], [sflag:s2] =	dma.local @!p0 [hbm:s0], s1  }
0xaf: {  	s0 =	simm.s32 @!p0 $0x2  }
0xb0: {  	_ =	swait.ge @!p0 [sflag:s0], s1  }
0xb1: {  	s1 =	ssub.s32 @!p0 $0x0, s1;
	[sflag:s0] =	ssyncset.done @!p0 $0x0  }
0xb2: {  	[sflag:s0] =	ssyncadd.s32 @!p0 s1  }
0xb3: {  	[bflag:$0x3] =	sbarrier.arrive $0xFFFF  }
0xb4: {  	_ =	shalt  }

// kernel: kernel.14.cloned.1.call-start
scs
__scs_entry_jumppad:
0x0: {  	(pc) =	sbr.rel $0x88, $3  }
0x1: {  	(tag) =	ssettag $0x0;
	lr =	simm.s32 $0x1  }
0x2: {  	[smem:$0x3F88] =	sst lr;
	_ =	strace $0xD0000000  }
0x3: {  	_ = 	snop  }
0x4: {  	_ = 	snop  }
0x5: {  	_ = 	snop  }
0x6: {  	_ = 	snop  }
0x7: {  	_ = 	snop  }
__scs_overlays_trampoline_lowered:
0x8: {  	[smem:$0x3F97] =	sst s0  }
0x9: {  	[smem:$0x3F98] =	sst s1  }
0xa: {  	[smem:$0x3F99] =	sst s2  }
0xb: {  	[smem:$0x3F9A] =	sst s3  }
0xc: {  	[smem:$0x3F9B] =	sst s4  }
0xd: {  	[smem:$0x3F9C] =	sst s5  }
0xe: {  	[smem:$0x3F9D] =	sst s6  }
0xf: {  	[smem:$0x3F9E] =	sst s7  }
0x10: {  	[smem:$0x3F9F] =	sst s8  }
0x11: {  	[smem:$0x3FA0] =	sst s9;
	s0 =	simm.s32 @!p0 $0x0  }
0x12: {  	s1 =	sld [smem:$0x3F86];
	s0 =	simm.s32 @p0 $0x1  }
0x13: {  	[smem:$0x3FA1] =	sst s0;
	s0 =	simm.s32 @!p1 $0x0  }
0x14: {  	s2 =	sld [smem:$0x3F85];
	s0 =	simm.s32 @p1 $0x1  }
0x15: {  	[smem:$0x3FA2] =	sst s0;
	s0 =	simm.s32 @!p2 $0x0  }
0x16: {  	s3 =	sld [smem:$0x3FDB];
	s0 =	simm.s32 @p2 $0x1  }
0x17: {  	s4 =	simm.s32 $0x1BF5;
	[smem:$0x3FA4] =	sst s0  }
0x18: {  	s0 =	sld [smem:$0x3F87];
	_ =	swait.ge [sflag:s4], $0x0  }
0x19: {  	s7 =	sld [smem:$0x3F88]  }
0x1a: {  	s8 =	sadd.s32 $0xFFFFE003, lr  }
0x1b: {  	s9 =	sadd.s32 $0xFFFFFEF7, lr;
	s5 =	simm.s32 $0xFFFFFFFF;
	p2 =	slt.u32 s8, $0xFFFFF086  }
0x1c: {  	p1 =	slt.u32 s9, $0xF7A;
	s5 =	simm.s32 @!p2 $0x0  }
0x1d: {  	s5 =	simm.s32 @p1 $0x1;
	p0 =	seq.s32 s7, s2  }
0x1e: {  	s7 =	smul.u32 @!p0 $0xF7A, s2;
	p2 =	seq.s32 @!p0 s5, $0x0  }
0x1f: {  	s9 =	smul.u32 $0xF7A, s1;
	s8 =	simm.s32 @!p0 $0x1BF5;
	p2 =	por !p2, p0  }
0x20: {  	[sflag:s8] =	ssyncset.s32 @!p0 $0xFFFFF086;
	s6 =	sadd.s32 @!p0 s3, s7;
	s7 =	simm.s32 @!p0 $0x108  }
0x21: {  	s3 =	sadd.s32 s3, s9;
	s6 =	sadd.s32 @!p0 $0x88, s6;
	s7 =	simm.s32 @p2 $0x1082  }
0x22: {  	[simem:s7], [sflag:s8] =	dma.local @!p0 [hbm:s6], $0xF7A  }
0x23: {  	s9 =	sor.u32 $0xD0000000, s2;
	s6 =	simm.s32 $0x108;
	_ =	swait.ge @!p0 [sflag:s8], $0x0  }
0x24: {  	s3 =	sadd.s32 $0x88, s3;
	s6 =	simm.s32 @!p1 $0x1082;
	[sflag:s4] =	ssyncset.s32 $0xFFFFF086  }
0x25: {  	[simem:s6], [sflag:s4] =	dma.local [hbm:s3], $0xF7A  }
0x26: {  	[smem:$0x3F88] =	sst s1;
	(tag) =	ssettag s2;
	_ =	strace s9  }
0x27: {  	s1 =	sld [smem:$0x3F98]  }
0x28: {  	s2 =	sld [smem:$0x3F99]  }
0x29: {  	s4 =	sld [smem:$0x3F9B]  }
0x2a: {  	p0 =	seq.s32 s5, $0x0;
	s5 =	sld [smem:$0x3F9C]  }
0x2b: {  	s6 =	sld [smem:$0x3F9D]  }
0x2c: {  	s7 =	sld [smem:$0x3F9E]  }
0x2d: {  	s3 =	simm.s32 $0x108;
	s8 =	sld [smem:$0x3F9F]  }
0x2e: {  	s3 =	simm.s32 @!p0 $0x1082;
	s9 =	sld [smem:$0x3FA0]  }
0x2f: {  	lr =	sadd.s32 s0, s3;
	s0 =	sld [smem:$0x3F97]  }
0x30: {  	s3 =	sld [smem:$0x3F9A]  }
0x31: {  	[smem:$0x3FA3] =	sst s10  }
0x32: {  	s10 =	sld [smem:$0x3FA1];
	_ =	sdelay $0x3  }
0x33: {  	p0 =	seq.s32 s10, $0x1;
	s10 =	sld [smem:$0x3FA3];
	_ =	sdelay $0x3  }
0x34: {  	[smem:$0x3FA3] =	sst s10  }
0x35: {  	s10 =	sld [smem:$0x3FA2];
	_ =	sdelay $0x3  }
0x36: {  	p1 =	seq.s32 s10, $0x1;
	s10 =	sld [smem:$0x3FA3];
	_ =	sdelay $0x3  }
0x37: {  	[smem:$0x3FA3] =	sst s10  }
0x38: {  	s10 =	sld [smem:$0x3FA4]  }
0x39: {  	_ = 	snop;
	(pc) =	sbr.ind lr, $3  }
0x3a: {  	_ = 	snop  }
0x3b: {  	_ = 	snop  }
0x3c: {  	p2 =	seq.s32 s10, $0x1;
	s10 =	sld [smem:$0x3FA3]  }
0x3d: {  	_ =	shalt  }
0x3e: {  	_ =	shalt  }
0x3f: {  	_ =	shalt  }
0x40: {  	_ =	shalt  }
0x41: {  	_ =	shalt  }
0x42: {  	_ =	shalt  }
0x43: {  	_ =	shalt  }
0x44: {  	_ =	shalt  }
0x45: {  	_ =	shalt  }
0x46: {  	_ =	shalt  }
0x47: {  	_ =	shalt  }
0x48: {  	_ =	shalt  }
0x49: {  	_ =	shalt  }
0x4a: {  	_ =	shalt  }
0x4b: {  	_ =	shalt  }
0x4c: {  	_ =	shalt  }
0x4d: {  	_ =	shalt  }
0x4e: {  	_ =	shalt  }
0x4f: {  	_ =	shalt  }
0x50: {  	_ =	shalt  }
0x51: {  	_ =	shalt  }
0x52: {  	_ =	shalt  }
0x53: {  	_ =	shalt  }
0x54: {  	_ =	shalt  }
0x55: {  	_ =	shalt  }
0x56: {  	_ =	shalt  }
0x57: {  	_ =	shalt  }
0x58: {  	_ =	shalt  }
0x59: {  	_ =	shalt  }
0x5a: {  	_ =	shalt  }
0x5b: {  	_ =	shalt  }
0x5c: {  	_ =	shalt  }
0x5d: {  	_ =	shalt  }
0x5e: {  	_ =	shalt  }
0x5f: {  	_ =	shalt  }
0x60: {  	_ =	shalt  }
0x61: {  	_ =	shalt  }
0x62: {  	_ =	shalt  }
0x63: {  	_ =	shalt  }
0x64: {  	_ =	shalt  }
0x65: {  	_ =	shalt  }
0x66: {  	_ =	shalt  }
0x67: {  	_ =	shalt  }
0x68: {  	_ =	shalt  }
0x69: {  	_ =	shalt  }
0x6a: {  	_ =	shalt  }
0x6b: {  	_ =	shalt  }
0x6c: {  	_ =	shalt  }
0x6d: {  	_ =	shalt  }
0x6e: {  	_ =	shalt  }
0x6f: {  	_ =	shalt  }
0x70: {  	_ =	shalt  }
0x71: {  	_ =	shalt  }
0x72: {  	_ =	shalt  }
0x73: {  	_ =	shalt  }
0x74: {  	_ =	shalt  }
0x75: {  	_ =	shalt  }
0x76: {  	_ =	shalt  }
0x77: {  	_ =	shalt  }
0x78: {  	_ =	shalt  }
0x79: {  	_ =	shalt  }
0x7a: {  	_ =	shalt  }
0x7b: {  	_ =	shalt  }
0x7c: {  	_ =	shalt  }
0x7d: {  	_ =	shalt  }
0x7e: {  	_ =	shalt  }
0x7f: {  	_ =	shalt  }
0x80: {  	_ =	shalt  }
0x81: {  	_ =	shalt  }
0x82: {  	_ =	shalt  }
0x83: {  	_ =	shalt  }
0x84: {  	_ =	shalt  }
0x85: {  	_ =	shalt  }
0x86: {  	_ =	shalt  }
0x87: {  	_ =	shalt  }
.Lfunc_end0:
.L_simem_size_0:
called_computation.1_lowered:
.L_overlay_start_0:
0x88: {  	s2 =	sld [smem:$0x3FD9]  }
0x89: {  	s3 =	sld [smem:$0x3FFE];
	_ =	sdelay $0x1  }
0x8a: {  	s1 =	srdreg.scid  }
0x8b: {  	s0 =	sand.u32 $0x1, s1  }
0x8c: {  	s17 =	sshll.u32 s0, $0xA;
	s2 =	sadd.s32 s3, s2  }
0x8d: {  	s2 =	sadd.s32 s2, s17  }
0x8e: {  	[smem:$0x3FAF] =	sst s2  }
0x8f: {  	_ = 	snop  }
0x90: {  	(tm) =	ssettm $0x1  }
0x91: {  	s18 =	sld [smem:$0x3FFB];
	_ =	sdelay $0x3  }
0x92: {  	_ =	strace s18  }
0x93: {  	s2 =	sld [smem:$0x3FFC];
	_ =	sdelay $0x3  }
0x94: {  	_ =	strace s2  }
0x95: {  	s2 =	sld [smem:$0x3FFD];
	_ =	sdelay $0x3  }
0x96: {  	_ =	strace s2  }
0x97: {  	_ =	strace $0x8FFFFFFF  }
0x98: {  	s19 =	sld [smem:$0x3FDB];
	_ =	sdelay $0x1  }
0x99: {  	s20 =	simm.s32 $_scs_section_size  }
0x9a: {  	s4 =	simm.s32 $_size__tile_overlayer_lowered;
	s5 =	simm.s32 $_tile_overlayer_lowered  }
0x9b: {  	s6 =	simm.s32 $0x1BFF;
	s21 =	sshll.u32 s5, $0x1;
	s3 =	sadd.s32 s20, s19  }
0x9c: {  	s22 =	simm.s32 $0x0;
	s4 =	sshll.u32 s4, $0x1;
	s5 =	sadd.s32 s21, s3  }
0x9d: {  	[timem:s22], [sflag:s6] =	dma.local [hbm:s5], s4  }
0x9e: {  	_ =	swait.ge [sflag:s6], s4  }
0x9f: {  	s4 =	ssub.s32 $0x0, s4;
	[sflag:s6] =	ssyncset.done $0x0  }
0xa0: {  	[sflag:s6] =	ssyncadd.s32 s4;
	_ =	sdelay $0x1  }
0xa1: {  	s23 =	simm.s32 $0x1B8B  }
0xa2: {  	_ =	swait.ge [sflag:s23], $0x1  }
0xa3: {  	[sflag:s23] =	ssyncset.done $0x0  }
0xa4: {  	[sflag:s23] =	ssyncadd.s32 $0xFFFFFFFF  }
0xa5: {  	s4 =	sld [smem:$0x0]  }
0xa6: {  	s5 =	sand.u32 $0xFFFFFFFE, s1  }
0xa7: {  	p0 =	sne.s32 s1, s5  }
0xa8: {  	s5 =	sshll.u32 @p0 s5, $0xE  }
0xa9: {  	s5 =	sadd.s32 @p0 $0x11B8D, s5;
	s6 =	sshll.u32 @p0 s4, $0x11  }
0xaa: {  	s5 =	sor.u32 @p0 s6, s5  }
0xab: {  	[sflag:s5] =	ssyncadd.remote.s32 @p0 $0x1;
	_ =	sdelay $0x1  }
0xac: {  	s5 =	simm.s32 @p0 $0x1B8D  }
0xad: {  	_ =	swait.eq @p0 [sflag:s5], $0x1  }
0xae: {  	[sflag:s5] =	ssyncadd.s32 @p0 $0xFFFFFFFF  }
0xaf: {  	s6 =	sshll.u32 @!p0 s1, $0xE  }
0xb0: {  	s6 =	sor.u32 @!p0 $0x4000, s6;
	s5 =	simm.s32 @!p0 $0x1B8D  }
0xb1: {  	s4 =	sshll.u32 @!p0 s4, $0x11;
	s6 =	sadd.s32 @!p0 $0x11B8D, s6;
	_ =	swait.eq @!p0 [sflag:s5], $0x1  }
0xb2: {  	s4 =	sor.u32 @!p0 s4, s6;
	[sflag:s5] =	ssyncadd.s32 @!p0 $0xFFFFFFFF  }
0xb3: {  	s25 =	simm.s32 $0x1B8E;
	s24 =	sld [smem:$0x3FFE];
	[sflag:s4] =	ssyncadd.remote.s32 @!p0 $0x1  }
0xb4: {  	s26 =	simm.s32 $execute0_lowered;
	[smem:$0x3FD2] =	sst s25  }
0xb5: {  	s5 =	sshll.u32 s26, $0x1;
	_ =	strace $0x8000004F;
	[dreg:$0x1] =	wrdreg $0xFFFFFFFF  }
0xb6: {  	s28 =	simm.s32 $_size_execute0_lowered;
	s3 =	sadd.s32 s3, s5;
	[dreg:$0x0] =	wrdreg $0x0  }
0xb7: {  	s5 =	sshll.u32 s28, $0x1;
	[dreg:$0x2] =	wrdreg s3  }
0xb8: {  	[dreg:$0x3] =	wrdreg s5  }
0xb9: {  	[dreg:$0x4] =	wrdreg $0xC0  }
0xba: {  	_ =	task [dreg:s22], $0x5FFFF  }
0xbb: {  	[dreg:$0x1] =	wrdreg $0xFFFFFFFF  }
0xbc: {  	[dreg:$0x0] =	wrdreg $0x60  }
0xbd: {  	[dreg:$0x2] =	wrdreg s24  }
0xbe: {  	[dreg:$0x3] =	wrdreg $0x0  }
0xbf: {  	[dreg:$0x4] =	wrdreg $0xA  }
0xc0: {  	_ =	task.clear_ibuf [dreg:s22], $0x5FFFF;
	_ =	strace $0x9000004F  }
0xc1: {  	s29 =	simm.s32 $0xA;
	_ =	strace $0x80000051  }
0xc2: {  	_ =	swait.ge [sflag:s29], $0x1  }
0xc3: {  	[sflag:s29] =	ssyncadd.s32 $0xFFFFFFFF  }
0xc4: {  	_ =	strace $0x90000051  }
0xc5: {  	_ =	sfence  }
0xc6: {  	s30 =	sld [smem:$0x0];
	_ =	sdelay $0x2  }
0xc7: {  	s31 =	sshll.u32 s1, $0xD;
	s1 =	sshrl.u32 s1, $0x2  }
0xc8: {  	s4 =	sand.u32 $0x4000, s31;
	s1 =	sadd.s32 s1, s30  }
0xc9: {  	s0 =	sor.u32 s4, s0;
	s1 =	sshll.u32 s1, $0x11  }
0xca: {  	s0 =	sor.u32 s1, s0  }
0xcb: {  	s0 =	sadd.s32 $0x8F2B, s0  }
0xcc: {  	[sflag:s0] =	ssyncadd.remote.s32 $0x1  }
0xcd: {  	_ =	sfence.sel $0xFFFF  }
0xce: {  	[dreg:$0x0] =	wrdreg $0xFFFFFFFF;
	(pc) =	sbr.abs _section_cstart, $3  }
0xcf: {  	[dreg:$0x1] =	wrdreg $0xFFFFFFFF  }
0xd0: {  	_ =	task.clear_ibuf [dreg:s22], $0x2FFFF;
	_ =	strace $0x9FFFFFFF  }
0xd1: {  	(tm) =	ssettm $0x7FFFFFFF  }
tec
execute0_lowered:
.L_overlay_start_1:
0x0: {  	(tag) =	ssettag $0x1  }
0x1: {  	s6 =	rddreg [dreg:$0x0]  }
0x2: {  	s2 =	rddreg [dreg:$0x1]  }
0x3: {  	s0 =	rddreg [dreg:$0x2];
	s3 =	simm.s32 $0x0;
	s1 =	stileid.u32  }
0x4: {  	s5 =	srdreg.scid;
	[smem:$0x7FF] =	sst s3  }
0x5: {  	s7 =	sand.u32 $0x1, s5;
	s8 =	smul.u32 $0x310, s1;
	s5 =	sadd.s32 $0x277C00, s6  }
0x6: {  	s4 =	sshll.u32 s1, $0x4;
	s13 =	smul.u32 $0x62000, s1;
	s15 =	sadd.s32 $0x33F600, s6  }
0x7: {  	s31 =	sshll.u32 s1, $0x6;
	_ =	strace $0x80000050;
	s11 =	smul.u32 $0x3100, s7  }
0x8: {  	s9 =	sadd.s32 s4, s6;
	s14 =	sor.u32 $0x2, s7;
	s16 =	smul.u32 $0x30D4, s7  }
0x9: {  	s4 =	sadd.s32 $0x278400, s6;
	s10 =	ssub.s32 $0x2, s7;
	s26 =	smul.u32 $0x3100, s14  }
0xa: {  	s12 =	sshrl.u32 s10, $0x1;
	s29 =	sshrl.u32 s13, $0x2;
	s17 =	smul.u32 $0x30D4, s14  }
0xb: {  	s9 =	sadd.s32 $0x1A1400, s9;
	s14 =	simm.s32 $0x3100;
	s10 =	ssub.s32 s10, s12  }
0xc: {  	s28 =	sadd.s32 s8, s11;
	s13 =	sadd.s32 s29, s2;
	s11 =	simm.s32 $0x1  }
0xd: {  	s12 =	sor.u32 $0x1C01, s31;
	v0 =	vmov s16;
	s16 =	simm.s32 $0x3180;
	s7 =	sshll.u32 s28, $0x4  }
0xe: {  	s8 =	sadd.s32 s8, s26;
	s13 =	sshrl.u32 s13, $0x3;
	v1 =	vmov s17;
	s17 =	simm.s32 $0x0  }
0xf: {  	s6 =	sadd.s32 s15, s7;
	s30 =	sshll.u32 s8, $0x4;
	s8 =	smax.u32 s10, $0x1  }
0x10: {  	s10 =	simm.s32 $0x3200;
	s7 =	sadd.s32 s15, s30;
	s15 =	simm.s32 $0x80  }
.LBB2_1:
0x11: {  	[tilespmem:s10], [sflag:$0x1] =	stream.linear.gather [hbm4b:s5+s3], $0x4000, $0x38;
	[tilespmem:$0x7200] =	vst v63  }
0x12: {  	_ =	swait.ge [sflag:s11], $0x4000  }
0x13: {  	[sflag:s11] =	ssyncset.done $0x0  }
0x14: {  	[sflag:s11] =	ssyncadd.s32 $0xFFFFC000  }
0x15: {  	[spmem:s13], [sflag:s12] =	dma.local [hbm:s4], $0x3100  }
0x16: {  	_ =	swait.ge [sflag:s11], $0x3100  }
0x17: {  	[sflag:s11] =	ssyncset.done $0x0  }
0x18: {  	[sflag:s11] =	ssyncadd.s32 $0xFFFFCF00  }
0x19: {  	s18 =	sadd.s32 $0x0, s9;
	[bflag:$0x0] =	sbarrier.arrive $0xFFFF  }
0x1a: {  	[tilespmem:s14], [sflag:$0x1] =	stream.linear.gather [hbm4b:s18+s3], $0x80, $0x38;
	[tilespmem:$0x7200] =	vst v63  }
0x1b: {  	_ =	swait.ge [sflag:s11], $0x80  }
0x1c: {  	[sflag:s11] =	ssyncset.done $0x0  }
0x1d: {  	[sflag:s11] =	ssyncadd.s32 $0xFFFFFF80  }
0x1e: {  	v2 =	vld [tilespmem:$0x3100]  }
0x1f: {  	v3 =	vld [tilespmem:$0x3130]  }
0x20: {  	v4 =	vld [tilespmem:$0x3170]  }
0x21: {  	v5 =	vld [tilespmem:$0x3160]  }
0x22: {  	v6 =	vld [tilespmem:$0x3110]  }
0x23: {  	v7 =	vld [tilespmem:$0x3150];
	v2 =	vsub.s32 v2, v0  }
0x24: {  	v8 =	vld [tilespmem:$0x3120];
	v3 =	vsub.s32 v3, v0;
	v2 =	vmin.u32 v2, $0x30D4  }
0x25: {  	v4 =	vsub.s32 v4, v0;
	[tilespmem:$0x3180] =	vst v2;
	v2 =	vmin.u32 v3, $0x30D4;
	v3 =	vld [tilespmem:$0x3140]  }
0x26: {  	v4 =	vmin.u32 v4, $0x30D4;
	[tilespmem:$0x31B0] =	vst v2;
	v2 =	vsub.s32 v5, v0  }
0x27: {  	[tilespmem:$0x31F0] =	vst v4;
	v5 =	vsub.s32 v6, v0;
	v2 =	vmin.u32 v2, $0x30D4  }
0x28: {  	v4 =	vmin.u32 v5, $0x30D4;
	v5 =	vsub.s32 v7, v0;
	[tilespmem:$0x31E0] =	vst v2  }
0x29: {  	[tilespmem:$0x3190] =	vst v4;
	v2 =	vsub.s32 v8, v0;
	v4 =	vmin.u32 v5, $0x30D4  }
0x2a: {  	s19 =	simm.s32 $0x100;
	s20 =	simm.s32 $0x300;
	s18 =	simm.s32 $0x200;
	v2 =	vmin.u32 v2, $0x30D4;
	[tilespmem:$0x31D0] =	vst v4;
	v3 =	vsub.s32 v3, v0  }
.LBB2_2:
0x2b: {  	p0 =	sne.s32 s20, $0x9200;
	[tilespmem:$0x31A0] =	vst v2;
	v2 =	vmin.u32 v3, $0x30D4;
	s21 =	smov.u32 s20;
	s20 =	sadd.s32 $0x100, s20  }
0x2c: {  	[tilespmem:$0x31C0] =	vst v2  }
0x2d: {  	[spmem:s2] =	stream.indirect.scatter.add.f32 [tilespmem:s10], [sflag:$0x1], $0x10, s16, s15, $0xb8;
	[tilespmem:$0x7200] =	vst v63  }
0x2e: {  	_ =	swait.ge [sflag:s11], $0x800  }
0x2f: {  	[sflag:s11] =	ssyncset.done $0x0  }
0x30: {  	s22 =	sadd.s32 s19, s9;
	s19 =	smov.u32 s18;
	[sflag:s11] =	ssyncadd.s32 $0xFFFFF800  }
0x31: {  	[tilespmem:s14], [sflag:$0x1] =	stream.linear.gather [hbm4b:s22+s3], $0x80, $0x38;
	[tilespmem:$0x7200] =	vst v63  }
0x32: {  	s18 =	smov.u32 s21;
	_ =	swait.ge [sflag:s11], $0x80  }
0x33: {  	[sflag:s11] =	ssyncset.done $0x0  }
0x34: {  	[sflag:s11] =	ssyncadd.s32 $0xFFFFFF80  }
0x35: {  	v2 =	vld [tilespmem:$0x3100]  }
0x36: {  	v3 =	vld [tilespmem:$0x3130]  }
0x37: {  	v4 =	vld [tilespmem:$0x3170]  }
0x38: {  	v5 =	vld [tilespmem:$0x3160]  }
0x39: {  	v6 =	vld [tilespmem:$0x3110]  }
0x3a: {  	v2 =	vsub.s32 v2, v0;
	v7 =	vld [tilespmem:$0x3150]  }
0x3b: {  	v2 =	vmin.u32 v2, $0x30D4;
	v8 =	vld [tilespmem:$0x3120];
	v3 =	vsub.s32 v3, v0  }
0x3c: {  	[tilespmem:$0x3180] =	vst v2;
	v2 =	vmin.u32 v3, $0x30D4;
	v3 =	vld [tilespmem:$0x3140];
	v4 =	vsub.s32 v4, v0  }
.Ltmp0:
0x3d: {  	[tilespmem:$0x31B0] =	vst v2;
	v2 =	vsub.s32 v5, v0;
	v4 =	vmin.u32 v4, $0x30D4;
	(pc) =	sbr.rel @p0 .LBB2_2-.Ltmp0, $4  }
0x3e: {  	v5 =	vsub.s32 v6, v0;
	v2 =	vmin.u32 v2, $0x30D4;
	[tilespmem:$0x31F0] =	vst v4  }
0x3f: {  	v4 =	vmin.u32 v5, $0x30D4;
	v5 =	vsub.s32 v7, v0;
	[tilespmem:$0x31E0] =	vst v2  }
0x40: {  	[tilespmem:$0x3190] =	vst v4;
	v2 =	vsub.s32 v8, v0;
	v4 =	vmin.u32 v5, $0x30D4  }
0x41: {  	v2 =	vmin.u32 v2, $0x30D4;
	v3 =	vsub.s32 v3, v0;
	[tilespmem:$0x31D0] =	vst v4  }
0x42: {  	[tilespmem:$0x31A0] =	vst v2;
	v2 =	vmin.u32 v3, $0x30D4  }
0x43: {  	[tilespmem:$0x31C0] =	vst v2  }
0x44: {  	[spmem:s2] =	stream.indirect.scatter.add.f32 [tilespmem:s10], [sflag:$0x1], $0x10, s16, s15, $0xb8;
	[tilespmem:$0x7200] =	vst v63  }
0x45: {  	_ =	swait.ge [sflag:s11], $0x800  }
0x46: {  	[sflag:s11] =	ssyncset.done $0x0  }
0x47: {  	s19 =	sadd.s32 s19, s9;
	[sflag:s11] =	ssyncadd.s32 $0xFFFFF800  }
0x48: {  	[tilespmem:s14], [sflag:$0x1] =	stream.linear.gather [hbm4b:s19+s3], $0x80, $0x38;
	[tilespmem:$0x7200] =	vst v63  }
0x49: {  	_ =	swait.ge [sflag:s11], $0x80  }
0x4a: {  	[sflag:s11] =	ssyncset.done $0x0  }
0x4b: {  	[sflag:s11] =	ssyncadd.s32 $0xFFFFFF80  }
0x4c: {  	v2 =	vld [tilespmem:$0x3100]  }
0x4d: {  	v3 =	vld [tilespmem:$0x3130]  }
0x4e: {  	v4 =	vld [tilespmem:$0x3170]  }
0x4f: {  	v5 =	vld [tilespmem:$0x3160]  }
0x50: {  	v6 =	vld [tilespmem:$0x3110]  }
0x51: {  	v7 =	vld [tilespmem:$0x3150];
	v2 =	vsub.s32 v2, v0  }
0x52: {  	v8 =	vld [tilespmem:$0x3120];
	v3 =	vsub.s32 v3, v0;
	v2 =	vmin.u32 v2, $0x30D4  }
0x53: {  	v4 =	vsub.s32 v4, v0;
	[tilespmem:$0x3180] =	vst v2;
	v2 =	vmin.u32 v3, $0x30D4;
	v3 =	vld [tilespmem:$0x3140]  }
0x54: {  	v4 =	vmin.u32 v4, $0x30D4;
	[tilespmem:$0x31B0] =	vst v2;
	v2 =	vsub.s32 v5, v0  }
0x55: {  	[tilespmem:$0x31F0] =	vst v4;
	v5 =	vsub.s32 v6, v0;
	v2 =	vmin.u32 v2, $0x30D4  }
0x56: {  	v4 =	vmin.u32 v5, $0x30D4;
	v5 =	vsub.s32 v7, v0;
	[tilespmem:$0x31E0] =	vst v2  }
0x57: {  	[tilespmem:$0x3190] =	vst v4;
	v2 =	vsub.s32 v8, v0;
	v4 =	vmin.u32 v5, $0x30D4  }
0x58: {  	v2 =	vmin.u32 v2, $0x30D4;
	[tilespmem:$0x31D0] =	vst v4;
	v3 =	vsub.s32 v3, v0  }
0x59: {  	[tilespmem:$0x31A0] =	vst v2;
	v2 =	vmin.u32 v3, $0x30D4  }
0x5a: {  	[tilespmem:$0x31C0] =	vst v2  }
0x5b: {  	[spmem:s2] =	stream.indirect.scatter.add.f32 [tilespmem:s10], [sflag:$0x1], $0x10, s16, s15, $0xb8;
	[tilespmem:$0x7200] =	vst v63  }
0x5c: {  	_ =	swait.ge [sflag:s11], $0x800  }
0x5d: {  	[sflag:s11] =	ssyncset.done $0x0  }
0x5e: {  	s18 =	sadd.s32 s18, s9;
	[sflag:s11] =	ssyncadd.s32 $0xFFFFF800  }
0x5f: {  	[tilespmem:s14], [sflag:$0x1] =	stream.linear.gather [hbm4b:s18+s3], $0x80, $0x38;
	[tilespmem:$0x7200] =	vst v63  }
0x60: {  	_ =	swait.ge [sflag:s11], $0x80  }
0x61: {  	[sflag:s11] =	ssyncset.done $0x0  }
0x62: {  	[sflag:s11] =	ssyncadd.s32 $0xFFFFFF80  }
0x63: {  	v2 =	vld [tilespmem:$0x3100]  }
0x64: {  	v3 =	vld [tilespmem:$0x3130]  }
0x65: {  	v4 =	vld [tilespmem:$0x3170]  }
0x66: {  	v5 =	vld [tilespmem:$0x3160]  }
0x67: {  	v58 =	vld [tilespmem:$0x3110]  }
0x68: {  	v59 =	vld [tilespmem:$0x3150];
	v2 =	vsub.s32 v2, v0  }
0x69: {  	v60 =	vld [tilespmem:$0x3120];
	v3 =	vsub.s32 v3, v0;
	v2 =	vmin.u32 v2, $0x30D4  }
0x6a: {  	v4 =	vsub.s32 v4, v0;
	[tilespmem:$0x3180] =	vst v2;
	v2 =	vmin.u32 v3, $0x30D4;
	v3 =	vld [tilespmem:$0x3140]  }
0x6b: {  	v4 =	vmin.u32 v4, $0x30D4;
	[tilespmem:$0x31B0] =	vst v2;
	v2 =	vsub.s32 v5, v0  }
0x6c: {  	[tilespmem:$0x31F0] =	vst v4;
	v5 =	vsub.s32 v58, v0;
	v2 =	vmin.u32 v2, $0x30D4  }
0x6d: {  	v4 =	vmin.u32 v5, $0x30D4;
	v5 =	vsub.s32 v59, v0;
	[tilespmem:$0x31E0] =	vst v2  }
0x6e: {  	[tilespmem:$0x3190] =	vst v4;
	v2 =	vsub.s32 v60, v0;
	v4 =	vmin.u32 v5, $0x30D4  }
0x6f: {  	v2 =	vmin.u32 v2, $0x30D4;
	[tilespmem:$0x31D0] =	vst v4;
	v3 =	vsub.s32 v3, v0  }
0x70: {  	[tilespmem:$0x31A0] =	vst v2;
	v2 =	vmin.u32 v3, $0x30D4  }
0x71: {  	[tilespmem:$0x31C0] =	vst v2  }
0x72: {  	[spmem:s2] =	stream.indirect.scatter.add.f32 [tilespmem:s10], [sflag:$0x1], $0x10, s16, s15, $0xb8;
	[tilespmem:$0x7200] =	vst v63  }
0x73: {  	_ =	swait.ge [sflag:s11], $0x800  }
0x74: {  	[sflag:s11] =	ssyncset.done $0x0  }
0x75: {  	[sflag:s11] =	ssyncadd.s32 $0xFFFFF800  }
0x76: {  	[bflag:$0x0] =	sbarrier.arrive $0xFFFF  }
0x77: {  	[hbm:s6], [sflag:s12] =	dma.local [spmem:s13], $0x3100  }
0x78: {  	_ =	swait.ge [sflag:s11], $0x3100  }
0x79: {  	[sflag:s11] =	ssyncset.done $0x0  }
0x7a: {  	[sflag:s11] =	ssyncadd.s32 $0xFFFFCF00  }
0x7b: {  	[bflag:$0x0] =	sbarrier.arrive $0xFFFF  }
0x7c: {  	[spmem:s13], [sflag:s12] =	dma.local [hbm:s4], $0x3100  }
0x7d: {  	_ =	swait.ge [sflag:s11], $0x3100  }
0x7e: {  	[sflag:s11] =	ssyncset.done $0x0  }
0x7f: {  	[sflag:s11] =	ssyncadd.s32 $0xFFFFCF00  }
0x80: {  	s31 =	sadd.s32 $0x0, s9;
	[bflag:$0x0] =	sbarrier.arrive $0xFFFF  }
0x81: {  	[tilespmem:s14], [sflag:$0x1] =	stream.linear.gather [hbm4b:s31+s3], $0x80, $0x38;
	[tilespmem:$0x7200] =	vst v63  }
0x82: {  	_ =	swait.ge [sflag:s11], $0x80  }
0x83: {  	[sflag:s11] =	ssyncset.done $0x0  }
0x84: {  	[sflag:s11] =	ssyncadd.s32 $0xFFFFFF80  }
0x85: {  	v2 =	vld [tilespmem:$0x3100]  }
0x86: {  	v3 =	vld [tilespmem:$0x3130]  }
0x87: {  	v4 =	vld [tilespmem:$0x3170]  }
0x88: {  	v5 =	vld [tilespmem:$0x3160]  }
0x89: {  	v61 =	vld [tilespmem:$0x3110]  }
0x8a: {  	v62 =	vld [tilespmem:$0x3150];
	v2 =	vsub.s32 v2, v1  }
0x8b: {  	v63 =	vld [tilespmem:$0x3120];
	v3 =	vsub.s32 v3, v1;
	v2 =	vmin.u32 v2, $0x30D4  }
0x8c: {  	v4 =	vsub.s32 v4, v1;
	[tilespmem:$0x3180] =	vst v2;
	v2 =	vmin.u32 v3, $0x30D4;
	v3 =	vld [tilespmem:$0x3140]  }
0x8d: {  	v4 =	vmin.u32 v4, $0x30D4;
	[tilespmem:$0x31B0] =	vst v2;
	v2 =	vsub.s32 v5, v1  }
0x8e: {  	[tilespmem:$0x31F0] =	vst v4;
	v5 =	vsub.s32 v61, v1;
	v2 =	vmin.u32 v2, $0x30D4  }
0x8f: {  	v4 =	vmin.u32 v5, $0x30D4;
	v5 =	vsub.s32 v62, v1;
	[tilespmem:$0x31E0] =	vst v2  }
0x90: {  	[tilespmem:$0x3190] =	vst v4;
	v2 =	vsub.s32 v63, v1;
	v4 =	vmin.u32 v5, $0x30D4  }
0x91: {  	s20 =	simm.s32 $0x300;
	s19 =	simm.s32 $0x100;
	s18 =	simm.s32 $0x200;
	v2 =	vmin.u32 v2, $0x30D4;
	[tilespmem:$0x31D0] =	vst v4;
	v3 =	vsub.s32 v3, v1  }
.LBB2_4:
0x92: {  	p0 =	sne.s32 s20, $0x9200;
	[tilespmem:$0x31A0] =	vst v2;
	v2 =	vmin.u32 v3, $0x30D4;
	s21 =	smov.u32 s20;
	s20 =	sadd.s32 $0x100, s20  }
0x93: {  	[tilespmem:$0x31C0] =	vst v2  }
0x94: {  	[spmem:s2] =	stream.indirect.scatter.add.f32 [tilespmem:s10], [sflag:$0x1], $0x10, s16, s15, $0xb8;
	[tilespmem:$0x7200] =	vst v63  }
0x95: {  	_ =	swait.ge [sflag:s11], $0x800  }
0x96: {  	[sflag:s11] =	ssyncset.done $0x0  }
0x97: {  	s22 =	sadd.s32 s19, s9;
	s19 =	smov.u32 s18;
	[sflag:s11] =	ssyncadd.s32 $0xFFFFF800  }
0x98: {  	[tilespmem:s14], [sflag:$0x1] =	stream.linear.gather [hbm4b:s22+s3], $0x80, $0x38;
	[tilespmem:$0x7200] =	vst v63  }
0x99: {  	s18 =	smov.u32 s21;
	_ =	swait.ge [sflag:s11], $0x80  }
0x9a: {  	[sflag:s11] =	ssyncset.done $0x0  }
0x9b: {  	[sflag:s11] =	ssyncadd.s32 $0xFFFFFF80  }
0x9c: {  	v2 =	vld [tilespmem:$0x3100]  }
0x9d: {  	v3 =	vld [tilespmem:$0x3130]  }
0x9e: {  	v4 =	vld [tilespmem:$0x3170]  }
0x9f: {  	v5 =	vld [tilespmem:$0x3160]  }
0xa0: {  	v6 =	vld [tilespmem:$0x3110]  }
0xa1: {  	v2 =	vsub.s32 v2, v1;
	v7 =	vld [tilespmem:$0x3150]  }
0xa2: {  	v2 =	vmin.u32 v2, $0x30D4;
	v8 =	vld [tilespmem:$0x3120];
	v3 =	vsub.s32 v3, v1  }
0xa3: {  	[tilespmem:$0x3180] =	vst v2;
	v2 =	vmin.u32 v3, $0x30D4;
	v3 =	vld [tilespmem:$0x3140];
	v4 =	vsub.s32 v4, v1  }
.Ltmp1:
0xa4: {  	[tilespmem:$0x31B0] =	vst v2;
	v2 =	vsub.s32 v5, v1;
	v4 =	vmin.u32 v4, $0x30D4;
	(pc) =	sbr.rel @p0 .LBB2_4-.Ltmp1, $4  }
0xa5: {  	v5 =	vsub.s32 v6, v1;
	v2 =	vmin.u32 v2, $0x30D4;
	[tilespmem:$0x31F0] =	vst v4  }
0xa6: {  	v4 =	vmin.u32 v5, $0x30D4;
	v5 =	vsub.s32 v7, v1;
	[tilespmem:$0x31E0] =	vst v2  }
0xa7: {  	[tilespmem:$0x3190] =	vst v4;
	v2 =	vsub.s32 v8, v1;
	v4 =	vmin.u32 v5, $0x30D4  }
0xa8: {  	v2 =	vmin.u32 v2, $0x30D4;
	v3 =	vsub.s32 v3, v1;
	[tilespmem:$0x31D0] =	vst v4  }
0xa9: {  	[tilespmem:$0x31A0] =	vst v2;
	v2 =	vmin.u32 v3, $0x30D4  }
0xaa: {  	[tilespmem:$0x31C0] =	vst v2  }
0xab: {  	[spmem:s2] =	stream.indirect.scatter.add.f32 [tilespmem:s10], [sflag:$0x1], $0x10, s16, s15, $0xb8;
	[tilespmem:$0x7200] =	vst v63  }
0xac: {  	_ =	swait.ge [sflag:s11], $0x800  }
0xad: {  	[sflag:s11] =	ssyncset.done $0x0  }
0xae: {  	s19 =	sadd.s32 s19, s9;
	[sflag:s11] =	ssyncadd.s32 $0xFFFFF800  }
0xaf: {  	[tilespmem:s14], [sflag:$0x1] =	stream.linear.gather [hbm4b:s19+s3], $0x80, $0x38;
	[tilespmem:$0x7200] =	vst v63  }
0xb0: {  	_ =	swait.ge [sflag:s11], $0x80  }
0xb1: {  	[sflag:s11] =	ssyncset.done $0x0  }
0xb2: {  	[sflag:s11] =	ssyncadd.s32 $0xFFFFFF80  }
0xb3: {  	v2 =	vld [tilespmem:$0x3100]  }
0xb4: {  	v3 =	vld [tilespmem:$0x3130]  }
0xb5: {  	v4 =	vld [tilespmem:$0x3170];
	_ =	sdelay $0x1  }
0xb6: {  	v6 =	vld [tilespmem:$0x3110]  }
0xb7: {  	v5 =	vld [tilespmem:$0x3160]  }
0xb8: {  	v7 =	vld [tilespmem:$0x3150];
	v2 =	vsub.s32 v2, v1  }
0xb9: {  	v8 =	vld [tilespmem:$0x3120];
	v3 =	vsub.s32 v3, v1;
	v4 =	vsub.s32 v4, v1;
	v2 =	vmin.u32 v2, $0x30D4  }
0xba: {  	v4 =	vmin.u32 v4, $0x30D4;
	[tilespmem:$0x3180] =	vst v2;
	v2 =	vmin.u32 v3, $0x30D4;
	v3 =	vld [tilespmem:$0x3140]  }
0xbb: {  	v51 =	vsub.s32 v6, v1;
	[tilespmem:$0x31F0] =	vst v4  }
0xbc: {  	v52 =	vmin.u32 v51, $0x30D4;
	[tilespmem:$0x31B0] =	vst v2;
	v2 =	vsub.s32 v5, v1  }
0xbd: {  	v53 =	vsub.s32 v7, v1;
	[tilespmem:$0x3190] =	vst v52;
	v2 =	vmin.u32 v2, $0x30D4  }
0xbe: {  	v54 =	vmin.u32 v53, $0x30D4;
	[tilespmem:$0x31E0] =	vst v2;
	v2 =	vsub.s32 v8, v1  }
0xbf: {  	[tilespmem:$0x31D0] =	vst v54;
	v2 =	vmin.u32 v2, $0x30D4;
	v3 =	vsub.s32 v3, v1  }
0xc0: {  	[tilespmem:$0x31A0] =	vst v2;
	v2 =	vmin.u32 v3, $0x30D4  }
0xc1: {  	[tilespmem:$0x31C0] =	vst v2  }
0xc2: {  	[spmem:s2] =	stream.indirect.scatter.add.f32 [tilespmem:s10], [sflag:$0x1], $0x10, s16, s15, $0xb8;
	[tilespmem:$0x7200] =	vst v63  }
0xc3: {  	_ =	swait.ge [sflag:s11], $0x800  }
0xc4: {  	[sflag:s11] =	ssyncset.done $0x0  }
0xc5: {  	s18 =	sadd.s32 s18, s9;
	[sflag:s11] =	ssyncadd.s32 $0xFFFFF800  }
0xc6: {  	[tilespmem:s14], [sflag:$0x1] =	stream.linear.gather [hbm4b:s18+s3], $0x80, $0x38;
	[tilespmem:$0x7200] =	vst v63  }
0xc7: {  	_ =	swait.ge [sflag:s11], $0x80  }
0xc8: {  	[sflag:s11] =	ssyncset.done $0x0  }
0xc9: {  	[sflag:s11] =	ssyncadd.s32 $0xFFFFFF80  }
0xca: {  	v2 =	vld [tilespmem:$0x3100]  }
0xcb: {  	v3 =	vld [tilespmem:$0x3130]  }
0xcc: {  	v55 =	vld [tilespmem:$0x3170];
	_ =	sdelay $0x1  }
0xcd: {  	v57 =	vld [tilespmem:$0x3110]  }
0xce: {  	v56 =	vld [tilespmem:$0x3160]  }
0xcf: {  	v58 =	vld [tilespmem:$0x3150];
	v2 =	vsub.s32 v2, v1  }
0xd0: {  	v59 =	vld [tilespmem:$0x3120];
	v3 =	vsub.s32 v3, v1;
	v4 =	vsub.s32 v55, v1;
	v2 =	vmin.u32 v2, $0x30D4  }
0xd1: {  	v4 =	vmin.u32 v4, $0x30D4;
	[tilespmem:$0x3180] =	vst v2;
	v2 =	vmin.u32 v3, $0x30D4;
	v3 =	vld [tilespmem:$0x3140]  }
0xd2: {  	v60 =	vsub.s32 v57, v1;
	[tilespmem:$0x31F0] =	vst v4  }
0xd3: {  	v61 =	vmin.u32 v60, $0x30D4;
	[tilespmem:$0x31B0] =	vst v2;
	v2 =	vsub.s32 v56, v1  }
0xd4: {  	v62 =	vsub.s32 v58, v1;
	[tilespmem:$0x3190] =	vst v61;
	v2 =	vmin.u32 v2, $0x30D4  }
0xd5: {  	v63 =	vmin.u32 v62, $0x30D4;
	[tilespmem:$0x31E0] =	vst v2;
	v2 =	vsub.s32 v59, v1  }
0xd6: {  	[tilespmem:$0x31D0] =	vst v63;
	v2 =	vmin.u32 v2, $0x30D4;
	v3 =	vsub.s32 v3, v1  }
0xd7: {  	[tilespmem:$0x31A0] =	vst v2;
	v2 =	vmin.u32 v3, $0x30D4  }
0xd8: {  	[tilespmem:$0x31C0] =	vst v2  }
0xd9: {  	[spmem:s2] =	stream.indirect.scatter.add.f32 [tilespmem:s10], [sflag:$0x1], $0x10, s16, s15, $0xb8;
	[tilespmem:$0x7200] =	vst v63  }
0xda: {  	_ =	swait.ge [sflag:s11], $0x800  }
0xdb: {  	[sflag:s11] =	ssyncset.done $0x0  }
0xdc: {  	s17 =	sadd.s32 $0x1, s17;
	[sflag:s11] =	ssyncadd.s32 $0xFFFFF800  }
0xdd: {  	p0 =	sne.s32 s17, s8;
	[bflag:$0x0] =	sbarrier.arrive $0xFFFF  }
0xde: {  	[hbm:s7], [sflag:s12] =	dma.local [spmem:s13], $0x3100  }
.Ltmp2:
0xdf: {  	_ =	swait.ge [sflag:s11], $0x3100;
	(pc) =	sbr.rel @p0 .LBB2_1-.Ltmp2, $3  }
0xe0: {  	[sflag:s11] =	ssyncset.done $0x0  }
0xe1: {  	[sflag:s11] =	ssyncadd.s32 $0xFFFFCF00  }
0xe2: {  	[bflag:$0x0] =	sbarrier.arrive $0xFFFF;
	_ =	sdelay $0x1  }
0xe3: {  	_ =	sfence.sel $0x180000  }
0xe4: {  	[bflag:$0x0] =	sbarrier.arrive $0xFFFF  }
0xe5: {  	p0 =	sne.s32 s1, $0x0;
	_ =	strace $0x90000050  }
0xe6: {  	s0 =	sadd.s32 @!p0 $0x100000, s0;
	[bflag:$0x2] =	sbarrier.arrive $0xFFFF  }
0xe7: {  	[sflag:s0] =	ssyncadd.tile.s32 @!p0 $0x1;
	_ =	shalt  }
.Lfunc_end2:
_tile_overlayer_lowered:
.L_overlay_start_2:
0xe8: {  	(tag) =	ssettag $0x2  }
0xe9: {  	s0 =	rddreg [dreg:$0x0];
	s2 =	stileid.u32  }
0xea: {  	s1 =	rddreg [dreg:$0x1];
	p0 =	sne.s32 s2, $0x0  }
0xeb: {  	s3 =	rddreg [dreg:$0x2];
	[bflag:$0x3] =	sbarrier.arrive $0xFFFF;
	s2 =	simm.s32 @!p0 $0x1C01  }
0xec: {  	[timem:s3], [sflag:s2] =	dma.local @!p0 [hbm:s0], s1  }
0xed: {  	s0 =	simm.s32 @!p0 $0x1  }
0xee: {  	_ =	swait.ge @!p0 [sflag:s0], s1  }
0xef: {  	s1 =	ssub.s32 @!p0 $0x0, s1;
	[sflag:s0] =	ssyncset.done @!p0 $0x0  }
0xf0: {  	[sflag:s0] =	ssyncadd.s32 @!p0 s1  }
0xf1: {  	[bflag:$0x3] =	sbarrier.arrive $0xFFFF  }
0xf2: {  	_ =	shalt  }

// kernel: kernel.17.cloned.1.call-start
scs
__scs_entry_jumppad:
0x0: {  	(pc) =	sbr.rel $0x88, $3  }
0x1: {  	(tag) =	ssettag $0x0;
	lr =	simm.s32 $0x1  }
0x2: {  	[smem:$0x3F88] =	sst lr;
	_ =	strace $0xD0000000  }
0x3: {  	_ = 	snop  }
0x4: {  	_ = 	snop  }
0x5: {  	_ = 	snop  }
0x6: {  	_ = 	snop  }
0x7: {  	_ = 	snop  }
__scs_overlays_trampoline_lowered:
0x8: {  	[smem:$0x3F97] =	sst s0  }
0x9: {  	[smem:$0x3F98] =	sst s1  }
0xa: {  	[smem:$0x3F99] =	sst s2  }
0xb: {  	[smem:$0x3F9A] =	sst s3  }
0xc: {  	[smem:$0x3F9B] =	sst s4  }
0xd: {  	[smem:$0x3F9C] =	sst s5  }
0xe: {  	[smem:$0x3F9D] =	sst s6  }
0xf: {  	[smem:$0x3F9E] =	sst s7  }
0x10: {  	[smem:$0x3F9F] =	sst s8  }
0x11: {  	[smem:$0x3FA0] =	sst s9;
	s0 =	simm.s32 @!p0 $0x0  }
0x12: {  	s1 =	sld [smem:$0x3F86];
	s0 =	simm.s32 @p0 $0x1  }
0x13: {  	[smem:$0x3FA1] =	sst s0;
	s0 =	simm.s32 @!p1 $0x0  }
0x14: {  	s2 =	sld [smem:$0x3F85];
	s0 =	simm.s32 @p1 $0x1  }
0x15: {  	[smem:$0x3FA2] =	sst s0;
	s0 =	simm.s32 @!p2 $0x0  }
0x16: {  	s3 =	sld [smem:$0x3FDB];
	s0 =	simm.s32 @p2 $0x1  }
0x17: {  	s4 =	simm.s32 $0x1BF5;
	[smem:$0x3FA4] =	sst s0  }
0x18: {  	s0 =	sld [smem:$0x3F87];
	_ =	swait.ge [sflag:s4], $0x0  }
0x19: {  	s7 =	sld [smem:$0x3F88]  }
0x1a: {  	s8 =	sadd.s32 $0xFFFFE003, lr  }
0x1b: {  	s9 =	sadd.s32 $0xFFFFFEF7, lr;
	s5 =	simm.s32 $0xFFFFFFFF;
	p2 =	slt.u32 s8, $0xFFFFF086  }
0x1c: {  	p1 =	slt.u32 s9, $0xF7A;
	s5 =	simm.s32 @!p2 $0x0  }
0x1d: {  	s5 =	simm.s32 @p1 $0x1;
	p0 =	seq.s32 s7, s2  }
0x1e: {  	s7 =	smul.u32 @!p0 $0xF7A, s2;
	p2 =	seq.s32 @!p0 s5, $0x0  }
0x1f: {  	s9 =	smul.u32 $0xF7A, s1;
	s8 =	simm.s32 @!p0 $0x1BF5;
	p2 =	por !p2, p0  }
0x20: {  	[sflag:s8] =	ssyncset.s32 @!p0 $0xFFFFF086;
	s6 =	sadd.s32 @!p0 s3, s7;
	s7 =	simm.s32 @!p0 $0x108  }
0x21: {  	s3 =	sadd.s32 s3, s9;
	s6 =	sadd.s32 @!p0 $0x88, s6;
	s7 =	simm.s32 @p2 $0x1082  }
0x22: {  	[simem:s7], [sflag:s8] =	dma.local @!p0 [hbm:s6], $0xF7A  }
0x23: {  	s9 =	sor.u32 $0xD0000000, s2;
	s6 =	simm.s32 $0x108;
	_ =	swait.ge @!p0 [sflag:s8], $0x0  }
0x24: {  	s3 =	sadd.s32 $0x88, s3;
	s6 =	simm.s32 @!p1 $0x1082;
	[sflag:s4] =	ssyncset.s32 $0xFFFFF086  }
0x25: {  	[simem:s6], [sflag:s4] =	dma.local [hbm:s3], $0xF7A  }
0x26: {  	[smem:$0x3F88] =	sst s1;
	(tag) =	ssettag s2;
	_ =	strace s9  }
0x27: {  	s1 =	sld [smem:$0x3F98]  }
0x28: {  	s2 =	sld [smem:$0x3F99]  }
0x29: {  	s4 =	sld [smem:$0x3F9B]  }
0x2a: {  	p0 =	seq.s32 s5, $0x0;
	s5 =	sld [smem:$0x3F9C]  }
0x2b: {  	s6 =	sld [smem:$0x3F9D]  }
0x2c: {  	s7 =	sld [smem:$0x3F9E]  }
0x2d: {  	s3 =	simm.s32 $0x108;
	s8 =	sld [smem:$0x3F9F]  }
0x2e: {  	s3 =	simm.s32 @!p0 $0x1082;
	s9 =	sld [smem:$0x3FA0]  }
0x2f: {  	lr =	sadd.s32 s0, s3;
	s0 =	sld [smem:$0x3F97]  }
0x30: {  	s3 =	sld [smem:$0x3F9A]  }
0x31: {  	[smem:$0x3FA3] =	sst s10  }
0x32: {  	s10 =	sld [smem:$0x3FA1];
	_ =	sdelay $0x3  }
0x33: {  	p0 =	seq.s32 s10, $0x1;
	s10 =	sld [smem:$0x3FA3];
	_ =	sdelay $0x3  }
0x34: {  	[smem:$0x3FA3] =	sst s10  }
0x35: {  	s10 =	sld [smem:$0x3FA2];
	_ =	sdelay $0x3  }
0x36: {  	p1 =	seq.s32 s10, $0x1;
	s10 =	sld [smem:$0x3FA3];
	_ =	sdelay $0x3  }
0x37: {  	[smem:$0x3FA3] =	sst s10  }
0x38: {  	s10 =	sld [smem:$0x3FA4]  }
0x39: {  	_ = 	snop;
	(pc) =	sbr.ind lr, $3  }
0x3a: {  	_ = 	snop  }
0x3b: {  	_ = 	snop  }
0x3c: {  	p2 =	seq.s32 s10, $0x1;
	s10 =	sld [smem:$0x3FA3]  }
0x3d: {  	_ =	shalt  }
0x3e: {  	_ =	shalt  }
0x3f: {  	_ =	shalt  }
0x40: {  	_ =	shalt  }
0x41: {  	_ =	shalt  }
0x42: {  	_ =	shalt  }
0x43: {  	_ =	shalt  }
0x44: {  	_ =	shalt  }
0x45: {  	_ =	shalt  }
0x46: {  	_ =	shalt  }
0x47: {  	_ =	shalt  }
0x48: {  	_ =	shalt  }
0x49: {  	_ =	shalt  }
0x4a: {  	_ =	shalt  }
0x4b: {  	_ =	shalt  }
0x4c: {  	_ =	shalt  }
0x4d: {  	_ =	shalt  }
0x4e: {  	_ =	shalt  }
0x4f: {  	_ =	shalt  }
0x50: {  	_ =	shalt  }
0x51: {  	_ =	shalt  }
0x52: {  	_ =	shalt  }
0x53: {  	_ =	shalt  }
0x54: {  	_ =	shalt  }
0x55: {  	_ =	shalt  }
0x56: {  	_ =	shalt  }
0x57: {  	_ =	shalt  }
0x58: {  	_ =	shalt  }
0x59: {  	_ =	shalt  }
0x5a: {  	_ =	shalt  }
0x5b: {  	_ =	shalt  }
0x5c: {  	_ =	shalt  }
0x5d: {  	_ =	shalt  }
0x5e: {  	_ =	shalt  }
0x5f: {  	_ =	shalt  }
0x60: {  	_ =	shalt  }
0x61: {  	_ =	shalt  }
0x62: {  	_ =	shalt  }
0x63: {  	_ =	shalt  }
0x64: {  	_ =	shalt  }
0x65: {  	_ =	shalt  }
0x66: {  	_ =	shalt  }
0x67: {  	_ =	shalt  }
0x68: {  	_ =	shalt  }
0x69: {  	_ =	shalt  }
0x6a: {  	_ =	shalt  }
0x6b: {  	_ =	shalt  }
0x6c: {  	_ =	shalt  }
0x6d: {  	_ =	shalt  }
0x6e: {  	_ =	shalt  }
0x6f: {  	_ =	shalt  }
0x70: {  	_ =	shalt  }
0x71: {  	_ =	shalt  }
0x72: {  	_ =	shalt  }
0x73: {  	_ =	shalt  }
0x74: {  	_ =	shalt  }
0x75: {  	_ =	shalt  }
0x76: {  	_ =	shalt  }
0x77: {  	_ =	shalt  }
0x78: {  	_ =	shalt  }
0x79: {  	_ =	shalt  }
0x7a: {  	_ =	shalt  }
0x7b: {  	_ =	shalt  }
0x7c: {  	_ =	shalt  }
0x7d: {  	_ =	shalt  }
0x7e: {  	_ =	shalt  }
0x7f: {  	_ =	shalt  }
0x80: {  	_ =	shalt  }
0x81: {  	_ =	shalt  }
0x82: {  	_ =	shalt  }
0x83: {  	_ =	shalt  }
0x84: {  	_ =	shalt  }
0x85: {  	_ =	shalt  }
0x86: {  	_ =	shalt  }
0x87: {  	_ =	shalt  }
.Lfunc_end0:
.L_simem_size_0:
called_computation.2_lowered:
.L_overlay_start_0:
0x88: {  	s2 =	sld [smem:$0x3FD9]  }
0x89: {  	s3 =	sld [smem:$0x3FFE];
	_ =	sdelay $0x1  }
0x8a: {  	s1 =	srdreg.scid  }
0x8b: {  	s0 =	sand.u32 $0x1, s1  }
0x8c: {  	s16 =	sshll.u32 s0, $0xA;
	s2 =	sadd.s32 s3, s2  }
0x8d: {  	s2 =	sadd.s32 s2, s16  }
0x8e: {  	[smem:$0x3FAF] =	sst s2  }
0x8f: {  	_ = 	snop  }
0x90: {  	(tm) =	ssettm $0x1  }
0x91: {  	s17 =	sld [smem:$0x3FFB];
	_ =	sdelay $0x3  }
0x92: {  	_ =	strace s17  }
0x93: {  	s2 =	sld [smem:$0x3FFC];
	_ =	sdelay $0x3  }
0x94: {  	_ =	strace s2  }
0x95: {  	s2 =	sld [smem:$0x3FFD];
	_ =	sdelay $0x3  }
0x96: {  	_ =	strace s2  }
0x97: {  	_ =	strace $0x8FFFFFFF  }
0x98: {  	s18 =	sld [smem:$0x3FDB];
	_ =	sdelay $0x1  }
0x99: {  	s19 =	simm.s32 $_scs_section_size  }
0x9a: {  	s4 =	simm.s32 $_size__tile_overlayer_lowered;
	s5 =	simm.s32 $_tile_overlayer_lowered  }
0x9b: {  	s22 =	simm.s32 $0x1BFF;
	s21 =	sshll.u32 s5, $0x1;
	s2 =	sadd.s32 s19, s18  }
0x9c: {  	s6 =	simm.s32 $0x0;
	s20 =	sshll.u32 s4, $0x1;
	s4 =	sadd.s32 s21, s2  }
0x9d: {  	[timem:s6], [sflag:s22] =	dma.local [hbm:s4], s20  }
0x9e: {  	_ =	swait.ge [sflag:s22], s20  }
0x9f: {  	s3 =	ssub.s32 $0x0, s20;
	[sflag:s22] =	ssyncset.done $0x0  }
0xa0: {  	[sflag:s22] =	ssyncadd.s32 s3;
	_ =	sdelay $0x1  }
0xa1: {  	s23 =	simm.s32 $0x1B8B  }
0xa2: {  	_ =	swait.ge [sflag:s23], $0x1  }
0xa3: {  	[sflag:s23] =	ssyncset.done $0x0  }
0xa4: {  	s25 =	simm.s32 $0x1B8E;
	s24 =	sld [smem:$0x3FFE];
	[sflag:s23] =	ssyncadd.s32 $0xFFFFFFFF  }
0xa5: {  	s26 =	simm.s32 $execute0_lowered;
	[smem:$0x3FD2] =	sst s25  }
0xa6: {  	s4 =	sshll.u32 s26, $0x1;
	_ =	strace $0x80000046;
	[dreg:$0x1] =	wrdreg $0xFFFFFFFF  }
0xa7: {  	s28 =	simm.s32 $_size_execute0_lowered;
	s2 =	sadd.s32 s2, s4;
	[dreg:$0x0] =	wrdreg $0x0  }
0xa8: {  	s4 =	sshll.u32 s28, $0x1;
	[dreg:$0x2] =	wrdreg s2  }
0xa9: {  	[dreg:$0x3] =	wrdreg s4  }
0xaa: {  	[dreg:$0x4] =	wrdreg $0xC0  }
0xab: {  	_ =	task [dreg:s6], $0x5FFFF  }
0xac: {  	[dreg:$0x1] =	wrdreg $0xFFFFFFFF  }
0xad: {  	[dreg:$0x0] =	wrdreg $0x60  }
0xae: {  	[dreg:$0x2] =	wrdreg s24  }
0xaf: {  	[dreg:$0x3] =	wrdreg $0x0  }
0xb0: {  	[dreg:$0x4] =	wrdreg $0xB  }
0xb1: {  	_ =	task.clear_ibuf [dreg:s6], $0x5FFFF;
	_ =	strace $0x90000046  }
0xb2: {  	s29 =	simm.s32 $0xB;
	_ =	strace $0x80000048  }
0xb3: {  	_ =	swait.ge [sflag:s29], $0x1  }
0xb4: {  	[sflag:s29] =	ssyncadd.s32 $0xFFFFFFFF  }
0xb5: {  	_ =	strace $0x90000048  }
0xb6: {  	_ =	sfence  }
0xb7: {  	s30 =	sld [smem:$0x0];
	_ =	sdelay $0x2  }
0xb8: {  	s31 =	sshll.u32 s1, $0xD;
	s1 =	sshrl.u32 s1, $0x2  }
0xb9: {  	s3 =	sand.u32 $0x4000, s31;
	s1 =	sadd.s32 s1, s30  }
0xba: {  	s0 =	sor.u32 s3, s0;
	s1 =	sshll.u32 s1, $0x11  }
0xbb: {  	s0 =	sor.u32 s1, s0  }
0xbc: {  	s0 =	sadd.s32 $0x8F2B, s0  }
0xbd: {  	[sflag:s0] =	ssyncadd.remote.s32 $0x1  }
0xbe: {  	_ =	sfence.sel $0xFFFF  }
0xbf: {  	[dreg:$0x0] =	wrdreg $0xFFFFFFFF;
	(pc) =	sbr.abs _section_cstart, $3  }
0xc0: {  	[dreg:$0x1] =	wrdreg $0xFFFFFFFF  }
0xc1: {  	_ =	task.clear_ibuf [dreg:s6], $0x2FFFF;
	_ =	strace $0x9FFFFFFF  }
0xc2: {  	(tm) =	ssettm $0x7FFFFFFF  }
0xc3: {  	_ =	shalt  }
tec
execute0_lowered:
.L_overlay_start_1:
0x0: {  	(tag) =	ssettag $0x1  }
0x1: {  	s6 =	rddreg [dreg:$0x0]  }
0x2: {  	s2 =	rddreg [dreg:$0x1]  }
0x3: {  	s0 =	rddreg [dreg:$0x2];
	s3 =	simm.s32 $0x0  }
0x4: {  	s1 =	stileid.u32;
	s5 =	srdreg.scid;
	s16 =	simm.s32 $0x80  }
0x5: {  	s17 =	simm.s32 $0x18980;
	s20 =	simm.s32 $0x0;
	[smem:$0x7FF] =	sst s3  }
0x6: {  	s4 =	sshll.u32 s1, $0x4;
	s7 =	sand.u32 $0x1, s5;
	s8 =	smul.u32 $0x310, s1  }
0x7: {  	s5 =	sadd.s32 $0xDA200, s6;
	s13 =	smul.u32 $0x62000, s1;
	s15 =	sadd.s32 $0xDD400, s6  }
0x8: {  	s31 =	sshll.u32 s1, $0x6;
	_ =	strace $0x80000047;
	s11 =	sadd.s32 s4, s6  }
0x9: {  	s4 =	sadd.s32 $0x16C00, s6;
	s9 =	ssub.s32 $0x2, s7;
	s10 =	smul.u32 $0x3100, s7  }
0xa: {  	s14 =	sor.u32 $0x2, s7;
	s18 =	smul.u32 $0x30D4, s7;
	s6 =	sor.u32 $0x1C02, s31  }
0xb: {  	s12 =	sshrl.u32 s9, $0x1;
	s26 =	smul.u32 $0x3100, s14;
	s29 =	sshrl.u32 s13, $0x2  }
0xc: {  	s19 =	smul.u32 $0x30D4, s14;
	s13 =	simm.s32 $0x2;
	s14 =	simm.s32 $0x18800  }
0xd: {  	s9 =	ssub.s32 s9, s12;
	s28 =	sadd.s32 s8, s10;
	s30 =	sadd.s32 s29, s2  }
0xe: {  	s10 =	sadd.s32 $0xD800, s11;
	s11 =	sadd.s32 $0x4400, s11;
	v0 =	vmov s18;
	s18 =	simm.s32 $0x1  }
0xf: {  	s8 =	sadd.s32 s8, s26;
	s7 =	sshll.u32 s28, $0x4;
	s9 =	smax.u32 s9, $0x1  }
0x10: {  	s12 =	sshrl.u32 s30, $0x3;
	v1 =	vmov s19;
	s19 =	simm.s32 $0x18900;
	s8 =	sshll.u32 s8, $0x4  }
0x11: {  	s7 =	sadd.s32 s15, s7;
	s8 =	sadd.s32 s15, s8;
	s15 =	simm.s32 $0x18880  }
.LBB2_1:
0x12: {  	[spmem:s12], [sflag:s6] =	dma.local [hbm:s5], $0x3100  }
0x13: {  	_ =	swait.ge [sflag:s13], $0x3100  }
0x14: {  	[sflag:s13] =	ssyncset.done $0x0  }
0x15: {  	[sflag:s13] =	ssyncadd.s32 $0xFFFFCF00  }
0x16: {  	s21 =	sadd.s32 $0x0, s10;
	[bflag:$0x0] =	sbarrier.arrive $0xFFFF  }
0x17: {  	[tilespmem:s14], [sflag:$0x2] =	stream.linear.gather [hbm4b:s21+s3], $0x80, $0x38;
	[tilespmem:$0x1C980] =	vst v63  }
0x18: {  	_ =	swait.ge [sflag:s13], $0x80  }
0x19: {  	[sflag:s13] =	ssyncset.done $0x0  }
0x1a: {  	s31 =	sadd.s32 $0x0, s11;
	[sflag:s13] =	ssyncadd.s32 $0xFFFFFF80  }
0x1b: {  	[tilespmem:s15], [sflag:$0x2] =	stream.linear.gather [hbm4b:s31+s3], $0x80, $0x38;
	[tilespmem:$0x1C980] =	vst v63  }
0x1c: {  	_ =	swait.ge [sflag:s13], $0x80  }
0x1d: {  	[sflag:s13] =	ssyncset.done $0x0  }
0x1e: {  	[sflag:s13] =	ssyncadd.s32 $0xFFFFFF80  }
0x1f: {  	[tilespmem:s17], [sflag:$0x1] =	stream.indirect.gather [hbm4b:s4+s16], $0x80, s14, s16, $0xb8;
	[tilespmem:$0x1C980] =	vst v63  }
0x20: {  	v2 =	vld [tilespmem:$0x188F0]  }
0x21: {  	v3 =	vld [tilespmem:$0x188E0]  }
0x22: {  	v4 =	vld [tilespmem:$0x188B0]  }
0x23: {  	v5 =	vld [tilespmem:$0x188A0]  }
0x24: {  	v6 =	vld [tilespmem:$0x18890]  }
0x25: {  	v7 =	vld [tilespmem:$0x188C0];
	v2 =	vsub.s32 v2, v0  }
0x26: {  	v8 =	vld [tilespmem:$0x18880];
	v3 =	vsub.s32 v3, v0;
	v2 =	vmin.u32 v2, $0x30D4  }
0x27: {  	v9 =	vld [tilespmem:$0x188D0];
	v4 =	vsub.s32 v4, v0;
	v3 =	vmin.u32 v3, $0x30D4;
	[tilespmem:$0x18970] =	vst v2  }
0x28: {  	v4 =	vmin.u32 v4, $0x30D4;
	v2 =	vsub.s32 v5, v0;
	[tilespmem:$0x18960] =	vst v3  }
0x29: {  	v3 =	vsub.s32 v6, v0;
	[tilespmem:$0x18930] =	vst v4;
	v2 =	vmin.u32 v2, $0x30D4  }
0x2a: {  	v3 =	vmin.u32 v3, $0x30D4;
	[tilespmem:$0x18920] =	vst v2;
	v2 =	vsub.s32 v7, v0  }
0x2b: {  	v63 =	vsub.s32 v8, v0;
	[tilespmem:$0x18910] =	vst v3;
	v2 =	vmin.u32 v2, $0x30D4  }
0x2c: {  	v3 =	vmin.u32 v63, $0x30D4;
	[tilespmem:$0x18940] =	vst v2;
	v2 =	vsub.s32 v9, v0  }
0x2d: {  	s21 =	simm.s32 $0x100;
	[tilespmem:$0x18900] =	vst v3;
	v2 =	vmin.u32 v2, $0x30D4  }
.LBB2_2:
0x2e: {  	p0 =	sne.s32 s21, $0x9200;
	[tilespmem:$0x18950] =	vst v2;
	s22 =	smov.u32 s21;
	s21 =	sadd.s32 $0x100, s21  }
0x2f: {  	_ =	swait.ge [sflag:s18], $0x4000  }
0x30: {  	[sflag:s18] =	ssyncset.done $0x0  }
0x31: {  	[sflag:s18] =	ssyncadd.s32 $0xFFFFC000  }
0x32: {  	[spmem:s2] =	stream.indirect.scatter.add.f32 [tilespmem:s17], [sflag:$0x2], $0x80, s19, s16, $0xb8;
	[tilespmem:$0x1C980] =	vst v63  }
0x33: {  	_ =	swait.ge [sflag:s13], $0x4000  }
0x34: {  	[sflag:s13] =	ssyncset.done $0x0  }
0x35: {  	s23 =	sadd.s32 s22, s10;
	[sflag:s13] =	ssyncadd.s32 $0xFFFFC000  }
0x36: {  	[tilespmem:s14], [sflag:$0x2] =	stream.linear.gather [hbm4b:s23+s3], $0x80, $0x38;
	[tilespmem:$0x1C980] =	vst v63  }
0x37: {  	_ =	swait.ge [sflag:s13], $0x80  }
0x38: {  	[sflag:s13] =	ssyncset.done $0x0  }
0x39: {  	s22 =	sadd.s32 s22, s11;
	[sflag:s13] =	ssyncadd.s32 $0xFFFFFF80  }
0x3a: {  	[tilespmem:s15], [sflag:$0x2] =	stream.linear.gather [hbm4b:s22+s3], $0x80, $0x38;
	[tilespmem:$0x1C980] =	vst v63  }
0x3b: {  	_ =	swait.ge [sflag:s13], $0x80  }
0x3c: {  	[sflag:s13] =	ssyncset.done $0x0  }
0x3d: {  	[sflag:s13] =	ssyncadd.s32 $0xFFFFFF80  }
0x3e: {  	[tilespmem:s17], [sflag:$0x1] =	stream.indirect.gather [hbm4b:s4+s16], $0x80, s14, s16, $0xb8;
	[tilespmem:$0x1C980] =	vst v63  }
0x3f: {  	v2 =	vld [tilespmem:$0x188F0]  }
0x40: {  	v3 =	vld [tilespmem:$0x188E0]  }
0x41: {  	v4 =	vld [tilespmem:$0x188B0]  }
0x42: {  	v5 =	vld [tilespmem:$0x188A0]  }
0x43: {  	v6 =	vld [tilespmem:$0x18890]  }
0x44: {  	v7 =	vld [tilespmem:$0x188C0];
	v2 =	vsub.s32 v2, v0  }
0x45: {  	v8 =	vld [tilespmem:$0x18880];
	v3 =	vsub.s32 v3, v0;
	v2 =	vmin.u32 v2, $0x30D4  }
0x46: {  	v4 =	vsub.s32 v4, v0;
	v9 =	vld [tilespmem:$0x188D0];
	v3 =	vmin.u32 v3, $0x30D4;
	[tilespmem:$0x18970] =	vst v2  }
0x47: {  	v2 =	vsub.s32 v5, v0;
	v4 =	vmin.u32 v4, $0x30D4;
	[tilespmem:$0x18960] =	vst v3  }
.Ltmp0:
0x48: {  	v3 =	vsub.s32 v6, v0;
	v2 =	vmin.u32 v2, $0x30D4;
	[tilespmem:$0x18930] =	vst v4;
	(pc) =	sbr.rel @p0 .LBB2_2-.Ltmp0, $4  }
0x49: {  	v3 =	vmin.u32 v3, $0x30D4;
	[tilespmem:$0x18920] =	vst v2;
	v2 =	vsub.s32 v7, v0  }
0x4a: {  	v4 =	vsub.s32 v8, v0;
	[tilespmem:$0x18910] =	vst v3;
	v2 =	vmin.u32 v2, $0x30D4  }
0x4b: {  	v3 =	vmin.u32 v4, $0x30D4;
	[tilespmem:$0x18940] =	vst v2;
	v2 =	vsub.s32 v9, v0  }
0x4c: {  	[tilespmem:$0x18900] =	vst v3;
	v2 =	vmin.u32 v2, $0x30D4  }
0x4d: {  	[tilespmem:$0x18950] =	vst v2  }
0x4e: {  	_ =	swait.ge [sflag:s18], $0x4000  }
0x4f: {  	[sflag:s18] =	ssyncset.done $0x0  }
0x50: {  	[sflag:s18] =	ssyncadd.s32 $0xFFFFC000  }
0x51: {  	[spmem:s2] =	stream.indirect.scatter.add.f32 [tilespmem:s17], [sflag:$0x2], $0x80, s19, s16, $0xb8;
	[tilespmem:$0x1C980] =	vst v63  }
0x52: {  	_ =	swait.ge [sflag:s13], $0x4000  }
0x53: {  	[sflag:s13] =	ssyncset.done $0x0  }
0x54: {  	[sflag:s13] =	ssyncadd.s32 $0xFFFFC000  }
0x55: {  	[bflag:$0x0] =	sbarrier.arrive $0xFFFF  }
0x56: {  	[hbm:s7], [sflag:s6] =	dma.local [spmem:s12], $0x3100  }
0x57: {  	_ =	swait.ge [sflag:s13], $0x3100  }
0x58: {  	[sflag:s13] =	ssyncset.done $0x0  }
0x59: {  	[sflag:s13] =	ssyncadd.s32 $0xFFFFCF00  }
0x5a: {  	[bflag:$0x0] =	sbarrier.arrive $0xFFFF  }
0x5b: {  	[spmem:s12], [sflag:s6] =	dma.local [hbm:s5], $0x3100  }
0x5c: {  	_ =	swait.ge [sflag:s13], $0x3100  }
0x5d: {  	[sflag:s13] =	ssyncset.done $0x0  }
0x5e: {  	[sflag:s13] =	ssyncadd.s32 $0xFFFFCF00  }
0x5f: {  	s21 =	sadd.s32 $0x0, s10;
	[bflag:$0x0] =	sbarrier.arrive $0xFFFF  }
0x60: {  	[tilespmem:s14], [sflag:$0x2] =	stream.linear.gather [hbm4b:s21+s3], $0x80, $0x38;
	[tilespmem:$0x1C980] =	vst v63  }
0x61: {  	_ =	swait.ge [sflag:s13], $0x80  }
0x62: {  	[sflag:s13] =	ssyncset.done $0x0  }
0x63: {  	s31 =	sadd.s32 $0x0, s11;
	[sflag:s13] =	ssyncadd.s32 $0xFFFFFF80  }
0x64: {  	[tilespmem:s15], [sflag:$0x2] =	stream.linear.gather [hbm4b:s31+s3], $0x80, $0x38;
	[tilespmem:$0x1C980] =	vst v63  }
0x65: {  	_ =	swait.ge [sflag:s13], $0x80  }
0x66: {  	[sflag:s13] =	ssyncset.done $0x0  }
0x67: {  	[sflag:s13] =	ssyncadd.s32 $0xFFFFFF80  }
0x68: {  	[tilespmem:s17], [sflag:$0x1] =	stream.indirect.gather [hbm4b:s4+s16], $0x80, s14, s16, $0xb8;
	[tilespmem:$0x1C980] =	vst v63  }
0x69: {  	v2 =	vld [tilespmem:$0x188F0]  }
0x6a: {  	v3 =	vld [tilespmem:$0x188E0]  }
0x6b: {  	v4 =	vld [tilespmem:$0x188B0]  }
0x6c: {  	v5 =	vld [tilespmem:$0x188A0]  }
0x6d: {  	v6 =	vld [tilespmem:$0x18890]  }
0x6e: {  	v7 =	vld [tilespmem:$0x188C0];
	v2 =	vsub.s32 v2, v1  }
0x6f: {  	v8 =	vld [tilespmem:$0x18880];
	v3 =	vsub.s32 v3, v1;
	v2 =	vmin.u32 v2, $0x30D4  }
0x70: {  	v9 =	vld [tilespmem:$0x188D0];
	v4 =	vsub.s32 v4, v1;
	v3 =	vmin.u32 v3, $0x30D4;
	[tilespmem:$0x18970] =	vst v2  }
0x71: {  	v4 =	vmin.u32 v4, $0x30D4;
	v2 =	vsub.s32 v5, v1;
	[tilespmem:$0x18960] =	vst v3  }
0x72: {  	v3 =	vsub.s32 v6, v1;
	[tilespmem:$0x18930] =	vst v4;
	v2 =	vmin.u32 v2, $0x30D4  }
0x73: {  	v3 =	vmin.u32 v3, $0x30D4;
	[tilespmem:$0x18920] =	vst v2;
	v2 =	vsub.s32 v7, v1  }
0x74: {  	v63 =	vsub.s32 v8, v1;
	[tilespmem:$0x18910] =	vst v3;
	v2 =	vmin.u32 v2, $0x30D4  }
0x75: {  	v3 =	vmin.u32 v63, $0x30D4;
	[tilespmem:$0x18940] =	vst v2;
	v2 =	vsub.s32 v9, v1  }
0x76: {  	s21 =	simm.s32 $0x100;
	[tilespmem:$0x18900] =	vst v3;
	v2 =	vmin.u32 v2, $0x30D4  }
.LBB2_4:
0x77: {  	p0 =	sne.s32 s21, $0x9200;
	[tilespmem:$0x18950] =	vst v2;
	s22 =	smov.u32 s21;
	s21 =	sadd.s32 $0x100, s21  }
0x78: {  	_ =	swait.ge [sflag:s18], $0x4000  }
0x79: {  	[sflag:s18] =	ssyncset.done $0x0  }
0x7a: {  	[sflag:s18] =	ssyncadd.s32 $0xFFFFC000  }
0x7b: {  	[spmem:s2] =	stream.indirect.scatter.add.f32 [tilespmem:s17], [sflag:$0x2], $0x80, s19, s16, $0xb8;
	[tilespmem:$0x1C980] =	vst v63  }
0x7c: {  	_ =	swait.ge [sflag:s13], $0x4000  }
0x7d: {  	[sflag:s13] =	ssyncset.done $0x0  }
0x7e: {  	s23 =	sadd.s32 s22, s10;
	[sflag:s13] =	ssyncadd.s32 $0xFFFFC000  }
0x7f: {  	[tilespmem:s14], [sflag:$0x2] =	stream.linear.gather [hbm4b:s23+s3], $0x80, $0x38;
	[tilespmem:$0x1C980] =	vst v63  }
0x80: {  	_ =	swait.ge [sflag:s13], $0x80  }
0x81: {  	[sflag:s13] =	ssyncset.done $0x0  }
0x82: {  	s22 =	sadd.s32 s22, s11;
	[sflag:s13] =	ssyncadd.s32 $0xFFFFFF80  }
0x83: {  	[tilespmem:s15], [sflag:$0x2] =	stream.linear.gather [hbm4b:s22+s3], $0x80, $0x38;
	[tilespmem:$0x1C980] =	vst v63  }
0x84: {  	_ =	swait.ge [sflag:s13], $0x80  }
0x85: {  	[sflag:s13] =	ssyncset.done $0x0  }
0x86: {  	[sflag:s13] =	ssyncadd.s32 $0xFFFFFF80  }
0x87: {  	[tilespmem:s17], [sflag:$0x1] =	stream.indirect.gather [hbm4b:s4+s16], $0x80, s14, s16, $0xb8;
	[tilespmem:$0x1C980] =	vst v63  }
0x88: {  	v2 =	vld [tilespmem:$0x188F0]  }
0x89: {  	v3 =	vld [tilespmem:$0x188E0]  }
0x8a: {  	v4 =	vld [tilespmem:$0x188B0]  }
0x8b: {  	v5 =	vld [tilespmem:$0x188A0]  }
0x8c: {  	v6 =	vld [tilespmem:$0x18890]  }
0x8d: {  	v7 =	vld [tilespmem:$0x188C0];
	v2 =	vsub.s32 v2, v1  }
0x8e: {  	v8 =	vld [tilespmem:$0x18880];
	v3 =	vsub.s32 v3, v1;
	v2 =	vmin.u32 v2, $0x30D4  }
0x8f: {  	v4 =	vsub.s32 v4, v1;
	v9 =	vld [tilespmem:$0x188D0];
	v3 =	vmin.u32 v3, $0x30D4;
	[tilespmem:$0x18970] =	vst v2  }
0x90: {  	v2 =	vsub.s32 v5, v1;
	v4 =	vmin.u32 v4, $0x30D4;
	[tilespmem:$0x18960] =	vst v3  }
.Ltmp1:
0x91: {  	v3 =	vsub.s32 v6, v1;
	v2 =	vmin.u32 v2, $0x30D4;
	[tilespmem:$0x18930] =	vst v4;
	(pc) =	sbr.rel @p0 .LBB2_4-.Ltmp1, $4  }
0x92: {  	v3 =	vmin.u32 v3, $0x30D4;
	[tilespmem:$0x18920] =	vst v2;
	v2 =	vsub.s32 v7, v1  }
0x93: {  	v4 =	vsub.s32 v8, v1;
	[tilespmem:$0x18910] =	vst v3;
	v2 =	vmin.u32 v2, $0x30D4  }
0x94: {  	v3 =	vmin.u32 v4, $0x30D4;
	[tilespmem:$0x18940] =	vst v2;
	v2 =	vsub.s32 v9, v1  }
0x95: {  	[tilespmem:$0x18900] =	vst v3;
	v2 =	vmin.u32 v2, $0x30D4  }
0x96: {  	[tilespmem:$0x18950] =	vst v2  }
0x97: {  	_ =	swait.ge [sflag:s18], $0x4000  }
0x98: {  	[sflag:s18] =	ssyncset.done $0x0  }
0x99: {  	[sflag:s18] =	ssyncadd.s32 $0xFFFFC000  }
0x9a: {  	[spmem:s2] =	stream.indirect.scatter.add.f32 [tilespmem:s17], [sflag:$0x2], $0x80, s19, s16, $0xb8;
	[tilespmem:$0x1C980] =	vst v63  }
0x9b: {  	_ =	swait.ge [sflag:s13], $0x4000  }
0x9c: {  	[sflag:s13] =	ssyncset.done $0x0  }
0x9d: {  	s20 =	sadd.s32 $0x1, s20;
	[sflag:s13] =	ssyncadd.s32 $0xFFFFC000  }
0x9e: {  	p0 =	sne.s32 s20, s9;
	[bflag:$0x0] =	sbarrier.arrive $0xFFFF  }
0x9f: {  	[hbm:s8], [sflag:s6] =	dma.local [spmem:s12], $0x3100  }
.Ltmp2:
0xa0: {  	_ =	swait.ge [sflag:s13], $0x3100;
	(pc) =	sbr.rel @p0 .LBB2_1-.Ltmp2, $3  }
0xa1: {  	[sflag:s13] =	ssyncset.done $0x0  }
0xa2: {  	[sflag:s13] =	ssyncadd.s32 $0xFFFFCF00  }
0xa3: {  	[bflag:$0x0] =	sbarrier.arrive $0xFFFF;
	_ =	sdelay $0x1  }
0xa4: {  	_ =	sfence.sel $0x180000  }
0xa5: {  	[bflag:$0x0] =	sbarrier.arrive $0xFFFF  }
0xa6: {  	p0 =	sne.s32 s1, $0x0;
	_ =	strace $0x90000047  }
0xa7: {  	s0 =	sadd.s32 @!p0 $0x100000, s0;
	[bflag:$0x2] =	sbarrier.arrive $0xFFFF  }
0xa8: {  	[sflag:s0] =	ssyncadd.tile.s32 @!p0 $0x1;
	_ =	shalt  }
.Lfunc_end2:
_tile_overlayer_lowered:
.L_overlay_start_2:
0xa9: {  	(tag) =	ssettag $0x2  }
0xaa: {  	s0 =	rddreg [dreg:$0x0];
	s2 =	stileid.u32  }
0xab: {  	s1 =	rddreg [dreg:$0x1];
	p0 =	sne.s32 s2, $0x0  }
0xac: {  	s3 =	rddreg [dreg:$0x2];
	[bflag:$0x3] =	sbarrier.arrive $0xFFFF;
	s2 =	simm.s32 @!p0 $0x1C02  }
0xad: {  	[timem:s3], [sflag:s2] =	dma.local @!p0 [hbm:s0], s1  }
0xae: {  	s0 =	simm.s32 @!p0 $0x2  }
0xaf: {  	_ =	swait.ge @!p0 [sflag:s0], s1  }
0xb0: {  	s1 =	ssub.s32 @!p0 $0x0, s1;
	[sflag:s0] =	ssyncset.done @!p0 $0x0  }
0xb1: {  	[sflag:s0] =	ssyncadd.s32 @!p0 s1  }
0xb2: {  	[bflag:$0x3] =	sbarrier.arrive $0xFFFF  }
0xb3: {  	_ =	shalt  }

// kernel: kernel.20.cloned.1.call-start
scs
__scs_entry_jumppad:
0x0: {  	(pc) =	sbr.rel $0x88, $3  }
0x1: {  	(tag) =	ssettag $0x0;
	lr =	simm.s32 $0x1  }
0x2: {  	[smem:$0x3F88] =	sst lr;
	_ =	strace $0xD0000000  }
0x3: {  	_ = 	snop  }
0x4: {  	_ = 	snop  }
0x5: {  	_ = 	snop  }
0x6: {  	_ = 	snop  }
0x7: {  	_ = 	snop  }
__scs_overlays_trampoline_lowered:
0x8: {  	[smem:$0x3F97] =	sst s0  }
0x9: {  	[smem:$0x3F98] =	sst s1  }
0xa: {  	[smem:$0x3F99] =	sst s2  }
0xb: {  	[smem:$0x3F9A] =	sst s3  }
0xc: {  	[smem:$0x3F9B] =	sst s4  }
0xd: {  	[smem:$0x3F9C] =	sst s5  }
0xe: {  	[smem:$0x3F9D] =	sst s6  }
0xf: {  	[smem:$0x3F9E] =	sst s7  }
0x10: {  	[smem:$0x3F9F] =	sst s8  }
0x11: {  	[smem:$0x3FA0] =	sst s9;
	s0 =	simm.s32 @!p0 $0x0  }
0x12: {  	s1 =	sld [smem:$0x3F86];
	s0 =	simm.s32 @p0 $0x1  }
0x13: {  	[smem:$0x3FA1] =	sst s0;
	s0 =	simm.s32 @!p1 $0x0  }
0x14: {  	s2 =	sld [smem:$0x3F85];
	s0 =	simm.s32 @p1 $0x1  }
0x15: {  	[smem:$0x3FA2] =	sst s0;
	s0 =	simm.s32 @!p2 $0x0  }
0x16: {  	s3 =	sld [smem:$0x3FDB];
	s0 =	simm.s32 @p2 $0x1  }
0x17: {  	s4 =	simm.s32 $0x1BF5;
	[smem:$0x3FA4] =	sst s0  }
0x18: {  	s0 =	sld [smem:$0x3F87];
	_ =	swait.ge [sflag:s4], $0x0  }
0x19: {  	s7 =	sld [smem:$0x3F88]  }
0x1a: {  	s8 =	sadd.s32 $0xFFFFE003, lr  }
0x1b: {  	s9 =	sadd.s32 $0xFFFFFEF7, lr;
	s5 =	simm.s32 $0xFFFFFFFF;
	p2 =	slt.u32 s8, $0xFFFFF086  }
0x1c: {  	p1 =	slt.u32 s9, $0xF7A;
	s5 =	simm.s32 @!p2 $0x0  }
0x1d: {  	s5 =	simm.s32 @p1 $0x1;
	p0 =	seq.s32 s7, s2  }
0x1e: {  	s7 =	smul.u32 @!p0 $0xF7A, s2;
	p2 =	seq.s32 @!p0 s5, $0x0  }
0x1f: {  	s9 =	smul.u32 $0xF7A, s1;
	s8 =	simm.s32 @!p0 $0x1BF5;
	p2 =	por !p2, p0  }
0x20: {  	[sflag:s8] =	ssyncset.s32 @!p0 $0xFFFFF086;
	s6 =	sadd.s32 @!p0 s3, s7;
	s7 =	simm.s32 @!p0 $0x108  }
0x21: {  	s3 =	sadd.s32 s3, s9;
	s6 =	sadd.s32 @!p0 $0x88, s6;
	s7 =	simm.s32 @p2 $0x1082  }
0x22: {  	[simem:s7], [sflag:s8] =	dma.local @!p0 [hbm:s6], $0xF7A  }
0x23: {  	s9 =	sor.u32 $0xD0000000, s2;
	s6 =	simm.s32 $0x108;
	_ =	swait.ge @!p0 [sflag:s8], $0x0  }
0x24: {  	s3 =	sadd.s32 $0x88, s3;
	s6 =	simm.s32 @!p1 $0x1082;
	[sflag:s4] =	ssyncset.s32 $0xFFFFF086  }
0x25: {  	[simem:s6], [sflag:s4] =	dma.local [hbm:s3], $0xF7A  }
0x26: {  	[smem:$0x3F88] =	sst s1;
	(tag) =	ssettag s2;
	_ =	strace s9  }
0x27: {  	s1 =	sld [smem:$0x3F98]  }
0x28: {  	s2 =	sld [smem:$0x3F99]  }
0x29: {  	s4 =	sld [smem:$0x3F9B]  }
0x2a: {  	p0 =	seq.s32 s5, $0x0;
	s5 =	sld [smem:$0x3F9C]  }
0x2b: {  	s6 =	sld [smem:$0x3F9D]  }
0x2c: {  	s7 =	sld [smem:$0x3F9E]  }
0x2d: {  	s3 =	simm.s32 $0x108;
	s8 =	sld [smem:$0x3F9F]  }
0x2e: {  	s3 =	simm.s32 @!p0 $0x1082;
	s9 =	sld [smem:$0x3FA0]  }
0x2f: {  	lr =	sadd.s32 s0, s3;
	s0 =	sld [smem:$0x3F97]  }
0x30: {  	s3 =	sld [smem:$0x3F9A]  }
0x31: {  	[smem:$0x3FA3] =	sst s10  }
0x32: {  	s10 =	sld [smem:$0x3FA1];
	_ =	sdelay $0x3  }
0x33: {  	p0 =	seq.s32 s10, $0x1;
	s10 =	sld [smem:$0x3FA3];
	_ =	sdelay $0x3  }
0x34: {  	[smem:$0x3FA3] =	sst s10  }
0x35: {  	s10 =	sld [smem:$0x3FA2];
	_ =	sdelay $0x3  }
0x36: {  	p1 =	seq.s32 s10, $0x1;
	s10 =	sld [smem:$0x3FA3];
	_ =	sdelay $0x3  }
0x37: {  	[smem:$0x3FA3] =	sst s10  }
0x38: {  	s10 =	sld [smem:$0x3FA4]  }
0x39: {  	_ = 	snop;
	(pc) =	sbr.ind lr, $3  }
0x3a: {  	_ = 	snop  }
0x3b: {  	_ = 	snop  }
0x3c: {  	p2 =	seq.s32 s10, $0x1;
	s10 =	sld [smem:$0x3FA3]  }
0x3d: {  	_ =	shalt  }
0x3e: {  	_ =	shalt  }
0x3f: {  	_ =	shalt  }
0x40: {  	_ =	shalt  }
0x41: {  	_ =	shalt  }
0x42: {  	_ =	shalt  }
0x43: {  	_ =	shalt  }
0x44: {  	_ =	shalt  }
0x45: {  	_ =	shalt  }
0x46: {  	_ =	shalt  }
0x47: {  	_ =	shalt  }
0x48: {  	_ =	shalt  }
0x49: {  	_ =	shalt  }
0x4a: {  	_ =	shalt  }
0x4b: {  	_ =	shalt  }
0x4c: {  	_ =	shalt  }
0x4d: {  	_ =	shalt  }
0x4e: {  	_ =	shalt  }
0x4f: {  	_ =	shalt  }
0x50: {  	_ =	shalt  }
0x51: {  	_ =	shalt  }
0x52: {  	_ =	shalt  }
0x53: {  	_ =	shalt  }
0x54: {  	_ =	shalt  }
0x55: {  	_ =	shalt  }
0x56: {  	_ =	shalt  }
0x57: {  	_ =	shalt  }
0x58: {  	_ =	shalt  }
0x59: {  	_ =	shalt  }
0x5a: {  	_ =	shalt  }
0x5b: {  	_ =	shalt  }
0x5c: {  	_ =	shalt  }
0x5d: {  	_ =	shalt  }
0x5e: {  	_ =	shalt  }
0x5f: {  	_ =	shalt  }
0x60: {  	_ =	shalt  }
0x61: {  	_ =	shalt  }
0x62: {  	_ =	shalt  }
0x63: {  	_ =	shalt  }
0x64: {  	_ =	shalt  }
0x65: {  	_ =	shalt  }
0x66: {  	_ =	shalt  }
0x67: {  	_ =	shalt  }
0x68: {  	_ =	shalt  }
0x69: {  	_ =	shalt  }
0x6a: {  	_ =	shalt  }
0x6b: {  	_ =	shalt  }
0x6c: {  	_ =	shalt  }
0x6d: {  	_ =	shalt  }
0x6e: {  	_ =	shalt  }
0x6f: {  	_ =	shalt  }
0x70: {  	_ =	shalt  }
0x71: {  	_ =	shalt  }
0x72: {  	_ =	shalt  }
0x73: {  	_ =	shalt  }
0x74: {  	_ =	shalt  }
0x75: {  	_ =	shalt  }
0x76: {  	_ =	shalt  }
0x77: {  	_ =	shalt  }
0x78: {  	_ =	shalt  }
0x79: {  	_ =	shalt  }
0x7a: {  	_ =	shalt  }
0x7b: {  	_ =	shalt  }
0x7c: {  	_ =	shalt  }
0x7d: {  	_ =	shalt  }
0x7e: {  	_ =	shalt  }
0x7f: {  	_ =	shalt  }
0x80: {  	_ =	shalt  }
0x81: {  	_ =	shalt  }
0x82: {  	_ =	shalt  }
0x83: {  	_ =	shalt  }
0x84: {  	_ =	shalt  }
0x85: {  	_ =	shalt  }
0x86: {  	_ =	shalt  }
0x87: {  	_ =	shalt  }
.Lfunc_end0:
.L_simem_size_0:
called_computation.3_lowered:
.L_overlay_start_0:
0x88: {  	s2 =	sld [smem:$0x3FD9]  }
0x89: {  	s3 =	sld [smem:$0x3FFE];
	_ =	sdelay $0x1  }
0x8a: {  	s1 =	srdreg.scid  }
0x8b: {  	s0 =	sand.u32 $0x1, s1  }
0x8c: {  	s17 =	sshll.u32 s0, $0xA;
	s2 =	sadd.s32 s3, s2  }
0x8d: {  	s2 =	sadd.s32 s2, s17  }
0x8e: {  	[smem:$0x3FAF] =	sst s2  }
0x8f: {  	_ = 	snop  }
0x90: {  	(tm) =	ssettm $0x1  }
0x91: {  	s18 =	sld [smem:$0x3FFB];
	_ =	sdelay $0x3  }
0x92: {  	_ =	strace s18  }
0x93: {  	s2 =	sld [smem:$0x3FFC];
	_ =	sdelay $0x3  }
0x94: {  	_ =	strace s2  }
0x95: {  	s2 =	sld [smem:$0x3FFD];
	_ =	sdelay $0x3  }
0x96: {  	_ =	strace s2  }
0x97: {  	_ =	strace $0x8FFFFFFF  }
0x98: {  	s19 =	sld [smem:$0x3FDB];
	_ =	sdelay $0x1  }
0x99: {  	s20 =	simm.s32 $_scs_section_size  }
0x9a: {  	s4 =	simm.s32 $_size__tile_overlayer_lowered;
	s5 =	simm.s32 $_tile_overlayer_lowered  }
0x9b: {  	s6 =	simm.s32 $0x1BFF;
	s21 =	sshll.u32 s5, $0x1;
	s3 =	sadd.s32 s20, s19  }
0x9c: {  	s22 =	simm.s32 $0x0;
	s4 =	sshll.u32 s4, $0x1;
	s5 =	sadd.s32 s21, s3  }
0x9d: {  	[timem:s22], [sflag:s6] =	dma.local [hbm:s5], s4  }
0x9e: {  	_ =	swait.ge [sflag:s6], s4  }
0x9f: {  	s4 =	ssub.s32 $0x0, s4;
	[sflag:s6] =	ssyncset.done $0x0  }
0xa0: {  	[sflag:s6] =	ssyncadd.s32 s4;
	_ =	sdelay $0x1  }
0xa1: {  	s23 =	simm.s32 $0x1B8B  }
0xa2: {  	_ =	swait.ge [sflag:s23], $0x1  }
0xa3: {  	[sflag:s23] =	ssyncset.done $0x0  }
0xa4: {  	[sflag:s23] =	ssyncadd.s32 $0xFFFFFFFF  }
0xa5: {  	s4 =	sld [smem:$0x0]  }
0xa6: {  	s5 =	sand.u32 $0xFFFFFFFE, s1  }
0xa7: {  	p0 =	sne.s32 s1, s5  }
0xa8: {  	s5 =	sshll.u32 @p0 s5, $0xE  }
0xa9: {  	s5 =	sadd.s32 @p0 $0x11B8D, s5;
	s6 =	sshll.u32 @p0 s4, $0x11  }
0xaa: {  	s5 =	sor.u32 @p0 s6, s5  }
0xab: {  	[sflag:s5] =	ssyncadd.remote.s32 @p0 $0x1;
	_ =	sdelay $0x1  }
0xac: {  	s5 =	simm.s32 @p0 $0x1B8D  }
0xad: {  	_ =	swait.eq @p0 [sflag:s5], $0x1  }
0xae: {  	[sflag:s5] =	ssyncadd.s32 @p0 $0xFFFFFFFF  }
0xaf: {  	s6 =	sshll.u32 @!p0 s1, $0xE  }
0xb0: {  	s6 =	sor.u32 @!p0 $0x4000, s6;
	s5 =	simm.s32 @!p0 $0x1B8D  }
0xb1: {  	s4 =	sshll.u32 @!p0 s4, $0x11;
	s6 =	sadd.s32 @!p0 $0x11B8D, s6;
	_ =	swait.eq @!p0 [sflag:s5], $0x1  }
0xb2: {  	s4 =	sor.u32 @!p0 s4, s6;
	[sflag:s5] =	ssyncadd.s32 @!p0 $0xFFFFFFFF  }
0xb3: {  	s25 =	simm.s32 $0x1B8E;
	s24 =	sld [smem:$0x3FFE];
	[sflag:s4] =	ssyncadd.remote.s32 @!p0 $0x1  }
0xb4: {  	s26 =	simm.s32 $execute0_lowered;
	[smem:$0x3FD2] =	sst s25  }
0xb5: {  	s5 =	sshll.u32 s26, $0x1;
	_ =	strace $0x8000004C;
	[dreg:$0x1] =	wrdreg $0xFFFFFFFF  }
0xb6: {  	s28 =	simm.s32 $_size_execute0_lowered;
	s3 =	sadd.s32 s3, s5;
	[dreg:$0x0] =	wrdreg $0x0  }
0xb7: {  	s5 =	sshll.u32 s28, $0x1;
	[dreg:$0x2] =	wrdreg s3  }
0xb8: {  	[dreg:$0x3] =	wrdreg s5  }
0xb9: {  	[dreg:$0x4] =	wrdreg $0xC0  }
0xba: {  	_ =	task [dreg:s22], $0x5FFFF  }
0xbb: {  	[dreg:$0x1] =	wrdreg $0xFFFFFFFF  }
0xbc: {  	[dreg:$0x0] =	wrdreg $0x60  }
0xbd: {  	[dreg:$0x2] =	wrdreg s24  }
0xbe: {  	[dreg:$0x3] =	wrdreg $0x0  }
0xbf: {  	[dreg:$0x4] =	wrdreg $0xC  }
0xc0: {  	_ =	task.clear_ibuf [dreg:s22], $0x5FFFF;
	_ =	strace $0x9000004C  }
0xc1: {  	s29 =	simm.s32 $0xC;
	_ =	strace $0x8000004E  }
0xc2: {  	_ =	swait.ge [sflag:s29], $0x1  }
0xc3: {  	[sflag:s29] =	ssyncadd.s32 $0xFFFFFFFF  }
0xc4: {  	_ =	strace $0x9000004E  }
0xc5: {  	_ =	sfence  }
0xc6: {  	s30 =	sld [smem:$0x0];
	_ =	sdelay $0x2  }
0xc7: {  	s31 =	sshll.u32 s1, $0xD;
	s1 =	sshrl.u32 s1, $0x2  }
0xc8: {  	s4 =	sand.u32 $0x4000, s31;
	s1 =	sadd.s32 s1, s30  }
0xc9: {  	s0 =	sor.u32 s4, s0;
	s1 =	sshll.u32 s1, $0x11  }
0xca: {  	s0 =	sor.u32 s1, s0  }
0xcb: {  	s0 =	sadd.s32 $0x8F2B, s0  }
0xcc: {  	[sflag:s0] =	ssyncadd.remote.s32 $0x1  }
0xcd: {  	_ =	sfence.sel $0xFFFF  }
0xce: {  	[dreg:$0x0] =	wrdreg $0xFFFFFFFF;
	(pc) =	sbr.abs _section_cstart, $3  }
0xcf: {  	[dreg:$0x1] =	wrdreg $0xFFFFFFFF  }
0xd0: {  	_ =	task.clear_ibuf [dreg:s22], $0x2FFFF;
	_ =	strace $0x9FFFFFFF  }
0xd1: {  	(tm) =	ssettm $0x7FFFFFFF  }
tec
execute0_lowered:
.L_overlay_start_1:
0x0: {  	(tag) =	ssettag $0x1  }
0x1: {  	s6 =	rddreg [dreg:$0x0]  }
0x2: {  	s2 =	rddreg [dreg:$0x1]  }
0x3: {  	s0 =	rddreg [dreg:$0x2];
	s3 =	simm.s32 $0x0;
	s1 =	stileid.u32  }
0x4: {  	s5 =	srdreg.scid;
	[smem:$0x7FF] =	sst s3  }
0x5: {  	s7 =	sand.u32 $0x1, s5;
	s8 =	smul.u32 $0x310, s1;
	s5 =	sadd.s32 $0x277C00, s6  }
0x6: {  	s4 =	sshll.u32 s1, $0x4;
	s13 =	smul.u32 $0x62000, s1;
	s15 =	sadd.s32 $0x27B600, s6  }
0x7: {  	s31 =	sshll.u32 s1, $0x6;
	_ =	strace $0x8000004D;
	s11 =	smul.u32 $0x3100, s7  }
0x8: {  	s9 =	sadd.s32 s4, s6;
	s14 =	sor.u32 $0x2, s7;
	s16 =	smul.u32 $0x30D4, s7  }
0x9: {  	s4 =	sadd.s32 $0x278400, s6;
	s10 =	ssub.s32 $0x2, s7;
	s26 =	smul.u32 $0x3100, s14  }
0xa: {  	s12 =	sshrl.u32 s10, $0x1;
	s29 =	sshrl.u32 s13, $0x2;
	s17 =	smul.u32 $0x30D4, s14  }
0xb: {  	s9 =	sadd.s32 $0x4400, s9;
	s14 =	simm.s32 $0x3100;
	s10 =	ssub.s32 s10, s12  }
0xc: {  	s28 =	sadd.s32 s8, s11;
	s13 =	sadd.s32 s29, s2;
	s11 =	simm.s32 $0x1  }
0xd: {  	s12 =	sor.u32 $0x1C01, s31;
	v0 =	vmov s16;
	s16 =	simm.s32 $0x3180;
	s7 =	sshll.u32 s28, $0x4  }
0xe: {  	s8 =	sadd.s32 s8, s26;
	s13 =	sshrl.u32 s13, $0x3;
	v1 =	vmov s17;
	s17 =	simm.s32 $0x0  }
0xf: {  	s6 =	sadd.s32 s15, s7;
	s30 =	sshll.u32 s8, $0x4;
	s8 =	smax.u32 s10, $0x1  }
0x10: {  	s10 =	simm.s32 $0x3200;
	s7 =	sadd.s32 s15, s30;
	s15 =	simm.s32 $0x80  }
.LBB2_1:
0x11: {  	[tilespmem:s10], [sflag:$0x1] =	stream.linear.gather [hbm4b:s5+s3], $0x4000, $0x38;
	[tilespmem:$0x7200] =	vst v63  }
0x12: {  	_ =	swait.ge [sflag:s11], $0x4000  }
0x13: {  	[sflag:s11] =	ssyncset.done $0x0  }
0x14: {  	[sflag:s11] =	ssyncadd.s32 $0xFFFFC000  }
0x15: {  	[spmem:s13], [sflag:s12] =	dma.local [hbm:s4], $0x3100  }
0x16: {  	_ =	swait.ge [sflag:s11], $0x3100  }
0x17: {  	[sflag:s11] =	ssyncset.done $0x0  }
0x18: {  	[sflag:s11] =	ssyncadd.s32 $0xFFFFCF00  }
0x19: {  	s18 =	sadd.s32 $0x0, s9;
	[bflag:$0x0] =	sbarrier.arrive $0xFFFF  }
0x1a: {  	[tilespmem:s14], [sflag:$0x1] =	stream.linear.gather [hbm4b:s18+s3], $0x80, $0x38;
	[tilespmem:$0x7200] =	vst v63  }
0x1b: {  	_ =	swait.ge [sflag:s11], $0x80  }
0x1c: {  	[sflag:s11] =	ssyncset.done $0x0  }
0x1d: {  	[sflag:s11] =	ssyncadd.s32 $0xFFFFFF80  }
0x1e: {  	v2 =	vld [tilespmem:$0x3100]  }
0x1f: {  	v3 =	vld [tilespmem:$0x3130]  }
0x20: {  	v4 =	vld [tilespmem:$0x3170]  }
0x21: {  	v5 =	vld [tilespmem:$0x3160]  }
0x22: {  	v6 =	vld [tilespmem:$0x3110]  }
0x23: {  	v7 =	vld [tilespmem:$0x3150];
	v2 =	vsub.s32 v2, v0  }
0x24: {  	v8 =	vld [tilespmem:$0x3120];
	v3 =	vsub.s32 v3, v0;
	v2 =	vmin.u32 v2, $0x30D4  }
0x25: {  	v4 =	vsub.s32 v4, v0;
	[tilespmem:$0x3180] =	vst v2;
	v2 =	vmin.u32 v3, $0x30D4;
	v3 =	vld [tilespmem:$0x3140]  }
0x26: {  	v4 =	vmin.u32 v4, $0x30D4;
	[tilespmem:$0x31B0] =	vst v2;
	v2 =	vsub.s32 v5, v0  }
0x27: {  	[tilespmem:$0x31F0] =	vst v4;
	v5 =	vsub.s32 v6, v0;
	v2 =	vmin.u32 v2, $0x30D4  }
0x28: {  	v4 =	vmin.u32 v5, $0x30D4;
	v5 =	vsub.s32 v7, v0;
	[tilespmem:$0x31E0] =	vst v2  }
0x29: {  	[tilespmem:$0x3190] =	vst v4;
	v2 =	vsub.s32 v8, v0;
	v4 =	vmin.u32 v5, $0x30D4  }
0x2a: {  	s19 =	simm.s32 $0x100;
	s20 =	simm.s32 $0x300;
	s18 =	simm.s32 $0x200;
	v2 =	vmin.u32 v2, $0x30D4;
	[tilespmem:$0x31D0] =	vst v4;
	v3 =	vsub.s32 v3, v0  }
.LBB2_2:
0x2b: {  	p0 =	sne.s32 s20, $0x9200;
	[tilespmem:$0x31A0] =	vst v2;
	v2 =	vmin.u32 v3, $0x30D4;
	s21 =	smov.u32 s20;
	s20 =	sadd.s32 $0x100, s20  }
0x2c: {  	[tilespmem:$0x31C0] =	vst v2  }
0x2d: {  	[spmem:s2] =	stream.indirect.scatter.add.f32 [tilespmem:s10], [sflag:$0x1], $0x10, s16, s15, $0xb8;
	[tilespmem:$0x7200] =	vst v63  }
0x2e: {  	_ =	swait.ge [sflag:s11], $0x800  }
0x2f: {  	[sflag:s11] =	ssyncset.done $0x0  }
0x30: {  	s22 =	sadd.s32 s19, s9;
	s19 =	smov.u32 s18;
	[sflag:s11] =	ssyncadd.s32 $0xFFFFF800  }
0x31: {  	[tilespmem:s14], [sflag:$0x1] =	stream.linear.gather [hbm4b:s22+s3], $0x80, $0x38;
	[tilespmem:$0x7200] =	vst v63  }
0x32: {  	s18 =	smov.u32 s21;
	_ =	swait.ge [sflag:s11], $0x80  }
0x33: {  	[sflag:s11] =	ssyncset.done $0x0  }
0x34: {  	[sflag:s11] =	ssyncadd.s32 $0xFFFFFF80  }
0x35: {  	v2 =	vld [tilespmem:$0x3100]  }
0x36: {  	v3 =	vld [tilespmem:$0x3130]  }
0x37: {  	v4 =	vld [tilespmem:$0x3170]  }
0x38: {  	v5 =	vld [tilespmem:$0x3160]  }
0x39: {  	v6 =	vld [tilespmem:$0x3110]  }
0x3a: {  	v2 =	vsub.s32 v2, v0;
	v7 =	vld [tilespmem:$0x3150]  }
0x3b: {  	v2 =	vmin.u32 v2, $0x30D4;
	v8 =	vld [tilespmem:$0x3120];
	v3 =	vsub.s32 v3, v0  }
0x3c: {  	[tilespmem:$0x3180] =	vst v2;
	v2 =	vmin.u32 v3, $0x30D4;
	v3 =	vld [tilespmem:$0x3140];
	v4 =	vsub.s32 v4, v0  }
.Ltmp0:
0x3d: {  	[tilespmem:$0x31B0] =	vst v2;
	v2 =	vsub.s32 v5, v0;
	v4 =	vmin.u32 v4, $0x30D4;
	(pc) =	sbr.rel @p0 .LBB2_2-.Ltmp0, $4  }
0x3e: {  	v5 =	vsub.s32 v6, v0;
	v2 =	vmin.u32 v2, $0x30D4;
	[tilespmem:$0x31F0] =	vst v4  }
0x3f: {  	v4 =	vmin.u32 v5, $0x30D4;
	v5 =	vsub.s32 v7, v0;
	[tilespmem:$0x31E0] =	vst v2  }
0x40: {  	[tilespmem:$0x3190] =	vst v4;
	v2 =	vsub.s32 v8, v0;
	v4 =	vmin.u32 v5, $0x30D4  }
0x41: {  	v2 =	vmin.u32 v2, $0x30D4;
	v3 =	vsub.s32 v3, v0;
	[tilespmem:$0x31D0] =	vst v4  }
0x42: {  	[tilespmem:$0x31A0] =	vst v2;
	v2 =	vmin.u32 v3, $0x30D4  }
0x43: {  	[tilespmem:$0x31C0] =	vst v2  }
0x44: {  	[spmem:s2] =	stream.indirect.scatter.add.f32 [tilespmem:s10], [sflag:$0x1], $0x10, s16, s15, $0xb8;
	[tilespmem:$0x7200] =	vst v63  }
0x45: {  	_ =	swait.ge [sflag:s11], $0x800  }
0x46: {  	[sflag:s11] =	ssyncset.done $0x0  }
0x47: {  	s19 =	sadd.s32 s19, s9;
	[sflag:s11] =	ssyncadd.s32 $0xFFFFF800  }
0x48: {  	[tilespmem:s14], [sflag:$0x1] =	stream.linear.gather [hbm4b:s19+s3], $0x80, $0x38;
	[tilespmem:$0x7200] =	vst v63  }
0x49: {  	_ =	swait.ge [sflag:s11], $0x80  }
0x4a: {  	[sflag:s11] =	ssyncset.done $0x0  }
0x4b: {  	[sflag:s11] =	ssyncadd.s32 $0xFFFFFF80  }
0x4c: {  	v2 =	vld [tilespmem:$0x3100]  }
0x4d: {  	v3 =	vld [tilespmem:$0x3130]  }
0x4e: {  	v4 =	vld [tilespmem:$0x3170]  }
0x4f: {  	v5 =	vld [tilespmem:$0x3160]  }
0x50: {  	v6 =	vld [tilespmem:$0x3110]  }
0x51: {  	v7 =	vld [tilespmem:$0x3150];
	v2 =	vsub.s32 v2, v0  }
0x52: {  	v8 =	vld [tilespmem:$0x3120];
	v3 =	vsub.s32 v3, v0;
	v2 =	vmin.u32 v2, $0x30D4  }
0x53: {  	v4 =	vsub.s32 v4, v0;
	[tilespmem:$0x3180] =	vst v2;
	v2 =	vmin.u32 v3, $0x30D4;
	v3 =	vld [tilespmem:$0x3140]  }
0x54: {  	v4 =	vmin.u32 v4, $0x30D4;
	[tilespmem:$0x31B0] =	vst v2;
	v2 =	vsub.s32 v5, v0  }
0x55: {  	[tilespmem:$0x31F0] =	vst v4;
	v5 =	vsub.s32 v6, v0;
	v2 =	vmin.u32 v2, $0x30D4  }
0x56: {  	v4 =	vmin.u32 v5, $0x30D4;
	v5 =	vsub.s32 v7, v0;
	[tilespmem:$0x31E0] =	vst v2  }
0x57: {  	[tilespmem:$0x3190] =	vst v4;
	v2 =	vsub.s32 v8, v0;
	v4 =	vmin.u32 v5, $0x30D4  }
0x58: {  	v2 =	vmin.u32 v2, $0x30D4;
	[tilespmem:$0x31D0] =	vst v4;
	v3 =	vsub.s32 v3, v0  }
0x59: {  	[tilespmem:$0x31A0] =	vst v2;
	v2 =	vmin.u32 v3, $0x30D4  }
0x5a: {  	[tilespmem:$0x31C0] =	vst v2  }
0x5b: {  	[spmem:s2] =	stream.indirect.scatter.add.f32 [tilespmem:s10], [sflag:$0x1], $0x10, s16, s15, $0xb8;
	[tilespmem:$0x7200] =	vst v63  }
0x5c: {  	_ =	swait.ge [sflag:s11], $0x800  }
0x5d: {  	[sflag:s11] =	ssyncset.done $0x0  }
0x5e: {  	s18 =	sadd.s32 s18, s9;
	[sflag:s11] =	ssyncadd.s32 $0xFFFFF800  }
0x5f: {  	[tilespmem:s14], [sflag:$0x1] =	stream.linear.gather [hbm4b:s18+s3], $0x80, $0x38;
	[tilespmem:$0x7200] =	vst v63  }
0x60: {  	_ =	swait.ge [sflag:s11], $0x80  }
0x61: {  	[sflag:s11] =	ssyncset.done $0x0  }
0x62: {  	[sflag:s11] =	ssyncadd.s32 $0xFFFFFF80  }
0x63: {  	v2 =	vld [tilespmem:$0x3100]  }
0x64: {  	v3 =	vld [tilespmem:$0x3130]  }
0x65: {  	v4 =	vld [tilespmem:$0x3170]  }
0x66: {  	v5 =	vld [tilespmem:$0x3160]  }
0x67: {  	v58 =	vld [tilespmem:$0x3110]  }
0x68: {  	v59 =	vld [tilespmem:$0x3150];
	v2 =	vsub.s32 v2, v0  }
0x69: {  	v60 =	vld [tilespmem:$0x3120];
	v3 =	vsub.s32 v3, v0;
	v2 =	vmin.u32 v2, $0x30D4  }
0x6a: {  	v4 =	vsub.s32 v4, v0;
	[tilespmem:$0x3180] =	vst v2;
	v2 =	vmin.u32 v3, $0x30D4;
	v3 =	vld [tilespmem:$0x3140]  }
0x6b: {  	v4 =	vmin.u32 v4, $0x30D4;
	[tilespmem:$0x31B0] =	vst v2;
	v2 =	vsub.s32 v5, v0  }
0x6c: {  	[tilespmem:$0x31F0] =	vst v4;
	v5 =	vsub.s32 v58, v0;
	v2 =	vmin.u32 v2, $0x30D4  }
0x6d: {  	v4 =	vmin.u32 v5, $0x30D4;
	v5 =	vsub.s32 v59, v0;
	[tilespmem:$0x31E0] =	vst v2  }
0x6e: {  	[tilespmem:$0x3190] =	vst v4;
	v2 =	vsub.s32 v60, v0;
	v4 =	vmin.u32 v5, $0x30D4  }
0x6f: {  	v2 =	vmin.u32 v2, $0x30D4;
	[tilespmem:$0x31D0] =	vst v4;
	v3 =	vsub.s32 v3, v0  }
0x70: {  	[tilespmem:$0x31A0] =	vst v2;
	v2 =	vmin.u32 v3, $0x30D4  }
0x71: {  	[tilespmem:$0x31C0] =	vst v2  }
0x72: {  	[spmem:s2] =	stream.indirect.scatter.add.f32 [tilespmem:s10], [sflag:$0x1], $0x10, s16, s15, $0xb8;
	[tilespmem:$0x7200] =	vst v63  }
0x73: {  	_ =	swait.ge [sflag:s11], $0x800  }
0x74: {  	[sflag:s11] =	ssyncset.done $0x0  }
0x75: {  	[sflag:s11] =	ssyncadd.s32 $0xFFFFF800  }
0x76: {  	[bflag:$0x0] =	sbarrier.arrive $0xFFFF  }
0x77: {  	[hbm:s6], [sflag:s12] =	dma.local [spmem:s13], $0x3100  }
0x78: {  	_ =	swait.ge [sflag:s11], $0x3100  }
0x79: {  	[sflag:s11] =	ssyncset.done $0x0  }
0x7a: {  	[sflag:s11] =	ssyncadd.s32 $0xFFFFCF00  }
0x7b: {  	[bflag:$0x0] =	sbarrier.arrive $0xFFFF  }
0x7c: {  	[spmem:s13], [sflag:s12] =	dma.local [hbm:s4], $0x3100  }
0x7d: {  	_ =	swait.ge [sflag:s11], $0x3100  }
0x7e: {  	[sflag:s11] =	ssyncset.done $0x0  }
0x7f: {  	[sflag:s11] =	ssyncadd.s32 $0xFFFFCF00  }
0x80: {  	s31 =	sadd.s32 $0x0, s9;
	[bflag:$0x0] =	sbarrier.arrive $0xFFFF  }
0x81: {  	[tilespmem:s14], [sflag:$0x1] =	stream.linear.gather [hbm4b:s31+s3], $0x80, $0x38;
	[tilespmem:$0x7200] =	vst v63  }
0x82: {  	_ =	swait.ge [sflag:s11], $0x80  }
0x83: {  	[sflag:s11] =	ssyncset.done $0x0  }
0x84: {  	[sflag:s11] =	ssyncadd.s32 $0xFFFFFF80  }
0x85: {  	v2 =	vld [tilespmem:$0x3100]  }
0x86: {  	v3 =	vld [tilespmem:$0x3130]  }
0x87: {  	v4 =	vld [tilespmem:$0x3170]  }
0x88: {  	v5 =	vld [tilespmem:$0x3160]  }
0x89: {  	v61 =	vld [tilespmem:$0x3110]  }
0x8a: {  	v62 =	vld [tilespmem:$0x3150];
	v2 =	vsub.s32 v2, v1  }
0x8b: {  	v63 =	vld [tilespmem:$0x3120];
	v3 =	vsub.s32 v3, v1;
	v2 =	vmin.u32 v2, $0x30D4  }
0x8c: {  	v4 =	vsub.s32 v4, v1;
	[tilespmem:$0x3180] =	vst v2;
	v2 =	vmin.u32 v3, $0x30D4;
	v3 =	vld [tilespmem:$0x3140]  }
0x8d: {  	v4 =	vmin.u32 v4, $0x30D4;
	[tilespmem:$0x31B0] =	vst v2;
	v2 =	vsub.s32 v5, v1  }
0x8e: {  	[tilespmem:$0x31F0] =	vst v4;
	v5 =	vsub.s32 v61, v1;
	v2 =	vmin.u32 v2, $0x30D4  }
0x8f: {  	v4 =	vmin.u32 v5, $0x30D4;
	v5 =	vsub.s32 v62, v1;
	[tilespmem:$0x31E0] =	vst v2  }
0x90: {  	[tilespmem:$0x3190] =	vst v4;
	v2 =	vsub.s32 v63, v1;
	v4 =	vmin.u32 v5, $0x30D4  }
0x91: {  	s20 =	simm.s32 $0x300;
	s19 =	simm.s32 $0x100;
	s18 =	simm.s32 $0x200;
	v2 =	vmin.u32 v2, $0x30D4;
	[tilespmem:$0x31D0] =	vst v4;
	v3 =	vsub.s32 v3, v1  }
.LBB2_4:
0x92: {  	p0 =	sne.s32 s20, $0x9200;
	[tilespmem:$0x31A0] =	vst v2;
	v2 =	vmin.u32 v3, $0x30D4;
	s21 =	smov.u32 s20;
	s20 =	sadd.s32 $0x100, s20  }
0x93: {  	[tilespmem:$0x31C0] =	vst v2  }
0x94: {  	[spmem:s2] =	stream.indirect.scatter.add.f32 [tilespmem:s10], [sflag:$0x1], $0x10, s16, s15, $0xb8;
	[tilespmem:$0x7200] =	vst v63  }
0x95: {  	_ =	swait.ge [sflag:s11], $0x800  }
0x96: {  	[sflag:s11] =	ssyncset.done $0x0  }
0x97: {  	s22 =	sadd.s32 s19, s9;
	s19 =	smov.u32 s18;
	[sflag:s11] =	ssyncadd.s32 $0xFFFFF800  }
0x98: {  	[tilespmem:s14], [sflag:$0x1] =	stream.linear.gather [hbm4b:s22+s3], $0x80, $0x38;
	[tilespmem:$0x7200] =	vst v63  }
0x99: {  	s18 =	smov.u32 s21;
	_ =	swait.ge [sflag:s11], $0x80  }
0x9a: {  	[sflag:s11] =	ssyncset.done $0x0  }
0x9b: {  	[sflag:s11] =	ssyncadd.s32 $0xFFFFFF80  }
0x9c: {  	v2 =	vld [tilespmem:$0x3100]  }
0x9d: {  	v3 =	vld [tilespmem:$0x3130]  }
0x9e: {  	v4 =	vld [tilespmem:$0x3170]  }
0x9f: {  	v5 =	vld [tilespmem:$0x3160]  }
0xa0: {  	v6 =	vld [tilespmem:$0x3110]  }
0xa1: {  	v2 =	vsub.s32 v2, v1;
	v7 =	vld [tilespmem:$0x3150]  }
0xa2: {  	v2 =	vmin.u32 v2, $0x30D4;
	v8 =	vld [tilespmem:$0x3120];
	v3 =	vsub.s32 v3, v1  }
0xa3: {  	[tilespmem:$0x3180] =	vst v2;
	v2 =	vmin.u32 v3, $0x30D4;
	v3 =	vld [tilespmem:$0x3140];
	v4 =	vsub.s32 v4, v1  }
.Ltmp1:
0xa4: {  	[tilespmem:$0x31B0] =	vst v2;
	v2 =	vsub.s32 v5, v1;
	v4 =	vmin.u32 v4, $0x30D4;
	(pc) =	sbr.rel @p0 .LBB2_4-.Ltmp1, $4  }
0xa5: {  	v5 =	vsub.s32 v6, v1;
	v2 =	vmin.u32 v2, $0x30D4;
	[tilespmem:$0x31F0] =	vst v4  }
0xa6: {  	v4 =	vmin.u32 v5, $0x30D4;
	v5 =	vsub.s32 v7, v1;
	[tilespmem:$0x31E0] =	vst v2  }
0xa7: {  	[tilespmem:$0x3190] =	vst v4;
	v2 =	vsub.s32 v8, v1;
	v4 =	vmin.u32 v5, $0x30D4  }
0xa8: {  	v2 =	vmin.u32 v2, $0x30D4;
	v3 =	vsub.s32 v3, v1;
	[tilespmem:$0x31D0] =	vst v4  }
0xa9: {  	[tilespmem:$0x31A0] =	vst v2;
	v2 =	vmin.u32 v3, $0x30D4  }
0xaa: {  	[tilespmem:$0x31C0] =	vst v2  }
0xab: {  	[spmem:s2] =	stream.indirect.scatter.add.f32 [tilespmem:s10], [sflag:$0x1], $0x10, s16, s15, $0xb8;
	[tilespmem:$0x7200] =	vst v63  }
0xac: {  	_ =	swait.ge [sflag:s11], $0x800  }
0xad: {  	[sflag:s11] =	ssyncset.done $0x0  }
0xae: {  	s19 =	sadd.s32 s19, s9;
	[sflag:s11] =	ssyncadd.s32 $0xFFFFF800  }
0xaf: {  	[tilespmem:s14], [sflag:$0x1] =	stream.linear.gather [hbm4b:s19+s3], $0x80, $0x38;
	[tilespmem:$0x7200] =	vst v63  }
0xb0: {  	_ =	swait.ge [sflag:s11], $0x80  }
0xb1: {  	[sflag:s11] =	ssyncset.done $0x0  }
0xb2: {  	[sflag:s11] =	ssyncadd.s32 $0xFFFFFF80  }
0xb3: {  	v2 =	vld [tilespmem:$0x3100]  }
0xb4: {  	v3 =	vld [tilespmem:$0x3130]  }
0xb5: {  	v4 =	vld [tilespmem:$0x3170];
	_ =	sdelay $0x1  }
0xb6: {  	v6 =	vld [tilespmem:$0x3110]  }
0xb7: {  	v5 =	vld [tilespmem:$0x3160]  }
0xb8: {  	v7 =	vld [tilespmem:$0x3150];
	v2 =	vsub.s32 v2, v1  }
0xb9: {  	v8 =	vld [tilespmem:$0x3120];
	v3 =	vsub.s32 v3, v1;
	v4 =	vsub.s32 v4, v1;
	v2 =	vmin.u32 v2, $0x30D4  }
0xba: {  	v4 =	vmin.u32 v4, $0x30D4;
	[tilespmem:$0x3180] =	vst v2;
	v2 =	vmin.u32 v3, $0x30D4;
	v3 =	vld [tilespmem:$0x3140]  }
0xbb: {  	v51 =	vsub.s32 v6, v1;
	[tilespmem:$0x31F0] =	vst v4  }
0xbc: {  	v52 =	vmin.u32 v51, $0x30D4;
	[tilespmem:$0x31B0] =	vst v2;
	v2 =	vsub.s32 v5, v1  }
0xbd: {  	v53 =	vsub.s32 v7, v1;
	[tilespmem:$0x3190] =	vst v52;
	v2 =	vmin.u32 v2, $0x30D4  }
0xbe: {  	v54 =	vmin.u32 v53, $0x30D4;
	[tilespmem:$0x31E0] =	vst v2;
	v2 =	vsub.s32 v8, v1  }
0xbf: {  	[tilespmem:$0x31D0] =	vst v54;
	v2 =	vmin.u32 v2, $0x30D4;
	v3 =	vsub.s32 v3, v1  }
0xc0: {  	[tilespmem:$0x31A0] =	vst v2;
	v2 =	vmin.u32 v3, $0x30D4  }
0xc1: {  	[tilespmem:$0x31C0] =	vst v2  }
0xc2: {  	[spmem:s2] =	stream.indirect.scatter.add.f32 [tilespmem:s10], [sflag:$0x1], $0x10, s16, s15, $0xb8;
	[tilespmem:$0x7200] =	vst v63  }
0xc3: {  	_ =	swait.ge [sflag:s11], $0x800  }
0xc4: {  	[sflag:s11] =	ssyncset.done $0x0  }
0xc5: {  	s18 =	sadd.s32 s18, s9;
	[sflag:s11] =	ssyncadd.s32 $0xFFFFF800  }
0xc6: {  	[tilespmem:s14], [sflag:$0x1] =	stream.linear.gather [hbm4b:s18+s3], $0x80, $0x38;
	[tilespmem:$0x7200] =	vst v63  }
0xc7: {  	_ =	swait.ge [sflag:s11], $0x80  }
0xc8: {  	[sflag:s11] =	ssyncset.done $0x0  }
0xc9: {  	[sflag:s11] =	ssyncadd.s32 $0xFFFFFF80  }
0xca: {  	v2 =	vld [tilespmem:$0x3100]  }
0xcb: {  	v3 =	vld [tilespmem:$0x3130]  }
0xcc: {  	v55 =	vld [tilespmem:$0x3170];
	_ =	sdelay $0x1  }
0xcd: {  	v57 =	vld [tilespmem:$0x3110]  }
0xce: {  	v56 =	vld [tilespmem:$0x3160]  }
0xcf: {  	v58 =	vld [tilespmem:$0x3150];
	v2 =	vsub.s32 v2, v1  }
0xd0: {  	v59 =	vld [tilespmem:$0x3120];
	v3 =	vsub.s32 v3, v1;
	v4 =	vsub.s32 v55, v1;
	v2 =	vmin.u32 v2, $0x30D4  }
0xd1: {  	v4 =	vmin.u32 v4, $0x30D4;
	[tilespmem:$0x3180] =	vst v2;
	v2 =	vmin.u32 v3, $0x30D4;
	v3 =	vld [tilespmem:$0x3140]  }
0xd2: {  	v60 =	vsub.s32 v57, v1;
	[tilespmem:$0x31F0] =	vst v4  }
0xd3: {  	v61 =	vmin.u32 v60, $0x30D4;
	[tilespmem:$0x31B0] =	vst v2;
	v2 =	vsub.s32 v56, v1  }
0xd4: {  	v62 =	vsub.s32 v58, v1;
	[tilespmem:$0x3190] =	vst v61;
	v2 =	vmin.u32 v2, $0x30D4  }
0xd5: {  	v63 =	vmin.u32 v62, $0x30D4;
	[tilespmem:$0x31E0] =	vst v2;
	v2 =	vsub.s32 v59, v1  }
0xd6: {  	[tilespmem:$0x31D0] =	vst v63;
	v2 =	vmin.u32 v2, $0x30D4;
	v3 =	vsub.s32 v3, v1  }
0xd7: {  	[tilespmem:$0x31A0] =	vst v2;
	v2 =	vmin.u32 v3, $0x30D4  }
0xd8: {  	[tilespmem:$0x31C0] =	vst v2  }
0xd9: {  	[spmem:s2] =	stream.indirect.scatter.add.f32 [tilespmem:s10], [sflag:$0x1], $0x10, s16, s15, $0xb8;
	[tilespmem:$0x7200] =	vst v63  }
0xda: {  	_ =	swait.ge [sflag:s11], $0x800  }
0xdb: {  	[sflag:s11] =	ssyncset.done $0x0  }
0xdc: {  	s17 =	sadd.s32 $0x1, s17;
	[sflag:s11] =	ssyncadd.s32 $0xFFFFF800  }
0xdd: {  	p0 =	sne.s32 s17, s8;
	[bflag:$0x0] =	sbarrier.arrive $0xFFFF  }
0xde: {  	[hbm:s7], [sflag:s12] =	dma.local [spmem:s13], $0x3100  }
.Ltmp2:
0xdf: {  	_ =	swait.ge [sflag:s11], $0x3100;
	(pc) =	sbr.rel @p0 .LBB2_1-.Ltmp2, $3  }
0xe0: {  	[sflag:s11] =	ssyncset.done $0x0  }
0xe1: {  	[sflag:s11] =	ssyncadd.s32 $0xFFFFCF00  }
0xe2: {  	[bflag:$0x0] =	sbarrier.arrive $0xFFFF;
	_ =	sdelay $0x1  }
0xe3: {  	_ =	sfence.sel $0x180000  }
0xe4: {  	[bflag:$0x0] =	sbarrier.arrive $0xFFFF  }
0xe5: {  	p0 =	sne.s32 s1, $0x0;
	_ =	strace $0x9000004D  }
0xe6: {  	s0 =	sadd.s32 @!p0 $0x100000, s0;
	[bflag:$0x2] =	sbarrier.arrive $0xFFFF  }
0xe7: {  	[sflag:s0] =	ssyncadd.tile.s32 @!p0 $0x1;
	_ =	shalt  }
.Lfunc_end2:
_tile_overlayer_lowered:
.L_overlay_start_2:
0xe8: {  	(tag) =	ssettag $0x2  }
0xe9: {  	s0 =	rddreg [dreg:$0x0];
	s2 =	stileid.u32  }
0xea: {  	s1 =	rddreg [dreg:$0x1];
	p0 =	sne.s32 s2, $0x0  }
0xeb: {  	s3 =	rddreg [dreg:$0x2];
	[bflag:$0x3] =	sbarrier.arrive $0xFFFF;
	s2 =	simm.s32 @!p0 $0x1C01  }
0xec: {  	[timem:s3], [sflag:s2] =	dma.local @!p0 [hbm:s0], s1  }
0xed: {  	s0 =	simm.s32 @!p0 $0x1  }
0xee: {  	_ =	swait.ge @!p0 [sflag:s0], s1  }
0xef: {  	s1 =	ssub.s32 @!p0 $0x0, s1;
	[sflag:s0] =	ssyncset.done @!p0 $0x0  }
0xf0: {  	[sflag:s0] =	ssyncadd.s32 @!p0 s1  }
0xf1: {  	[bflag:$0x3] =	sbarrier.arrive $0xFFFF  }
0xf2: {  	_ =	shalt  }

// kernel: kernel.23.cloned.1.call-start
scs
__scs_entry_jumppad:
0x0: {  	(pc) =	sbr.rel $0x88, $3  }
0x1: {  	(tag) =	ssettag $0x0;
	lr =	simm.s32 $0x1  }
0x2: {  	[smem:$0x3F88] =	sst lr;
	_ =	strace $0xD0000000  }
0x3: {  	_ = 	snop  }
0x4: {  	_ = 	snop  }
0x5: {  	_ = 	snop  }
0x6: {  	_ = 	snop  }
0x7: {  	_ = 	snop  }
__scs_overlays_trampoline_lowered:
0x8: {  	[smem:$0x3F97] =	sst s0  }
0x9: {  	[smem:$0x3F98] =	sst s1  }
0xa: {  	[smem:$0x3F99] =	sst s2  }
0xb: {  	[smem:$0x3F9A] =	sst s3  }
0xc: {  	[smem:$0x3F9B] =	sst s4  }
0xd: {  	[smem:$0x3F9C] =	sst s5  }
0xe: {  	[smem:$0x3F9D] =	sst s6  }
0xf: {  	[smem:$0x3F9E] =	sst s7  }
0x10: {  	[smem:$0x3F9F] =	sst s8  }
0x11: {  	[smem:$0x3FA0] =	sst s9;
	s0 =	simm.s32 @!p0 $0x0  }
0x12: {  	s1 =	sld [smem:$0x3F86];
	s0 =	simm.s32 @p0 $0x1  }
0x13: {  	[smem:$0x3FA1] =	sst s0;
	s0 =	simm.s32 @!p1 $0x0  }
0x14: {  	s2 =	sld [smem:$0x3F85];
	s0 =	simm.s32 @p1 $0x1  }
0x15: {  	[smem:$0x3FA2] =	sst s0;
	s0 =	simm.s32 @!p2 $0x0  }
0x16: {  	s3 =	sld [smem:$0x3FDB];
	s0 =	simm.s32 @p2 $0x1  }
0x17: {  	s4 =	simm.s32 $0x1BF5;
	[smem:$0x3FA4] =	sst s0  }
0x18: {  	s0 =	sld [smem:$0x3F87];
	_ =	swait.ge [sflag:s4], $0x0  }
0x19: {  	s7 =	sld [smem:$0x3F88]  }
0x1a: {  	s8 =	sadd.s32 $0xFFFFE003, lr  }
0x1b: {  	s9 =	sadd.s32 $0xFFFFFEF7, lr;
	s5 =	simm.s32 $0xFFFFFFFF;
	p2 =	slt.u32 s8, $0xFFFFF086  }
0x1c: {  	p1 =	slt.u32 s9, $0xF7A;
	s5 =	simm.s32 @!p2 $0x0  }
0x1d: {  	s5 =	simm.s32 @p1 $0x1;
	p0 =	seq.s32 s7, s2  }
0x1e: {  	s7 =	smul.u32 @!p0 $0xF7A, s2;
	p2 =	seq.s32 @!p0 s5, $0x0  }
0x1f: {  	s9 =	smul.u32 $0xF7A, s1;
	s8 =	simm.s32 @!p0 $0x1BF5;
	p2 =	por !p2, p0  }
0x20: {  	[sflag:s8] =	ssyncset.s32 @!p0 $0xFFFFF086;
	s6 =	sadd.s32 @!p0 s3, s7;
	s7 =	simm.s32 @!p0 $0x108  }
0x21: {  	s3 =	sadd.s32 s3, s9;
	s6 =	sadd.s32 @!p0 $0x88, s6;
	s7 =	simm.s32 @p2 $0x1082  }
0x22: {  	[simem:s7], [sflag:s8] =	dma.local @!p0 [hbm:s6], $0xF7A  }
0x23: {  	s9 =	sor.u32 $0xD0000000, s2;
	s6 =	simm.s32 $0x108;
	_ =	swait.ge @!p0 [sflag:s8], $0x0  }
0x24: {  	s3 =	sadd.s32 $0x88, s3;
	s6 =	simm.s32 @!p1 $0x1082;
	[sflag:s4] =	ssyncset.s32 $0xFFFFF086  }
0x25: {  	[simem:s6], [sflag:s4] =	dma.local [hbm:s3], $0xF7A  }
0x26: {  	[smem:$0x3F88] =	sst s1;
	(tag) =	ssettag s2;
	_ =	strace s9  }
0x27: {  	s1 =	sld [smem:$0x3F98]  }
0x28: {  	s2 =	sld [smem:$0x3F99]  }
0x29: {  	s4 =	sld [smem:$0x3F9B]  }
0x2a: {  	p0 =	seq.s32 s5, $0x0;
	s5 =	sld [smem:$0x3F9C]  }
0x2b: {  	s6 =	sld [smem:$0x3F9D]  }
0x2c: {  	s7 =	sld [smem:$0x3F9E]  }
0x2d: {  	s3 =	simm.s32 $0x108;
	s8 =	sld [smem:$0x3F9F]  }
0x2e: {  	s3 =	simm.s32 @!p0 $0x1082;
	s9 =	sld [smem:$0x3FA0]  }
0x2f: {  	lr =	sadd.s32 s0, s3;
	s0 =	sld [smem:$0x3F97]  }
0x30: {  	s3 =	sld [smem:$0x3F9A]  }
0x31: {  	[smem:$0x3FA3] =	sst s10  }
0x32: {  	s10 =	sld [smem:$0x3FA1];
	_ =	sdelay $0x3  }
0x33: {  	p0 =	seq.s32 s10, $0x1;
	s10 =	sld [smem:$0x3FA3];
	_ =	sdelay $0x3  }
0x34: {  	[smem:$0x3FA3] =	sst s10  }
0x35: {  	s10 =	sld [smem:$0x3FA2];
	_ =	sdelay $0x3  }
0x36: {  	p1 =	seq.s32 s10, $0x1;
	s10 =	sld [smem:$0x3FA3];
	_ =	sdelay $0x3  }
0x37: {  	[smem:$0x3FA3] =	sst s10  }
0x38: {  	s10 =	sld [smem:$0x3FA4]  }
0x39: {  	_ = 	snop;
	(pc) =	sbr.ind lr, $3  }
0x3a: {  	_ = 	snop  }
0x3b: {  	_ = 	snop  }
0x3c: {  	p2 =	seq.s32 s10, $0x1;
	s10 =	sld [smem:$0x3FA3]  }
0x3d: {  	_ =	shalt  }
0x3e: {  	_ =	shalt  }
0x3f: {  	_ =	shalt  }
0x40: {  	_ =	shalt  }
0x41: {  	_ =	shalt  }
0x42: {  	_ =	shalt  }
0x43: {  	_ =	shalt  }
0x44: {  	_ =	shalt  }
0x45: {  	_ =	shalt  }
0x46: {  	_ =	shalt  }
0x47: {  	_ =	shalt  }
0x48: {  	_ =	shalt  }
0x49: {  	_ =	shalt  }
0x4a: {  	_ =	shalt  }
0x4b: {  	_ =	shalt  }
0x4c: {  	_ =	shalt  }
0x4d: {  	_ =	shalt  }
0x4e: {  	_ =	shalt  }
0x4f: {  	_ =	shalt  }
0x50: {  	_ =	shalt  }
0x51: {  	_ =	shalt  }
0x52: {  	_ =	shalt  }
0x53: {  	_ =	shalt  }
0x54: {  	_ =	shalt  }
0x55: {  	_ =	shalt  }
0x56: {  	_ =	shalt  }
0x57: {  	_ =	shalt  }
0x58: {  	_ =	shalt  }
0x59: {  	_ =	shalt  }
0x5a: {  	_ =	shalt  }
0x5b: {  	_ =	shalt  }
0x5c: {  	_ =	shalt  }
0x5d: {  	_ =	shalt  }
0x5e: {  	_ =	shalt  }
0x5f: {  	_ =	shalt  }
0x60: {  	_ =	shalt  }
0x61: {  	_ =	shalt  }
0x62: {  	_ =	shalt  }
0x63: {  	_ =	shalt  }
0x64: {  	_ =	shalt  }
0x65: {  	_ =	shalt  }
0x66: {  	_ =	shalt  }
0x67: {  	_ =	shalt  }
0x68: {  	_ =	shalt  }
0x69: {  	_ =	shalt  }
0x6a: {  	_ =	shalt  }
0x6b: {  	_ =	shalt  }
0x6c: {  	_ =	shalt  }
0x6d: {  	_ =	shalt  }
0x6e: {  	_ =	shalt  }
0x6f: {  	_ =	shalt  }
0x70: {  	_ =	shalt  }
0x71: {  	_ =	shalt  }
0x72: {  	_ =	shalt  }
0x73: {  	_ =	shalt  }
0x74: {  	_ =	shalt  }
0x75: {  	_ =	shalt  }
0x76: {  	_ =	shalt  }
0x77: {  	_ =	shalt  }
0x78: {  	_ =	shalt  }
0x79: {  	_ =	shalt  }
0x7a: {  	_ =	shalt  }
0x7b: {  	_ =	shalt  }
0x7c: {  	_ =	shalt  }
0x7d: {  	_ =	shalt  }
0x7e: {  	_ =	shalt  }
0x7f: {  	_ =	shalt  }
0x80: {  	_ =	shalt  }
0x81: {  	_ =	shalt  }
0x82: {  	_ =	shalt  }
0x83: {  	_ =	shalt  }
0x84: {  	_ =	shalt  }
0x85: {  	_ =	shalt  }
0x86: {  	_ =	shalt  }
0x87: {  	_ =	shalt  }
.Lfunc_end0:
.L_simem_size_0:
called_computation.4_lowered:
.L_overlay_start_0:
0x88: {  	s2 =	sld [smem:$0x3FD9]  }
0x89: {  	s3 =	sld [smem:$0x3FFE];
	_ =	sdelay $0x1  }
0x8a: {  	s1 =	srdreg.scid  }
0x8b: {  	s0 =	sand.u32 $0x1, s1  }
0x8c: {  	s16 =	sshll.u32 s0, $0xA;
	s2 =	sadd.s32 s3, s2  }
0x8d: {  	s2 =	sadd.s32 s2, s16  }
0x8e: {  	[smem:$0x3FAF] =	sst s2  }
0x8f: {  	_ = 	snop  }
0x90: {  	(tm) =	ssettm $0x1  }
0x91: {  	s17 =	sld [smem:$0x3FFB];
	_ =	sdelay $0x3  }
0x92: {  	_ =	strace s17  }
0x93: {  	s2 =	sld [smem:$0x3FFC];
	_ =	sdelay $0x3  }
0x94: {  	_ =	strace s2  }
0x95: {  	s2 =	sld [smem:$0x3FFD];
	_ =	sdelay $0x3  }
0x96: {  	_ =	strace s2  }
0x97: {  	_ =	strace $0x8FFFFFFF  }
0x98: {  	s18 =	sld [smem:$0x3FDB];
	_ =	sdelay $0x1  }
0x99: {  	s19 =	simm.s32 $_scs_section_size  }
0x9a: {  	s4 =	simm.s32 $_size__tile_overlayer_lowered;
	s5 =	simm.s32 $_tile_overlayer_lowered  }
0x9b: {  	s22 =	simm.s32 $0x1BFF;
	s21 =	sshll.u32 s5, $0x1;
	s2 =	sadd.s32 s19, s18  }
0x9c: {  	s6 =	simm.s32 $0x0;
	s20 =	sshll.u32 s4, $0x1;
	s4 =	sadd.s32 s21, s2  }
0x9d: {  	[timem:s6], [sflag:s22] =	dma.local [hbm:s4], s20  }
0x9e: {  	_ =	swait.ge [sflag:s22], s20  }
0x9f: {  	s3 =	ssub.s32 $0x0, s20;
	[sflag:s22] =	ssyncset.done $0x0  }
0xa0: {  	[sflag:s22] =	ssyncadd.s32 s3;
	_ =	sdelay $0x1  }
0xa1: {  	s23 =	simm.s32 $0x1B8B  }
0xa2: {  	_ =	swait.ge [sflag:s23], $0x1  }
0xa3: {  	[sflag:s23] =	ssyncset.done $0x0  }
0xa4: {  	s25 =	simm.s32 $0x1B8E;
	s24 =	sld [smem:$0x3FFE];
	[sflag:s23] =	ssyncadd.s32 $0xFFFFFFFF  }
0xa5: {  	s26 =	simm.s32 $execute0_lowered;
	[smem:$0x3FD2] =	sst s25  }
0xa6: {  	s4 =	sshll.u32 s26, $0x1;
	_ =	strace $0x80000052;
	[dreg:$0x1] =	wrdreg $0xFFFFFFFF  }
0xa7: {  	s28 =	simm.s32 $_size_execute0_lowered;
	s2 =	sadd.s32 s2, s4;
	[dreg:$0x0] =	wrdreg $0x0  }
0xa8: {  	s4 =	sshll.u32 s28, $0x1;
	[dreg:$0x2] =	wrdreg s2  }
0xa9: {  	[dreg:$0x3] =	wrdreg s4  }
0xaa: {  	[dreg:$0x4] =	wrdreg $0xC0  }
0xab: {  	_ =	task [dreg:s6], $0x5FFFF  }
0xac: {  	[dreg:$0x1] =	wrdreg $0xFFFFFFFF  }
0xad: {  	[dreg:$0x0] =	wrdreg $0x60  }
0xae: {  	[dreg:$0x2] =	wrdreg s24  }
0xaf: {  	[dreg:$0x3] =	wrdreg $0x0  }
0xb0: {  	[dreg:$0x4] =	wrdreg $0x9  }
0xb1: {  	_ =	task.clear_ibuf [dreg:s6], $0x5FFFF;
	_ =	strace $0x90000052  }
0xb2: {  	s29 =	simm.s32 $0x9;
	_ =	strace $0x80000054  }
0xb3: {  	_ =	swait.ge [sflag:s29], $0x1  }
0xb4: {  	[sflag:s29] =	ssyncadd.s32 $0xFFFFFFFF  }
0xb5: {  	_ =	strace $0x90000054  }
0xb6: {  	_ =	sfence  }
0xb7: {  	s30 =	sld [smem:$0x0];
	_ =	sdelay $0x2  }
0xb8: {  	s31 =	sshll.u32 s1, $0xD;
	s1 =	sshrl.u32 s1, $0x2  }
0xb9: {  	s3 =	sand.u32 $0x4000, s31;
	s1 =	sadd.s32 s1, s30  }
0xba: {  	s0 =	sor.u32 s3, s0;
	s1 =	sshll.u32 s1, $0x11  }
0xbb: {  	s0 =	sor.u32 s1, s0  }
0xbc: {  	s0 =	sadd.s32 $0x8F2B, s0  }
0xbd: {  	[sflag:s0] =	ssyncadd.remote.s32 $0x1  }
0xbe: {  	_ =	sfence.sel $0xFFFF  }
0xbf: {  	[dreg:$0x0] =	wrdreg $0xFFFFFFFF;
	(pc) =	sbr.abs _section_cstart, $3  }
0xc0: {  	[dreg:$0x1] =	wrdreg $0xFFFFFFFF  }
0xc1: {  	_ =	task.clear_ibuf [dreg:s6], $0x2FFFF;
	_ =	strace $0x9FFFFFFF  }
0xc2: {  	(tm) =	ssettm $0x7FFFFFFF  }
0xc3: {  	_ =	shalt  }
tec
execute0_lowered:
.L_overlay_start_1:
0x0: {  	(tag) =	ssettag $0x1  }
0x1: {  	s6 =	rddreg [dreg:$0x0]  }
0x2: {  	s2 =	rddreg [dreg:$0x1]  }
0x3: {  	s0 =	rddreg [dreg:$0x2];
	s3 =	simm.s32 $0x0  }
0x4: {  	s1 =	stileid.u32;
	s5 =	srdreg.scid;
	s16 =	simm.s32 $0x80  }
0x5: {  	s17 =	simm.s32 $0x18980;
	s20 =	simm.s32 $0x0;
	[smem:$0x7FF] =	sst s3  }
0x6: {  	s4 =	sshll.u32 s1, $0x4;
	s7 =	sand.u32 $0x1, s5;
	s8 =	smul.u32 $0x310, s1  }
0x7: {  	s5 =	sadd.s32 $0xDA200, s6;
	s13 =	smul.u32 $0x62000, s1;
	s15 =	sadd.s32 $0xDD400, s6  }
0x8: {  	s31 =	sshll.u32 s1, $0x6;
	_ =	strace $0x80000053;
	s11 =	sadd.s32 s4, s6  }
0x9: {  	s4 =	sadd.s32 $0x33EC00, s6;
	s9 =	ssub.s32 $0x2, s7;
	s10 =	smul.u32 $0x3100, s7  }
0xa: {  	s14 =	sor.u32 $0x2, s7;
	s18 =	smul.u32 $0x30D4, s7;
	s6 =	sor.u32 $0x1C02, s31  }
0xb: {  	s12 =	sshrl.u32 s9, $0x1;
	s26 =	smul.u32 $0x3100, s14;
	s29 =	sshrl.u32 s13, $0x2  }
0xc: {  	s19 =	smul.u32 $0x30D4, s14;
	s13 =	simm.s32 $0x2;
	s14 =	simm.s32 $0x18800  }
0xd: {  	s9 =	ssub.s32 s9, s12;
	s28 =	sadd.s32 s8, s10;
	s30 =	sadd.s32 s29, s2  }
0xe: {  	s10 =	sadd.s32 $0x1AA800, s11;
	s11 =	sadd.s32 $0x1A1400, s11;
	v0 =	vmov s18;
	s18 =	simm.s32 $0x1  }
0xf: {  	s8 =	sadd.s32 s8, s26;
	s7 =	sshll.u32 s28, $0x4;
	s9 =	smax.u32 s9, $0x1  }
0x10: {  	s12 =	sshrl.u32 s30, $0x3;
	v1 =	vmov s19;
	s19 =	simm.s32 $0x18900;
	s8 =	sshll.u32 s8, $0x4  }
0x11: {  	s7 =	sadd.s32 s15, s7;
	s8 =	sadd.s32 s15, s8;
	s15 =	simm.s32 $0x18880  }
.LBB2_1:
0x12: {  	[spmem:s12], [sflag:s6] =	dma.local [hbm:s5], $0x3100  }
0x13: {  	_ =	swait.ge [sflag:s13], $0x3100  }
0x14: {  	[sflag:s13] =	ssyncset.done $0x0  }
0x15: {  	[sflag:s13] =	ssyncadd.s32 $0xFFFFCF00  }
0x16: {  	s21 =	sadd.s32 $0x0, s10;
	[bflag:$0x0] =	sbarrier.arrive $0xFFFF  }
0x17: {  	[tilespmem:s14], [sflag:$0x2] =	stream.linear.gather [hbm4b:s21+s3], $0x80, $0x38;
	[tilespmem:$0x1C980] =	vst v63  }
0x18: {  	_ =	swait.ge [sflag:s13], $0x80  }
0x19: {  	[sflag:s13] =	ssyncset.done $0x0  }
0x1a: {  	s31 =	sadd.s32 $0x0, s11;
	[sflag:s13] =	ssyncadd.s32 $0xFFFFFF80  }
0x1b: {  	[tilespmem:s15], [sflag:$0x2] =	stream.linear.gather [hbm4b:s31+s3], $0x80, $0x38;
	[tilespmem:$0x1C980] =	vst v63  }
0x1c: {  	_ =	swait.ge [sflag:s13], $0x80  }
0x1d: {  	[sflag:s13] =	ssyncset.done $0x0  }
0x1e: {  	[sflag:s13] =	ssyncadd.s32 $0xFFFFFF80  }
0x1f: {  	[tilespmem:s17], [sflag:$0x1] =	stream.indirect.gather [hbm4b:s4+s16], $0x80, s14, s16, $0xb8;
	[tilespmem:$0x1C980] =	vst v63  }
0x20: {  	v2 =	vld [tilespmem:$0x188F0]  }
0x21: {  	v3 =	vld [tilespmem:$0x188E0]  }
0x22: {  	v4 =	vld [tilespmem:$0x188B0]  }
0x23: {  	v5 =	vld [tilespmem:$0x188A0]  }
0x24: {  	v6 =	vld [tilespmem:$0x18890]  }
0x25: {  	v7 =	vld [tilespmem:$0x188C0];
	v2 =	vsub.s32 v2, v0  }
0x26: {  	v8 =	vld [tilespmem:$0x18880];
	v3 =	vsub.s32 v3, v0;
	v2 =	vmin.u32 v2, $0x30D4  }
0x27: {  	v9 =	vld [tilespmem:$0x188D0];
	v4 =	vsub.s32 v4, v0;
	v3 =	vmin.u32 v3, $0x30D4;
	[tilespmem:$0x18970] =	vst v2  }
0x28: {  	v4 =	vmin.u32 v4, $0x30D4;
	v2 =	vsub.s32 v5, v0;
	[tilespmem:$0x18960] =	vst v3  }
0x29: {  	v3 =	vsub.s32 v6, v0;
	[tilespmem:$0x18930] =	vst v4;
	v2 =	vmin.u32 v2, $0x30D4  }
0x2a: {  	v3 =	vmin.u32 v3, $0x30D4;
	[tilespmem:$0x18920] =	vst v2;
	v2 =	vsub.s32 v7, v0  }
0x2b: {  	v63 =	vsub.s32 v8, v0;
	[tilespmem:$0x18910] =	vst v3;
	v2 =	vmin.u32 v2, $0x30D4  }
0x2c: {  	v3 =	vmin.u32 v63, $0x30D4;
	[tilespmem:$0x18940] =	vst v2;
	v2 =	vsub.s32 v9, v0  }
0x2d: {  	s21 =	simm.s32 $0x100;
	[tilespmem:$0x18900] =	vst v3;
	v2 =	vmin.u32 v2, $0x30D4  }
.LBB2_2:
0x2e: {  	p0 =	sne.s32 s21, $0x9200;
	[tilespmem:$0x18950] =	vst v2;
	s22 =	smov.u32 s21;
	s21 =	sadd.s32 $0x100, s21  }
0x2f: {  	_ =	swait.ge [sflag:s18], $0x4000  }
0x30: {  	[sflag:s18] =	ssyncset.done $0x0  }
0x31: {  	[sflag:s18] =	ssyncadd.s32 $0xFFFFC000  }
0x32: {  	[spmem:s2] =	stream.indirect.scatter.add.f32 [tilespmem:s17], [sflag:$0x2], $0x80, s19, s16, $0xb8;
	[tilespmem:$0x1C980] =	vst v63  }
0x33: {  	_ =	swait.ge [sflag:s13], $0x4000  }
0x34: {  	[sflag:s13] =	ssyncset.done $0x0  }
0x35: {  	s23 =	sadd.s32 s22, s10;
	[sflag:s13] =	ssyncadd.s32 $0xFFFFC000  }
0x36: {  	[tilespmem:s14], [sflag:$0x2] =	stream.linear.gather [hbm4b:s23+s3], $0x80, $0x38;
	[tilespmem:$0x1C980] =	vst v63  }
0x37: {  	_ =	swait.ge [sflag:s13], $0x80  }
0x38: {  	[sflag:s13] =	ssyncset.done $0x0  }
0x39: {  	s22 =	sadd.s32 s22, s11;
	[sflag:s13] =	ssyncadd.s32 $0xFFFFFF80  }
0x3a: {  	[tilespmem:s15], [sflag:$0x2] =	stream.linear.gather [hbm4b:s22+s3], $0x80, $0x38;
	[tilespmem:$0x1C980] =	vst v63  }
0x3b: {  	_ =	swait.ge [sflag:s13], $0x80  }
0x3c: {  	[sflag:s13] =	ssyncset.done $0x0  }
0x3d: {  	[sflag:s13] =	ssyncadd.s32 $0xFFFFFF80  }
0x3e: {  	[tilespmem:s17], [sflag:$0x1] =	stream.indirect.gather [hbm4b:s4+s16], $0x80, s14, s16, $0xb8;
	[tilespmem:$0x1C980] =	vst v63  }
0x3f: {  	v2 =	vld [tilespmem:$0x188F0]  }
0x40: {  	v3 =	vld [tilespmem:$0x188E0]  }
0x41: {  	v4 =	vld [tilespmem:$0x188B0]  }
0x42: {  	v5 =	vld [tilespmem:$0x188A0]  }
0x43: {  	v6 =	vld [tilespmem:$0x18890]  }
0x44: {  	v7 =	vld [tilespmem:$0x188C0];
	v2 =	vsub.s32 v2, v0  }
0x45: {  	v8 =	vld [tilespmem:$0x18880];
	v3 =	vsub.s32 v3, v0;
	v2 =	vmin.u32 v2, $0x30D4  }
0x46: {  	v4 =	vsub.s32 v4, v0;
	v9 =	vld [tilespmem:$0x188D0];
	v3 =	vmin.u32 v3, $0x30D4;
	[tilespmem:$0x18970] =	vst v2  }
0x47: {  	v2 =	vsub.s32 v5, v0;
	v4 =	vmin.u32 v4, $0x30D4;
	[tilespmem:$0x18960] =	vst v3  }
.Ltmp0:
0x48: {  	v3 =	vsub.s32 v6, v0;
	v2 =	vmin.u32 v2, $0x30D4;
	[tilespmem:$0x18930] =	vst v4;
	(pc) =	sbr.rel @p0 .LBB2_2-.Ltmp0, $4  }
0x49: {  	v3 =	vmin.u32 v3, $0x30D4;
	[tilespmem:$0x18920] =	vst v2;
	v2 =	vsub.s32 v7, v0  }
0x4a: {  	v4 =	vsub.s32 v8, v0;
	[tilespmem:$0x18910] =	vst v3;
	v2 =	vmin.u32 v2, $0x30D4  }
0x4b: {  	v3 =	vmin.u32 v4, $0x30D4;
	[tilespmem:$0x18940] =	vst v2;
	v2 =	vsub.s32 v9, v0  }
0x4c: {  	[tilespmem:$0x18900] =	vst v3;
	v2 =	vmin.u32 v2, $0x30D4  }
0x4d: {  	[tilespmem:$0x18950] =	vst v2  }
0x4e: {  	_ =	swait.ge [sflag:s18], $0x4000  }
0x4f: {  	[sflag:s18] =	ssyncset.done $0x0  }
0x50: {  	[sflag:s18] =	ssyncadd.s32 $0xFFFFC000  }
0x51: {  	[spmem:s2] =	stream.indirect.scatter.add.f32 [tilespmem:s17], [sflag:$0x2], $0x80, s19, s16, $0xb8;
	[tilespmem:$0x1C980] =	vst v63  }
0x52: {  	_ =	swait.ge [sflag:s13], $0x4000  }
0x53: {  	[sflag:s13] =	ssyncset.done $0x0  }
0x54: {  	[sflag:s13] =	ssyncadd.s32 $0xFFFFC000  }
0x55: {  	[bflag:$0x0] =	sbarrier.arrive $0xFFFF  }
0x56: {  	[hbm:s7], [sflag:s6] =	dma.local [spmem:s12], $0x3100  }
0x57: {  	_ =	swait.ge [sflag:s13], $0x3100  }
0x58: {  	[sflag:s13] =	ssyncset.done $0x0  }
0x59: {  	[sflag:s13] =	ssyncadd.s32 $0xFFFFCF00  }
0x5a: {  	[bflag:$0x0] =	sbarrier.arrive $0xFFFF  }
0x5b: {  	[spmem:s12], [sflag:s6] =	dma.local [hbm:s5], $0x3100  }
0x5c: {  	_ =	swait.ge [sflag:s13], $0x3100  }
0x5d: {  	[sflag:s13] =	ssyncset.done $0x0  }
0x5e: {  	[sflag:s13] =	ssyncadd.s32 $0xFFFFCF00  }
0x5f: {  	s21 =	sadd.s32 $0x0, s10;
	[bflag:$0x0] =	sbarrier.arrive $0xFFFF  }
0x60: {  	[tilespmem:s14], [sflag:$0x2] =	stream.linear.gather [hbm4b:s21+s3], $0x80, $0x38;
	[tilespmem:$0x1C980] =	vst v63  }
0x61: {  	_ =	swait.ge [sflag:s13], $0x80  }
0x62: {  	[sflag:s13] =	ssyncset.done $0x0  }
0x63: {  	s31 =	sadd.s32 $0x0, s11;
	[sflag:s13] =	ssyncadd.s32 $0xFFFFFF80  }
0x64: {  	[tilespmem:s15], [sflag:$0x2] =	stream.linear.gather [hbm4b:s31+s3], $0x80, $0x38;
	[tilespmem:$0x1C980] =	vst v63  }
0x65: {  	_ =	swait.ge [sflag:s13], $0x80  }
0x66: {  	[sflag:s13] =	ssyncset.done $0x0  }
0x67: {  	[sflag:s13] =	ssyncadd.s32 $0xFFFFFF80  }
0x68: {  	[tilespmem:s17], [sflag:$0x1] =	stream.indirect.gather [hbm4b:s4+s16], $0x80, s14, s16, $0xb8;
	[tilespmem:$0x1C980] =	vst v63  }
0x69: {  	v2 =	vld [tilespmem:$0x188F0]  }
0x6a: {  	v3 =	vld [tilespmem:$0x188E0]  }
0x6b: {  	v4 =	vld [tilespmem:$0x188B0]  }
0x6c: {  	v5 =	vld [tilespmem:$0x188A0]  }
0x6d: {  	v6 =	vld [tilespmem:$0x18890]  }
0x6e: {  	v7 =	vld [tilespmem:$0x188C0];
	v2 =	vsub.s32 v2, v1  }
0x6f: {  	v8 =	vld [tilespmem:$0x18880];
	v3 =	vsub.s32 v3, v1;
	v2 =	vmin.u32 v2, $0x30D4  }
0x70: {  	v9 =	vld [tilespmem:$0x188D0];
	v4 =	vsub.s32 v4, v1;
	v3 =	vmin.u32 v3, $0x30D4;
	[tilespmem:$0x18970] =	vst v2  }
0x71: {  	v4 =	vmin.u32 v4, $0x30D4;
	v2 =	vsub.s32 v5, v1;
	[tilespmem:$0x18960] =	vst v3  }
0x72: {  	v3 =	vsub.s32 v6, v1;
	[tilespmem:$0x18930] =	vst v4;
	v2 =	vmin.u32 v2, $0x30D4  }
0x73: {  	v3 =	vmin.u32 v3, $0x30D4;
	[tilespmem:$0x18920] =	vst v2;
	v2 =	vsub.s32 v7, v1  }
0x74: {  	v63 =	vsub.s32 v8, v1;
	[tilespmem:$0x18910] =	vst v3;
	v2 =	vmin.u32 v2, $0x30D4  }
0x75: {  	v3 =	vmin.u32 v63, $0x30D4;
	[tilespmem:$0x18940] =	vst v2;
	v2 =	vsub.s32 v9, v1  }
0x76: {  	s21 =	simm.s32 $0x100;
	[tilespmem:$0x18900] =	vst v3;
	v2 =	vmin.u32 v2, $0x30D4  }
.LBB2_4:
0x77: {  	p0 =	sne.s32 s21, $0x9200;
	[tilespmem:$0x18950] =	vst v2;
	s22 =	smov.u32 s21;
	s21 =	sadd.s32 $0x100, s21  }
0x78: {  	_ =	swait.ge [sflag:s18], $0x4000  }
0x79: {  	[sflag:s18] =	ssyncset.done $0x0  }
0x7a: {  	[sflag:s18] =	ssyncadd.s32 $0xFFFFC000  }
0x7b: {  	[spmem:s2] =	stream.indirect.scatter.add.f32 [tilespmem:s17], [sflag:$0x2], $0x80, s19, s16, $0xb8;
	[tilespmem:$0x1C980] =	vst v63  }
0x7c: {  	_ =	swait.ge [sflag:s13], $0x4000  }
0x7d: {  	[sflag:s13] =	ssyncset.done $0x0  }
0x7e: {  	s23 =	sadd.s32 s22, s10;
	[sflag:s13] =	ssyncadd.s32 $0xFFFFC000  }
0x7f: {  	[tilespmem:s14], [sflag:$0x2] =	stream.linear.gather [hbm4b:s23+s3], $0x80, $0x38;
	[tilespmem:$0x1C980] =	vst v63  }
0x80: {  	_ =	swait.ge [sflag:s13], $0x80  }
0x81: {  	[sflag:s13] =	ssyncset.done $0x0  }
0x82: {  	s22 =	sadd.s32 s22, s11;
	[sflag:s13] =	ssyncadd.s32 $0xFFFFFF80  }
0x83: {  	[tilespmem:s15], [sflag:$0x2] =	stream.linear.gather [hbm4b:s22+s3], $0x80, $0x38;
	[tilespmem:$0x1C980] =	vst v63  }
0x84: {  	_ =	swait.ge [sflag:s13], $0x80  }
0x85: {  	[sflag:s13] =	ssyncset.done $0x0  }
0x86: {  	[sflag:s13] =	ssyncadd.s32 $0xFFFFFF80  }
0x87: {  	[tilespmem:s17], [sflag:$0x1] =	stream.indirect.gather [hbm4b:s4+s16], $0x80, s14, s16, $0xb8;
	[tilespmem:$0x1C980] =	vst v63  }
0x88: {  	v2 =	vld [tilespmem:$0x188F0]  }
0x89: {  	v3 =	vld [tilespmem:$0x188E0]  }
0x8a: {  	v4 =	vld [tilespmem:$0x188B0]  }
0x8b: {  	v5 =	vld [tilespmem:$0x188A0]  }
0x8c: {  	v6 =	vld [tilespmem:$0x18890]  }
0x8d: {  	v7 =	vld [tilespmem:$0x188C0];
	v2 =	vsub.s32 v2, v1  }
0x8e: {  	v8 =	vld [tilespmem:$0x18880];
	v3 =	vsub.s32 v3, v1;
	v2 =	vmin.u32 v2, $0x30D4  }
0x8f: {  	v4 =	vsub.s32 v4, v1;
	v9 =	vld [tilespmem:$0x188D0];
	v3 =	vmin.u32 v3, $0x30D4;
	[tilespmem:$0x18970] =	vst v2  }
0x90: {  	v2 =	vsub.s32 v5, v1;
	v4 =	vmin.u32 v4, $0x30D4;
	[tilespmem:$0x18960] =	vst v3  }
.Ltmp1:
0x91: {  	v3 =	vsub.s32 v6, v1;
	v2 =	vmin.u32 v2, $0x30D4;
	[tilespmem:$0x18930] =	vst v4;
	(pc) =	sbr.rel @p0 .LBB2_4-.Ltmp1, $4  }
0x92: {  	v3 =	vmin.u32 v3, $0x30D4;
	[tilespmem:$0x18920] =	vst v2;
	v2 =	vsub.s32 v7, v1  }
0x93: {  	v4 =	vsub.s32 v8, v1;
	[tilespmem:$0x18910] =	vst v3;
	v2 =	vmin.u32 v2, $0x30D4  }
0x94: {  	v3 =	vmin.u32 v4, $0x30D4;
	[tilespmem:$0x18940] =	vst v2;
	v2 =	vsub.s32 v9, v1  }
0x95: {  	[tilespmem:$0x18900] =	vst v3;
	v2 =	vmin.u32 v2, $0x30D4  }
0x96: {  	[tilespmem:$0x18950] =	vst v2  }
0x97: {  	_ =	swait.ge [sflag:s18], $0x4000  }
0x98: {  	[sflag:s18] =	ssyncset.done $0x0  }
0x99: {  	[sflag:s18] =	ssyncadd.s32 $0xFFFFC000  }
0x9a: {  	[spmem:s2] =	stream.indirect.scatter.add.f32 [tilespmem:s17], [sflag:$0x2], $0x80, s19, s16, $0xb8;
	[tilespmem:$0x1C980] =	vst v63  }
0x9b: {  	_ =	swait.ge [sflag:s13], $0x4000  }
0x9c: {  	[sflag:s13] =	ssyncset.done $0x0  }
0x9d: {  	s20 =	sadd.s32 $0x1, s20;
	[sflag:s13] =	ssyncadd.s32 $0xFFFFC000  }
0x9e: {  	p0 =	sne.s32 s20, s9;
	[bflag:$0x0] =	sbarrier.arrive $0xFFFF  }
0x9f: {  	[hbm:s8], [sflag:s6] =	dma.local [spmem:s12], $0x3100  }
.Ltmp2:
0xa0: {  	_ =	swait.ge [sflag:s13], $0x3100;
	(pc) =	sbr.rel @p0 .LBB2_1-.Ltmp2, $3  }
0xa1: {  	[sflag:s13] =	ssyncset.done $0x0  }
0xa2: {  	[sflag:s13] =	ssyncadd.s32 $0xFFFFCF00  }
0xa3: {  	[bflag:$0x0] =	sbarrier.arrive $0xFFFF;
	_ =	sdelay $0x1  }
0xa4: {  	_ =	sfence.sel $0x180000  }
0xa5: {  	[bflag:$0x0] =	sbarrier.arrive $0xFFFF  }
0xa6: {  	p0 =	sne.s32 s1, $0x0;
	_ =	strace $0x90000053  }
0xa7: {  	s0 =	sadd.s32 @!p0 $0x100000, s0;
	[bflag:$0x2] =	sbarrier.arrive $0xFFFF  }
0xa8: {  	[sflag:s0] =	ssyncadd.tile.s32 @!p0 $0x1;
	_ =	shalt  }
.Lfunc_end2:
_tile_overlayer_lowered:
.L_overlay_start_2:
0xa9: {  	(tag) =	ssettag $0x2  }
0xaa: {  	s0 =	rddreg [dreg:$0x0];
	s2 =	stileid.u32  }
0xab: {  	s1 =	rddreg [dreg:$0x1];
	p0 =	sne.s32 s2, $0x0  }
0xac: {  	s3 =	rddreg [dreg:$0x2];
	[bflag:$0x3] =	sbarrier.arrive $0xFFFF;
	s2 =	simm.s32 @!p0 $0x1C02  }
0xad: {  	[timem:s3], [sflag:s2] =	dma.local @!p0 [hbm:s0], s1  }
0xae: {  	s0 =	simm.s32 @!p0 $0x2  }
0xaf: {  	_ =	swait.ge @!p0 [sflag:s0], s1  }
0xb0: {  	s1 =	ssub.s32 @!p0 $0x0, s1;
	[sflag:s0] =	ssyncset.done @!p0 $0x0  }
0xb1: {  	[sflag:s0] =	ssyncadd.s32 @!p0 s1  }
0xb2: {  	[bflag:$0x3] =	sbarrier.arrive $0xFFFF  }
0xb3: {  	_ =	shalt  }

</sc_bundles>
